<compile_context>
chip_gen: v7x
topology: tpu7x:2x2x1
jax: 0.10.2.dev20260603
libtpu: 0.0.44.dev20260713+nightly
codegen_flags: <defaults>
</compile_context>

<pallas_src>
import functools

import jax
import jax.numpy as jnp
from jax import lax
from jax.experimental import pallas as pl
from jax.experimental.pallas import tpu as pltpu
from jax.experimental.pallas import tpu_sc as plsc

NC = 2
NS = 16
NW = NC * NS
L = 16
G = 128


@functools.lru_cache(maxsize=None)
def _build(N, S, V, D):
    b_per_w = N // NW
    ng = b_per_w // G
    n2 = S // 2
    assert b_per_w % G == 0 and S % 2 == 0 and D == 2 * L

    mesh = plsc.VectorSubcoreMesh(
        core_axis_name="c", subcore_axis_name="s",
        num_cores=NC, num_subcores=NS)

    @functools.partial(
        pl.kernel,
        out_type=jax.ShapeDtypeStruct((S, D, N), jnp.float32),
        mesh=mesh,
        scratch_types=[
            pltpu.VMEM((S, b_per_w), jnp.int32),
            pltpu.VMEM((b_per_w, D), jnp.float32),
            pltpu.VMEM((b_per_w, D), jnp.float32),
            pltpu.VMEM((D, b_per_w), jnp.float32),
            pltpu.VMEM((D, b_per_w), jnp.float32),
            pltpu.SemaphoreType.DMA,
            pltpu.SemaphoreType.DMA,
            pltpu.SemaphoreType.DMA,
            pltpu.SemaphoreType.DMA,
        ],
        compiler_params=pltpu.CompilerParams(
            use_tc_tiling_on_sc=False, needs_layout_passes=False),
    )
    def emb(idx_hbm, table_hbm, out_hbm, idx_v, buf0, buf1, bufT0, bufT1,
            gsem0, gsem1, osem0, osem1):
        wid = lax.axis_index("s") * NC + lax.axis_index("c")
        b0 = wid * b_per_w

        pltpu.sync_copy(idx_hbm.at[pl.ds(0, S), pl.ds(b0, b_per_w)], idx_v)

        def fire_gathers(a, buf, sem):
            for k in range(ng):
                pltpu.async_copy(
                    table_hbm.at[idx_v.at[a, pl.ds(k * G, G)]],
                    buf.at[pl.ds(k * G, G)], sem)

        def wait_gathers(a, buf, sem):
            for k in range(ng):
                pltpu.make_async_copy(
                    table_hbm.at[idx_v.at[a, pl.ds(k * G, G)]],
                    buf.at[pl.ds(k * G, G)], sem).wait()

        def fire_scatter(a, bufT, sem):
            pltpu.async_copy(
                bufT, out_hbm.at[a, pl.ds(0, D), pl.ds(b0, b_per_w)], sem)

        def wait_scatter(a, bufT, sem):
            pltpu.make_async_copy(
                bufT, out_hbm.at[a, pl.ds(0, D), pl.ds(b0, b_per_w)],
                sem).wait()

        def transpose(buf, bufT):
            iota0 = lax.iota(jnp.int32, L)
            cvecs = [(iota0 + d) % D for d in range(D)]

            def tbody(g, rvec):
                for d in range(D):
                    v = plsc.load_gather(buf, [rvec, cvecs[d]])
                    plsc.store_scatter(bufT, [cvecs[d], rvec], v)
                return rvec + L
            lax.fori_loop(0, b_per_w // L, tbody, iota0)

        def fix_zeros(a, buf):
            zany = jnp.zeros((L,), jnp.int32)
            for j in range(b_per_w // L):
                v = idx_v[a, pl.ds(j * L, L)]
                zany = zany | (v == 0).astype(jnp.int32)
            nz = zany[0]
            for k in range(1, L):
                nz = nz + zany[k]

            @pl.when(nz > 0)
            def _():
                zero = jnp.zeros((L,), jnp.float32)
                for j in range(b_per_w // L):
                    v = idx_v[a, pl.ds(j * L, L)]
                    msk = v == 0
                    rows = j * L + lax.iota(jnp.int32, L)

                    def fbody(f, fvec):
                        plsc.store_scatter(buf, [rows, fvec], zero, mask=msk)
                        return fvec + 1
                    lax.fori_loop(0, D, fbody, jnp.zeros((L,), jnp.int32))

        fire_gathers(0, buf0, gsem0)

        def body(i, carry):
            a = 2 * i
            b = a + 1
            wait_gathers(a, buf0, gsem0)
            fix_zeros(a, buf0)

            @pl.when(i > 0)
            def _():
                wait_scatter(b - 2, bufT1, osem1)
            fire_gathers(b, buf1, gsem1)
            transpose(buf0, bufT0)
            fire_scatter(a, bufT0, osem0)

            wait_gathers(b, buf1, gsem1)
            fix_zeros(b, buf1)
            wait_scatter(a, bufT0, osem0)

            @pl.when(i < n2 - 1)
            def _():
                fire_gathers(a + 2, buf0, gsem0)
            transpose(buf1, bufT1)
            fire_scatter(b, bufT1, osem1)
            return carry

        lax.fori_loop(0, n2, body, 0)
        wait_scatter(2 * n2 - 1, bufT1, osem1)

    return emb


def kernel(inputs, table):
    V, D = table.shape
    N, S = inputs.shape
    out_t = _build(N, S, V, D)(inputs.T.astype(jnp.int32), table)
    return jnp.transpose(out_t, (2, 0, 1))

# --- scband reference (transcript-rebuilt; emitter-appended) ---
"""Pipeline reference for scband-embedding-171798692089 (READ-ONLY COPY).

The authoritative reference and input builder live on the scoring server;
editing this copy changes nothing except your own understanding.
"""

import jax, jax.numpy as jnp
import numpy as np

VOCAB_SIZE = 1000000
NUM_UNITS = 32

def setup_inputs(seed: int = 0) -> dict:
    key = jax.random.key(seed)
    k_idx, k_tab = jax.random.split(key)
    inputs = jax.random.randint(k_idx, (16384, 50), 0, VOCAB_SIZE, dtype=jnp.int64 if jax.config.jax_enable_x64 else jnp.int32)
    table = jax.random.normal(k_tab, (VOCAB_SIZE, NUM_UNITS), dtype=jnp.float32)
    return {"inputs": inputs, "table": table}

def reference(inputs, table):
    # nn.Embedding with padding_idx=0: row 0 of the table is zeros.
    emb = table.at[0].set(jnp.zeros((NUM_UNITS,), dtype=table.dtype))
    out = jnp.take(emb, inputs, axis=0)
    return out

if __name__ == "__main__":
    import jax
    _d = setup_inputs()
    print(jax.jit(kernel)(*tuple(_d.values())))

</pallas_src>

<mosaic_0001>
#map = affine_map<(d0, d1) -> (0, 0)>
#map1 = affine_map<(d0, d1) -> (0, 0, 0)>
module attributes {stable_mosaic.version = 14 : i64} {
  func.func @emb(%arg0: i32, %arg1: i32, %arg2: memref<50x16384xi32, #tpu.memory_space<hbm>>, %arg3: memref<1000000x32xf32, #tpu.memory_space<hbm>>, %arg4: memref<50x32x16384xf32, #tpu.memory_space<hbm>>, %arg5: memref<50x512xi32, #tpu.memory_space<vmem>>, %arg6: memref<512x32xf32, #tpu.memory_space<vmem>>, %arg7: memref<512x32xf32, #tpu.memory_space<vmem>>, %arg8: memref<32x512xf32, #tpu.memory_space<vmem>>, %arg9: memref<32x512xf32, #tpu.memory_space<vmem>>, %arg10: memref<!tpu.dma_semaphore, #tpu.memory_space<semaphore_mem>>, %arg11: memref<!tpu.dma_semaphore, #tpu.memory_space<semaphore_mem>>, %arg12: memref<!tpu.dma_semaphore, #tpu.memory_space<semaphore_mem>>, %arg13: memref<!tpu.dma_semaphore, #tpu.memory_space<semaphore_mem>>) attributes {dimension_semantics = [#tpu.dimension_semantics<core_parallel>, #tpu.dimension_semantics<subcore_parallel>], iteration_bounds = array<i64: 2, 16>, scalar_prefetch = 0 : i64, scratch_operands = 9 : i64, tpu.core_type = #tpu.core_type<sc_vector_subcore>, window_params = [{transform_indices = #map}, {transform_indices = #map}, {transform_indices = #map1}]} {
    %mul3A = arith.constant 2 : i32
    %mul3A_0 = arith.muli %arg1, %mul3A : i32
    %add3A = arith.addi %mul3A_0, %arg0 : i32
    %mul3A_1 = arith.constant 512 : i32
    %mul3A_2 = arith.muli %add3A, %mul3A_1 : i32
    "tpu.region"() ({
      %run_scoped3A = tpu.sem_alloc : memref<!tpu.dma_semaphore, #tpu.memory_space<semaphore_mem>>
      %dma_start3A_53 = arith.constant 0 : i32
      %dma_start3A_54 = tpu.memref_slice %arg2[%dma_start3A_53, %mul3A_2] : memref<50x16384xi32, #tpu.memory_space<hbm>> -> memref<50x512xi32, #tpu.memory_space<hbm>>
      %dma_start3A_55 = arith.constant 0 : i32
      %dma_start3A_56 = tpu.memref_slice %arg2[%dma_start3A_55, %mul3A_2] : memref<50x16384xi32, #tpu.memory_space<hbm>> -> memref<50x512xi32, #tpu.memory_space<hbm>>
      tpu.enqueue_dma source(%dma_start3A_56 : memref<50x512xi32, #tpu.memory_space<hbm>>) target(%arg5 : memref<50x512xi32, #tpu.memory_space<vmem>>) target_semaphore(%run_scoped3A : memref<!tpu.dma_semaphore, #tpu.memory_space<semaphore_mem>>)
      %dma_wait3A_57 = arith.constant 0 : i32
      %dma_wait3A_58 = tpu.memref_slice %arg2[%dma_wait3A_57, %mul3A_2] : memref<50x16384xi32, #tpu.memory_space<hbm>> -> memref<50x512xi32, #tpu.memory_space<hbm>>
      %dma_wait3A_59 = arith.constant 0 : i32
      %dma_wait3A_60 = tpu.memref_slice %arg2[%dma_wait3A_59, %mul3A_2] : memref<50x16384xi32, #tpu.memory_space<hbm>> -> memref<50x512xi32, #tpu.memory_space<hbm>>
      tpu.wait_dma2 semaphore(%run_scoped3A : memref<!tpu.dma_semaphore, #tpu.memory_space<semaphore_mem>>) src(%dma_wait3A_60 : memref<50x512xi32, #tpu.memory_space<hbm>>) dst(%arg5 : memref<50x512xi32, #tpu.memory_space<vmem>>)
      tpu.yield
    }) : () -> ()
    %dma_start3A = arith.constant 0 : i32
    %dma_start3A_3 = arith.constant 0 : i32
    %dma_start3A_4 = arith.constant 0 : i32
    %dma_start3A_5 = tpu.memref_slice %arg6[%dma_start3A_3, %dma_start3A_4] : memref<512x32xf32, #tpu.memory_space<vmem>> -> memref<128x32xf32, #tpu.memory_space<vmem>>
    %dma_start3A_6 = arith.constant 0 : i32
    %dma_start3A_7 = tpu.memref_slice %arg5[%dma_start3A, %dma_start3A_6] : memref<50x512xi32, #tpu.memory_space<vmem>> -> memref<1x128xi32, #tpu.memory_space<vmem>>
    %dma_start3A_8 = tpu.memref_squeeze %dma_start3A_7 : memref<1x128xi32, #tpu.memory_space<vmem>> -> memref<128xi32, #tpu.memory_space<vmem>>
    %dma_start3A_9 = arith.constant 0 : i32
    %dma_start3A_10 = arith.constant 0 : i32
    %dma_start3A_11 = tpu.memref_slice %arg3[%dma_start3A_9, %dma_start3A_10] : memref<1000000x32xf32, #tpu.memory_space<hbm>> -> memref<1000000x32xf32, #tpu.memory_space<hbm>>
    tpu.enqueue_indirect_dma source(%dma_start3A_11 : memref<1000000x32xf32, #tpu.memory_space<hbm>>) target(%dma_start3A_5 : memref<128x32xf32, #tpu.memory_space<vmem>>) offsets(%dma_start3A_8 : memref<128xi32, #tpu.memory_space<vmem>>) semaphore(%arg10 : memref<!tpu.dma_semaphore, #tpu.memory_space<semaphore_mem>>)
    %dma_start3A_12 = arith.constant 0 : i32
    %dma_start3A_13 = arith.constant 128 : i32
    %dma_start3A_14 = arith.constant 0 : i32
    %dma_start3A_15 = tpu.memref_slice %arg6[%dma_start3A_13, %dma_start3A_14] : memref<512x32xf32, #tpu.memory_space<vmem>> -> memref<128x32xf32, #tpu.memory_space<vmem>>
    %dma_start3A_16 = arith.constant 128 : i32
    %dma_start3A_17 = tpu.memref_slice %arg5[%dma_start3A_12, %dma_start3A_16] : memref<50x512xi32, #tpu.memory_space<vmem>> -> memref<1x128xi32, #tpu.memory_space<vmem>>
    %dma_start3A_18 = tpu.memref_squeeze %dma_start3A_17 : memref<1x128xi32, #tpu.memory_space<vmem>> -> memref<128xi32, #tpu.memory_space<vmem>>
    %dma_start3A_19 = arith.constant 0 : i32
    %dma_start3A_20 = arith.constant 0 : i32
    %dma_start3A_21 = tpu.memref_slice %arg3[%dma_start3A_19, %dma_start3A_20] : memref<1000000x32xf32, #tpu.memory_space<hbm>> -> memref<1000000x32xf32, #tpu.memory_space<hbm>>
    tpu.enqueue_indirect_dma source(%dma_start3A_21 : memref<1000000x32xf32, #tpu.memory_space<hbm>>) target(%dma_start3A_15 : memref<128x32xf32, #tpu.memory_space<vmem>>) offsets(%dma_start3A_18 : memref<128xi32, #tpu.memory_space<vmem>>) semaphore(%arg10 : memref<!tpu.dma_semaphore, #tpu.memory_space<semaphore_mem>>)
    %dma_start3A_22 = arith.constant 0 : i32
    %dma_start3A_23 = arith.constant 256 : i32
    %dma_start3A_24 = arith.constant 0 : i32
    %dma_start3A_25 = tpu.memref_slice %arg6[%dma_start3A_23, %dma_start3A_24] : memref<512x32xf32, #tpu.memory_space<vmem>> -> memref<128x32xf32, #tpu.memory_space<vmem>>
    %dma_start3A_26 = arith.constant 256 : i32
    %dma_start3A_27 = tpu.memref_slice %arg5[%dma_start3A_22, %dma_start3A_26] : memref<50x512xi32, #tpu.memory_space<vmem>> -> memref<1x128xi32, #tpu.memory_space<vmem>>
    %dma_start3A_28 = tpu.memref_squeeze %dma_start3A_27 : memref<1x128xi32, #tpu.memory_space<vmem>> -> memref<128xi32, #tpu.memory_space<vmem>>
    %dma_start3A_29 = arith.constant 0 : i32
    %dma_start3A_30 = arith.constant 0 : i32
    %dma_start3A_31 = tpu.memref_slice %arg3[%dma_start3A_29, %dma_start3A_30] : memref<1000000x32xf32, #tpu.memory_space<hbm>> -> memref<1000000x32xf32, #tpu.memory_space<hbm>>
    tpu.enqueue_indirect_dma source(%dma_start3A_31 : memref<1000000x32xf32, #tpu.memory_space<hbm>>) target(%dma_start3A_25 : memref<128x32xf32, #tpu.memory_space<vmem>>) offsets(%dma_start3A_28 : memref<128xi32, #tpu.memory_space<vmem>>) semaphore(%arg10 : memref<!tpu.dma_semaphore, #tpu.memory_space<semaphore_mem>>)
    %dma_start3A_32 = arith.constant 0 : i32
    %dma_start3A_33 = arith.constant 384 : i32
    %dma_start3A_34 = arith.constant 0 : i32
    %dma_start3A_35 = tpu.memref_slice %arg6[%dma_start3A_33, %dma_start3A_34] : memref<512x32xf32, #tpu.memory_space<vmem>> -> memref<128x32xf32, #tpu.memory_space<vmem>>
    %dma_start3A_36 = arith.constant 384 : i32
    %dma_start3A_37 = tpu.memref_slice %arg5[%dma_start3A_32, %dma_start3A_36] : memref<50x512xi32, #tpu.memory_space<vmem>> -> memref<1x128xi32, #tpu.memory_space<vmem>>
    %dma_start3A_38 = tpu.memref_squeeze %dma_start3A_37 : memref<1x128xi32, #tpu.memory_space<vmem>> -> memref<128xi32, #tpu.memory_space<vmem>>
    %dma_start3A_39 = arith.constant 0 : i32
    %dma_start3A_40 = arith.constant 0 : i32
    %dma_start3A_41 = tpu.memref_slice %arg3[%dma_start3A_39, %dma_start3A_40] : memref<1000000x32xf32, #tpu.memory_space<hbm>> -> memref<1000000x32xf32, #tpu.memory_space<hbm>>
    tpu.enqueue_indirect_dma source(%dma_start3A_41 : memref<1000000x32xf32, #tpu.memory_space<hbm>>) target(%dma_start3A_35 : memref<128x32xf32, #tpu.memory_space<vmem>>) offsets(%dma_start3A_38 : memref<128xi32, #tpu.memory_space<vmem>>) semaphore(%arg10 : memref<!tpu.dma_semaphore, #tpu.memory_space<semaphore_mem>>)
    %scan3A = arith.constant 0 : i32
    %scan3A_42 = arith.constant 0 : i32
    %scan3A_43 = arith.constant 25 : i32
    %scan3A_44 = arith.addi %scan3A_42, %scan3A_43 : i32
    %scan3A_45 = arith.constant 1 : i32
    scf.for %scan3A_53 = %scan3A_42 to %scan3A_44 step %scan3A_45  : i32 {
      %mul3A_54 = arith.constant 2 : i32
      %mul3A_55 = arith.muli %mul3A_54, %scan3A_53 : i32
      %add3A_56 = arith.constant 1 : i32
      %add3A_57 = arith.addi %mul3A_55, %add3A_56 : i32
      %dma_wait3A_58 = arith.constant 0 : i32
      %dma_wait3A_59 = arith.constant 0 : i32
      %dma_wait3A_60 = tpu.memref_slice %arg6[%dma_wait3A_58, %dma_wait3A_59] : memref<512x32xf32, #tpu.memory_space<vmem>> -> memref<128x32xf32, #tpu.memory_space<vmem>>
      %dma_wait3A_61 = arith.constant 0 : i32
      %dma_wait3A_62 = tpu.memref_slice %arg5[%mul3A_55, %dma_wait3A_61] : memref<50x512xi32, #tpu.memory_space<vmem>> -> memref<1x128xi32, #tpu.memory_space<vmem>>
      %dma_wait3A_63 = tpu.memref_squeeze %dma_wait3A_62 : memref<1x128xi32, #tpu.memory_space<vmem>> -> memref<128xi32, #tpu.memory_space<vmem>>
      %dma_wait3A_64 = arith.constant 0 : i32
      %dma_wait3A_65 = arith.constant 0 : i32
      %dma_wait3A_66 = tpu.memref_slice %arg3[%dma_wait3A_64, %dma_wait3A_65] : memref<1000000x32xf32, #tpu.memory_space<hbm>> -> memref<1000000x32xf32, #tpu.memory_space<hbm>>
      tpu.wait_indirect_dma semaphore(%arg10 : memref<!tpu.dma_semaphore, #tpu.memory_space<semaphore_mem>>) src(%dma_wait3A_66 : memref<1000000x32xf32, #tpu.memory_space<hbm>>) dst(%dma_wait3A_60 : memref<128x32xf32, #tpu.memory_space<vmem>>)
      %dma_wait3A_67 = arith.constant 128 : i32
      %dma_wait3A_68 = arith.constant 0 : i32
      %dma_wait3A_69 = tpu.memref_slice %arg6[%dma_wait3A_67, %dma_wait3A_68] : memref<512x32xf32, #tpu.memory_space<vmem>> -> memref<128x32xf32, #tpu.memory_space<vmem>>
      %dma_wait3A_70 = arith.constant 128 : i32
      %dma_wait3A_71 = tpu.memref_slice %arg5[%mul3A_55, %dma_wait3A_70] : memref<50x512xi32, #tpu.memory_space<vmem>> -> memref<1x128xi32, #tpu.memory_space<vmem>>
      %dma_wait3A_72 = tpu.memref_squeeze %dma_wait3A_71 : memref<1x128xi32, #tpu.memory_space<vmem>> -> memref<128xi32, #tpu.memory_space<vmem>>
      %dma_wait3A_73 = arith.constant 0 : i32
      %dma_wait3A_74 = arith.constant 0 : i32
      %dma_wait3A_75 = tpu.memref_slice %arg3[%dma_wait3A_73, %dma_wait3A_74] : memref<1000000x32xf32, #tpu.memory_space<hbm>> -> memref<1000000x32xf32, #tpu.memory_space<hbm>>
      tpu.wait_indirect_dma semaphore(%arg10 : memref<!tpu.dma_semaphore, #tpu.memory_space<semaphore_mem>>) src(%dma_wait3A_75 : memref<1000000x32xf32, #tpu.memory_space<hbm>>) dst(%dma_wait3A_69 : memref<128x32xf32, #tpu.memory_space<vmem>>)
      %dma_wait3A_76 = arith.constant 256 : i32
      %dma_wait3A_77 = arith.constant 0 : i32
      %dma_wait3A_78 = tpu.memref_slice %arg6[%dma_wait3A_76, %dma_wait3A_77] : memref<512x32xf32, #tpu.memory_space<vmem>> -> memref<128x32xf32, #tpu.memory_space<vmem>>
      %dma_wait3A_79 = arith.constant 256 : i32
      %dma_wait3A_80 = tpu.memref_slice %arg5[%mul3A_55, %dma_wait3A_79] : memref<50x512xi32, #tpu.memory_space<vmem>> -> memref<1x128xi32, #tpu.memory_space<vmem>>
      %dma_wait3A_81 = tpu.memref_squeeze %dma_wait3A_80 : memref<1x128xi32, #tpu.memory_space<vmem>> -> memref<128xi32, #tpu.memory_space<vmem>>
      %dma_wait3A_82 = arith.constant 0 : i32
      %dma_wait3A_83 = arith.constant 0 : i32
      %dma_wait3A_84 = tpu.memref_slice %arg3[%dma_wait3A_82, %dma_wait3A_83] : memref<1000000x32xf32, #tpu.memory_space<hbm>> -> memref<1000000x32xf32, #tpu.memory_space<hbm>>
      tpu.wait_indirect_dma semaphore(%arg10 : memref<!tpu.dma_semaphore, #tpu.memory_space<semaphore_mem>>) src(%dma_wait3A_84 : memref<1000000x32xf32, #tpu.memory_space<hbm>>) dst(%dma_wait3A_78 : memref<128x32xf32, #tpu.memory_space<vmem>>)
      %dma_wait3A_85 = arith.constant 384 : i32
      %dma_wait3A_86 = arith.constant 0 : i32
      %dma_wait3A_87 = tpu.memref_slice %arg6[%dma_wait3A_85, %dma_wait3A_86] : memref<512x32xf32, #tpu.memory_space<vmem>> -> memref<128x32xf32, #tpu.memory_space<vmem>>
      %dma_wait3A_88 = arith.constant 384 : i32
      %dma_wait3A_89 = tpu.memref_slice %arg5[%mul3A_55, %dma_wait3A_88] : memref<50x512xi32, #tpu.memory_space<vmem>> -> memref<1x128xi32, #tpu.memory_space<vmem>>
      %dma_wait3A_90 = tpu.memref_squeeze %dma_wait3A_89 : memref<1x128xi32, #tpu.memory_space<vmem>> -> memref<128xi32, #tpu.memory_space<vmem>>
      %dma_wait3A_91 = arith.constant 0 : i32
      %dma_wait3A_92 = arith.constant 0 : i32
      %dma_wait3A_93 = tpu.memref_slice %arg3[%dma_wait3A_91, %dma_wait3A_92] : memref<1000000x32xf32, #tpu.memory_space<hbm>> -> memref<1000000x32xf32, #tpu.memory_space<hbm>>
      tpu.wait_indirect_dma semaphore(%arg10 : memref<!tpu.dma_semaphore, #tpu.memory_space<semaphore_mem>>) src(%dma_wait3A_93 : memref<1000000x32xf32, #tpu.memory_space<hbm>>) dst(%dma_wait3A_87 : memref<128x32xf32, #tpu.memory_space<vmem>>)
      %broadcast_in_dim3A = arith.constant 0 : i32
      %broadcast_in_dim3A_94 = vector.broadcast %broadcast_in_dim3A : i32 to vector<16xi32>
      %get3A = arith.index_cast %mul3A_55 : i32 to index
      %get3A_95 = arith.constant 0 : index
      %get3A_96 = tpu.vector_load %arg5[%get3A, %get3A_95] {strides = array<i32>} : memref<50x512xi32, #tpu.memory_space<vmem>>, vector<16xi32>,
      %eq3A = arith.constant 0 : i32
      %eq3A_97 = vector.broadcast %eq3A : i32 to vector<16xi32>
      %eq3A_98 = arith.cmpi eq, %get3A_96, %eq3A_97 : vector<16xi32>
      %convert_element_type3A = arith.extui %eq3A_98 : vector<16xi1> to vector<16xi32>
      %or3A = arith.ori %broadcast_in_dim3A_94, %convert_element_type3A : vector<16xi32>
      %get3A_99 = arith.index_cast %mul3A_55 : i32 to index
      %get3A_100 = arith.constant 16 : index
      %get3A_101 = tpu.vector_load %arg5[%get3A_99, %get3A_100] {strides = array<i32>} : memref<50x512xi32, #tpu.memory_space<vmem>>, vector<16xi32>,
      %eq3A_102 = arith.constant 0 : i32
      %eq3A_103 = vector.broadcast %eq3A_102 : i32 to vector<16xi32>
      %eq3A_104 = arith.cmpi eq, %get3A_101, %eq3A_103 : vector<16xi32>
      %convert_element_type3A_105 = arith.extui %eq3A_104 : vector<16xi1> to vector<16xi32>
      %or3A_106 = arith.ori %or3A, %convert_element_type3A_105 : vector<16xi32>
      %get3A_107 = arith.index_cast %mul3A_55 : i32 to index
      %get3A_108 = arith.constant 32 : index
      %get3A_109 = tpu.vector_load %arg5[%get3A_107, %get3A_108] {strides = array<i32>} : memref<50x512xi32, #tpu.memory_space<vmem>>, vector<16xi32>,
      %eq3A_110 = arith.constant 0 : i32
      %eq3A_111 = vector.broadcast %eq3A_110 : i32 to vector<16xi32>
      %eq3A_112 = arith.cmpi eq, %get3A_109, %eq3A_111 : vector<16xi32>
      %convert_element_type3A_113 = arith.extui %eq3A_112 : vector<16xi1> to vector<16xi32>
      %or3A_114 = arith.ori %or3A_106, %convert_element_type3A_113 : vector<16xi32>
      %get3A_115 = arith.index_cast %mul3A_55 : i32 to index
      %get3A_116 = arith.constant 48 : index
      %get3A_117 = tpu.vector_load %arg5[%get3A_115, %get3A_116] {strides = array<i32>} : memref<50x512xi32, #tpu.memory_space<vmem>>, vector<16xi32>,
      %eq3A_118 = arith.constant 0 : i32
      %eq3A_119 = vector.broadcast %eq3A_118 : i32 to vector<16xi32>
      %eq3A_120 = arith.cmpi eq, %get3A_117, %eq3A_119 : vector<16xi32>
      %convert_element_type3A_121 = arith.extui %eq3A_120 : vector<16xi1> to vector<16xi32>
      %or3A_122 = arith.ori %or3A_114, %convert_element_type3A_121 : vector<16xi32>
      %get3A_123 = arith.index_cast %mul3A_55 : i32 to index
      %get3A_124 = arith.constant 64 : index
      %get3A_125 = tpu.vector_load %arg5[%get3A_123, %get3A_124] {strides = array<i32>} : memref<50x512xi32, #tpu.memory_space<vmem>>, vector<16xi32>,
      %eq3A_126 = arith.constant 0 : i32
      %eq3A_127 = vector.broadcast %eq3A_126 : i32 to vector<16xi32>
      %eq3A_128 = arith.cmpi eq, %get3A_125, %eq3A_127 : vector<16xi32>
      %convert_element_type3A_129 = arith.extui %eq3A_128 : vector<16xi1> to vector<16xi32>
      %or3A_130 = arith.ori %or3A_122, %convert_element_type3A_129 : vector<16xi32>
      %get3A_131 = arith.index_cast %mul3A_55 : i32 to index
      %get3A_132 = arith.constant 80 : index
      %get3A_133 = tpu.vector_load %arg5[%get3A_131, %get3A_132] {strides = array<i32>} : memref<50x512xi32, #tpu.memory_space<vmem>>, vector<16xi32>,
      %eq3A_134 = arith.constant 0 : i32
      %eq3A_135 = vector.broadcast %eq3A_134 : i32 to vector<16xi32>
      %eq3A_136 = arith.cmpi eq, %get3A_133, %eq3A_135 : vector<16xi32>
      %convert_element_type3A_137 = arith.extui %eq3A_136 : vector<16xi1> to vector<16xi32>
      %or3A_138 = arith.ori %or3A_130, %convert_element_type3A_137 : vector<16xi32>
      %get3A_139 = arith.index_cast %mul3A_55 : i32 to index
      %get3A_140 = arith.constant 96 : index
      %get3A_141 = tpu.vector_load %arg5[%get3A_139, %get3A_140] {strides = array<i32>} : memref<50x512xi32, #tpu.memory_space<vmem>>, vector<16xi32>,
      %eq3A_142 = arith.constant 0 : i32
      %eq3A_143 = vector.broadcast %eq3A_142 : i32 to vector<16xi32>
      %eq3A_144 = arith.cmpi eq, %get3A_141, %eq3A_143 : vector<16xi32>
      %convert_element_type3A_145 = arith.extui %eq3A_144 : vector<16xi1> to vector<16xi32>
      %or3A_146 = arith.ori %or3A_138, %convert_element_type3A_145 : vector<16xi32>
      %get3A_147 = arith.index_cast %mul3A_55 : i32 to index
      %get3A_148 = arith.constant 112 : index
      %get3A_149 = tpu.vector_load %arg5[%get3A_147, %get3A_148] {strides = array<i32>} : memref<50x512xi32, #tpu.memory_space<vmem>>, vector<16xi32>,
      %eq3A_150 = arith.constant 0 : i32
      %eq3A_151 = vector.broadcast %eq3A_150 : i32 to vector<16xi32>
      %eq3A_152 = arith.cmpi eq, %get3A_149, %eq3A_151 : vector<16xi32>
      %convert_element_type3A_153 = arith.extui %eq3A_152 : vector<16xi1> to vector<16xi32>
      %or3A_154 = arith.ori %or3A_146, %convert_element_type3A_153 : vector<16xi32>
      %get3A_155 = arith.index_cast %mul3A_55 : i32 to index
      %get3A_156 = arith.constant 128 : index
      %get3A_157 = tpu.vector_load %arg5[%get3A_155, %get3A_156] {strides = array<i32>} : memref<50x512xi32, #tpu.memory_space<vmem>>, vector<16xi32>,
      %eq3A_158 = arith.constant 0 : i32
      %eq3A_159 = vector.broadcast %eq3A_158 : i32 to vector<16xi32>
      %eq3A_160 = arith.cmpi eq, %get3A_157, %eq3A_159 : vector<16xi32>
      %convert_element_type3A_161 = arith.extui %eq3A_160 : vector<16xi1> to vector<16xi32>
      %or3A_162 = arith.ori %or3A_154, %convert_element_type3A_161 : vector<16xi32>
      %get3A_163 = arith.index_cast %mul3A_55 : i32 to index
      %get3A_164 = arith.constant 144 : index
      %get3A_165 = tpu.vector_load %arg5[%get3A_163, %get3A_164] {strides = array<i32>} : memref<50x512xi32, #tpu.memory_space<vmem>>, vector<16xi32>,
      %eq3A_166 = arith.constant 0 : i32
      %eq3A_167 = vector.broadcast %eq3A_166 : i32 to vector<16xi32>
      %eq3A_168 = arith.cmpi eq, %get3A_165, %eq3A_167 : vector<16xi32>
      %convert_element_type3A_169 = arith.extui %eq3A_168 : vector<16xi1> to vector<16xi32>
      %or3A_170 = arith.ori %or3A_162, %convert_element_type3A_169 : vector<16xi32>
      %get3A_171 = arith.index_cast %mul3A_55 : i32 to index
      %get3A_172 = arith.constant 160 : index
      %get3A_173 = tpu.vector_load %arg5[%get3A_171, %get3A_172] {strides = array<i32>} : memref<50x512xi32, #tpu.memory_space<vmem>>, vector<16xi32>,
      %eq3A_174 = arith.constant 0 : i32
      %eq3A_175 = vector.broadcast %eq3A_174 : i32 to vector<16xi32>
      %eq3A_176 = arith.cmpi eq, %get3A_173, %eq3A_175 : vector<16xi32>
      %convert_element_type3A_177 = arith.extui %eq3A_176 : vector<16xi1> to vector<16xi32>
      %or3A_178 = arith.ori %or3A_170, %convert_element_type3A_177 : vector<16xi32>
      %get3A_179 = arith.index_cast %mul3A_55 : i32 to index
      %get3A_180 = arith.constant 176 : index
      %get3A_181 = tpu.vector_load %arg5[%get3A_179, %get3A_180] {strides = array<i32>} : memref<50x512xi32, #tpu.memory_space<vmem>>, vector<16xi32>,
      %eq3A_182 = arith.constant 0 : i32
      %eq3A_183 = vector.broadcast %eq3A_182 : i32 to vector<16xi32>
      %eq3A_184 = arith.cmpi eq, %get3A_181, %eq3A_183 : vector<16xi32>
      %convert_element_type3A_185 = arith.extui %eq3A_184 : vector<16xi1> to vector<16xi32>
      %or3A_186 = arith.ori %or3A_178, %convert_element_type3A_185 : vector<16xi32>
      %get3A_187 = arith.index_cast %mul3A_55 : i32 to index
      %get3A_188 = arith.constant 192 : index
      %get3A_189 = tpu.vector_load %arg5[%get3A_187, %get3A_188] {strides = array<i32>} : memref<50x512xi32, #tpu.memory_space<vmem>>, vector<16xi32>,
      %eq3A_190 = arith.constant 0 : i32
      %eq3A_191 = vector.broadcast %eq3A_190 : i32 to vector<16xi32>
      %eq3A_192 = arith.cmpi eq, %get3A_189, %eq3A_191 : vector<16xi32>
      %convert_element_type3A_193 = arith.extui %eq3A_192 : vector<16xi1> to vector<16xi32>
      %or3A_194 = arith.ori %or3A_186, %convert_element_type3A_193 : vector<16xi32>
      %get3A_195 = arith.index_cast %mul3A_55 : i32 to index
      %get3A_196 = arith.constant 208 : index
      %get3A_197 = tpu.vector_load %arg5[%get3A_195, %get3A_196] {strides = array<i32>} : memref<50x512xi32, #tpu.memory_space<vmem>>, vector<16xi32>,
      %eq3A_198 = arith.constant 0 : i32
      %eq3A_199 = vector.broadcast %eq3A_198 : i32 to vector<16xi32>
      %eq3A_200 = arith.cmpi eq, %get3A_197, %eq3A_199 : vector<16xi32>
      %convert_element_type3A_201 = arith.extui %eq3A_200 : vector<16xi1> to vector<16xi32>
      %or3A_202 = arith.ori %or3A_194, %convert_element_type3A_201 : vector<16xi32>
      %get3A_203 = arith.index_cast %mul3A_55 : i32 to index
      %get3A_204 = arith.constant 224 : index
      %get3A_205 = tpu.vector_load %arg5[%get3A_203, %get3A_204] {strides = array<i32>} : memref<50x512xi32, #tpu.memory_space<vmem>>, vector<16xi32>,
      %eq3A_206 = arith.constant 0 : i32
      %eq3A_207 = vector.broadcast %eq3A_206 : i32 to vector<16xi32>
      %eq3A_208 = arith.cmpi eq, %get3A_205, %eq3A_207 : vector<16xi32>
      %convert_element_type3A_209 = arith.extui %eq3A_208 : vector<16xi1> to vector<16xi32>
      %or3A_210 = arith.ori %or3A_202, %convert_element_type3A_209 : vector<16xi32>
      %get3A_211 = arith.index_cast %mul3A_55 : i32 to index
      %get3A_212 = arith.constant 240 : index
      %get3A_213 = tpu.vector_load %arg5[%get3A_211, %get3A_212] {strides = array<i32>} : memref<50x512xi32, #tpu.memory_space<vmem>>, vector<16xi32>,
      %eq3A_214 = arith.constant 0 : i32
      %eq3A_215 = vector.broadcast %eq3A_214 : i32 to vector<16xi32>
      %eq3A_216 = arith.cmpi eq, %get3A_213, %eq3A_215 : vector<16xi32>
      %convert_element_type3A_217 = arith.extui %eq3A_216 : vector<16xi1> to vector<16xi32>
      %or3A_218 = arith.ori %or3A_210, %convert_element_type3A_217 : vector<16xi32>
      %get3A_219 = arith.index_cast %mul3A_55 : i32 to index
      %get3A_220 = arith.constant 256 : index
      %get3A_221 = tpu.vector_load %arg5[%get3A_219, %get3A_220] {strides = array<i32>} : memref<50x512xi32, #tpu.memory_space<vmem>>, vector<16xi32>,
      %eq3A_222 = arith.constant 0 : i32
      %eq3A_223 = vector.broadcast %eq3A_222 : i32 to vector<16xi32>
      %eq3A_224 = arith.cmpi eq, %get3A_221, %eq3A_223 : vector<16xi32>
      %convert_element_type3A_225 = arith.extui %eq3A_224 : vector<16xi1> to vector<16xi32>
      %or3A_226 = arith.ori %or3A_218, %convert_element_type3A_225 : vector<16xi32>
      %get3A_227 = arith.index_cast %mul3A_55 : i32 to index
      %get3A_228 = arith.constant 272 : index
      %get3A_229 = tpu.vector_load %arg5[%get3A_227, %get3A_228] {strides = array<i32>} : memref<50x512xi32, #tpu.memory_space<vmem>>, vector<16xi32>,
      %eq3A_230 = arith.constant 0 : i32
      %eq3A_231 = vector.broadcast %eq3A_230 : i32 to vector<16xi32>
      %eq3A_232 = arith.cmpi eq, %get3A_229, %eq3A_231 : vector<16xi32>
      %convert_element_type3A_233 = arith.extui %eq3A_232 : vector<16xi1> to vector<16xi32>
      %or3A_234 = arith.ori %or3A_226, %convert_element_type3A_233 : vector<16xi32>
      %get3A_235 = arith.index_cast %mul3A_55 : i32 to index
      %get3A_236 = arith.constant 288 : index
      %get3A_237 = tpu.vector_load %arg5[%get3A_235, %get3A_236] {strides = array<i32>} : memref<50x512xi32, #tpu.memory_space<vmem>>, vector<16xi32>,
      %eq3A_238 = arith.constant 0 : i32
      %eq3A_239 = vector.broadcast %eq3A_238 : i32 to vector<16xi32>
      %eq3A_240 = arith.cmpi eq, %get3A_237, %eq3A_239 : vector<16xi32>
      %convert_element_type3A_241 = arith.extui %eq3A_240 : vector<16xi1> to vector<16xi32>
      %or3A_242 = arith.ori %or3A_234, %convert_element_type3A_241 : vector<16xi32>
      %get3A_243 = arith.index_cast %mul3A_55 : i32 to index
      %get3A_244 = arith.constant 304 : index
      %get3A_245 = tpu.vector_load %arg5[%get3A_243, %get3A_244] {strides = array<i32>} : memref<50x512xi32, #tpu.memory_space<vmem>>, vector<16xi32>,
      %eq3A_246 = arith.constant 0 : i32
      %eq3A_247 = vector.broadcast %eq3A_246 : i32 to vector<16xi32>
      %eq3A_248 = arith.cmpi eq, %get3A_245, %eq3A_247 : vector<16xi32>
      %convert_element_type3A_249 = arith.extui %eq3A_248 : vector<16xi1> to vector<16xi32>
      %or3A_250 = arith.ori %or3A_242, %convert_element_type3A_249 : vector<16xi32>
      %get3A_251 = arith.index_cast %mul3A_55 : i32 to index
      %get3A_252 = arith.constant 320 : index
      %get3A_253 = tpu.vector_load %arg5[%get3A_251, %get3A_252] {strides = array<i32>} : memref<50x512xi32, #tpu.memory_space<vmem>>, vector<16xi32>,
      %eq3A_254 = arith.constant 0 : i32
      %eq3A_255 = vector.broadcast %eq3A_254 : i32 to vector<16xi32>
      %eq3A_256 = arith.cmpi eq, %get3A_253, %eq3A_255 : vector<16xi32>
      %convert_element_type3A_257 = arith.extui %eq3A_256 : vector<16xi1> to vector<16xi32>
      %or3A_258 = arith.ori %or3A_250, %convert_element_type3A_257 : vector<16xi32>
      %get3A_259 = arith.index_cast %mul3A_55 : i32 to index
      %get3A_260 = arith.constant 336 : index
      %get3A_261 = tpu.vector_load %arg5[%get3A_259, %get3A_260] {strides = array<i32>} : memref<50x512xi32, #tpu.memory_space<vmem>>, vector<16xi32>,
      %eq3A_262 = arith.constant 0 : i32
      %eq3A_263 = vector.broadcast %eq3A_262 : i32 to vector<16xi32>
      %eq3A_264 = arith.cmpi eq, %get3A_261, %eq3A_263 : vector<16xi32>
      %convert_element_type3A_265 = arith.extui %eq3A_264 : vector<16xi1> to vector<16xi32>
      %or3A_266 = arith.ori %or3A_258, %convert_element_type3A_265 : vector<16xi32>
      %get3A_267 = arith.index_cast %mul3A_55 : i32 to index
      %get3A_268 = arith.constant 352 : index
      %get3A_269 = tpu.vector_load %arg5[%get3A_267, %get3A_268] {strides = array<i32>} : memref<50x512xi32, #tpu.memory_space<vmem>>, vector<16xi32>,
      %eq3A_270 = arith.constant 0 : i32
      %eq3A_271 = vector.broadcast %eq3A_270 : i32 to vector<16xi32>
      %eq3A_272 = arith.cmpi eq, %get3A_269, %eq3A_271 : vector<16xi32>
      %convert_element_type3A_273 = arith.extui %eq3A_272 : vector<16xi1> to vector<16xi32>
      %or3A_274 = arith.ori %or3A_266, %convert_element_type3A_273 : vector<16xi32>
      %get3A_275 = arith.index_cast %mul3A_55 : i32 to index
      %get3A_276 = arith.constant 368 : index
      %get3A_277 = tpu.vector_load %arg5[%get3A_275, %get3A_276] {strides = array<i32>} : memref<50x512xi32, #tpu.memory_space<vmem>>, vector<16xi32>,
      %eq3A_278 = arith.constant 0 : i32
      %eq3A_279 = vector.broadcast %eq3A_278 : i32 to vector<16xi32>
      %eq3A_280 = arith.cmpi eq, %get3A_277, %eq3A_279 : vector<16xi32>
      %convert_element_type3A_281 = arith.extui %eq3A_280 : vector<16xi1> to vector<16xi32>
      %or3A_282 = arith.ori %or3A_274, %convert_element_type3A_281 : vector<16xi32>
      %get3A_283 = arith.index_cast %mul3A_55 : i32 to index
      %get3A_284 = arith.constant 384 : index
      %get3A_285 = tpu.vector_load %arg5[%get3A_283, %get3A_284] {strides = array<i32>} : memref<50x512xi32, #tpu.memory_space<vmem>>, vector<16xi32>,
      %eq3A_286 = arith.constant 0 : i32
      %eq3A_287 = vector.broadcast %eq3A_286 : i32 to vector<16xi32>
      %eq3A_288 = arith.cmpi eq, %get3A_285, %eq3A_287 : vector<16xi32>
      %convert_element_type3A_289 = arith.extui %eq3A_288 : vector<16xi1> to vector<16xi32>
      %or3A_290 = arith.ori %or3A_282, %convert_element_type3A_289 : vector<16xi32>
      %get3A_291 = arith.index_cast %mul3A_55 : i32 to index
      %get3A_292 = arith.constant 400 : index
      %get3A_293 = tpu.vector_load %arg5[%get3A_291, %get3A_292] {strides = array<i32>} : memref<50x512xi32, #tpu.memory_space<vmem>>, vector<16xi32>,
      %eq3A_294 = arith.constant 0 : i32
      %eq3A_295 = vector.broadcast %eq3A_294 : i32 to vector<16xi32>
      %eq3A_296 = arith.cmpi eq, %get3A_293, %eq3A_295 : vector<16xi32>
      %convert_element_type3A_297 = arith.extui %eq3A_296 : vector<16xi1> to vector<16xi32>
      %or3A_298 = arith.ori %or3A_290, %convert_element_type3A_297 : vector<16xi32>
      %get3A_299 = arith.index_cast %mul3A_55 : i32 to index
      %get3A_300 = arith.constant 416 : index
      %get3A_301 = tpu.vector_load %arg5[%get3A_299, %get3A_300] {strides = array<i32>} : memref<50x512xi32, #tpu.memory_space<vmem>>, vector<16xi32>,
      %eq3A_302 = arith.constant 0 : i32
      %eq3A_303 = vector.broadcast %eq3A_302 : i32 to vector<16xi32>
      %eq3A_304 = arith.cmpi eq, %get3A_301, %eq3A_303 : vector<16xi32>
      %convert_element_type3A_305 = arith.extui %eq3A_304 : vector<16xi1> to vector<16xi32>
      %or3A_306 = arith.ori %or3A_298, %convert_element_type3A_305 : vector<16xi32>
      %get3A_307 = arith.index_cast %mul3A_55 : i32 to index
      %get3A_308 = arith.constant 432 : index
      %get3A_309 = tpu.vector_load %arg5[%get3A_307, %get3A_308] {strides = array<i32>} : memref<50x512xi32, #tpu.memory_space<vmem>>, vector<16xi32>,
      %eq3A_310 = arith.constant 0 : i32
      %eq3A_311 = vector.broadcast %eq3A_310 : i32 to vector<16xi32>
      %eq3A_312 = arith.cmpi eq, %get3A_309, %eq3A_311 : vector<16xi32>
      %convert_element_type3A_313 = arith.extui %eq3A_312 : vector<16xi1> to vector<16xi32>
      %or3A_314 = arith.ori %or3A_306, %convert_element_type3A_313 : vector<16xi32>
      %get3A_315 = arith.index_cast %mul3A_55 : i32 to index
      %get3A_316 = arith.constant 448 : index
      %get3A_317 = tpu.vector_load %arg5[%get3A_315, %get3A_316] {strides = array<i32>} : memref<50x512xi32, #tpu.memory_space<vmem>>, vector<16xi32>,
      %eq3A_318 = arith.constant 0 : i32
      %eq3A_319 = vector.broadcast %eq3A_318 : i32 to vector<16xi32>
      %eq3A_320 = arith.cmpi eq, %get3A_317, %eq3A_319 : vector<16xi32>
      %convert_element_type3A_321 = arith.extui %eq3A_320 : vector<16xi1> to vector<16xi32>
      %or3A_322 = arith.ori %or3A_314, %convert_element_type3A_321 : vector<16xi32>
      %get3A_323 = arith.index_cast %mul3A_55 : i32 to index
      %get3A_324 = arith.constant 464 : index
      %get3A_325 = tpu.vector_load %arg5[%get3A_323, %get3A_324] {strides = array<i32>} : memref<50x512xi32, #tpu.memory_space<vmem>>, vector<16xi32>,
      %eq3A_326 = arith.constant 0 : i32
      %eq3A_327 = vector.broadcast %eq3A_326 : i32 to vector<16xi32>
      %eq3A_328 = arith.cmpi eq, %get3A_325, %eq3A_327 : vector<16xi32>
      %convert_element_type3A_329 = arith.extui %eq3A_328 : vector<16xi1> to vector<16xi32>
      %or3A_330 = arith.ori %or3A_322, %convert_element_type3A_329 : vector<16xi32>
      %get3A_331 = arith.index_cast %mul3A_55 : i32 to index
      %get3A_332 = arith.constant 480 : index
      %get3A_333 = tpu.vector_load %arg5[%get3A_331, %get3A_332] {strides = array<i32>} : memref<50x512xi32, #tpu.memory_space<vmem>>, vector<16xi32>,
      %eq3A_334 = arith.constant 0 : i32
      %eq3A_335 = vector.broadcast %eq3A_334 : i32 to vector<16xi32>
      %eq3A_336 = arith.cmpi eq, %get3A_333, %eq3A_335 : vector<16xi32>
      %convert_element_type3A_337 = arith.extui %eq3A_336 : vector<16xi1> to vector<16xi32>
      %or3A_338 = arith.ori %or3A_330, %convert_element_type3A_337 : vector<16xi32>
      %get3A_339 = arith.index_cast %mul3A_55 : i32 to index
      %get3A_340 = arith.constant 496 : index
      %get3A_341 = tpu.vector_load %arg5[%get3A_339, %get3A_340] {strides = array<i32>} : memref<50x512xi32, #tpu.memory_space<vmem>>, vector<16xi32>,
      %eq3A_342 = arith.constant 0 : i32
      %eq3A_343 = vector.broadcast %eq3A_342 : i32 to vector<16xi32>
      %eq3A_344 = arith.cmpi eq, %get3A_341, %eq3A_343 : vector<16xi32>
      %convert_element_type3A_345 = arith.extui %eq3A_344 : vector<16xi1> to vector<16xi32>
      %or3A_346 = arith.ori %or3A_338, %convert_element_type3A_345 : vector<16xi32>
      %slice3A = vector.extract_strided_slice %or3A_346 {offsets = [0], sizes = [1], strides = [1]} : vector<16xi32> to vector<1xi32>
      %squeeze3A = vector.extract %slice3A[0] : i32 from vector<1xi32>
      %slice3A_347 = vector.extract_strided_slice %or3A_346 {offsets = [1], sizes = [1], strides = [1]} : vector<16xi32> to vector<1xi32>
      %squeeze3A_348 = vector.extract %slice3A_347[0] : i32 from vector<1xi32>
      %add3A_349 = arith.addi %squeeze3A, %squeeze3A_348 : i32
      %slice3A_350 = vector.extract_strided_slice %or3A_346 {offsets = [2], sizes = [1], strides = [1]} : vector<16xi32> to vector<1xi32>
      %squeeze3A_351 = vector.extract %slice3A_350[0] : i32 from vector<1xi32>
      %add3A_352 = arith.addi %add3A_349, %squeeze3A_351 : i32
      %slice3A_353 = vector.extract_strided_slice %or3A_346 {offsets = [3], sizes = [1], strides = [1]} : vector<16xi32> to vector<1xi32>
      %squeeze3A_354 = vector.extract %slice3A_353[0] : i32 from vector<1xi32>
      %add3A_355 = arith.addi %add3A_352, %squeeze3A_354 : i32
      %slice3A_356 = vector.extract_strided_slice %or3A_346 {offsets = [4], sizes = [1], strides = [1]} : vector<16xi32> to vector<1xi32>
      %squeeze3A_357 = vector.extract %slice3A_356[0] : i32 from vector<1xi32>
      %add3A_358 = arith.addi %add3A_355, %squeeze3A_357 : i32
      %slice3A_359 = vector.extract_strided_slice %or3A_346 {offsets = [5], sizes = [1], strides = [1]} : vector<16xi32> to vector<1xi32>
      %squeeze3A_360 = vector.extract %slice3A_359[0] : i32 from vector<1xi32>
      %add3A_361 = arith.addi %add3A_358, %squeeze3A_360 : i32
      %slice3A_362 = vector.extract_strided_slice %or3A_346 {offsets = [6], sizes = [1], strides = [1]} : vector<16xi32> to vector<1xi32>
      %squeeze3A_363 = vector.extract %slice3A_362[0] : i32 from vector<1xi32>
      %add3A_364 = arith.addi %add3A_361, %squeeze3A_363 : i32
      %slice3A_365 = vector.extract_strided_slice %or3A_346 {offsets = [7], sizes = [1], strides = [1]} : vector<16xi32> to vector<1xi32>
      %squeeze3A_366 = vector.extract %slice3A_365[0] : i32 from vector<1xi32>
      %add3A_367 = arith.addi %add3A_364, %squeeze3A_366 : i32
      %slice3A_368 = vector.extract_strided_slice %or3A_346 {offsets = [8], sizes = [1], strides = [1]} : vector<16xi32> to vector<1xi32>
      %squeeze3A_369 = vector.extract %slice3A_368[0] : i32 from vector<1xi32>
      %add3A_370 = arith.addi %add3A_367, %squeeze3A_369 : i32
      %slice3A_371 = vector.extract_strided_slice %or3A_346 {offsets = [9], sizes = [1], strides = [1]} : vector<16xi32> to vector<1xi32>
      %squeeze3A_372 = vector.extract %slice3A_371[0] : i32 from vector<1xi32>
      %add3A_373 = arith.addi %add3A_370, %squeeze3A_372 : i32
      %slice3A_374 = vector.extract_strided_slice %or3A_346 {offsets = [10], sizes = [1], strides = [1]} : vector<16xi32> to vector<1xi32>
      %squeeze3A_375 = vector.extract %slice3A_374[0] : i32 from vector<1xi32>
      %add3A_376 = arith.addi %add3A_373, %squeeze3A_375 : i32
      %slice3A_377 = vector.extract_strided_slice %or3A_346 {offsets = [11], sizes = [1], strides = [1]} : vector<16xi32> to vector<1xi32>
      %squeeze3A_378 = vector.extract %slice3A_377[0] : i32 from vector<1xi32>
      %add3A_379 = arith.addi %add3A_376, %squeeze3A_378 : i32
      %slice3A_380 = vector.extract_strided_slice %or3A_346 {offsets = [12], sizes = [1], strides = [1]} : vector<16xi32> to vector<1xi32>
      %squeeze3A_381 = vector.extract %slice3A_380[0] : i32 from vector<1xi32>
      %add3A_382 = arith.addi %add3A_379, %squeeze3A_381 : i32
      %slice3A_383 = vector.extract_strided_slice %or3A_346 {offsets = [13], sizes = [1], strides = [1]} : vector<16xi32> to vector<1xi32>
      %squeeze3A_384 = vector.extract %slice3A_383[0] : i32 from vector<1xi32>
      %add3A_385 = arith.addi %add3A_382, %squeeze3A_384 : i32
      %slice3A_386 = vector.extract_strided_slice %or3A_346 {offsets = [14], sizes = [1], strides = [1]} : vector<16xi32> to vector<1xi32>
      %squeeze3A_387 = vector.extract %slice3A_386[0] : i32 from vector<1xi32>
      %add3A_388 = arith.addi %add3A_385, %squeeze3A_387 : i32
      %slice3A_389 = vector.extract_strided_slice %or3A_346 {offsets = [15], sizes = [1], strides = [1]} : vector<16xi32> to vector<1xi32>
      %squeeze3A_390 = vector.extract %slice3A_389[0] : i32 from vector<1xi32>
      %add3A_391 = arith.addi %add3A_388, %squeeze3A_390 : i32
      %gt3A = arith.constant 0 : i32
      %gt3A_392 = arith.cmpi sgt, %add3A_391, %gt3A : i32
      %convert_element_type3A_393 = arith.extui %gt3A_392 : i1 to i32
      %cond3A = arith.constant 0 : i32
      %cond3A_394 = arith.cmpi ne, %convert_element_type3A_393, %cond3A : i32
      scf.if %cond3A_394 {
        %broadcast_in_dim3A_2412 = arith.constant 0.000000e+00 : f32
        %broadcast_in_dim3A_2413 = vector.broadcast %broadcast_in_dim3A_2412 : f32 to vector<16xf32>
        %get3A_2414 = arith.index_cast %mul3A_55 : i32 to index
        %get3A_2415 = arith.constant 0 : index
        %get3A_2416 = tpu.vector_load %arg5[%get3A_2414, %get3A_2415] {strides = array<i32>} : memref<50x512xi32, #tpu.memory_space<vmem>>, vector<16xi32>,
        %eq3A_2417 = arith.constant 0 : i32
        %eq3A_2418 = vector.broadcast %eq3A_2417 : i32 to vector<16xi32>
        %eq3A_2419 = arith.cmpi eq, %get3A_2416, %eq3A_2418 : vector<16xi32>
        %iota3A_2420 = tpu.iota {dimensions = array<i32: 0>} : vector<16xi32>
        %add3A_2421 = arith.constant 0 : i32
        %add3A_2422 = vector.broadcast %add3A_2421 : i32 to vector<16xi32>
        %add3A_2423 = arith.addi %add3A_2422, %iota3A_2420 : vector<16xi32>
        %broadcast_in_dim3A_2424 = arith.constant 0 : i32
        %broadcast_in_dim3A_2425 = vector.broadcast %broadcast_in_dim3A_2424 : i32 to vector<16xi32>
        %scan3A_2426 = arith.constant 0 : i32
        %scan3A_2427 = arith.constant 32 : i32
        %scan3A_2428 = arith.addi %scan3A_2426, %scan3A_2427 : i32
        %scan3A_2429 = arith.constant 1 : i32
        %scan3A_2430 = scf.for %scan3A_2990 = %scan3A_2426 to %scan3A_2428 step %scan3A_2429 iter_args(%scan3A_2991 = %broadcast_in_dim3A_2425) -> (vector<16xi32>)  : i32 {
          tpu.vector_store_idx %arg6[%add3A_2423, %scan3A_2991], %broadcast_in_dim3A_2413 masked %eq3A_2419 : memref<512x32xf32, #tpu.memory_space<vmem>>[vector<16xi32>, vector<16xi32>], vector<16xf32>, vector<16xi1>
          %add3A_2992 = arith.constant 1 : i32
          %add3A_2993 = vector.broadcast %add3A_2992 : i32 to vector<16xi32>
          %add3A_2994 = arith.addi %scan3A_2991, %add3A_2993 : vector<16xi32>
          scf.yield %add3A_2994 : vector<16xi32>
        }
        %scan3A_2431 = arith.constant 32 : i32
        %get3A_2432 = arith.index_cast %mul3A_55 : i32 to index
        %get3A_2433 = arith.constant 16 : index
        %get3A_2434 = tpu.vector_load %arg5[%get3A_2432, %get3A_2433] {strides = array<i32>} : memref<50x512xi32, #tpu.memory_space<vmem>>, vector<16xi32>,
        %eq3A_2435 = arith.constant 0 : i32
        %eq3A_2436 = vector.broadcast %eq3A_2435 : i32 to vector<16xi32>
        %eq3A_2437 = arith.cmpi eq, %get3A_2434, %eq3A_2436 : vector<16xi32>
        %iota3A_2438 = tpu.iota {dimensions = array<i32: 0>} : vector<16xi32>
        %add3A_2439 = arith.constant 16 : i32
        %add3A_2440 = vector.broadcast %add3A_2439 : i32 to vector<16xi32>
        %add3A_2441 = arith.addi %add3A_2440, %iota3A_2438 : vector<16xi32>
        %broadcast_in_dim3A_2442 = arith.constant 0 : i32
        %broadcast_in_dim3A_2443 = vector.broadcast %broadcast_in_dim3A_2442 : i32 to vector<16xi32>
        %scan3A_2444 = arith.constant 0 : i32
        %scan3A_2445 = arith.constant 32 : i32
        %scan3A_2446 = arith.addi %scan3A_2444, %scan3A_2445 : i32
        %scan3A_2447 = arith.constant 1 : i32
        %scan3A_2448 = scf.for %scan3A_2990 = %scan3A_2444 to %scan3A_2446 step %scan3A_2447 iter_args(%scan3A_2991 = %broadcast_in_dim3A_2443) -> (vector<16xi32>)  : i32 {
          tpu.vector_store_idx %arg6[%add3A_2441, %scan3A_2991], %broadcast_in_dim3A_2413 masked %eq3A_2437 : memref<512x32xf32, #tpu.memory_space<vmem>>[vector<16xi32>, vector<16xi32>], vector<16xf32>, vector<16xi1>
          %add3A_2992 = arith.constant 1 : i32
          %add3A_2993 = vector.broadcast %add3A_2992 : i32 to vector<16xi32>
          %add3A_2994 = arith.addi %scan3A_2991, %add3A_2993 : vector<16xi32>
          scf.yield %add3A_2994 : vector<16xi32>
        }
        %scan3A_2449 = arith.constant 32 : i32
        %get3A_2450 = arith.index_cast %mul3A_55 : i32 to index
        %get3A_2451 = arith.constant 32 : index
        %get3A_2452 = tpu.vector_load %arg5[%get3A_2450, %get3A_2451] {strides = array<i32>} : memref<50x512xi32, #tpu.memory_space<vmem>>, vector<16xi32>,
        %eq3A_2453 = arith.constant 0 : i32
        %eq3A_2454 = vector.broadcast %eq3A_2453 : i32 to vector<16xi32>
        %eq3A_2455 = arith.cmpi eq, %get3A_2452, %eq3A_2454 : vector<16xi32>
        %iota3A_2456 = tpu.iota {dimensions = array<i32: 0>} : vector<16xi32>
        %add3A_2457 = arith.constant 32 : i32
        %add3A_2458 = vector.broadcast %add3A_2457 : i32 to vector<16xi32>
        %add3A_2459 = arith.addi %add3A_2458, %iota3A_2456 : vector<16xi32>
        %broadcast_in_dim3A_2460 = arith.constant 0 : i32
        %broadcast_in_dim3A_2461 = vector.broadcast %broadcast_in_dim3A_2460 : i32 to vector<16xi32>
        %scan3A_2462 = arith.constant 0 : i32
        %scan3A_2463 = arith.constant 32 : i32
        %scan3A_2464 = arith.addi %scan3A_2462, %scan3A_2463 : i32
        %scan3A_2465 = arith.constant 1 : i32
        %scan3A_2466 = scf.for %scan3A_2990 = %scan3A_2462 to %scan3A_2464 step %scan3A_2465 iter_args(%scan3A_2991 = %broadcast_in_dim3A_2461) -> (vector<16xi32>)  : i32 {
          tpu.vector_store_idx %arg6[%add3A_2459, %scan3A_2991], %broadcast_in_dim3A_2413 masked %eq3A_2455 : memref<512x32xf32, #tpu.memory_space<vmem>>[vector<16xi32>, vector<16xi32>], vector<16xf32>, vector<16xi1>
          %add3A_2992 = arith.constant 1 : i32
          %add3A_2993 = vector.broadcast %add3A_2992 : i32 to vector<16xi32>
          %add3A_2994 = arith.addi %scan3A_2991, %add3A_2993 : vector<16xi32>
          scf.yield %add3A_2994 : vector<16xi32>
        }
        %scan3A_2467 = arith.constant 32 : i32
        %get3A_2468 = arith.index_cast %mul3A_55 : i32 to index
        %get3A_2469 = arith.constant 48 : index
        %get3A_2470 = tpu.vector_load %arg5[%get3A_2468, %get3A_2469] {strides = array<i32>} : memref<50x512xi32, #tpu.memory_space<vmem>>, vector<16xi32>,
        %eq3A_2471 = arith.constant 0 : i32
        %eq3A_2472 = vector.broadcast %eq3A_2471 : i32 to vector<16xi32>
        %eq3A_2473 = arith.cmpi eq, %get3A_2470, %eq3A_2472 : vector<16xi32>
        %iota3A_2474 = tpu.iota {dimensions = array<i32: 0>} : vector<16xi32>
        %add3A_2475 = arith.constant 48 : i32
        %add3A_2476 = vector.broadcast %add3A_2475 : i32 to vector<16xi32>
        %add3A_2477 = arith.addi %add3A_2476, %iota3A_2474 : vector<16xi32>
        %broadcast_in_dim3A_2478 = arith.constant 0 : i32
        %broadcast_in_dim3A_2479 = vector.broadcast %broadcast_in_dim3A_2478 : i32 to vector<16xi32>
        %scan3A_2480 = arith.constant 0 : i32
        %scan3A_2481 = arith.constant 32 : i32
        %scan3A_2482 = arith.addi %scan3A_2480, %scan3A_2481 : i32
        %scan3A_2483 = arith.constant 1 : i32
        %scan3A_2484 = scf.for %scan3A_2990 = %scan3A_2480 to %scan3A_2482 step %scan3A_2483 iter_args(%scan3A_2991 = %broadcast_in_dim3A_2479) -> (vector<16xi32>)  : i32 {
          tpu.vector_store_idx %arg6[%add3A_2477, %scan3A_2991], %broadcast_in_dim3A_2413 masked %eq3A_2473 : memref<512x32xf32, #tpu.memory_space<vmem>>[vector<16xi32>, vector<16xi32>], vector<16xf32>, vector<16xi1>
          %add3A_2992 = arith.constant 1 : i32
          %add3A_2993 = vector.broadcast %add3A_2992 : i32 to vector<16xi32>
          %add3A_2994 = arith.addi %scan3A_2991, %add3A_2993 : vector<16xi32>
          scf.yield %add3A_2994 : vector<16xi32>
        }
        %scan3A_2485 = arith.constant 32 : i32
        %get3A_2486 = arith.index_cast %mul3A_55 : i32 to index
        %get3A_2487 = arith.constant 64 : index
        %get3A_2488 = tpu.vector_load %arg5[%get3A_2486, %get3A_2487] {strides = array<i32>} : memref<50x512xi32, #tpu.memory_space<vmem>>, vector<16xi32>,
        %eq3A_2489 = arith.constant 0 : i32
        %eq3A_2490 = vector.broadcast %eq3A_2489 : i32 to vector<16xi32>
        %eq3A_2491 = arith.cmpi eq, %get3A_2488, %eq3A_2490 : vector<16xi32>
        %iota3A_2492 = tpu.iota {dimensions = array<i32: 0>} : vector<16xi32>
        %add3A_2493 = arith.constant 64 : i32
        %add3A_2494 = vector.broadcast %add3A_2493 : i32 to vector<16xi32>
        %add3A_2495 = arith.addi %add3A_2494, %iota3A_2492 : vector<16xi32>
        %broadcast_in_dim3A_2496 = arith.constant 0 : i32
        %broadcast_in_dim3A_2497 = vector.broadcast %broadcast_in_dim3A_2496 : i32 to vector<16xi32>
        %scan3A_2498 = arith.constant 0 : i32
        %scan3A_2499 = arith.constant 32 : i32
        %scan3A_2500 = arith.addi %scan3A_2498, %scan3A_2499 : i32
        %scan3A_2501 = arith.constant 1 : i32
        %scan3A_2502 = scf.for %scan3A_2990 = %scan3A_2498 to %scan3A_2500 step %scan3A_2501 iter_args(%scan3A_2991 = %broadcast_in_dim3A_2497) -> (vector<16xi32>)  : i32 {
          tpu.vector_store_idx %arg6[%add3A_2495, %scan3A_2991], %broadcast_in_dim3A_2413 masked %eq3A_2491 : memref<512x32xf32, #tpu.memory_space<vmem>>[vector<16xi32>, vector<16xi32>], vector<16xf32>, vector<16xi1>
          %add3A_2992 = arith.constant 1 : i32
          %add3A_2993 = vector.broadcast %add3A_2992 : i32 to vector<16xi32>
          %add3A_2994 = arith.addi %scan3A_2991, %add3A_2993 : vector<16xi32>
          scf.yield %add3A_2994 : vector<16xi32>
        }
        %scan3A_2503 = arith.constant 32 : i32
        %get3A_2504 = arith.index_cast %mul3A_55 : i32 to index
        %get3A_2505 = arith.constant 80 : index
        %get3A_2506 = tpu.vector_load %arg5[%get3A_2504, %get3A_2505] {strides = array<i32>} : memref<50x512xi32, #tpu.memory_space<vmem>>, vector<16xi32>,
        %eq3A_2507 = arith.constant 0 : i32
        %eq3A_2508 = vector.broadcast %eq3A_2507 : i32 to vector<16xi32>
        %eq3A_2509 = arith.cmpi eq, %get3A_2506, %eq3A_2508 : vector<16xi32>
        %iota3A_2510 = tpu.iota {dimensions = array<i32: 0>} : vector<16xi32>
        %add3A_2511 = arith.constant 80 : i32
        %add3A_2512 = vector.broadcast %add3A_2511 : i32 to vector<16xi32>
        %add3A_2513 = arith.addi %add3A_2512, %iota3A_2510 : vector<16xi32>
        %broadcast_in_dim3A_2514 = arith.constant 0 : i32
        %broadcast_in_dim3A_2515 = vector.broadcast %broadcast_in_dim3A_2514 : i32 to vector<16xi32>
        %scan3A_2516 = arith.constant 0 : i32
        %scan3A_2517 = arith.constant 32 : i32
        %scan3A_2518 = arith.addi %scan3A_2516, %scan3A_2517 : i32
        %scan3A_2519 = arith.constant 1 : i32
        %scan3A_2520 = scf.for %scan3A_2990 = %scan3A_2516 to %scan3A_2518 step %scan3A_2519 iter_args(%scan3A_2991 = %broadcast_in_dim3A_2515) -> (vector<16xi32>)  : i32 {
          tpu.vector_store_idx %arg6[%add3A_2513, %scan3A_2991], %broadcast_in_dim3A_2413 masked %eq3A_2509 : memref<512x32xf32, #tpu.memory_space<vmem>>[vector<16xi32>, vector<16xi32>], vector<16xf32>, vector<16xi1>
          %add3A_2992 = arith.constant 1 : i32
          %add3A_2993 = vector.broadcast %add3A_2992 : i32 to vector<16xi32>
          %add3A_2994 = arith.addi %scan3A_2991, %add3A_2993 : vector<16xi32>
          scf.yield %add3A_2994 : vector<16xi32>
        }
        %scan3A_2521 = arith.constant 32 : i32
        %get3A_2522 = arith.index_cast %mul3A_55 : i32 to index
        %get3A_2523 = arith.constant 96 : index
        %get3A_2524 = tpu.vector_load %arg5[%get3A_2522, %get3A_2523] {strides = array<i32>} : memref<50x512xi32, #tpu.memory_space<vmem>>, vector<16xi32>,
        %eq3A_2525 = arith.constant 0 : i32
        %eq3A_2526 = vector.broadcast %eq3A_2525 : i32 to vector<16xi32>
        %eq3A_2527 = arith.cmpi eq, %get3A_2524, %eq3A_2526 : vector<16xi32>
        %iota3A_2528 = tpu.iota {dimensions = array<i32: 0>} : vector<16xi32>
        %add3A_2529 = arith.constant 96 : i32
        %add3A_2530 = vector.broadcast %add3A_2529 : i32 to vector<16xi32>
        %add3A_2531 = arith.addi %add3A_2530, %iota3A_2528 : vector<16xi32>
        %broadcast_in_dim3A_2532 = arith.constant 0 : i32
        %broadcast_in_dim3A_2533 = vector.broadcast %broadcast_in_dim3A_2532 : i32 to vector<16xi32>
        %scan3A_2534 = arith.constant 0 : i32
        %scan3A_2535 = arith.constant 32 : i32
        %scan3A_2536 = arith.addi %scan3A_2534, %scan3A_2535 : i32
        %scan3A_2537 = arith.constant 1 : i32
        %scan3A_2538 = scf.for %scan3A_2990 = %scan3A_2534 to %scan3A_2536 step %scan3A_2537 iter_args(%scan3A_2991 = %broadcast_in_dim3A_2533) -> (vector<16xi32>)  : i32 {
          tpu.vector_store_idx %arg6[%add3A_2531, %scan3A_2991], %broadcast_in_dim3A_2413 masked %eq3A_2527 : memref<512x32xf32, #tpu.memory_space<vmem>>[vector<16xi32>, vector<16xi32>], vector<16xf32>, vector<16xi1>
          %add3A_2992 = arith.constant 1 : i32
          %add3A_2993 = vector.broadcast %add3A_2992 : i32 to vector<16xi32>
          %add3A_2994 = arith.addi %scan3A_2991, %add3A_2993 : vector<16xi32>
          scf.yield %add3A_2994 : vector<16xi32>
        }
        %scan3A_2539 = arith.constant 32 : i32
        %get3A_2540 = arith.index_cast %mul3A_55 : i32 to index
        %get3A_2541 = arith.constant 112 : index
        %get3A_2542 = tpu.vector_load %arg5[%get3A_2540, %get3A_2541] {strides = array<i32>} : memref<50x512xi32, #tpu.memory_space<vmem>>, vector<16xi32>,
        %eq3A_2543 = arith.constant 0 : i32
        %eq3A_2544 = vector.broadcast %eq3A_2543 : i32 to vector<16xi32>
        %eq3A_2545 = arith.cmpi eq, %get3A_2542, %eq3A_2544 : vector<16xi32>
        %iota3A_2546 = tpu.iota {dimensions = array<i32: 0>} : vector<16xi32>
        %add3A_2547 = arith.constant 112 : i32
        %add3A_2548 = vector.broadcast %add3A_2547 : i32 to vector<16xi32>
        %add3A_2549 = arith.addi %add3A_2548, %iota3A_2546 : vector<16xi32>
        %broadcast_in_dim3A_2550 = arith.constant 0 : i32
        %broadcast_in_dim3A_2551 = vector.broadcast %broadcast_in_dim3A_2550 : i32 to vector<16xi32>
        %scan3A_2552 = arith.constant 0 : i32
        %scan3A_2553 = arith.constant 32 : i32
        %scan3A_2554 = arith.addi %scan3A_2552, %scan3A_2553 : i32
        %scan3A_2555 = arith.constant 1 : i32
        %scan3A_2556 = scf.for %scan3A_2990 = %scan3A_2552 to %scan3A_2554 step %scan3A_2555 iter_args(%scan3A_2991 = %broadcast_in_dim3A_2551) -> (vector<16xi32>)  : i32 {
          tpu.vector_store_idx %arg6[%add3A_2549, %scan3A_2991], %broadcast_in_dim3A_2413 masked %eq3A_2545 : memref<512x32xf32, #tpu.memory_space<vmem>>[vector<16xi32>, vector<16xi32>], vector<16xf32>, vector<16xi1>
          %add3A_2992 = arith.constant 1 : i32
          %add3A_2993 = vector.broadcast %add3A_2992 : i32 to vector<16xi32>
          %add3A_2994 = arith.addi %scan3A_2991, %add3A_2993 : vector<16xi32>
          scf.yield %add3A_2994 : vector<16xi32>
        }
        %scan3A_2557 = arith.constant 32 : i32
        %get3A_2558 = arith.index_cast %mul3A_55 : i32 to index
        %get3A_2559 = arith.constant 128 : index
        %get3A_2560 = tpu.vector_load %arg5[%get3A_2558, %get3A_2559] {strides = array<i32>} : memref<50x512xi32, #tpu.memory_space<vmem>>, vector<16xi32>,
        %eq3A_2561 = arith.constant 0 : i32
        %eq3A_2562 = vector.broadcast %eq3A_2561 : i32 to vector<16xi32>
        %eq3A_2563 = arith.cmpi eq, %get3A_2560, %eq3A_2562 : vector<16xi32>
        %iota3A_2564 = tpu.iota {dimensions = array<i32: 0>} : vector<16xi32>
        %add3A_2565 = arith.constant 128 : i32
        %add3A_2566 = vector.broadcast %add3A_2565 : i32 to vector<16xi32>
        %add3A_2567 = arith.addi %add3A_2566, %iota3A_2564 : vector<16xi32>
        %broadcast_in_dim3A_2568 = arith.constant 0 : i32
        %broadcast_in_dim3A_2569 = vector.broadcast %broadcast_in_dim3A_2568 : i32 to vector<16xi32>
        %scan3A_2570 = arith.constant 0 : i32
        %scan3A_2571 = arith.constant 32 : i32
        %scan3A_2572 = arith.addi %scan3A_2570, %scan3A_2571 : i32
        %scan3A_2573 = arith.constant 1 : i32
        %scan3A_2574 = scf.for %scan3A_2990 = %scan3A_2570 to %scan3A_2572 step %scan3A_2573 iter_args(%scan3A_2991 = %broadcast_in_dim3A_2569) -> (vector<16xi32>)  : i32 {
          tpu.vector_store_idx %arg6[%add3A_2567, %scan3A_2991], %broadcast_in_dim3A_2413 masked %eq3A_2563 : memref<512x32xf32, #tpu.memory_space<vmem>>[vector<16xi32>, vector<16xi32>], vector<16xf32>, vector<16xi1>
          %add3A_2992 = arith.constant 1 : i32
          %add3A_2993 = vector.broadcast %add3A_2992 : i32 to vector<16xi32>
          %add3A_2994 = arith.addi %scan3A_2991, %add3A_2993 : vector<16xi32>
          scf.yield %add3A_2994 : vector<16xi32>
        }
        %scan3A_2575 = arith.constant 32 : i32
        %get3A_2576 = arith.index_cast %mul3A_55 : i32 to index
        %get3A_2577 = arith.constant 144 : index
        %get3A_2578 = tpu.vector_load %arg5[%get3A_2576, %get3A_2577] {strides = array<i32>} : memref<50x512xi32, #tpu.memory_space<vmem>>, vector<16xi32>,
        %eq3A_2579 = arith.constant 0 : i32
        %eq3A_2580 = vector.broadcast %eq3A_2579 : i32 to vector<16xi32>
        %eq3A_2581 = arith.cmpi eq, %get3A_2578, %eq3A_2580 : vector<16xi32>
        %iota3A_2582 = tpu.iota {dimensions = array<i32: 0>} : vector<16xi32>
        %add3A_2583 = arith.constant 144 : i32
        %add3A_2584 = vector.broadcast %add3A_2583 : i32 to vector<16xi32>
        %add3A_2585 = arith.addi %add3A_2584, %iota3A_2582 : vector<16xi32>
        %broadcast_in_dim3A_2586 = arith.constant 0 : i32
        %broadcast_in_dim3A_2587 = vector.broadcast %broadcast_in_dim3A_2586 : i32 to vector<16xi32>
        %scan3A_2588 = arith.constant 0 : i32
        %scan3A_2589 = arith.constant 32 : i32
        %scan3A_2590 = arith.addi %scan3A_2588, %scan3A_2589 : i32
        %scan3A_2591 = arith.constant 1 : i32
        %scan3A_2592 = scf.for %scan3A_2990 = %scan3A_2588 to %scan3A_2590 step %scan3A_2591 iter_args(%scan3A_2991 = %broadcast_in_dim3A_2587) -> (vector<16xi32>)  : i32 {
          tpu.vector_store_idx %arg6[%add3A_2585, %scan3A_2991], %broadcast_in_dim3A_2413 masked %eq3A_2581 : memref<512x32xf32, #tpu.memory_space<vmem>>[vector<16xi32>, vector<16xi32>], vector<16xf32>, vector<16xi1>
          %add3A_2992 = arith.constant 1 : i32
          %add3A_2993 = vector.broadcast %add3A_2992 : i32 to vector<16xi32>
          %add3A_2994 = arith.addi %scan3A_2991, %add3A_2993 : vector<16xi32>
          scf.yield %add3A_2994 : vector<16xi32>
        }
        %scan3A_2593 = arith.constant 32 : i32
        %get3A_2594 = arith.index_cast %mul3A_55 : i32 to index
        %get3A_2595 = arith.constant 160 : index
        %get3A_2596 = tpu.vector_load %arg5[%get3A_2594, %get3A_2595] {strides = array<i32>} : memref<50x512xi32, #tpu.memory_space<vmem>>, vector<16xi32>,
        %eq3A_2597 = arith.constant 0 : i32
        %eq3A_2598 = vector.broadcast %eq3A_2597 : i32 to vector<16xi32>
        %eq3A_2599 = arith.cmpi eq, %get3A_2596, %eq3A_2598 : vector<16xi32>
        %iota3A_2600 = tpu.iota {dimensions = array<i32: 0>} : vector<16xi32>
        %add3A_2601 = arith.constant 160 : i32
        %add3A_2602 = vector.broadcast %add3A_2601 : i32 to vector<16xi32>
        %add3A_2603 = arith.addi %add3A_2602, %iota3A_2600 : vector<16xi32>
        %broadcast_in_dim3A_2604 = arith.constant 0 : i32
        %broadcast_in_dim3A_2605 = vector.broadcast %broadcast_in_dim3A_2604 : i32 to vector<16xi32>
        %scan3A_2606 = arith.constant 0 : i32
        %scan3A_2607 = arith.constant 32 : i32
        %scan3A_2608 = arith.addi %scan3A_2606, %scan3A_2607 : i32
        %scan3A_2609 = arith.constant 1 : i32
        %scan3A_2610 = scf.for %scan3A_2990 = %scan3A_2606 to %scan3A_2608 step %scan3A_2609 iter_args(%scan3A_2991 = %broadcast_in_dim3A_2605) -> (vector<16xi32>)  : i32 {
          tpu.vector_store_idx %arg6[%add3A_2603, %scan3A_2991], %broadcast_in_dim3A_2413 masked %eq3A_2599 : memref<512x32xf32, #tpu.memory_space<vmem>>[vector<16xi32>, vector<16xi32>], vector<16xf32>, vector<16xi1>
          %add3A_2992 = arith.constant 1 : i32
          %add3A_2993 = vector.broadcast %add3A_2992 : i32 to vector<16xi32>
          %add3A_2994 = arith.addi %scan3A_2991, %add3A_2993 : vector<16xi32>
          scf.yield %add3A_2994 : vector<16xi32>
        }
        %scan3A_2611 = arith.constant 32 : i32
        %get3A_2612 = arith.index_cast %mul3A_55 : i32 to index
        %get3A_2613 = arith.constant 176 : index
        %get3A_2614 = tpu.vector_load %arg5[%get3A_2612, %get3A_2613] {strides = array<i32>} : memref<50x512xi32, #tpu.memory_space<vmem>>, vector<16xi32>,
        %eq3A_2615 = arith.constant 0 : i32
        %eq3A_2616 = vector.broadcast %eq3A_2615 : i32 to vector<16xi32>
        %eq3A_2617 = arith.cmpi eq, %get3A_2614, %eq3A_2616 : vector<16xi32>
        %iota3A_2618 = tpu.iota {dimensions = array<i32: 0>} : vector<16xi32>
        %add3A_2619 = arith.constant 176 : i32
        %add3A_2620 = vector.broadcast %add3A_2619 : i32 to vector<16xi32>
        %add3A_2621 = arith.addi %add3A_2620, %iota3A_2618 : vector<16xi32>
        %broadcast_in_dim3A_2622 = arith.constant 0 : i32
        %broadcast_in_dim3A_2623 = vector.broadcast %broadcast_in_dim3A_2622 : i32 to vector<16xi32>
        %scan3A_2624 = arith.constant 0 : i32
        %scan3A_2625 = arith.constant 32 : i32
        %scan3A_2626 = arith.addi %scan3A_2624, %scan3A_2625 : i32
        %scan3A_2627 = arith.constant 1 : i32
        %scan3A_2628 = scf.for %scan3A_2990 = %scan3A_2624 to %scan3A_2626 step %scan3A_2627 iter_args(%scan3A_2991 = %broadcast_in_dim3A_2623) -> (vector<16xi32>)  : i32 {
          tpu.vector_store_idx %arg6[%add3A_2621, %scan3A_2991], %broadcast_in_dim3A_2413 masked %eq3A_2617 : memref<512x32xf32, #tpu.memory_space<vmem>>[vector<16xi32>, vector<16xi32>], vector<16xf32>, vector<16xi1>
          %add3A_2992 = arith.constant 1 : i32
          %add3A_2993 = vector.broadcast %add3A_2992 : i32 to vector<16xi32>
          %add3A_2994 = arith.addi %scan3A_2991, %add3A_2993 : vector<16xi32>
          scf.yield %add3A_2994 : vector<16xi32>
        }
        %scan3A_2629 = arith.constant 32 : i32
        %get3A_2630 = arith.index_cast %mul3A_55 : i32 to index
        %get3A_2631 = arith.constant 192 : index
        %get3A_2632 = tpu.vector_load %arg5[%get3A_2630, %get3A_2631] {strides = array<i32>} : memref<50x512xi32, #tpu.memory_space<vmem>>, vector<16xi32>,
        %eq3A_2633 = arith.constant 0 : i32
        %eq3A_2634 = vector.broadcast %eq3A_2633 : i32 to vector<16xi32>
        %eq3A_2635 = arith.cmpi eq, %get3A_2632, %eq3A_2634 : vector<16xi32>
        %iota3A_2636 = tpu.iota {dimensions = array<i32: 0>} : vector<16xi32>
        %add3A_2637 = arith.constant 192 : i32
        %add3A_2638 = vector.broadcast %add3A_2637 : i32 to vector<16xi32>
        %add3A_2639 = arith.addi %add3A_2638, %iota3A_2636 : vector<16xi32>
        %broadcast_in_dim3A_2640 = arith.constant 0 : i32
        %broadcast_in_dim3A_2641 = vector.broadcast %broadcast_in_dim3A_2640 : i32 to vector<16xi32>
        %scan3A_2642 = arith.constant 0 : i32
        %scan3A_2643 = arith.constant 32 : i32
        %scan3A_2644 = arith.addi %scan3A_2642, %scan3A_2643 : i32
        %scan3A_2645 = arith.constant 1 : i32
        %scan3A_2646 = scf.for %scan3A_2990 = %scan3A_2642 to %scan3A_2644 step %scan3A_2645 iter_args(%scan3A_2991 = %broadcast_in_dim3A_2641) -> (vector<16xi32>)  : i32 {
          tpu.vector_store_idx %arg6[%add3A_2639, %scan3A_2991], %broadcast_in_dim3A_2413 masked %eq3A_2635 : memref<512x32xf32, #tpu.memory_space<vmem>>[vector<16xi32>, vector<16xi32>], vector<16xf32>, vector<16xi1>
          %add3A_2992 = arith.constant 1 : i32
          %add3A_2993 = vector.broadcast %add3A_2992 : i32 to vector<16xi32>
          %add3A_2994 = arith.addi %scan3A_2991, %add3A_2993 : vector<16xi32>
          scf.yield %add3A_2994 : vector<16xi32>
        }
        %scan3A_2647 = arith.constant 32 : i32
        %get3A_2648 = arith.index_cast %mul3A_55 : i32 to index
        %get3A_2649 = arith.constant 208 : index
        %get3A_2650 = tpu.vector_load %arg5[%get3A_2648, %get3A_2649] {strides = array<i32>} : memref<50x512xi32, #tpu.memory_space<vmem>>, vector<16xi32>,
        %eq3A_2651 = arith.constant 0 : i32
        %eq3A_2652 = vector.broadcast %eq3A_2651 : i32 to vector<16xi32>
        %eq3A_2653 = arith.cmpi eq, %get3A_2650, %eq3A_2652 : vector<16xi32>
        %iota3A_2654 = tpu.iota {dimensions = array<i32: 0>} : vector<16xi32>
        %add3A_2655 = arith.constant 208 : i32
        %add3A_2656 = vector.broadcast %add3A_2655 : i32 to vector<16xi32>
        %add3A_2657 = arith.addi %add3A_2656, %iota3A_2654 : vector<16xi32>
        %broadcast_in_dim3A_2658 = arith.constant 0 : i32
        %broadcast_in_dim3A_2659 = vector.broadcast %broadcast_in_dim3A_2658 : i32 to vector<16xi32>
        %scan3A_2660 = arith.constant 0 : i32
        %scan3A_2661 = arith.constant 32 : i32
        %scan3A_2662 = arith.addi %scan3A_2660, %scan3A_2661 : i32
        %scan3A_2663 = arith.constant 1 : i32
        %scan3A_2664 = scf.for %scan3A_2990 = %scan3A_2660 to %scan3A_2662 step %scan3A_2663 iter_args(%scan3A_2991 = %broadcast_in_dim3A_2659) -> (vector<16xi32>)  : i32 {
          tpu.vector_store_idx %arg6[%add3A_2657, %scan3A_2991], %broadcast_in_dim3A_2413 masked %eq3A_2653 : memref<512x32xf32, #tpu.memory_space<vmem>>[vector<16xi32>, vector<16xi32>], vector<16xf32>, vector<16xi1>
          %add3A_2992 = arith.constant 1 : i32
          %add3A_2993 = vector.broadcast %add3A_2992 : i32 to vector<16xi32>
          %add3A_2994 = arith.addi %scan3A_2991, %add3A_2993 : vector<16xi32>
          scf.yield %add3A_2994 : vector<16xi32>
        }
        %scan3A_2665 = arith.constant 32 : i32
        %get3A_2666 = arith.index_cast %mul3A_55 : i32 to index
        %get3A_2667 = arith.constant 224 : index
        %get3A_2668 = tpu.vector_load %arg5[%get3A_2666, %get3A_2667] {strides = array<i32>} : memref<50x512xi32, #tpu.memory_space<vmem>>, vector<16xi32>,
        %eq3A_2669 = arith.constant 0 : i32
        %eq3A_2670 = vector.broadcast %eq3A_2669 : i32 to vector<16xi32>
        %eq3A_2671 = arith.cmpi eq, %get3A_2668, %eq3A_2670 : vector<16xi32>
        %iota3A_2672 = tpu.iota {dimensions = array<i32: 0>} : vector<16xi32>
        %add3A_2673 = arith.constant 224 : i32
        %add3A_2674 = vector.broadcast %add3A_2673 : i32 to vector<16xi32>
        %add3A_2675 = arith.addi %add3A_2674, %iota3A_2672 : vector<16xi32>
        %broadcast_in_dim3A_2676 = arith.constant 0 : i32
        %broadcast_in_dim3A_2677 = vector.broadcast %broadcast_in_dim3A_2676 : i32 to vector<16xi32>
        %scan3A_2678 = arith.constant 0 : i32
        %scan3A_2679 = arith.constant 32 : i32
        %scan3A_2680 = arith.addi %scan3A_2678, %scan3A_2679 : i32
        %scan3A_2681 = arith.constant 1 : i32
        %scan3A_2682 = scf.for %scan3A_2990 = %scan3A_2678 to %scan3A_2680 step %scan3A_2681 iter_args(%scan3A_2991 = %broadcast_in_dim3A_2677) -> (vector<16xi32>)  : i32 {
          tpu.vector_store_idx %arg6[%add3A_2675, %scan3A_2991], %broadcast_in_dim3A_2413 masked %eq3A_2671 : memref<512x32xf32, #tpu.memory_space<vmem>>[vector<16xi32>, vector<16xi32>], vector<16xf32>, vector<16xi1>
          %add3A_2992 = arith.constant 1 : i32
          %add3A_2993 = vector.broadcast %add3A_2992 : i32 to vector<16xi32>
          %add3A_2994 = arith.addi %scan3A_2991, %add3A_2993 : vector<16xi32>
          scf.yield %add3A_2994 : vector<16xi32>
        }
        %scan3A_2683 = arith.constant 32 : i32
        %get3A_2684 = arith.index_cast %mul3A_55 : i32 to index
        %get3A_2685 = arith.constant 240 : index
        %get3A_2686 = tpu.vector_load %arg5[%get3A_2684, %get3A_2685] {strides = array<i32>} : memref<50x512xi32, #tpu.memory_space<vmem>>, vector<16xi32>,
        %eq3A_2687 = arith.constant 0 : i32
        %eq3A_2688 = vector.broadcast %eq3A_2687 : i32 to vector<16xi32>
        %eq3A_2689 = arith.cmpi eq, %get3A_2686, %eq3A_2688 : vector<16xi32>
        %iota3A_2690 = tpu.iota {dimensions = array<i32: 0>} : vector<16xi32>
        %add3A_2691 = arith.constant 240 : i32
        %add3A_2692 = vector.broadcast %add3A_2691 : i32 to vector<16xi32>
        %add3A_2693 = arith.addi %add3A_2692, %iota3A_2690 : vector<16xi32>
        %broadcast_in_dim3A_2694 = arith.constant 0 : i32
        %broadcast_in_dim3A_2695 = vector.broadcast %broadcast_in_dim3A_2694 : i32 to vector<16xi32>
        %scan3A_2696 = arith.constant 0 : i32
        %scan3A_2697 = arith.constant 32 : i32
        %scan3A_2698 = arith.addi %scan3A_2696, %scan3A_2697 : i32
        %scan3A_2699 = arith.constant 1 : i32
        %scan3A_2700 = scf.for %scan3A_2990 = %scan3A_2696 to %scan3A_2698 step %scan3A_2699 iter_args(%scan3A_2991 = %broadcast_in_dim3A_2695) -> (vector<16xi32>)  : i32 {
          tpu.vector_store_idx %arg6[%add3A_2693, %scan3A_2991], %broadcast_in_dim3A_2413 masked %eq3A_2689 : memref<512x32xf32, #tpu.memory_space<vmem>>[vector<16xi32>, vector<16xi32>], vector<16xf32>, vector<16xi1>
          %add3A_2992 = arith.constant 1 : i32
          %add3A_2993 = vector.broadcast %add3A_2992 : i32 to vector<16xi32>
          %add3A_2994 = arith.addi %scan3A_2991, %add3A_2993 : vector<16xi32>
          scf.yield %add3A_2994 : vector<16xi32>
        }
        %scan3A_2701 = arith.constant 32 : i32
        %get3A_2702 = arith.index_cast %mul3A_55 : i32 to index
        %get3A_2703 = arith.constant 256 : index
        %get3A_2704 = tpu.vector_load %arg5[%get3A_2702, %get3A_2703] {strides = array<i32>} : memref<50x512xi32, #tpu.memory_space<vmem>>, vector<16xi32>,
        %eq3A_2705 = arith.constant 0 : i32
        %eq3A_2706 = vector.broadcast %eq3A_2705 : i32 to vector<16xi32>
        %eq3A_2707 = arith.cmpi eq, %get3A_2704, %eq3A_2706 : vector<16xi32>
        %iota3A_2708 = tpu.iota {dimensions = array<i32: 0>} : vector<16xi32>
        %add3A_2709 = arith.constant 256 : i32
        %add3A_2710 = vector.broadcast %add3A_2709 : i32 to vector<16xi32>
        %add3A_2711 = arith.addi %add3A_2710, %iota3A_2708 : vector<16xi32>
        %broadcast_in_dim3A_2712 = arith.constant 0 : i32
        %broadcast_in_dim3A_2713 = vector.broadcast %broadcast_in_dim3A_2712 : i32 to vector<16xi32>
        %scan3A_2714 = arith.constant 0 : i32
        %scan3A_2715 = arith.constant 32 : i32
        %scan3A_2716 = arith.addi %scan3A_2714, %scan3A_2715 : i32
        %scan3A_2717 = arith.constant 1 : i32
        %scan3A_2718 = scf.for %scan3A_2990 = %scan3A_2714 to %scan3A_2716 step %scan3A_2717 iter_args(%scan3A_2991 = %broadcast_in_dim3A_2713) -> (vector<16xi32>)  : i32 {
          tpu.vector_store_idx %arg6[%add3A_2711, %scan3A_2991], %broadcast_in_dim3A_2413 masked %eq3A_2707 : memref<512x32xf32, #tpu.memory_space<vmem>>[vector<16xi32>, vector<16xi32>], vector<16xf32>, vector<16xi1>
          %add3A_2992 = arith.constant 1 : i32
          %add3A_2993 = vector.broadcast %add3A_2992 : i32 to vector<16xi32>
          %add3A_2994 = arith.addi %scan3A_2991, %add3A_2993 : vector<16xi32>
          scf.yield %add3A_2994 : vector<16xi32>
        }
        %scan3A_2719 = arith.constant 32 : i32
        %get3A_2720 = arith.index_cast %mul3A_55 : i32 to index
        %get3A_2721 = arith.constant 272 : index
        %get3A_2722 = tpu.vector_load %arg5[%get3A_2720, %get3A_2721] {strides = array<i32>} : memref<50x512xi32, #tpu.memory_space<vmem>>, vector<16xi32>,
        %eq3A_2723 = arith.constant 0 : i32
        %eq3A_2724 = vector.broadcast %eq3A_2723 : i32 to vector<16xi32>
        %eq3A_2725 = arith.cmpi eq, %get3A_2722, %eq3A_2724 : vector<16xi32>
        %iota3A_2726 = tpu.iota {dimensions = array<i32: 0>} : vector<16xi32>
        %add3A_2727 = arith.constant 272 : i32
        %add3A_2728 = vector.broadcast %add3A_2727 : i32 to vector<16xi32>
        %add3A_2729 = arith.addi %add3A_2728, %iota3A_2726 : vector<16xi32>
        %broadcast_in_dim3A_2730 = arith.constant 0 : i32
        %broadcast_in_dim3A_2731 = vector.broadcast %broadcast_in_dim3A_2730 : i32 to vector<16xi32>
        %scan3A_2732 = arith.constant 0 : i32
        %scan3A_2733 = arith.constant 32 : i32
        %scan3A_2734 = arith.addi %scan3A_2732, %scan3A_2733 : i32
        %scan3A_2735 = arith.constant 1 : i32
        %scan3A_2736 = scf.for %scan3A_2990 = %scan3A_2732 to %scan3A_2734 step %scan3A_2735 iter_args(%scan3A_2991 = %broadcast_in_dim3A_2731) -> (vector<16xi32>)  : i32 {
          tpu.vector_store_idx %arg6[%add3A_2729, %scan3A_2991], %broadcast_in_dim3A_2413 masked %eq3A_2725 : memref<512x32xf32, #tpu.memory_space<vmem>>[vector<16xi32>, vector<16xi32>], vector<16xf32>, vector<16xi1>
          %add3A_2992 = arith.constant 1 : i32
          %add3A_2993 = vector.broadcast %add3A_2992 : i32 to vector<16xi32>
          %add3A_2994 = arith.addi %scan3A_2991, %add3A_2993 : vector<16xi32>
          scf.yield %add3A_2994 : vector<16xi32>
        }
        %scan3A_2737 = arith.constant 32 : i32
        %get3A_2738 = arith.index_cast %mul3A_55 : i32 to index
        %get3A_2739 = arith.constant 288 : index
        %get3A_2740 = tpu.vector_load %arg5[%get3A_2738, %get3A_2739] {strides = array<i32>} : memref<50x512xi32, #tpu.memory_space<vmem>>, vector<16xi32>,
        %eq3A_2741 = arith.constant 0 : i32
        %eq3A_2742 = vector.broadcast %eq3A_2741 : i32 to vector<16xi32>
        %eq3A_2743 = arith.cmpi eq, %get3A_2740, %eq3A_2742 : vector<16xi32>
        %iota3A_2744 = tpu.iota {dimensions = array<i32: 0>} : vector<16xi32>
        %add3A_2745 = arith.constant 288 : i32
        %add3A_2746 = vector.broadcast %add3A_2745 : i32 to vector<16xi32>
        %add3A_2747 = arith.addi %add3A_2746, %iota3A_2744 : vector<16xi32>
        %broadcast_in_dim3A_2748 = arith.constant 0 : i32
        %broadcast_in_dim3A_2749 = vector.broadcast %broadcast_in_dim3A_2748 : i32 to vector<16xi32>
        %scan3A_2750 = arith.constant 0 : i32
        %scan3A_2751 = arith.constant 32 : i32
        %scan3A_2752 = arith.addi %scan3A_2750, %scan3A_2751 : i32
        %scan3A_2753 = arith.constant 1 : i32
        %scan3A_2754 = scf.for %scan3A_2990 = %scan3A_2750 to %scan3A_2752 step %scan3A_2753 iter_args(%scan3A_2991 = %broadcast_in_dim3A_2749) -> (vector<16xi32>)  : i32 {
          tpu.vector_store_idx %arg6[%add3A_2747, %scan3A_2991], %broadcast_in_dim3A_2413 masked %eq3A_2743 : memref<512x32xf32, #tpu.memory_space<vmem>>[vector<16xi32>, vector<16xi32>], vector<16xf32>, vector<16xi1>
          %add3A_2992 = arith.constant 1 : i32
          %add3A_2993 = vector.broadcast %add3A_2992 : i32 to vector<16xi32>
          %add3A_2994 = arith.addi %scan3A_2991, %add3A_2993 : vector<16xi32>
          scf.yield %add3A_2994 : vector<16xi32>
        }
        %scan3A_2755 = arith.constant 32 : i32
        %get3A_2756 = arith.index_cast %mul3A_55 : i32 to index
        %get3A_2757 = arith.constant 304 : index
        %get3A_2758 = tpu.vector_load %arg5[%get3A_2756, %get3A_2757] {strides = array<i32>} : memref<50x512xi32, #tpu.memory_space<vmem>>, vector<16xi32>,
        %eq3A_2759 = arith.constant 0 : i32
        %eq3A_2760 = vector.broadcast %eq3A_2759 : i32 to vector<16xi32>
        %eq3A_2761 = arith.cmpi eq, %get3A_2758, %eq3A_2760 : vector<16xi32>
        %iota3A_2762 = tpu.iota {dimensions = array<i32: 0>} : vector<16xi32>
        %add3A_2763 = arith.constant 304 : i32
        %add3A_2764 = vector.broadcast %add3A_2763 : i32 to vector<16xi32>
        %add3A_2765 = arith.addi %add3A_2764, %iota3A_2762 : vector<16xi32>
        %broadcast_in_dim3A_2766 = arith.constant 0 : i32
        %broadcast_in_dim3A_2767 = vector.broadcast %broadcast_in_dim3A_2766 : i32 to vector<16xi32>
        %scan3A_2768 = arith.constant 0 : i32
        %scan3A_2769 = arith.constant 32 : i32
        %scan3A_2770 = arith.addi %scan3A_2768, %scan3A_2769 : i32
        %scan3A_2771 = arith.constant 1 : i32
        %scan3A_2772 = scf.for %scan3A_2990 = %scan3A_2768 to %scan3A_2770 step %scan3A_2771 iter_args(%scan3A_2991 = %broadcast_in_dim3A_2767) -> (vector<16xi32>)  : i32 {
          tpu.vector_store_idx %arg6[%add3A_2765, %scan3A_2991], %broadcast_in_dim3A_2413 masked %eq3A_2761 : memref<512x32xf32, #tpu.memory_space<vmem>>[vector<16xi32>, vector<16xi32>], vector<16xf32>, vector<16xi1>
          %add3A_2992 = arith.constant 1 : i32
          %add3A_2993 = vector.broadcast %add3A_2992 : i32 to vector<16xi32>
          %add3A_2994 = arith.addi %scan3A_2991, %add3A_2993 : vector<16xi32>
          scf.yield %add3A_2994 : vector<16xi32>
        }
        %scan3A_2773 = arith.constant 32 : i32
        %get3A_2774 = arith.index_cast %mul3A_55 : i32 to index
        %get3A_2775 = arith.constant 320 : index
        %get3A_2776 = tpu.vector_load %arg5[%get3A_2774, %get3A_2775] {strides = array<i32>} : memref<50x512xi32, #tpu.memory_space<vmem>>, vector<16xi32>,
        %eq3A_2777 = arith.constant 0 : i32
        %eq3A_2778 = vector.broadcast %eq3A_2777 : i32 to vector<16xi32>
        %eq3A_2779 = arith.cmpi eq, %get3A_2776, %eq3A_2778 : vector<16xi32>
        %iota3A_2780 = tpu.iota {dimensions = array<i32: 0>} : vector<16xi32>
        %add3A_2781 = arith.constant 320 : i32
        %add3A_2782 = vector.broadcast %add3A_2781 : i32 to vector<16xi32>
        %add3A_2783 = arith.addi %add3A_2782, %iota3A_2780 : vector<16xi32>
        %broadcast_in_dim3A_2784 = arith.constant 0 : i32
        %broadcast_in_dim3A_2785 = vector.broadcast %broadcast_in_dim3A_2784 : i32 to vector<16xi32>
        %scan3A_2786 = arith.constant 0 : i32
        %scan3A_2787 = arith.constant 32 : i32
        %scan3A_2788 = arith.addi %scan3A_2786, %scan3A_2787 : i32
        %scan3A_2789 = arith.constant 1 : i32
        %scan3A_2790 = scf.for %scan3A_2990 = %scan3A_2786 to %scan3A_2788 step %scan3A_2789 iter_args(%scan3A_2991 = %broadcast_in_dim3A_2785) -> (vector<16xi32>)  : i32 {
          tpu.vector_store_idx %arg6[%add3A_2783, %scan3A_2991], %broadcast_in_dim3A_2413 masked %eq3A_2779 : memref<512x32xf32, #tpu.memory_space<vmem>>[vector<16xi32>, vector<16xi32>], vector<16xf32>, vector<16xi1>
          %add3A_2992 = arith.constant 1 : i32
          %add3A_2993 = vector.broadcast %add3A_2992 : i32 to vector<16xi32>
          %add3A_2994 = arith.addi %scan3A_2991, %add3A_2993 : vector<16xi32>
          scf.yield %add3A_2994 : vector<16xi32>
        }
        %scan3A_2791 = arith.constant 32 : i32
        %get3A_2792 = arith.index_cast %mul3A_55 : i32 to index
        %get3A_2793 = arith.constant 336 : index
        %get3A_2794 = tpu.vector_load %arg5[%get3A_2792, %get3A_2793] {strides = array<i32>} : memref<50x512xi32, #tpu.memory_space<vmem>>, vector<16xi32>,
        %eq3A_2795 = arith.constant 0 : i32
        %eq3A_2796 = vector.broadcast %eq3A_2795 : i32 to vector<16xi32>
        %eq3A_2797 = arith.cmpi eq, %get3A_2794, %eq3A_2796 : vector<16xi32>
        %iota3A_2798 = tpu.iota {dimensions = array<i32: 0>} : vector<16xi32>
        %add3A_2799 = arith.constant 336 : i32
        %add3A_2800 = vector.broadcast %add3A_2799 : i32 to vector<16xi32>
        %add3A_2801 = arith.addi %add3A_2800, %iota3A_2798 : vector<16xi32>
        %broadcast_in_dim3A_2802 = arith.constant 0 : i32
        %broadcast_in_dim3A_2803 = vector.broadcast %broadcast_in_dim3A_2802 : i32 to vector<16xi32>
        %scan3A_2804 = arith.constant 0 : i32
        %scan3A_2805 = arith.constant 32 : i32
        %scan3A_2806 = arith.addi %scan3A_2804, %scan3A_2805 : i32
        %scan3A_2807 = arith.constant 1 : i32
        %scan3A_2808 = scf.for %scan3A_2990 = %scan3A_2804 to %scan3A_2806 step %scan3A_2807 iter_args(%scan3A_2991 = %broadcast_in_dim3A_2803) -> (vector<16xi32>)  : i32 {
          tpu.vector_store_idx %arg6[%add3A_2801, %scan3A_2991], %broadcast_in_dim3A_2413 masked %eq3A_2797 : memref<512x32xf32, #tpu.memory_space<vmem>>[vector<16xi32>, vector<16xi32>], vector<16xf32>, vector<16xi1>
          %add3A_2992 = arith.constant 1 : i32
          %add3A_2993 = vector.broadcast %add3A_2992 : i32 to vector<16xi32>
          %add3A_2994 = arith.addi %scan3A_2991, %add3A_2993 : vector<16xi32>
          scf.yield %add3A_2994 : vector<16xi32>
        }
        %scan3A_2809 = arith.constant 32 : i32
        %get3A_2810 = arith.index_cast %mul3A_55 : i32 to index
        %get3A_2811 = arith.constant 352 : index
        %get3A_2812 = tpu.vector_load %arg5[%get3A_2810, %get3A_2811] {strides = array<i32>} : memref<50x512xi32, #tpu.memory_space<vmem>>, vector<16xi32>,
        %eq3A_2813 = arith.constant 0 : i32
        %eq3A_2814 = vector.broadcast %eq3A_2813 : i32 to vector<16xi32>
        %eq3A_2815 = arith.cmpi eq, %get3A_2812, %eq3A_2814 : vector<16xi32>
        %iota3A_2816 = tpu.iota {dimensions = array<i32: 0>} : vector<16xi32>
        %add3A_2817 = arith.constant 352 : i32
        %add3A_2818 = vector.broadcast %add3A_2817 : i32 to vector<16xi32>
        %add3A_2819 = arith.addi %add3A_2818, %iota3A_2816 : vector<16xi32>
        %broadcast_in_dim3A_2820 = arith.constant 0 : i32
        %broadcast_in_dim3A_2821 = vector.broadcast %broadcast_in_dim3A_2820 : i32 to vector<16xi32>
        %scan3A_2822 = arith.constant 0 : i32
        %scan3A_2823 = arith.constant 32 : i32
        %scan3A_2824 = arith.addi %scan3A_2822, %scan3A_2823 : i32
        %scan3A_2825 = arith.constant 1 : i32
        %scan3A_2826 = scf.for %scan3A_2990 = %scan3A_2822 to %scan3A_2824 step %scan3A_2825 iter_args(%scan3A_2991 = %broadcast_in_dim3A_2821) -> (vector<16xi32>)  : i32 {
          tpu.vector_store_idx %arg6[%add3A_2819, %scan3A_2991], %broadcast_in_dim3A_2413 masked %eq3A_2815 : memref<512x32xf32, #tpu.memory_space<vmem>>[vector<16xi32>, vector<16xi32>], vector<16xf32>, vector<16xi1>
          %add3A_2992 = arith.constant 1 : i32
          %add3A_2993 = vector.broadcast %add3A_2992 : i32 to vector<16xi32>
          %add3A_2994 = arith.addi %scan3A_2991, %add3A_2993 : vector<16xi32>
          scf.yield %add3A_2994 : vector<16xi32>
        }
        %scan3A_2827 = arith.constant 32 : i32
        %get3A_2828 = arith.index_cast %mul3A_55 : i32 to index
        %get3A_2829 = arith.constant 368 : index
        %get3A_2830 = tpu.vector_load %arg5[%get3A_2828, %get3A_2829] {strides = array<i32>} : memref<50x512xi32, #tpu.memory_space<vmem>>, vector<16xi32>,
        %eq3A_2831 = arith.constant 0 : i32
        %eq3A_2832 = vector.broadcast %eq3A_2831 : i32 to vector<16xi32>
        %eq3A_2833 = arith.cmpi eq, %get3A_2830, %eq3A_2832 : vector<16xi32>
        %iota3A_2834 = tpu.iota {dimensions = array<i32: 0>} : vector<16xi32>
        %add3A_2835 = arith.constant 368 : i32
        %add3A_2836 = vector.broadcast %add3A_2835 : i32 to vector<16xi32>
        %add3A_2837 = arith.addi %add3A_2836, %iota3A_2834 : vector<16xi32>
        %broadcast_in_dim3A_2838 = arith.constant 0 : i32
        %broadcast_in_dim3A_2839 = vector.broadcast %broadcast_in_dim3A_2838 : i32 to vector<16xi32>
        %scan3A_2840 = arith.constant 0 : i32
        %scan3A_2841 = arith.constant 32 : i32
        %scan3A_2842 = arith.addi %scan3A_2840, %scan3A_2841 : i32
        %scan3A_2843 = arith.constant 1 : i32
        %scan3A_2844 = scf.for %scan3A_2990 = %scan3A_2840 to %scan3A_2842 step %scan3A_2843 iter_args(%scan3A_2991 = %broadcast_in_dim3A_2839) -> (vector<16xi32>)  : i32 {
          tpu.vector_store_idx %arg6[%add3A_2837, %scan3A_2991], %broadcast_in_dim3A_2413 masked %eq3A_2833 : memref<512x32xf32, #tpu.memory_space<vmem>>[vector<16xi32>, vector<16xi32>], vector<16xf32>, vector<16xi1>
          %add3A_2992 = arith.constant 1 : i32
          %add3A_2993 = vector.broadcast %add3A_2992 : i32 to vector<16xi32>
          %add3A_2994 = arith.addi %scan3A_2991, %add3A_2993 : vector<16xi32>
          scf.yield %add3A_2994 : vector<16xi32>
        }
        %scan3A_2845 = arith.constant 32 : i32
        %get3A_2846 = arith.index_cast %mul3A_55 : i32 to index
        %get3A_2847 = arith.constant 384 : index
        %get3A_2848 = tpu.vector_load %arg5[%get3A_2846, %get3A_2847] {strides = array<i32>} : memref<50x512xi32, #tpu.memory_space<vmem>>, vector<16xi32>,
        %eq3A_2849 = arith.constant 0 : i32
        %eq3A_2850 = vector.broadcast %eq3A_2849 : i32 to vector<16xi32>
        %eq3A_2851 = arith.cmpi eq, %get3A_2848, %eq3A_2850 : vector<16xi32>
        %iota3A_2852 = tpu.iota {dimensions = array<i32: 0>} : vector<16xi32>
        %add3A_2853 = arith.constant 384 : i32
        %add3A_2854 = vector.broadcast %add3A_2853 : i32 to vector<16xi32>
        %add3A_2855 = arith.addi %add3A_2854, %iota3A_2852 : vector<16xi32>
        %broadcast_in_dim3A_2856 = arith.constant 0 : i32
        %broadcast_in_dim3A_2857 = vector.broadcast %broadcast_in_dim3A_2856 : i32 to vector<16xi32>
        %scan3A_2858 = arith.constant 0 : i32
        %scan3A_2859 = arith.constant 32 : i32
        %scan3A_2860 = arith.addi %scan3A_2858, %scan3A_2859 : i32
        %scan3A_2861 = arith.constant 1 : i32
        %scan3A_2862 = scf.for %scan3A_2990 = %scan3A_2858 to %scan3A_2860 step %scan3A_2861 iter_args(%scan3A_2991 = %broadcast_in_dim3A_2857) -> (vector<16xi32>)  : i32 {
          tpu.vector_store_idx %arg6[%add3A_2855, %scan3A_2991], %broadcast_in_dim3A_2413 masked %eq3A_2851 : memref<512x32xf32, #tpu.memory_space<vmem>>[vector<16xi32>, vector<16xi32>], vector<16xf32>, vector<16xi1>
          %add3A_2992 = arith.constant 1 : i32
          %add3A_2993 = vector.broadcast %add3A_2992 : i32 to vector<16xi32>
          %add3A_2994 = arith.addi %scan3A_2991, %add3A_2993 : vector<16xi32>
          scf.yield %add3A_2994 : vector<16xi32>
        }
        %scan3A_2863 = arith.constant 32 : i32
        %get3A_2864 = arith.index_cast %mul3A_55 : i32 to index
        %get3A_2865 = arith.constant 400 : index
        %get3A_2866 = tpu.vector_load %arg5[%get3A_2864, %get3A_2865] {strides = array<i32>} : memref<50x512xi32, #tpu.memory_space<vmem>>, vector<16xi32>,
        %eq3A_2867 = arith.constant 0 : i32
        %eq3A_2868 = vector.broadcast %eq3A_2867 : i32 to vector<16xi32>
        %eq3A_2869 = arith.cmpi eq, %get3A_2866, %eq3A_2868 : vector<16xi32>
        %iota3A_2870 = tpu.iota {dimensions = array<i32: 0>} : vector<16xi32>
        %add3A_2871 = arith.constant 400 : i32
        %add3A_2872 = vector.broadcast %add3A_2871 : i32 to vector<16xi32>
        %add3A_2873 = arith.addi %add3A_2872, %iota3A_2870 : vector<16xi32>
        %broadcast_in_dim3A_2874 = arith.constant 0 : i32
        %broadcast_in_dim3A_2875 = vector.broadcast %broadcast_in_dim3A_2874 : i32 to vector<16xi32>
        %scan3A_2876 = arith.constant 0 : i32
        %scan3A_2877 = arith.constant 32 : i32
        %scan3A_2878 = arith.addi %scan3A_2876, %scan3A_2877 : i32
        %scan3A_2879 = arith.constant 1 : i32
        %scan3A_2880 = scf.for %scan3A_2990 = %scan3A_2876 to %scan3A_2878 step %scan3A_2879 iter_args(%scan3A_2991 = %broadcast_in_dim3A_2875) -> (vector<16xi32>)  : i32 {
          tpu.vector_store_idx %arg6[%add3A_2873, %scan3A_2991], %broadcast_in_dim3A_2413 masked %eq3A_2869 : memref<512x32xf32, #tpu.memory_space<vmem>>[vector<16xi32>, vector<16xi32>], vector<16xf32>, vector<16xi1>
          %add3A_2992 = arith.constant 1 : i32
          %add3A_2993 = vector.broadcast %add3A_2992 : i32 to vector<16xi32>
          %add3A_2994 = arith.addi %scan3A_2991, %add3A_2993 : vector<16xi32>
          scf.yield %add3A_2994 : vector<16xi32>
        }
        %scan3A_2881 = arith.constant 32 : i32
        %get3A_2882 = arith.index_cast %mul3A_55 : i32 to index
        %get3A_2883 = arith.constant 416 : index
        %get3A_2884 = tpu.vector_load %arg5[%get3A_2882, %get3A_2883] {strides = array<i32>} : memref<50x512xi32, #tpu.memory_space<vmem>>, vector<16xi32>,
        %eq3A_2885 = arith.constant 0 : i32
        %eq3A_2886 = vector.broadcast %eq3A_2885 : i32 to vector<16xi32>
        %eq3A_2887 = arith.cmpi eq, %get3A_2884, %eq3A_2886 : vector<16xi32>
        %iota3A_2888 = tpu.iota {dimensions = array<i32: 0>} : vector<16xi32>
        %add3A_2889 = arith.constant 416 : i32
        %add3A_2890 = vector.broadcast %add3A_2889 : i32 to vector<16xi32>
        %add3A_2891 = arith.addi %add3A_2890, %iota3A_2888 : vector<16xi32>
        %broadcast_in_dim3A_2892 = arith.constant 0 : i32
        %broadcast_in_dim3A_2893 = vector.broadcast %broadcast_in_dim3A_2892 : i32 to vector<16xi32>
        %scan3A_2894 = arith.constant 0 : i32
        %scan3A_2895 = arith.constant 32 : i32
        %scan3A_2896 = arith.addi %scan3A_2894, %scan3A_2895 : i32
        %scan3A_2897 = arith.constant 1 : i32
        %scan3A_2898 = scf.for %scan3A_2990 = %scan3A_2894 to %scan3A_2896 step %scan3A_2897 iter_args(%scan3A_2991 = %broadcast_in_dim3A_2893) -> (vector<16xi32>)  : i32 {
          tpu.vector_store_idx %arg6[%add3A_2891, %scan3A_2991], %broadcast_in_dim3A_2413 masked %eq3A_2887 : memref<512x32xf32, #tpu.memory_space<vmem>>[vector<16xi32>, vector<16xi32>], vector<16xf32>, vector<16xi1>
          %add3A_2992 = arith.constant 1 : i32
          %add3A_2993 = vector.broadcast %add3A_2992 : i32 to vector<16xi32>
          %add3A_2994 = arith.addi %scan3A_2991, %add3A_2993 : vector<16xi32>
          scf.yield %add3A_2994 : vector<16xi32>
        }
        %scan3A_2899 = arith.constant 32 : i32
        %get3A_2900 = arith.index_cast %mul3A_55 : i32 to index
        %get3A_2901 = arith.constant 432 : index
        %get3A_2902 = tpu.vector_load %arg5[%get3A_2900, %get3A_2901] {strides = array<i32>} : memref<50x512xi32, #tpu.memory_space<vmem>>, vector<16xi32>,
        %eq3A_2903 = arith.constant 0 : i32
        %eq3A_2904 = vector.broadcast %eq3A_2903 : i32 to vector<16xi32>
        %eq3A_2905 = arith.cmpi eq, %get3A_2902, %eq3A_2904 : vector<16xi32>
        %iota3A_2906 = tpu.iota {dimensions = array<i32: 0>} : vector<16xi32>
        %add3A_2907 = arith.constant 432 : i32
        %add3A_2908 = vector.broadcast %add3A_2907 : i32 to vector<16xi32>
        %add3A_2909 = arith.addi %add3A_2908, %iota3A_2906 : vector<16xi32>
        %broadcast_in_dim3A_2910 = arith.constant 0 : i32
        %broadcast_in_dim3A_2911 = vector.broadcast %broadcast_in_dim3A_2910 : i32 to vector<16xi32>
        %scan3A_2912 = arith.constant 0 : i32
        %scan3A_2913 = arith.constant 32 : i32
        %scan3A_2914 = arith.addi %scan3A_2912, %scan3A_2913 : i32
        %scan3A_2915 = arith.constant 1 : i32
        %scan3A_2916 = scf.for %scan3A_2990 = %scan3A_2912 to %scan3A_2914 step %scan3A_2915 iter_args(%scan3A_2991 = %broadcast_in_dim3A_2911) -> (vector<16xi32>)  : i32 {
          tpu.vector_store_idx %arg6[%add3A_2909, %scan3A_2991], %broadcast_in_dim3A_2413 masked %eq3A_2905 : memref<512x32xf32, #tpu.memory_space<vmem>>[vector<16xi32>, vector<16xi32>], vector<16xf32>, vector<16xi1>
          %add3A_2992 = arith.constant 1 : i32
          %add3A_2993 = vector.broadcast %add3A_2992 : i32 to vector<16xi32>
          %add3A_2994 = arith.addi %scan3A_2991, %add3A_2993 : vector<16xi32>
          scf.yield %add3A_2994 : vector<16xi32>
        }
        %scan3A_2917 = arith.constant 32 : i32
        %get3A_2918 = arith.index_cast %mul3A_55 : i32 to index
        %get3A_2919 = arith.constant 448 : index
        %get3A_2920 = tpu.vector_load %arg5[%get3A_2918, %get3A_2919] {strides = array<i32>} : memref<50x512xi32, #tpu.memory_space<vmem>>, vector<16xi32>,
        %eq3A_2921 = arith.constant 0 : i32
        %eq3A_2922 = vector.broadcast %eq3A_2921 : i32 to vector<16xi32>
        %eq3A_2923 = arith.cmpi eq, %get3A_2920, %eq3A_2922 : vector<16xi32>
        %iota3A_2924 = tpu.iota {dimensions = array<i32: 0>} : vector<16xi32>
        %add3A_2925 = arith.constant 448 : i32
        %add3A_2926 = vector.broadcast %add3A_2925 : i32 to vector<16xi32>
        %add3A_2927 = arith.addi %add3A_2926, %iota3A_2924 : vector<16xi32>
        %broadcast_in_dim3A_2928 = arith.constant 0 : i32
        %broadcast_in_dim3A_2929 = vector.broadcast %broadcast_in_dim3A_2928 : i32 to vector<16xi32>
        %scan3A_2930 = arith.constant 0 : i32
        %scan3A_2931 = arith.constant 32 : i32
        %scan3A_2932 = arith.addi %scan3A_2930, %scan3A_2931 : i32
        %scan3A_2933 = arith.constant 1 : i32
        %scan3A_2934 = scf.for %scan3A_2990 = %scan3A_2930 to %scan3A_2932 step %scan3A_2933 iter_args(%scan3A_2991 = %broadcast_in_dim3A_2929) -> (vector<16xi32>)  : i32 {
          tpu.vector_store_idx %arg6[%add3A_2927, %scan3A_2991], %broadcast_in_dim3A_2413 masked %eq3A_2923 : memref<512x32xf32, #tpu.memory_space<vmem>>[vector<16xi32>, vector<16xi32>], vector<16xf32>, vector<16xi1>
          %add3A_2992 = arith.constant 1 : i32
          %add3A_2993 = vector.broadcast %add3A_2992 : i32 to vector<16xi32>
          %add3A_2994 = arith.addi %scan3A_2991, %add3A_2993 : vector<16xi32>
          scf.yield %add3A_2994 : vector<16xi32>
        }
        %scan3A_2935 = arith.constant 32 : i32
        %get3A_2936 = arith.index_cast %mul3A_55 : i32 to index
        %get3A_2937 = arith.constant 464 : index
        %get3A_2938 = tpu.vector_load %arg5[%get3A_2936, %get3A_2937] {strides = array<i32>} : memref<50x512xi32, #tpu.memory_space<vmem>>, vector<16xi32>,
        %eq3A_2939 = arith.constant 0 : i32
        %eq3A_2940 = vector.broadcast %eq3A_2939 : i32 to vector<16xi32>
        %eq3A_2941 = arith.cmpi eq, %get3A_2938, %eq3A_2940 : vector<16xi32>
        %iota3A_2942 = tpu.iota {dimensions = array<i32: 0>} : vector<16xi32>
        %add3A_2943 = arith.constant 464 : i32
        %add3A_2944 = vector.broadcast %add3A_2943 : i32 to vector<16xi32>
        %add3A_2945 = arith.addi %add3A_2944, %iota3A_2942 : vector<16xi32>
        %broadcast_in_dim3A_2946 = arith.constant 0 : i32
        %broadcast_in_dim3A_2947 = vector.broadcast %broadcast_in_dim3A_2946 : i32 to vector<16xi32>
        %scan3A_2948 = arith.constant 0 : i32
        %scan3A_2949 = arith.constant 32 : i32
        %scan3A_2950 = arith.addi %scan3A_2948, %scan3A_2949 : i32
        %scan3A_2951 = arith.constant 1 : i32
        %scan3A_2952 = scf.for %scan3A_2990 = %scan3A_2948 to %scan3A_2950 step %scan3A_2951 iter_args(%scan3A_2991 = %broadcast_in_dim3A_2947) -> (vector<16xi32>)  : i32 {
          tpu.vector_store_idx %arg6[%add3A_2945, %scan3A_2991], %broadcast_in_dim3A_2413 masked %eq3A_2941 : memref<512x32xf32, #tpu.memory_space<vmem>>[vector<16xi32>, vector<16xi32>], vector<16xf32>, vector<16xi1>
          %add3A_2992 = arith.constant 1 : i32
          %add3A_2993 = vector.broadcast %add3A_2992 : i32 to vector<16xi32>
          %add3A_2994 = arith.addi %scan3A_2991, %add3A_2993 : vector<16xi32>
          scf.yield %add3A_2994 : vector<16xi32>
        }
        %scan3A_2953 = arith.constant 32 : i32
        %get3A_2954 = arith.index_cast %mul3A_55 : i32 to index
        %get3A_2955 = arith.constant 480 : index
        %get3A_2956 = tpu.vector_load %arg5[%get3A_2954, %get3A_2955] {strides = array<i32>} : memref<50x512xi32, #tpu.memory_space<vmem>>, vector<16xi32>,
        %eq3A_2957 = arith.constant 0 : i32
        %eq3A_2958 = vector.broadcast %eq3A_2957 : i32 to vector<16xi32>
        %eq3A_2959 = arith.cmpi eq, %get3A_2956, %eq3A_2958 : vector<16xi32>
        %iota3A_2960 = tpu.iota {dimensions = array<i32: 0>} : vector<16xi32>
        %add3A_2961 = arith.constant 480 : i32
        %add3A_2962 = vector.broadcast %add3A_2961 : i32 to vector<16xi32>
        %add3A_2963 = arith.addi %add3A_2962, %iota3A_2960 : vector<16xi32>
        %broadcast_in_dim3A_2964 = arith.constant 0 : i32
        %broadcast_in_dim3A_2965 = vector.broadcast %broadcast_in_dim3A_2964 : i32 to vector<16xi32>
        %scan3A_2966 = arith.constant 0 : i32
        %scan3A_2967 = arith.constant 32 : i32
        %scan3A_2968 = arith.addi %scan3A_2966, %scan3A_2967 : i32
        %scan3A_2969 = arith.constant 1 : i32
        %scan3A_2970 = scf.for %scan3A_2990 = %scan3A_2966 to %scan3A_2968 step %scan3A_2969 iter_args(%scan3A_2991 = %broadcast_in_dim3A_2965) -> (vector<16xi32>)  : i32 {
          tpu.vector_store_idx %arg6[%add3A_2963, %scan3A_2991], %broadcast_in_dim3A_2413 masked %eq3A_2959 : memref<512x32xf32, #tpu.memory_space<vmem>>[vector<16xi32>, vector<16xi32>], vector<16xf32>, vector<16xi1>
          %add3A_2992 = arith.constant 1 : i32
          %add3A_2993 = vector.broadcast %add3A_2992 : i32 to vector<16xi32>
          %add3A_2994 = arith.addi %scan3A_2991, %add3A_2993 : vector<16xi32>
          scf.yield %add3A_2994 : vector<16xi32>
        }
        %scan3A_2971 = arith.constant 32 : i32
        %get3A_2972 = arith.index_cast %mul3A_55 : i32 to index
        %get3A_2973 = arith.constant 496 : index
        %get3A_2974 = tpu.vector_load %arg5[%get3A_2972, %get3A_2973] {strides = array<i32>} : memref<50x512xi32, #tpu.memory_space<vmem>>, vector<16xi32>,
        %eq3A_2975 = arith.constant 0 : i32
        %eq3A_2976 = vector.broadcast %eq3A_2975 : i32 to vector<16xi32>
        %eq3A_2977 = arith.cmpi eq, %get3A_2974, %eq3A_2976 : vector<16xi32>
        %iota3A_2978 = tpu.iota {dimensions = array<i32: 0>} : vector<16xi32>
        %add3A_2979 = arith.constant 496 : i32
        %add3A_2980 = vector.broadcast %add3A_2979 : i32 to vector<16xi32>
        %add3A_2981 = arith.addi %add3A_2980, %iota3A_2978 : vector<16xi32>
        %broadcast_in_dim3A_2982 = arith.constant 0 : i32
        %broadcast_in_dim3A_2983 = vector.broadcast %broadcast_in_dim3A_2982 : i32 to vector<16xi32>
        %scan3A_2984 = arith.constant 0 : i32
        %scan3A_2985 = arith.constant 32 : i32
        %scan3A_2986 = arith.addi %scan3A_2984, %scan3A_2985 : i32
        %scan3A_2987 = arith.constant 1 : i32
        %scan3A_2988 = scf.for %scan3A_2990 = %scan3A_2984 to %scan3A_2986 step %scan3A_2987 iter_args(%scan3A_2991 = %broadcast_in_dim3A_2983) -> (vector<16xi32>)  : i32 {
          tpu.vector_store_idx %arg6[%add3A_2981, %scan3A_2991], %broadcast_in_dim3A_2413 masked %eq3A_2977 : memref<512x32xf32, #tpu.memory_space<vmem>>[vector<16xi32>, vector<16xi32>], vector<16xf32>, vector<16xi1>
          %add3A_2992 = arith.constant 1 : i32
          %add3A_2993 = vector.broadcast %add3A_2992 : i32 to vector<16xi32>
          %add3A_2994 = arith.addi %scan3A_2991, %add3A_2993 : vector<16xi32>
          scf.yield %add3A_2994 : vector<16xi32>
        }
        %scan3A_2989 = arith.constant 32 : i32
      } else {
      }
      %gt3A_395 = arith.constant 0 : i32
      %gt3A_396 = arith.cmpi sgt, %scan3A_53, %gt3A_395 : i32
      %convert_element_type3A_397 = arith.extui %gt3A_396 : i1 to i32
      %cond3A_398 = arith.constant 0 : i32
      %cond3A_399 = arith.cmpi ne, %convert_element_type3A_397, %cond3A_398 : i32
      scf.if %cond3A_399 {
        %sub3A = arith.constant 2 : i32
        %sub3A_2412 = arith.subi %add3A_57, %sub3A : i32
        %dma_wait3A_2413 = arith.constant 0 : i32
        %dma_wait3A_2414 = tpu.memref_slice %arg4[%sub3A_2412, %dma_wait3A_2413, %mul3A_2] : memref<50x32x16384xf32, #tpu.memory_space<hbm>> -> memref<1x32x512xf32, #tpu.memory_space<hbm>>
        %dma_wait3A_2415 = tpu.memref_squeeze %dma_wait3A_2414 : memref<1x32x512xf32, #tpu.memory_space<hbm>> -> memref<32x512xf32, #tpu.memory_space<hbm>>
        %dma_wait3A_2416 = arith.constant 0 : i32
        %dma_wait3A_2417 = tpu.memref_slice %arg4[%sub3A_2412, %dma_wait3A_2416, %mul3A_2] : memref<50x32x16384xf32, #tpu.memory_space<hbm>> -> memref<1x32x512xf32, #tpu.memory_space<hbm>>
        %dma_wait3A_2418 = tpu.memref_squeeze %dma_wait3A_2417 : memref<1x32x512xf32, #tpu.memory_space<hbm>> -> memref<32x512xf32, #tpu.memory_space<hbm>>
        tpu.wait_dma2 semaphore(%arg13 : memref<!tpu.dma_semaphore, #tpu.memory_space<semaphore_mem>>) src(%arg9 : memref<32x512xf32, #tpu.memory_space<vmem>>) dst(%dma_wait3A_2418 : memref<32x512xf32, #tpu.memory_space<hbm>>)
      } else {
      }
      %dma_start3A_400 = arith.constant 0 : i32
      %dma_start3A_401 = arith.constant 0 : i32
      %dma_start3A_402 = tpu.memref_slice %arg7[%dma_start3A_400, %dma_start3A_401] : memref<512x32xf32, #tpu.memory_space<vmem>> -> memref<128x32xf32, #tpu.memory_space<vmem>>
      %dma_start3A_403 = arith.constant 0 : i32
      %dma_start3A_404 = tpu.memref_slice %arg5[%add3A_57, %dma_start3A_403] : memref<50x512xi32, #tpu.memory_space<vmem>> -> memref<1x128xi32, #tpu.memory_space<vmem>>
      %dma_start3A_405 = tpu.memref_squeeze %dma_start3A_404 : memref<1x128xi32, #tpu.memory_space<vmem>> -> memref<128xi32, #tpu.memory_space<vmem>>
      %dma_start3A_406 = arith.constant 0 : i32
      %dma_start3A_407 = arith.constant 0 : i32
      %dma_start3A_408 = tpu.memref_slice %arg3[%dma_start3A_406, %dma_start3A_407] : memref<1000000x32xf32, #tpu.memory_space<hbm>> -> memref<1000000x32xf32, #tpu.memory_space<hbm>>
      tpu.enqueue_indirect_dma source(%dma_start3A_408 : memref<1000000x32xf32, #tpu.memory_space<hbm>>) target(%dma_start3A_402 : memref<128x32xf32, #tpu.memory_space<vmem>>) offsets(%dma_start3A_405 : memref<128xi32, #tpu.memory_space<vmem>>) semaphore(%arg11 : memref<!tpu.dma_semaphore, #tpu.memory_space<semaphore_mem>>)
      %dma_start3A_409 = arith.constant 128 : i32
      %dma_start3A_410 = arith.constant 0 : i32
      %dma_start3A_411 = tpu.memref_slice %arg7[%dma_start3A_409, %dma_start3A_410] : memref<512x32xf32, #tpu.memory_space<vmem>> -> memref<128x32xf32, #tpu.memory_space<vmem>>
      %dma_start3A_412 = arith.constant 128 : i32
      %dma_start3A_413 = tpu.memref_slice %arg5[%add3A_57, %dma_start3A_412] : memref<50x512xi32, #tpu.memory_space<vmem>> -> memref<1x128xi32, #tpu.memory_space<vmem>>
      %dma_start3A_414 = tpu.memref_squeeze %dma_start3A_413 : memref<1x128xi32, #tpu.memory_space<vmem>> -> memref<128xi32, #tpu.memory_space<vmem>>
      %dma_start3A_415 = arith.constant 0 : i32
      %dma_start3A_416 = arith.constant 0 : i32
      %dma_start3A_417 = tpu.memref_slice %arg3[%dma_start3A_415, %dma_start3A_416] : memref<1000000x32xf32, #tpu.memory_space<hbm>> -> memref<1000000x32xf32, #tpu.memory_space<hbm>>
      tpu.enqueue_indirect_dma source(%dma_start3A_417 : memref<1000000x32xf32, #tpu.memory_space<hbm>>) target(%dma_start3A_411 : memref<128x32xf32, #tpu.memory_space<vmem>>) offsets(%dma_start3A_414 : memref<128xi32, #tpu.memory_space<vmem>>) semaphore(%arg11 : memref<!tpu.dma_semaphore, #tpu.memory_space<semaphore_mem>>)
      %dma_start3A_418 = arith.constant 256 : i32
      %dma_start3A_419 = arith.constant 0 : i32
      %dma_start3A_420 = tpu.memref_slice %arg7[%dma_start3A_418, %dma_start3A_419] : memref<512x32xf32, #tpu.memory_space<vmem>> -> memref<128x32xf32, #tpu.memory_space<vmem>>
      %dma_start3A_421 = arith.constant 256 : i32
      %dma_start3A_422 = tpu.memref_slice %arg5[%add3A_57, %dma_start3A_421] : memref<50x512xi32, #tpu.memory_space<vmem>> -> memref<1x128xi32, #tpu.memory_space<vmem>>
      %dma_start3A_423 = tpu.memref_squeeze %dma_start3A_422 : memref<1x128xi32, #tpu.memory_space<vmem>> -> memref<128xi32, #tpu.memory_space<vmem>>
      %dma_start3A_424 = arith.constant 0 : i32
      %dma_start3A_425 = arith.constant 0 : i32
      %dma_start3A_426 = tpu.memref_slice %arg3[%dma_start3A_424, %dma_start3A_425] : memref<1000000x32xf32, #tpu.memory_space<hbm>> -> memref<1000000x32xf32, #tpu.memory_space<hbm>>
      tpu.enqueue_indirect_dma source(%dma_start3A_426 : memref<1000000x32xf32, #tpu.memory_space<hbm>>) target(%dma_start3A_420 : memref<128x32xf32, #tpu.memory_space<vmem>>) offsets(%dma_start3A_423 : memref<128xi32, #tpu.memory_space<vmem>>) semaphore(%arg11 : memref<!tpu.dma_semaphore, #tpu.memory_space<semaphore_mem>>)
      %dma_start3A_427 = arith.constant 384 : i32
      %dma_start3A_428 = arith.constant 0 : i32
      %dma_start3A_429 = tpu.memref_slice %arg7[%dma_start3A_427, %dma_start3A_428] : memref<512x32xf32, #tpu.memory_space<vmem>> -> memref<128x32xf32, #tpu.memory_space<vmem>>
      %dma_start3A_430 = arith.constant 384 : i32
      %dma_start3A_431 = tpu.memref_slice %arg5[%add3A_57, %dma_start3A_430] : memref<50x512xi32, #tpu.memory_space<vmem>> -> memref<1x128xi32, #tpu.memory_space<vmem>>
      %dma_start3A_432 = tpu.memref_squeeze %dma_start3A_431 : memref<1x128xi32, #tpu.memory_space<vmem>> -> memref<128xi32, #tpu.memory_space<vmem>>
      %dma_start3A_433 = arith.constant 0 : i32
      %dma_start3A_434 = arith.constant 0 : i32
      %dma_start3A_435 = tpu.memref_slice %arg3[%dma_start3A_433, %dma_start3A_434] : memref<1000000x32xf32, #tpu.memory_space<hbm>> -> memref<1000000x32xf32, #tpu.memory_space<hbm>>
      tpu.enqueue_indirect_dma source(%dma_start3A_435 : memref<1000000x32xf32, #tpu.memory_space<hbm>>) target(%dma_start3A_429 : memref<128x32xf32, #tpu.memory_space<vmem>>) offsets(%dma_start3A_432 : memref<128xi32, #tpu.memory_space<vmem>>) semaphore(%arg11 : memref<!tpu.dma_semaphore, #tpu.memory_space<semaphore_mem>>)
      %iota3A = tpu.iota {dimensions = array<i32: 0>} : vector<16xi32>
      %add3A_436 = arith.constant 0 : i32
      %add3A_437 = vector.broadcast %add3A_436 : i32 to vector<16xi32>
      %add3A_438 = arith.addi %iota3A, %add3A_437 : vector<16xi32>
      %jit3A = arith.constant 32 : i32
      %eq3A_439 = arith.constant 0 : i32
      %eq3A_440 = arith.cmpi eq, %jit3A, %eq3A_439 : i32
      %jit3A_441 = arith.constant 1 : i32
      %select_n3A = arith.select %eq3A_440, %jit3A_441, %jit3A : i32
      %rem3A = vector.broadcast %select_n3A : i32 to vector<16xi32>
      %rem3A_442 = arith.remsi %add3A_438, %rem3A : vector<16xi32>
      %ne3A = arith.constant 0 : i32
      %ne3A_443 = vector.broadcast %ne3A : i32 to vector<16xi32>
      %ne3A_444 = arith.cmpi ne, %rem3A_442, %ne3A_443 : vector<16xi32>
      %lt3A = arith.constant 0 : i32
      %lt3A_445 = vector.broadcast %lt3A : i32 to vector<16xi32>
      %lt3A_446 = arith.cmpi slt, %rem3A_442, %lt3A_445 : vector<16xi32>
      %lt3A_447 = arith.constant 0 : i32
      %lt3A_448 = arith.cmpi slt, %select_n3A, %lt3A_447 : i32
      %ne3A_449 = vector.broadcast %lt3A_448 : i1 to vector<16xi1>
      %ne3A_450 = vector.broadcast %ne3A_449 : vector<16xi1> to vector<16xi1>
      %ne3A_451 = arith.xori %lt3A_446, %ne3A_450 : vector<16xi1>
      %and3A = arith.andi %ne3A_451, %ne3A_444 : vector<16xi1>
      %add3A_452 = vector.broadcast %select_n3A : i32 to vector<16xi32>
      %add3A_453 = arith.addi %rem3A_442, %add3A_452 : vector<16xi32>
      %select_n3A_454 = arith.select %and3A, %add3A_453, %rem3A_442 : vector<16xi1>, vector<16xi32>
      %add3A_455 = arith.constant 1 : i32
      %add3A_456 = vector.broadcast %add3A_455 : i32 to vector<16xi32>
      %add3A_457 = arith.addi %iota3A, %add3A_456 : vector<16xi32>
      %jit3A_458 = arith.constant 32 : i32
      %eq3A_459 = arith.constant 0 : i32
      %eq3A_460 = arith.cmpi eq, %jit3A_458, %eq3A_459 : i32
      %jit3A_461 = arith.constant 1 : i32
      %select_n3A_462 = arith.select %eq3A_460, %jit3A_461, %jit3A_458 : i32
      %rem3A_463 = vector.broadcast %select_n3A_462 : i32 to vector<16xi32>
      %rem3A_464 = arith.remsi %add3A_457, %rem3A_463 : vector<16xi32>
      %ne3A_465 = arith.constant 0 : i32
      %ne3A_466 = vector.broadcast %ne3A_465 : i32 to vector<16xi32>
      %ne3A_467 = arith.cmpi ne, %rem3A_464, %ne3A_466 : vector<16xi32>
      %lt3A_468 = arith.constant 0 : i32
      %lt3A_469 = vector.broadcast %lt3A_468 : i32 to vector<16xi32>
      %lt3A_470 = arith.cmpi slt, %rem3A_464, %lt3A_469 : vector<16xi32>
      %lt3A_471 = arith.constant 0 : i32
      %lt3A_472 = arith.cmpi slt, %select_n3A_462, %lt3A_471 : i32
      %ne3A_473 = vector.broadcast %lt3A_472 : i1 to vector<16xi1>
      %ne3A_474 = vector.broadcast %ne3A_473 : vector<16xi1> to vector<16xi1>
      %ne3A_475 = arith.xori %lt3A_470, %ne3A_474 : vector<16xi1>
      %and3A_476 = arith.andi %ne3A_475, %ne3A_467 : vector<16xi1>
      %add3A_477 = vector.broadcast %select_n3A_462 : i32 to vector<16xi32>
      %add3A_478 = arith.addi %rem3A_464, %add3A_477 : vector<16xi32>
      %select_n3A_479 = arith.select %and3A_476, %add3A_478, %rem3A_464 : vector<16xi1>, vector<16xi32>
      %add3A_480 = arith.constant 2 : i32
      %add3A_481 = vector.broadcast %add3A_480 : i32 to vector<16xi32>
      %add3A_482 = arith.addi %iota3A, %add3A_481 : vector<16xi32>
      %jit3A_483 = arith.constant 32 : i32
      %eq3A_484 = arith.constant 0 : i32
      %eq3A_485 = arith.cmpi eq, %jit3A_483, %eq3A_484 : i32
      %jit3A_486 = arith.constant 1 : i32
      %select_n3A_487 = arith.select %eq3A_485, %jit3A_486, %jit3A_483 : i32
      %rem3A_488 = vector.broadcast %select_n3A_487 : i32 to vector<16xi32>
      %rem3A_489 = arith.remsi %add3A_482, %rem3A_488 : vector<16xi32>
      %ne3A_490 = arith.constant 0 : i32
      %ne3A_491 = vector.broadcast %ne3A_490 : i32 to vector<16xi32>
      %ne3A_492 = arith.cmpi ne, %rem3A_489, %ne3A_491 : vector<16xi32>
      %lt3A_493 = arith.constant 0 : i32
      %lt3A_494 = vector.broadcast %lt3A_493 : i32 to vector<16xi32>
      %lt3A_495 = arith.cmpi slt, %rem3A_489, %lt3A_494 : vector<16xi32>
      %lt3A_496 = arith.constant 0 : i32
      %lt3A_497 = arith.cmpi slt, %select_n3A_487, %lt3A_496 : i32
      %ne3A_498 = vector.broadcast %lt3A_497 : i1 to vector<16xi1>
      %ne3A_499 = vector.broadcast %ne3A_498 : vector<16xi1> to vector<16xi1>
      %ne3A_500 = arith.xori %lt3A_495, %ne3A_499 : vector<16xi1>
      %and3A_501 = arith.andi %ne3A_500, %ne3A_492 : vector<16xi1>
      %add3A_502 = vector.broadcast %select_n3A_487 : i32 to vector<16xi32>
      %add3A_503 = arith.addi %rem3A_489, %add3A_502 : vector<16xi32>
      %select_n3A_504 = arith.select %and3A_501, %add3A_503, %rem3A_489 : vector<16xi1>, vector<16xi32>
      %add3A_505 = arith.constant 3 : i32
      %add3A_506 = vector.broadcast %add3A_505 : i32 to vector<16xi32>
      %add3A_507 = arith.addi %iota3A, %add3A_506 : vector<16xi32>
      %jit3A_508 = arith.constant 32 : i32
      %eq3A_509 = arith.constant 0 : i32
      %eq3A_510 = arith.cmpi eq, %jit3A_508, %eq3A_509 : i32
      %jit3A_511 = arith.constant 1 : i32
      %select_n3A_512 = arith.select %eq3A_510, %jit3A_511, %jit3A_508 : i32
      %rem3A_513 = vector.broadcast %select_n3A_512 : i32 to vector<16xi32>
      %rem3A_514 = arith.remsi %add3A_507, %rem3A_513 : vector<16xi32>
      %ne3A_515 = arith.constant 0 : i32
      %ne3A_516 = vector.broadcast %ne3A_515 : i32 to vector<16xi32>
      %ne3A_517 = arith.cmpi ne, %rem3A_514, %ne3A_516 : vector<16xi32>
      %lt3A_518 = arith.constant 0 : i32
      %lt3A_519 = vector.broadcast %lt3A_518 : i32 to vector<16xi32>
      %lt3A_520 = arith.cmpi slt, %rem3A_514, %lt3A_519 : vector<16xi32>
      %lt3A_521 = arith.constant 0 : i32
      %lt3A_522 = arith.cmpi slt, %select_n3A_512, %lt3A_521 : i32
      %ne3A_523 = vector.broadcast %lt3A_522 : i1 to vector<16xi1>
      %ne3A_524 = vector.broadcast %ne3A_523 : vector<16xi1> to vector<16xi1>
      %ne3A_525 = arith.xori %lt3A_520, %ne3A_524 : vector<16xi1>
      %and3A_526 = arith.andi %ne3A_525, %ne3A_517 : vector<16xi1>
      %add3A_527 = vector.broadcast %select_n3A_512 : i32 to vector<16xi32>
      %add3A_528 = arith.addi %rem3A_514, %add3A_527 : vector<16xi32>
      %select_n3A_529 = arith.select %and3A_526, %add3A_528, %rem3A_514 : vector<16xi1>, vector<16xi32>
      %add3A_530 = arith.constant 4 : i32
      %add3A_531 = vector.broadcast %add3A_530 : i32 to vector<16xi32>
      %add3A_532 = arith.addi %iota3A, %add3A_531 : vector<16xi32>
      %jit3A_533 = arith.constant 32 : i32
      %eq3A_534 = arith.constant 0 : i32
      %eq3A_535 = arith.cmpi eq, %jit3A_533, %eq3A_534 : i32
      %jit3A_536 = arith.constant 1 : i32
      %select_n3A_537 = arith.select %eq3A_535, %jit3A_536, %jit3A_533 : i32
      %rem3A_538 = vector.broadcast %select_n3A_537 : i32 to vector<16xi32>
      %rem3A_539 = arith.remsi %add3A_532, %rem3A_538 : vector<16xi32>
      %ne3A_540 = arith.constant 0 : i32
      %ne3A_541 = vector.broadcast %ne3A_540 : i32 to vector<16xi32>
      %ne3A_542 = arith.cmpi ne, %rem3A_539, %ne3A_541 : vector<16xi32>
      %lt3A_543 = arith.constant 0 : i32
      %lt3A_544 = vector.broadcast %lt3A_543 : i32 to vector<16xi32>
      %lt3A_545 = arith.cmpi slt, %rem3A_539, %lt3A_544 : vector<16xi32>
      %lt3A_546 = arith.constant 0 : i32
      %lt3A_547 = arith.cmpi slt, %select_n3A_537, %lt3A_546 : i32
      %ne3A_548 = vector.broadcast %lt3A_547 : i1 to vector<16xi1>
      %ne3A_549 = vector.broadcast %ne3A_548 : vector<16xi1> to vector<16xi1>
      %ne3A_550 = arith.xori %lt3A_545, %ne3A_549 : vector<16xi1>
      %and3A_551 = arith.andi %ne3A_550, %ne3A_542 : vector<16xi1>
      %add3A_552 = vector.broadcast %select_n3A_537 : i32 to vector<16xi32>
      %add3A_553 = arith.addi %rem3A_539, %add3A_552 : vector<16xi32>
      %select_n3A_554 = arith.select %and3A_551, %add3A_553, %rem3A_539 : vector<16xi1>, vector<16xi32>
      %add3A_555 = arith.constant 5 : i32
      %add3A_556 = vector.broadcast %add3A_555 : i32 to vector<16xi32>
      %add3A_557 = arith.addi %iota3A, %add3A_556 : vector<16xi32>
      %jit3A_558 = arith.constant 32 : i32
      %eq3A_559 = arith.constant 0 : i32
      %eq3A_560 = arith.cmpi eq, %jit3A_558, %eq3A_559 : i32
      %jit3A_561 = arith.constant 1 : i32
      %select_n3A_562 = arith.select %eq3A_560, %jit3A_561, %jit3A_558 : i32
      %rem3A_563 = vector.broadcast %select_n3A_562 : i32 to vector<16xi32>
      %rem3A_564 = arith.remsi %add3A_557, %rem3A_563 : vector<16xi32>
      %ne3A_565 = arith.constant 0 : i32
      %ne3A_566 = vector.broadcast %ne3A_565 : i32 to vector<16xi32>
      %ne3A_567 = arith.cmpi ne, %rem3A_564, %ne3A_566 : vector<16xi32>
      %lt3A_568 = arith.constant 0 : i32
      %lt3A_569 = vector.broadcast %lt3A_568 : i32 to vector<16xi32>
      %lt3A_570 = arith.cmpi slt, %rem3A_564, %lt3A_569 : vector<16xi32>
      %lt3A_571 = arith.constant 0 : i32
      %lt3A_572 = arith.cmpi slt, %select_n3A_562, %lt3A_571 : i32
      %ne3A_573 = vector.broadcast %lt3A_572 : i1 to vector<16xi1>
      %ne3A_574 = vector.broadcast %ne3A_573 : vector<16xi1> to vector<16xi1>
      %ne3A_575 = arith.xori %lt3A_570, %ne3A_574 : vector<16xi1>
      %and3A_576 = arith.andi %ne3A_575, %ne3A_567 : vector<16xi1>
      %add3A_577 = vector.broadcast %select_n3A_562 : i32 to vector<16xi32>
      %add3A_578 = arith.addi %rem3A_564, %add3A_577 : vector<16xi32>
      %select_n3A_579 = arith.select %and3A_576, %add3A_578, %rem3A_564 : vector<16xi1>, vector<16xi32>
      %add3A_580 = arith.constant 6 : i32
      %add3A_581 = vector.broadcast %add3A_580 : i32 to vector<16xi32>
      %add3A_582 = arith.addi %iota3A, %add3A_581 : vector<16xi32>
      %jit3A_583 = arith.constant 32 : i32
      %eq3A_584 = arith.constant 0 : i32
      %eq3A_585 = arith.cmpi eq, %jit3A_583, %eq3A_584 : i32
      %jit3A_586 = arith.constant 1 : i32
      %select_n3A_587 = arith.select %eq3A_585, %jit3A_586, %jit3A_583 : i32
      %rem3A_588 = vector.broadcast %select_n3A_587 : i32 to vector<16xi32>
      %rem3A_589 = arith.remsi %add3A_582, %rem3A_588 : vector<16xi32>
      %ne3A_590 = arith.constant 0 : i32
      %ne3A_591 = vector.broadcast %ne3A_590 : i32 to vector<16xi32>
      %ne3A_592 = arith.cmpi ne, %rem3A_589, %ne3A_591 : vector<16xi32>
      %lt3A_593 = arith.constant 0 : i32
      %lt3A_594 = vector.broadcast %lt3A_593 : i32 to vector<16xi32>
      %lt3A_595 = arith.cmpi slt, %rem3A_589, %lt3A_594 : vector<16xi32>
      %lt3A_596 = arith.constant 0 : i32
      %lt3A_597 = arith.cmpi slt, %select_n3A_587, %lt3A_596 : i32
      %ne3A_598 = vector.broadcast %lt3A_597 : i1 to vector<16xi1>
      %ne3A_599 = vector.broadcast %ne3A_598 : vector<16xi1> to vector<16xi1>
      %ne3A_600 = arith.xori %lt3A_595, %ne3A_599 : vector<16xi1>
      %and3A_601 = arith.andi %ne3A_600, %ne3A_592 : vector<16xi1>
      %add3A_602 = vector.broadcast %select_n3A_587 : i32 to vector<16xi32>
      %add3A_603 = arith.addi %rem3A_589, %add3A_602 : vector<16xi32>
      %select_n3A_604 = arith.select %and3A_601, %add3A_603, %rem3A_589 : vector<16xi1>, vector<16xi32>
      %add3A_605 = arith.constant 7 : i32
      %add3A_606 = vector.broadcast %add3A_605 : i32 to vector<16xi32>
      %add3A_607 = arith.addi %iota3A, %add3A_606 : vector<16xi32>
      %jit3A_608 = arith.constant 32 : i32
      %eq3A_609 = arith.constant 0 : i32
      %eq3A_610 = arith.cmpi eq, %jit3A_608, %eq3A_609 : i32
      %jit3A_611 = arith.constant 1 : i32
      %select_n3A_612 = arith.select %eq3A_610, %jit3A_611, %jit3A_608 : i32
      %rem3A_613 = vector.broadcast %select_n3A_612 : i32 to vector<16xi32>
      %rem3A_614 = arith.remsi %add3A_607, %rem3A_613 : vector<16xi32>
      %ne3A_615 = arith.constant 0 : i32
      %ne3A_616 = vector.broadcast %ne3A_615 : i32 to vector<16xi32>
      %ne3A_617 = arith.cmpi ne, %rem3A_614, %ne3A_616 : vector<16xi32>
      %lt3A_618 = arith.constant 0 : i32
      %lt3A_619 = vector.broadcast %lt3A_618 : i32 to vector<16xi32>
      %lt3A_620 = arith.cmpi slt, %rem3A_614, %lt3A_619 : vector<16xi32>
      %lt3A_621 = arith.constant 0 : i32
      %lt3A_622 = arith.cmpi slt, %select_n3A_612, %lt3A_621 : i32
      %ne3A_623 = vector.broadcast %lt3A_622 : i1 to vector<16xi1>
      %ne3A_624 = vector.broadcast %ne3A_623 : vector<16xi1> to vector<16xi1>
      %ne3A_625 = arith.xori %lt3A_620, %ne3A_624 : vector<16xi1>
      %and3A_626 = arith.andi %ne3A_625, %ne3A_617 : vector<16xi1>
      %add3A_627 = vector.broadcast %select_n3A_612 : i32 to vector<16xi32>
      %add3A_628 = arith.addi %rem3A_614, %add3A_627 : vector<16xi32>
      %select_n3A_629 = arith.select %and3A_626, %add3A_628, %rem3A_614 : vector<16xi1>, vector<16xi32>
      %add3A_630 = arith.constant 8 : i32
      %add3A_631 = vector.broadcast %add3A_630 : i32 to vector<16xi32>
      %add3A_632 = arith.addi %iota3A, %add3A_631 : vector<16xi32>
      %jit3A_633 = arith.constant 32 : i32
      %eq3A_634 = arith.constant 0 : i32
      %eq3A_635 = arith.cmpi eq, %jit3A_633, %eq3A_634 : i32
      %jit3A_636 = arith.constant 1 : i32
      %select_n3A_637 = arith.select %eq3A_635, %jit3A_636, %jit3A_633 : i32
      %rem3A_638 = vector.broadcast %select_n3A_637 : i32 to vector<16xi32>
      %rem3A_639 = arith.remsi %add3A_632, %rem3A_638 : vector<16xi32>
      %ne3A_640 = arith.constant 0 : i32
      %ne3A_641 = vector.broadcast %ne3A_640 : i32 to vector<16xi32>
      %ne3A_642 = arith.cmpi ne, %rem3A_639, %ne3A_641 : vector<16xi32>
      %lt3A_643 = arith.constant 0 : i32
      %lt3A_644 = vector.broadcast %lt3A_643 : i32 to vector<16xi32>
      %lt3A_645 = arith.cmpi slt, %rem3A_639, %lt3A_644 : vector<16xi32>
      %lt3A_646 = arith.constant 0 : i32
      %lt3A_647 = arith.cmpi slt, %select_n3A_637, %lt3A_646 : i32
      %ne3A_648 = vector.broadcast %lt3A_647 : i1 to vector<16xi1>
      %ne3A_649 = vector.broadcast %ne3A_648 : vector<16xi1> to vector<16xi1>
      %ne3A_650 = arith.xori %lt3A_645, %ne3A_649 : vector<16xi1>
      %and3A_651 = arith.andi %ne3A_650, %ne3A_642 : vector<16xi1>
      %add3A_652 = vector.broadcast %select_n3A_637 : i32 to vector<16xi32>
      %add3A_653 = arith.addi %rem3A_639, %add3A_652 : vector<16xi32>
      %select_n3A_654 = arith.select %and3A_651, %add3A_653, %rem3A_639 : vector<16xi1>, vector<16xi32>
      %add3A_655 = arith.constant 9 : i32
      %add3A_656 = vector.broadcast %add3A_655 : i32 to vector<16xi32>
      %add3A_657 = arith.addi %iota3A, %add3A_656 : vector<16xi32>
      %jit3A_658 = arith.constant 32 : i32
      %eq3A_659 = arith.constant 0 : i32
      %eq3A_660 = arith.cmpi eq, %jit3A_658, %eq3A_659 : i32
      %jit3A_661 = arith.constant 1 : i32
      %select_n3A_662 = arith.select %eq3A_660, %jit3A_661, %jit3A_658 : i32
      %rem3A_663 = vector.broadcast %select_n3A_662 : i32 to vector<16xi32>
      %rem3A_664 = arith.remsi %add3A_657, %rem3A_663 : vector<16xi32>
      %ne3A_665 = arith.constant 0 : i32
      %ne3A_666 = vector.broadcast %ne3A_665 : i32 to vector<16xi32>
      %ne3A_667 = arith.cmpi ne, %rem3A_664, %ne3A_666 : vector<16xi32>
      %lt3A_668 = arith.constant 0 : i32
      %lt3A_669 = vector.broadcast %lt3A_668 : i32 to vector<16xi32>
      %lt3A_670 = arith.cmpi slt, %rem3A_664, %lt3A_669 : vector<16xi32>
      %lt3A_671 = arith.constant 0 : i32
      %lt3A_672 = arith.cmpi slt, %select_n3A_662, %lt3A_671 : i32
      %ne3A_673 = vector.broadcast %lt3A_672 : i1 to vector<16xi1>
      %ne3A_674 = vector.broadcast %ne3A_673 : vector<16xi1> to vector<16xi1>
      %ne3A_675 = arith.xori %lt3A_670, %ne3A_674 : vector<16xi1>
      %and3A_676 = arith.andi %ne3A_675, %ne3A_667 : vector<16xi1>
      %add3A_677 = vector.broadcast %select_n3A_662 : i32 to vector<16xi32>
      %add3A_678 = arith.addi %rem3A_664, %add3A_677 : vector<16xi32>
      %select_n3A_679 = arith.select %and3A_676, %add3A_678, %rem3A_664 : vector<16xi1>, vector<16xi32>
      %add3A_680 = arith.constant 10 : i32
      %add3A_681 = vector.broadcast %add3A_680 : i32 to vector<16xi32>
      %add3A_682 = arith.addi %iota3A, %add3A_681 : vector<16xi32>
      %jit3A_683 = arith.constant 32 : i32
      %eq3A_684 = arith.constant 0 : i32
      %eq3A_685 = arith.cmpi eq, %jit3A_683, %eq3A_684 : i32
      %jit3A_686 = arith.constant 1 : i32
      %select_n3A_687 = arith.select %eq3A_685, %jit3A_686, %jit3A_683 : i32
      %rem3A_688 = vector.broadcast %select_n3A_687 : i32 to vector<16xi32>
      %rem3A_689 = arith.remsi %add3A_682, %rem3A_688 : vector<16xi32>
      %ne3A_690 = arith.constant 0 : i32
      %ne3A_691 = vector.broadcast %ne3A_690 : i32 to vector<16xi32>
      %ne3A_692 = arith.cmpi ne, %rem3A_689, %ne3A_691 : vector<16xi32>
      %lt3A_693 = arith.constant 0 : i32
      %lt3A_694 = vector.broadcast %lt3A_693 : i32 to vector<16xi32>
      %lt3A_695 = arith.cmpi slt, %rem3A_689, %lt3A_694 : vector<16xi32>
      %lt3A_696 = arith.constant 0 : i32
      %lt3A_697 = arith.cmpi slt, %select_n3A_687, %lt3A_696 : i32
      %ne3A_698 = vector.broadcast %lt3A_697 : i1 to vector<16xi1>
      %ne3A_699 = vector.broadcast %ne3A_698 : vector<16xi1> to vector<16xi1>
      %ne3A_700 = arith.xori %lt3A_695, %ne3A_699 : vector<16xi1>
      %and3A_701 = arith.andi %ne3A_700, %ne3A_692 : vector<16xi1>
      %add3A_702 = vector.broadcast %select_n3A_687 : i32 to vector<16xi32>
      %add3A_703 = arith.addi %rem3A_689, %add3A_702 : vector<16xi32>
      %select_n3A_704 = arith.select %and3A_701, %add3A_703, %rem3A_689 : vector<16xi1>, vector<16xi32>
      %add3A_705 = arith.constant 11 : i32
      %add3A_706 = vector.broadcast %add3A_705 : i32 to vector<16xi32>
      %add3A_707 = arith.addi %iota3A, %add3A_706 : vector<16xi32>
      %jit3A_708 = arith.constant 32 : i32
      %eq3A_709 = arith.constant 0 : i32
      %eq3A_710 = arith.cmpi eq, %jit3A_708, %eq3A_709 : i32
      %jit3A_711 = arith.constant 1 : i32
      %select_n3A_712 = arith.select %eq3A_710, %jit3A_711, %jit3A_708 : i32
      %rem3A_713 = vector.broadcast %select_n3A_712 : i32 to vector<16xi32>
      %rem3A_714 = arith.remsi %add3A_707, %rem3A_713 : vector<16xi32>
      %ne3A_715 = arith.constant 0 : i32
      %ne3A_716 = vector.broadcast %ne3A_715 : i32 to vector<16xi32>
      %ne3A_717 = arith.cmpi ne, %rem3A_714, %ne3A_716 : vector<16xi32>
      %lt3A_718 = arith.constant 0 : i32
      %lt3A_719 = vector.broadcast %lt3A_718 : i32 to vector<16xi32>
      %lt3A_720 = arith.cmpi slt, %rem3A_714, %lt3A_719 : vector<16xi32>
      %lt3A_721 = arith.constant 0 : i32
      %lt3A_722 = arith.cmpi slt, %select_n3A_712, %lt3A_721 : i32
      %ne3A_723 = vector.broadcast %lt3A_722 : i1 to vector<16xi1>
      %ne3A_724 = vector.broadcast %ne3A_723 : vector<16xi1> to vector<16xi1>
      %ne3A_725 = arith.xori %lt3A_720, %ne3A_724 : vector<16xi1>
      %and3A_726 = arith.andi %ne3A_725, %ne3A_717 : vector<16xi1>
      %add3A_727 = vector.broadcast %select_n3A_712 : i32 to vector<16xi32>
      %add3A_728 = arith.addi %rem3A_714, %add3A_727 : vector<16xi32>
      %select_n3A_729 = arith.select %and3A_726, %add3A_728, %rem3A_714 : vector<16xi1>, vector<16xi32>
      %add3A_730 = arith.constant 12 : i32
      %add3A_731 = vector.broadcast %add3A_730 : i32 to vector<16xi32>
      %add3A_732 = arith.addi %iota3A, %add3A_731 : vector<16xi32>
      %jit3A_733 = arith.constant 32 : i32
      %eq3A_734 = arith.constant 0 : i32
      %eq3A_735 = arith.cmpi eq, %jit3A_733, %eq3A_734 : i32
      %jit3A_736 = arith.constant 1 : i32
      %select_n3A_737 = arith.select %eq3A_735, %jit3A_736, %jit3A_733 : i32
      %rem3A_738 = vector.broadcast %select_n3A_737 : i32 to vector<16xi32>
      %rem3A_739 = arith.remsi %add3A_732, %rem3A_738 : vector<16xi32>
      %ne3A_740 = arith.constant 0 : i32
      %ne3A_741 = vector.broadcast %ne3A_740 : i32 to vector<16xi32>
      %ne3A_742 = arith.cmpi ne, %rem3A_739, %ne3A_741 : vector<16xi32>
      %lt3A_743 = arith.constant 0 : i32
      %lt3A_744 = vector.broadcast %lt3A_743 : i32 to vector<16xi32>
      %lt3A_745 = arith.cmpi slt, %rem3A_739, %lt3A_744 : vector<16xi32>
      %lt3A_746 = arith.constant 0 : i32
      %lt3A_747 = arith.cmpi slt, %select_n3A_737, %lt3A_746 : i32
      %ne3A_748 = vector.broadcast %lt3A_747 : i1 to vector<16xi1>
      %ne3A_749 = vector.broadcast %ne3A_748 : vector<16xi1> to vector<16xi1>
      %ne3A_750 = arith.xori %lt3A_745, %ne3A_749 : vector<16xi1>
      %and3A_751 = arith.andi %ne3A_750, %ne3A_742 : vector<16xi1>
      %add3A_752 = vector.broadcast %select_n3A_737 : i32 to vector<16xi32>
      %add3A_753 = arith.addi %rem3A_739, %add3A_752 : vector<16xi32>
      %select_n3A_754 = arith.select %and3A_751, %add3A_753, %rem3A_739 : vector<16xi1>, vector<16xi32>
      %add3A_755 = arith.constant 13 : i32
      %add3A_756 = vector.broadcast %add3A_755 : i32 to vector<16xi32>
      %add3A_757 = arith.addi %iota3A, %add3A_756 : vector<16xi32>
      %jit3A_758 = arith.constant 32 : i32
      %eq3A_759 = arith.constant 0 : i32
      %eq3A_760 = arith.cmpi eq, %jit3A_758, %eq3A_759 : i32
      %jit3A_761 = arith.constant 1 : i32
      %select_n3A_762 = arith.select %eq3A_760, %jit3A_761, %jit3A_758 : i32
      %rem3A_763 = vector.broadcast %select_n3A_762 : i32 to vector<16xi32>
      %rem3A_764 = arith.remsi %add3A_757, %rem3A_763 : vector<16xi32>
      %ne3A_765 = arith.constant 0 : i32
      %ne3A_766 = vector.broadcast %ne3A_765 : i32 to vector<16xi32>
      %ne3A_767 = arith.cmpi ne, %rem3A_764, %ne3A_766 : vector<16xi32>
      %lt3A_768 = arith.constant 0 : i32
      %lt3A_769 = vector.broadcast %lt3A_768 : i32 to vector<16xi32>
      %lt3A_770 = arith.cmpi slt, %rem3A_764, %lt3A_769 : vector<16xi32>
      %lt3A_771 = arith.constant 0 : i32
      %lt3A_772 = arith.cmpi slt, %select_n3A_762, %lt3A_771 : i32
      %ne3A_773 = vector.broadcast %lt3A_772 : i1 to vector<16xi1>
      %ne3A_774 = vector.broadcast %ne3A_773 : vector<16xi1> to vector<16xi1>
      %ne3A_775 = arith.xori %lt3A_770, %ne3A_774 : vector<16xi1>
      %and3A_776 = arith.andi %ne3A_775, %ne3A_767 : vector<16xi1>
      %add3A_777 = vector.broadcast %select_n3A_762 : i32 to vector<16xi32>
      %add3A_778 = arith.addi %rem3A_764, %add3A_777 : vector<16xi32>
      %select_n3A_779 = arith.select %and3A_776, %add3A_778, %rem3A_764 : vector<16xi1>, vector<16xi32>
      %add3A_780 = arith.constant 14 : i32
      %add3A_781 = vector.broadcast %add3A_780 : i32 to vector<16xi32>
      %add3A_782 = arith.addi %iota3A, %add3A_781 : vector<16xi32>
      %jit3A_783 = arith.constant 32 : i32
      %eq3A_784 = arith.constant 0 : i32
      %eq3A_785 = arith.cmpi eq, %jit3A_783, %eq3A_784 : i32
      %jit3A_786 = arith.constant 1 : i32
      %select_n3A_787 = arith.select %eq3A_785, %jit3A_786, %jit3A_783 : i32
      %rem3A_788 = vector.broadcast %select_n3A_787 : i32 to vector<16xi32>
      %rem3A_789 = arith.remsi %add3A_782, %rem3A_788 : vector<16xi32>
      %ne3A_790 = arith.constant 0 : i32
      %ne3A_791 = vector.broadcast %ne3A_790 : i32 to vector<16xi32>
      %ne3A_792 = arith.cmpi ne, %rem3A_789, %ne3A_791 : vector<16xi32>
      %lt3A_793 = arith.constant 0 : i32
      %lt3A_794 = vector.broadcast %lt3A_793 : i32 to vector<16xi32>
      %lt3A_795 = arith.cmpi slt, %rem3A_789, %lt3A_794 : vector<16xi32>
      %lt3A_796 = arith.constant 0 : i32
      %lt3A_797 = arith.cmpi slt, %select_n3A_787, %lt3A_796 : i32
      %ne3A_798 = vector.broadcast %lt3A_797 : i1 to vector<16xi1>
      %ne3A_799 = vector.broadcast %ne3A_798 : vector<16xi1> to vector<16xi1>
      %ne3A_800 = arith.xori %lt3A_795, %ne3A_799 : vector<16xi1>
      %and3A_801 = arith.andi %ne3A_800, %ne3A_792 : vector<16xi1>
      %add3A_802 = vector.broadcast %select_n3A_787 : i32 to vector<16xi32>
      %add3A_803 = arith.addi %rem3A_789, %add3A_802 : vector<16xi32>
      %select_n3A_804 = arith.select %and3A_801, %add3A_803, %rem3A_789 : vector<16xi1>, vector<16xi32>
      %add3A_805 = arith.constant 15 : i32
      %add3A_806 = vector.broadcast %add3A_805 : i32 to vector<16xi32>
      %add3A_807 = arith.addi %iota3A, %add3A_806 : vector<16xi32>
      %jit3A_808 = arith.constant 32 : i32
      %eq3A_809 = arith.constant 0 : i32
      %eq3A_810 = arith.cmpi eq, %jit3A_808, %eq3A_809 : i32
      %jit3A_811 = arith.constant 1 : i32
      %select_n3A_812 = arith.select %eq3A_810, %jit3A_811, %jit3A_808 : i32
      %rem3A_813 = vector.broadcast %select_n3A_812 : i32 to vector<16xi32>
      %rem3A_814 = arith.remsi %add3A_807, %rem3A_813 : vector<16xi32>
      %ne3A_815 = arith.constant 0 : i32
      %ne3A_816 = vector.broadcast %ne3A_815 : i32 to vector<16xi32>
      %ne3A_817 = arith.cmpi ne, %rem3A_814, %ne3A_816 : vector<16xi32>
      %lt3A_818 = arith.constant 0 : i32
      %lt3A_819 = vector.broadcast %lt3A_818 : i32 to vector<16xi32>
      %lt3A_820 = arith.cmpi slt, %rem3A_814, %lt3A_819 : vector<16xi32>
      %lt3A_821 = arith.constant 0 : i32
      %lt3A_822 = arith.cmpi slt, %select_n3A_812, %lt3A_821 : i32
      %ne3A_823 = vector.broadcast %lt3A_822 : i1 to vector<16xi1>
      %ne3A_824 = vector.broadcast %ne3A_823 : vector<16xi1> to vector<16xi1>
      %ne3A_825 = arith.xori %lt3A_820, %ne3A_824 : vector<16xi1>
      %and3A_826 = arith.andi %ne3A_825, %ne3A_817 : vector<16xi1>
      %add3A_827 = vector.broadcast %select_n3A_812 : i32 to vector<16xi32>
      %add3A_828 = arith.addi %rem3A_814, %add3A_827 : vector<16xi32>
      %select_n3A_829 = arith.select %and3A_826, %add3A_828, %rem3A_814 : vector<16xi1>, vector<16xi32>
      %add3A_830 = arith.constant 16 : i32
      %add3A_831 = vector.broadcast %add3A_830 : i32 to vector<16xi32>
      %add3A_832 = arith.addi %iota3A, %add3A_831 : vector<16xi32>
      %jit3A_833 = arith.constant 32 : i32
      %eq3A_834 = arith.constant 0 : i32
      %eq3A_835 = arith.cmpi eq, %jit3A_833, %eq3A_834 : i32
      %jit3A_836 = arith.constant 1 : i32
      %select_n3A_837 = arith.select %eq3A_835, %jit3A_836, %jit3A_833 : i32
      %rem3A_838 = vector.broadcast %select_n3A_837 : i32 to vector<16xi32>
      %rem3A_839 = arith.remsi %add3A_832, %rem3A_838 : vector<16xi32>
      %ne3A_840 = arith.constant 0 : i32
      %ne3A_841 = vector.broadcast %ne3A_840 : i32 to vector<16xi32>
      %ne3A_842 = arith.cmpi ne, %rem3A_839, %ne3A_841 : vector<16xi32>
      %lt3A_843 = arith.constant 0 : i32
      %lt3A_844 = vector.broadcast %lt3A_843 : i32 to vector<16xi32>
      %lt3A_845 = arith.cmpi slt, %rem3A_839, %lt3A_844 : vector<16xi32>
      %lt3A_846 = arith.constant 0 : i32
      %lt3A_847 = arith.cmpi slt, %select_n3A_837, %lt3A_846 : i32
      %ne3A_848 = vector.broadcast %lt3A_847 : i1 to vector<16xi1>
      %ne3A_849 = vector.broadcast %ne3A_848 : vector<16xi1> to vector<16xi1>
      %ne3A_850 = arith.xori %lt3A_845, %ne3A_849 : vector<16xi1>
      %and3A_851 = arith.andi %ne3A_850, %ne3A_842 : vector<16xi1>
      %add3A_852 = vector.broadcast %select_n3A_837 : i32 to vector<16xi32>
      %add3A_853 = arith.addi %rem3A_839, %add3A_852 : vector<16xi32>
      %select_n3A_854 = arith.select %and3A_851, %add3A_853, %rem3A_839 : vector<16xi1>, vector<16xi32>
      %add3A_855 = arith.constant 17 : i32
      %add3A_856 = vector.broadcast %add3A_855 : i32 to vector<16xi32>
      %add3A_857 = arith.addi %iota3A, %add3A_856 : vector<16xi32>
      %jit3A_858 = arith.constant 32 : i32
      %eq3A_859 = arith.constant 0 : i32
      %eq3A_860 = arith.cmpi eq, %jit3A_858, %eq3A_859 : i32
      %jit3A_861 = arith.constant 1 : i32
      %select_n3A_862 = arith.select %eq3A_860, %jit3A_861, %jit3A_858 : i32
      %rem3A_863 = vector.broadcast %select_n3A_862 : i32 to vector<16xi32>
      %rem3A_864 = arith.remsi %add3A_857, %rem3A_863 : vector<16xi32>
      %ne3A_865 = arith.constant 0 : i32
      %ne3A_866 = vector.broadcast %ne3A_865 : i32 to vector<16xi32>
      %ne3A_867 = arith.cmpi ne, %rem3A_864, %ne3A_866 : vector<16xi32>
      %lt3A_868 = arith.constant 0 : i32
      %lt3A_869 = vector.broadcast %lt3A_868 : i32 to vector<16xi32>
      %lt3A_870 = arith.cmpi slt, %rem3A_864, %lt3A_869 : vector<16xi32>
      %lt3A_871 = arith.constant 0 : i32
      %lt3A_872 = arith.cmpi slt, %select_n3A_862, %lt3A_871 : i32
      %ne3A_873 = vector.broadcast %lt3A_872 : i1 to vector<16xi1>
      %ne3A_874 = vector.broadcast %ne3A_873 : vector<16xi1> to vector<16xi1>
      %ne3A_875 = arith.xori %lt3A_870, %ne3A_874 : vector<16xi1>
      %and3A_876 = arith.andi %ne3A_875, %ne3A_867 : vector<16xi1>
      %add3A_877 = vector.broadcast %select_n3A_862 : i32 to vector<16xi32>
      %add3A_878 = arith.addi %rem3A_864, %add3A_877 : vector<16xi32>
      %select_n3A_879 = arith.select %and3A_876, %add3A_878, %rem3A_864 : vector<16xi1>, vector<16xi32>
      %add3A_880 = arith.constant 18 : i32
      %add3A_881 = vector.broadcast %add3A_880 : i32 to vector<16xi32>
      %add3A_882 = arith.addi %iota3A, %add3A_881 : vector<16xi32>
      %jit3A_883 = arith.constant 32 : i32
      %eq3A_884 = arith.constant 0 : i32
      %eq3A_885 = arith.cmpi eq, %jit3A_883, %eq3A_884 : i32
      %jit3A_886 = arith.constant 1 : i32
      %select_n3A_887 = arith.select %eq3A_885, %jit3A_886, %jit3A_883 : i32
      %rem3A_888 = vector.broadcast %select_n3A_887 : i32 to vector<16xi32>
      %rem3A_889 = arith.remsi %add3A_882, %rem3A_888 : vector<16xi32>
      %ne3A_890 = arith.constant 0 : i32
      %ne3A_891 = vector.broadcast %ne3A_890 : i32 to vector<16xi32>
      %ne3A_892 = arith.cmpi ne, %rem3A_889, %ne3A_891 : vector<16xi32>
      %lt3A_893 = arith.constant 0 : i32
      %lt3A_894 = vector.broadcast %lt3A_893 : i32 to vector<16xi32>
      %lt3A_895 = arith.cmpi slt, %rem3A_889, %lt3A_894 : vector<16xi32>
      %lt3A_896 = arith.constant 0 : i32
      %lt3A_897 = arith.cmpi slt, %select_n3A_887, %lt3A_896 : i32
      %ne3A_898 = vector.broadcast %lt3A_897 : i1 to vector<16xi1>
      %ne3A_899 = vector.broadcast %ne3A_898 : vector<16xi1> to vector<16xi1>
      %ne3A_900 = arith.xori %lt3A_895, %ne3A_899 : vector<16xi1>
      %and3A_901 = arith.andi %ne3A_900, %ne3A_892 : vector<16xi1>
      %add3A_902 = vector.broadcast %select_n3A_887 : i32 to vector<16xi32>
      %add3A_903 = arith.addi %rem3A_889, %add3A_902 : vector<16xi32>
      %select_n3A_904 = arith.select %and3A_901, %add3A_903, %rem3A_889 : vector<16xi1>, vector<16xi32>
      %add3A_905 = arith.constant 19 : i32
      %add3A_906 = vector.broadcast %add3A_905 : i32 to vector<16xi32>
      %add3A_907 = arith.addi %iota3A, %add3A_906 : vector<16xi32>
      %jit3A_908 = arith.constant 32 : i32
      %eq3A_909 = arith.constant 0 : i32
      %eq3A_910 = arith.cmpi eq, %jit3A_908, %eq3A_909 : i32
      %jit3A_911 = arith.constant 1 : i32
      %select_n3A_912 = arith.select %eq3A_910, %jit3A_911, %jit3A_908 : i32
      %rem3A_913 = vector.broadcast %select_n3A_912 : i32 to vector<16xi32>
      %rem3A_914 = arith.remsi %add3A_907, %rem3A_913 : vector<16xi32>
      %ne3A_915 = arith.constant 0 : i32
      %ne3A_916 = vector.broadcast %ne3A_915 : i32 to vector<16xi32>
      %ne3A_917 = arith.cmpi ne, %rem3A_914, %ne3A_916 : vector<16xi32>
      %lt3A_918 = arith.constant 0 : i32
      %lt3A_919 = vector.broadcast %lt3A_918 : i32 to vector<16xi32>
      %lt3A_920 = arith.cmpi slt, %rem3A_914, %lt3A_919 : vector<16xi32>
      %lt3A_921 = arith.constant 0 : i32
      %lt3A_922 = arith.cmpi slt, %select_n3A_912, %lt3A_921 : i32
      %ne3A_923 = vector.broadcast %lt3A_922 : i1 to vector<16xi1>
      %ne3A_924 = vector.broadcast %ne3A_923 : vector<16xi1> to vector<16xi1>
      %ne3A_925 = arith.xori %lt3A_920, %ne3A_924 : vector<16xi1>
      %and3A_926 = arith.andi %ne3A_925, %ne3A_917 : vector<16xi1>
      %add3A_927 = vector.broadcast %select_n3A_912 : i32 to vector<16xi32>
      %add3A_928 = arith.addi %rem3A_914, %add3A_927 : vector<16xi32>
      %select_n3A_929 = arith.select %and3A_926, %add3A_928, %rem3A_914 : vector<16xi1>, vector<16xi32>
      %add3A_930 = arith.constant 20 : i32
      %add3A_931 = vector.broadcast %add3A_930 : i32 to vector<16xi32>
      %add3A_932 = arith.addi %iota3A, %add3A_931 : vector<16xi32>
      %jit3A_933 = arith.constant 32 : i32
      %eq3A_934 = arith.constant 0 : i32
      %eq3A_935 = arith.cmpi eq, %jit3A_933, %eq3A_934 : i32
      %jit3A_936 = arith.constant 1 : i32
      %select_n3A_937 = arith.select %eq3A_935, %jit3A_936, %jit3A_933 : i32
      %rem3A_938 = vector.broadcast %select_n3A_937 : i32 to vector<16xi32>
      %rem3A_939 = arith.remsi %add3A_932, %rem3A_938 : vector<16xi32>
      %ne3A_940 = arith.constant 0 : i32
      %ne3A_941 = vector.broadcast %ne3A_940 : i32 to vector<16xi32>
      %ne3A_942 = arith.cmpi ne, %rem3A_939, %ne3A_941 : vector<16xi32>
      %lt3A_943 = arith.constant 0 : i32
      %lt3A_944 = vector.broadcast %lt3A_943 : i32 to vector<16xi32>
      %lt3A_945 = arith.cmpi slt, %rem3A_939, %lt3A_944 : vector<16xi32>
      %lt3A_946 = arith.constant 0 : i32
      %lt3A_947 = arith.cmpi slt, %select_n3A_937, %lt3A_946 : i32
      %ne3A_948 = vector.broadcast %lt3A_947 : i1 to vector<16xi1>
      %ne3A_949 = vector.broadcast %ne3A_948 : vector<16xi1> to vector<16xi1>
      %ne3A_950 = arith.xori %lt3A_945, %ne3A_949 : vector<16xi1>
      %and3A_951 = arith.andi %ne3A_950, %ne3A_942 : vector<16xi1>
      %add3A_952 = vector.broadcast %select_n3A_937 : i32 to vector<16xi32>
      %add3A_953 = arith.addi %rem3A_939, %add3A_952 : vector<16xi32>
      %select_n3A_954 = arith.select %and3A_951, %add3A_953, %rem3A_939 : vector<16xi1>, vector<16xi32>
      %add3A_955 = arith.constant 21 : i32
      %add3A_956 = vector.broadcast %add3A_955 : i32 to vector<16xi32>
      %add3A_957 = arith.addi %iota3A, %add3A_956 : vector<16xi32>
      %jit3A_958 = arith.constant 32 : i32
      %eq3A_959 = arith.constant 0 : i32
      %eq3A_960 = arith.cmpi eq, %jit3A_958, %eq3A_959 : i32
      %jit3A_961 = arith.constant 1 : i32
      %select_n3A_962 = arith.select %eq3A_960, %jit3A_961, %jit3A_958 : i32
      %rem3A_963 = vector.broadcast %select_n3A_962 : i32 to vector<16xi32>
      %rem3A_964 = arith.remsi %add3A_957, %rem3A_963 : vector<16xi32>
      %ne3A_965 = arith.constant 0 : i32
      %ne3A_966 = vector.broadcast %ne3A_965 : i32 to vector<16xi32>
      %ne3A_967 = arith.cmpi ne, %rem3A_964, %ne3A_966 : vector<16xi32>
      %lt3A_968 = arith.constant 0 : i32
      %lt3A_969 = vector.broadcast %lt3A_968 : i32 to vector<16xi32>
      %lt3A_970 = arith.cmpi slt, %rem3A_964, %lt3A_969 : vector<16xi32>
      %lt3A_971 = arith.constant 0 : i32
      %lt3A_972 = arith.cmpi slt, %select_n3A_962, %lt3A_971 : i32
      %ne3A_973 = vector.broadcast %lt3A_972 : i1 to vector<16xi1>
      %ne3A_974 = vector.broadcast %ne3A_973 : vector<16xi1> to vector<16xi1>
      %ne3A_975 = arith.xori %lt3A_970, %ne3A_974 : vector<16xi1>
      %and3A_976 = arith.andi %ne3A_975, %ne3A_967 : vector<16xi1>
      %add3A_977 = vector.broadcast %select_n3A_962 : i32 to vector<16xi32>
      %add3A_978 = arith.addi %rem3A_964, %add3A_977 : vector<16xi32>
      %select_n3A_979 = arith.select %and3A_976, %add3A_978, %rem3A_964 : vector<16xi1>, vector<16xi32>
      %add3A_980 = arith.constant 22 : i32
      %add3A_981 = vector.broadcast %add3A_980 : i32 to vector<16xi32>
      %add3A_982 = arith.addi %iota3A, %add3A_981 : vector<16xi32>
      %jit3A_983 = arith.constant 32 : i32
      %eq3A_984 = arith.constant 0 : i32
      %eq3A_985 = arith.cmpi eq, %jit3A_983, %eq3A_984 : i32
      %jit3A_986 = arith.constant 1 : i32
      %select_n3A_987 = arith.select %eq3A_985, %jit3A_986, %jit3A_983 : i32
      %rem3A_988 = vector.broadcast %select_n3A_987 : i32 to vector<16xi32>
      %rem3A_989 = arith.remsi %add3A_982, %rem3A_988 : vector<16xi32>
      %ne3A_990 = arith.constant 0 : i32
      %ne3A_991 = vector.broadcast %ne3A_990 : i32 to vector<16xi32>
      %ne3A_992 = arith.cmpi ne, %rem3A_989, %ne3A_991 : vector<16xi32>
      %lt3A_993 = arith.constant 0 : i32
      %lt3A_994 = vector.broadcast %lt3A_993 : i32 to vector<16xi32>
      %lt3A_995 = arith.cmpi slt, %rem3A_989, %lt3A_994 : vector<16xi32>
      %lt3A_996 = arith.constant 0 : i32
      %lt3A_997 = arith.cmpi slt, %select_n3A_987, %lt3A_996 : i32
      %ne3A_998 = vector.broadcast %lt3A_997 : i1 to vector<16xi1>
      %ne3A_999 = vector.broadcast %ne3A_998 : vector<16xi1> to vector<16xi1>
      %ne3A_1000 = arith.xori %lt3A_995, %ne3A_999 : vector<16xi1>
      %and3A_1001 = arith.andi %ne3A_1000, %ne3A_992 : vector<16xi1>
      %add3A_1002 = vector.broadcast %select_n3A_987 : i32 to vector<16xi32>
      %add3A_1003 = arith.addi %rem3A_989, %add3A_1002 : vector<16xi32>
      %select_n3A_1004 = arith.select %and3A_1001, %add3A_1003, %rem3A_989 : vector<16xi1>, vector<16xi32>
      %add3A_1005 = arith.constant 23 : i32
      %add3A_1006 = vector.broadcast %add3A_1005 : i32 to vector<16xi32>
      %add3A_1007 = arith.addi %iota3A, %add3A_1006 : vector<16xi32>
      %jit3A_1008 = arith.constant 32 : i32
      %eq3A_1009 = arith.constant 0 : i32
      %eq3A_1010 = arith.cmpi eq, %jit3A_1008, %eq3A_1009 : i32
      %jit3A_1011 = arith.constant 1 : i32
      %select_n3A_1012 = arith.select %eq3A_1010, %jit3A_1011, %jit3A_1008 : i32
      %rem3A_1013 = vector.broadcast %select_n3A_1012 : i32 to vector<16xi32>
      %rem3A_1014 = arith.remsi %add3A_1007, %rem3A_1013 : vector<16xi32>
      %ne3A_1015 = arith.constant 0 : i32
      %ne3A_1016 = vector.broadcast %ne3A_1015 : i32 to vector<16xi32>
      %ne3A_1017 = arith.cmpi ne, %rem3A_1014, %ne3A_1016 : vector<16xi32>
      %lt3A_1018 = arith.constant 0 : i32
      %lt3A_1019 = vector.broadcast %lt3A_1018 : i32 to vector<16xi32>
      %lt3A_1020 = arith.cmpi slt, %rem3A_1014, %lt3A_1019 : vector<16xi32>
      %lt3A_1021 = arith.constant 0 : i32
      %lt3A_1022 = arith.cmpi slt, %select_n3A_1012, %lt3A_1021 : i32
      %ne3A_1023 = vector.broadcast %lt3A_1022 : i1 to vector<16xi1>
      %ne3A_1024 = vector.broadcast %ne3A_1023 : vector<16xi1> to vector<16xi1>
      %ne3A_1025 = arith.xori %lt3A_1020, %ne3A_1024 : vector<16xi1>
      %and3A_1026 = arith.andi %ne3A_1025, %ne3A_1017 : vector<16xi1>
      %add3A_1027 = vector.broadcast %select_n3A_1012 : i32 to vector<16xi32>
      %add3A_1028 = arith.addi %rem3A_1014, %add3A_1027 : vector<16xi32>
      %select_n3A_1029 = arith.select %and3A_1026, %add3A_1028, %rem3A_1014 : vector<16xi1>, vector<16xi32>
      %add3A_1030 = arith.constant 24 : i32
      %add3A_1031 = vector.broadcast %add3A_1030 : i32 to vector<16xi32>
      %add3A_1032 = arith.addi %iota3A, %add3A_1031 : vector<16xi32>
      %jit3A_1033 = arith.constant 32 : i32
      %eq3A_1034 = arith.constant 0 : i32
      %eq3A_1035 = arith.cmpi eq, %jit3A_1033, %eq3A_1034 : i32
      %jit3A_1036 = arith.constant 1 : i32
      %select_n3A_1037 = arith.select %eq3A_1035, %jit3A_1036, %jit3A_1033 : i32
      %rem3A_1038 = vector.broadcast %select_n3A_1037 : i32 to vector<16xi32>
      %rem3A_1039 = arith.remsi %add3A_1032, %rem3A_1038 : vector<16xi32>
      %ne3A_1040 = arith.constant 0 : i32
      %ne3A_1041 = vector.broadcast %ne3A_1040 : i32 to vector<16xi32>
      %ne3A_1042 = arith.cmpi ne, %rem3A_1039, %ne3A_1041 : vector<16xi32>
      %lt3A_1043 = arith.constant 0 : i32
      %lt3A_1044 = vector.broadcast %lt3A_1043 : i32 to vector<16xi32>
      %lt3A_1045 = arith.cmpi slt, %rem3A_1039, %lt3A_1044 : vector<16xi32>
      %lt3A_1046 = arith.constant 0 : i32
      %lt3A_1047 = arith.cmpi slt, %select_n3A_1037, %lt3A_1046 : i32
      %ne3A_1048 = vector.broadcast %lt3A_1047 : i1 to vector<16xi1>
      %ne3A_1049 = vector.broadcast %ne3A_1048 : vector<16xi1> to vector<16xi1>
      %ne3A_1050 = arith.xori %lt3A_1045, %ne3A_1049 : vector<16xi1>
      %and3A_1051 = arith.andi %ne3A_1050, %ne3A_1042 : vector<16xi1>
      %add3A_1052 = vector.broadcast %select_n3A_1037 : i32 to vector<16xi32>
      %add3A_1053 = arith.addi %rem3A_1039, %add3A_1052 : vector<16xi32>
      %select_n3A_1054 = arith.select %and3A_1051, %add3A_1053, %rem3A_1039 : vector<16xi1>, vector<16xi32>
      %add3A_1055 = arith.constant 25 : i32
      %add3A_1056 = vector.broadcast %add3A_1055 : i32 to vector<16xi32>
      %add3A_1057 = arith.addi %iota3A, %add3A_1056 : vector<16xi32>
      %jit3A_1058 = arith.constant 32 : i32
      %eq3A_1059 = arith.constant 0 : i32
      %eq3A_1060 = arith.cmpi eq, %jit3A_1058, %eq3A_1059 : i32
      %jit3A_1061 = arith.constant 1 : i32
      %select_n3A_1062 = arith.select %eq3A_1060, %jit3A_1061, %jit3A_1058 : i32
      %rem3A_1063 = vector.broadcast %select_n3A_1062 : i32 to vector<16xi32>
      %rem3A_1064 = arith.remsi %add3A_1057, %rem3A_1063 : vector<16xi32>
      %ne3A_1065 = arith.constant 0 : i32
      %ne3A_1066 = vector.broadcast %ne3A_1065 : i32 to vector<16xi32>
      %ne3A_1067 = arith.cmpi ne, %rem3A_1064, %ne3A_1066 : vector<16xi32>
      %lt3A_1068 = arith.constant 0 : i32
      %lt3A_1069 = vector.broadcast %lt3A_1068 : i32 to vector<16xi32>
      %lt3A_1070 = arith.cmpi slt, %rem3A_1064, %lt3A_1069 : vector<16xi32>
      %lt3A_1071 = arith.constant 0 : i32
      %lt3A_1072 = arith.cmpi slt, %select_n3A_1062, %lt3A_1071 : i32
      %ne3A_1073 = vector.broadcast %lt3A_1072 : i1 to vector<16xi1>
      %ne3A_1074 = vector.broadcast %ne3A_1073 : vector<16xi1> to vector<16xi1>
      %ne3A_1075 = arith.xori %lt3A_1070, %ne3A_1074 : vector<16xi1>
      %and3A_1076 = arith.andi %ne3A_1075, %ne3A_1067 : vector<16xi1>
      %add3A_1077 = vector.broadcast %select_n3A_1062 : i32 to vector<16xi32>
      %add3A_1078 = arith.addi %rem3A_1064, %add3A_1077 : vector<16xi32>
      %select_n3A_1079 = arith.select %and3A_1076, %add3A_1078, %rem3A_1064 : vector<16xi1>, vector<16xi32>
      %add3A_1080 = arith.constant 26 : i32
      %add3A_1081 = vector.broadcast %add3A_1080 : i32 to vector<16xi32>
      %add3A_1082 = arith.addi %iota3A, %add3A_1081 : vector<16xi32>
      %jit3A_1083 = arith.constant 32 : i32
      %eq3A_1084 = arith.constant 0 : i32
      %eq3A_1085 = arith.cmpi eq, %jit3A_1083, %eq3A_1084 : i32
      %jit3A_1086 = arith.constant 1 : i32
      %select_n3A_1087 = arith.select %eq3A_1085, %jit3A_1086, %jit3A_1083 : i32
      %rem3A_1088 = vector.broadcast %select_n3A_1087 : i32 to vector<16xi32>
      %rem3A_1089 = arith.remsi %add3A_1082, %rem3A_1088 : vector<16xi32>
      %ne3A_1090 = arith.constant 0 : i32
      %ne3A_1091 = vector.broadcast %ne3A_1090 : i32 to vector<16xi32>
      %ne3A_1092 = arith.cmpi ne, %rem3A_1089, %ne3A_1091 : vector<16xi32>
      %lt3A_1093 = arith.constant 0 : i32
      %lt3A_1094 = vector.broadcast %lt3A_1093 : i32 to vector<16xi32>
      %lt3A_1095 = arith.cmpi slt, %rem3A_1089, %lt3A_1094 : vector<16xi32>
      %lt3A_1096 = arith.constant 0 : i32
      %lt3A_1097 = arith.cmpi slt, %select_n3A_1087, %lt3A_1096 : i32
      %ne3A_1098 = vector.broadcast %lt3A_1097 : i1 to vector<16xi1>
      %ne3A_1099 = vector.broadcast %ne3A_1098 : vector<16xi1> to vector<16xi1>
      %ne3A_1100 = arith.xori %lt3A_1095, %ne3A_1099 : vector<16xi1>
      %and3A_1101 = arith.andi %ne3A_1100, %ne3A_1092 : vector<16xi1>
      %add3A_1102 = vector.broadcast %select_n3A_1087 : i32 to vector<16xi32>
      %add3A_1103 = arith.addi %rem3A_1089, %add3A_1102 : vector<16xi32>
      %select_n3A_1104 = arith.select %and3A_1101, %add3A_1103, %rem3A_1089 : vector<16xi1>, vector<16xi32>
      %add3A_1105 = arith.constant 27 : i32
      %add3A_1106 = vector.broadcast %add3A_1105 : i32 to vector<16xi32>
      %add3A_1107 = arith.addi %iota3A, %add3A_1106 : vector<16xi32>
      %jit3A_1108 = arith.constant 32 : i32
      %eq3A_1109 = arith.constant 0 : i32
      %eq3A_1110 = arith.cmpi eq, %jit3A_1108, %eq3A_1109 : i32
      %jit3A_1111 = arith.constant 1 : i32
      %select_n3A_1112 = arith.select %eq3A_1110, %jit3A_1111, %jit3A_1108 : i32
      %rem3A_1113 = vector.broadcast %select_n3A_1112 : i32 to vector<16xi32>
      %rem3A_1114 = arith.remsi %add3A_1107, %rem3A_1113 : vector<16xi32>
      %ne3A_1115 = arith.constant 0 : i32
      %ne3A_1116 = vector.broadcast %ne3A_1115 : i32 to vector<16xi32>
      %ne3A_1117 = arith.cmpi ne, %rem3A_1114, %ne3A_1116 : vector<16xi32>
      %lt3A_1118 = arith.constant 0 : i32
      %lt3A_1119 = vector.broadcast %lt3A_1118 : i32 to vector<16xi32>
      %lt3A_1120 = arith.cmpi slt, %rem3A_1114, %lt3A_1119 : vector<16xi32>
      %lt3A_1121 = arith.constant 0 : i32
      %lt3A_1122 = arith.cmpi slt, %select_n3A_1112, %lt3A_1121 : i32
      %ne3A_1123 = vector.broadcast %lt3A_1122 : i1 to vector<16xi1>
      %ne3A_1124 = vector.broadcast %ne3A_1123 : vector<16xi1> to vector<16xi1>
      %ne3A_1125 = arith.xori %lt3A_1120, %ne3A_1124 : vector<16xi1>
      %and3A_1126 = arith.andi %ne3A_1125, %ne3A_1117 : vector<16xi1>
      %add3A_1127 = vector.broadcast %select_n3A_1112 : i32 to vector<16xi32>
      %add3A_1128 = arith.addi %rem3A_1114, %add3A_1127 : vector<16xi32>
      %select_n3A_1129 = arith.select %and3A_1126, %add3A_1128, %rem3A_1114 : vector<16xi1>, vector<16xi32>
      %add3A_1130 = arith.constant 28 : i32
      %add3A_1131 = vector.broadcast %add3A_1130 : i32 to vector<16xi32>
      %add3A_1132 = arith.addi %iota3A, %add3A_1131 : vector<16xi32>
      %jit3A_1133 = arith.constant 32 : i32
      %eq3A_1134 = arith.constant 0 : i32
      %eq3A_1135 = arith.cmpi eq, %jit3A_1133, %eq3A_1134 : i32
      %jit3A_1136 = arith.constant 1 : i32
      %select_n3A_1137 = arith.select %eq3A_1135, %jit3A_1136, %jit3A_1133 : i32
      %rem3A_1138 = vector.broadcast %select_n3A_1137 : i32 to vector<16xi32>
      %rem3A_1139 = arith.remsi %add3A_1132, %rem3A_1138 : vector<16xi32>
      %ne3A_1140 = arith.constant 0 : i32
      %ne3A_1141 = vector.broadcast %ne3A_1140 : i32 to vector<16xi32>
      %ne3A_1142 = arith.cmpi ne, %rem3A_1139, %ne3A_1141 : vector<16xi32>
      %lt3A_1143 = arith.constant 0 : i32
      %lt3A_1144 = vector.broadcast %lt3A_1143 : i32 to vector<16xi32>
      %lt3A_1145 = arith.cmpi slt, %rem3A_1139, %lt3A_1144 : vector<16xi32>
      %lt3A_1146 = arith.constant 0 : i32
      %lt3A_1147 = arith.cmpi slt, %select_n3A_1137, %lt3A_1146 : i32
      %ne3A_1148 = vector.broadcast %lt3A_1147 : i1 to vector<16xi1>
      %ne3A_1149 = vector.broadcast %ne3A_1148 : vector<16xi1> to vector<16xi1>
      %ne3A_1150 = arith.xori %lt3A_1145, %ne3A_1149 : vector<16xi1>
      %and3A_1151 = arith.andi %ne3A_1150, %ne3A_1142 : vector<16xi1>
      %add3A_1152 = vector.broadcast %select_n3A_1137 : i32 to vector<16xi32>
      %add3A_1153 = arith.addi %rem3A_1139, %add3A_1152 : vector<16xi32>
      %select_n3A_1154 = arith.select %and3A_1151, %add3A_1153, %rem3A_1139 : vector<16xi1>, vector<16xi32>
      %add3A_1155 = arith.constant 29 : i32
      %add3A_1156 = vector.broadcast %add3A_1155 : i32 to vector<16xi32>
      %add3A_1157 = arith.addi %iota3A, %add3A_1156 : vector<16xi32>
      %jit3A_1158 = arith.constant 32 : i32
      %eq3A_1159 = arith.constant 0 : i32
      %eq3A_1160 = arith.cmpi eq, %jit3A_1158, %eq3A_1159 : i32
      %jit3A_1161 = arith.constant 1 : i32
      %select_n3A_1162 = arith.select %eq3A_1160, %jit3A_1161, %jit3A_1158 : i32
      %rem3A_1163 = vector.broadcast %select_n3A_1162 : i32 to vector<16xi32>
      %rem3A_1164 = arith.remsi %add3A_1157, %rem3A_1163 : vector<16xi32>
      %ne3A_1165 = arith.constant 0 : i32
      %ne3A_1166 = vector.broadcast %ne3A_1165 : i32 to vector<16xi32>
      %ne3A_1167 = arith.cmpi ne, %rem3A_1164, %ne3A_1166 : vector<16xi32>
      %lt3A_1168 = arith.constant 0 : i32
      %lt3A_1169 = vector.broadcast %lt3A_1168 : i32 to vector<16xi32>
      %lt3A_1170 = arith.cmpi slt, %rem3A_1164, %lt3A_1169 : vector<16xi32>
      %lt3A_1171 = arith.constant 0 : i32
      %lt3A_1172 = arith.cmpi slt, %select_n3A_1162, %lt3A_1171 : i32
      %ne3A_1173 = vector.broadcast %lt3A_1172 : i1 to vector<16xi1>
      %ne3A_1174 = vector.broadcast %ne3A_1173 : vector<16xi1> to vector<16xi1>
      %ne3A_1175 = arith.xori %lt3A_1170, %ne3A_1174 : vector<16xi1>
      %and3A_1176 = arith.andi %ne3A_1175, %ne3A_1167 : vector<16xi1>
      %add3A_1177 = vector.broadcast %select_n3A_1162 : i32 to vector<16xi32>
      %add3A_1178 = arith.addi %rem3A_1164, %add3A_1177 : vector<16xi32>
      %select_n3A_1179 = arith.select %and3A_1176, %add3A_1178, %rem3A_1164 : vector<16xi1>, vector<16xi32>
      %add3A_1180 = arith.constant 30 : i32
      %add3A_1181 = vector.broadcast %add3A_1180 : i32 to vector<16xi32>
      %add3A_1182 = arith.addi %iota3A, %add3A_1181 : vector<16xi32>
      %jit3A_1183 = arith.constant 32 : i32
      %eq3A_1184 = arith.constant 0 : i32
      %eq3A_1185 = arith.cmpi eq, %jit3A_1183, %eq3A_1184 : i32
      %jit3A_1186 = arith.constant 1 : i32
      %select_n3A_1187 = arith.select %eq3A_1185, %jit3A_1186, %jit3A_1183 : i32
      %rem3A_1188 = vector.broadcast %select_n3A_1187 : i32 to vector<16xi32>
      %rem3A_1189 = arith.remsi %add3A_1182, %rem3A_1188 : vector<16xi32>
      %ne3A_1190 = arith.constant 0 : i32
      %ne3A_1191 = vector.broadcast %ne3A_1190 : i32 to vector<16xi32>
      %ne3A_1192 = arith.cmpi ne, %rem3A_1189, %ne3A_1191 : vector<16xi32>
      %lt3A_1193 = arith.constant 0 : i32
      %lt3A_1194 = vector.broadcast %lt3A_1193 : i32 to vector<16xi32>
      %lt3A_1195 = arith.cmpi slt, %rem3A_1189, %lt3A_1194 : vector<16xi32>
      %lt3A_1196 = arith.constant 0 : i32
      %lt3A_1197 = arith.cmpi slt, %select_n3A_1187, %lt3A_1196 : i32
      %ne3A_1198 = vector.broadcast %lt3A_1197 : i1 to vector<16xi1>
      %ne3A_1199 = vector.broadcast %ne3A_1198 : vector<16xi1> to vector<16xi1>
      %ne3A_1200 = arith.xori %lt3A_1195, %ne3A_1199 : vector<16xi1>
      %and3A_1201 = arith.andi %ne3A_1200, %ne3A_1192 : vector<16xi1>
      %add3A_1202 = vector.broadcast %select_n3A_1187 : i32 to vector<16xi32>
      %add3A_1203 = arith.addi %rem3A_1189, %add3A_1202 : vector<16xi32>
      %select_n3A_1204 = arith.select %and3A_1201, %add3A_1203, %rem3A_1189 : vector<16xi1>, vector<16xi32>
      %add3A_1205 = arith.constant 31 : i32
      %add3A_1206 = vector.broadcast %add3A_1205 : i32 to vector<16xi32>
      %add3A_1207 = arith.addi %iota3A, %add3A_1206 : vector<16xi32>
      %jit3A_1208 = arith.constant 32 : i32
      %eq3A_1209 = arith.constant 0 : i32
      %eq3A_1210 = arith.cmpi eq, %jit3A_1208, %eq3A_1209 : i32
      %jit3A_1211 = arith.constant 1 : i32
      %select_n3A_1212 = arith.select %eq3A_1210, %jit3A_1211, %jit3A_1208 : i32
      %rem3A_1213 = vector.broadcast %select_n3A_1212 : i32 to vector<16xi32>
      %rem3A_1214 = arith.remsi %add3A_1207, %rem3A_1213 : vector<16xi32>
      %ne3A_1215 = arith.constant 0 : i32
      %ne3A_1216 = vector.broadcast %ne3A_1215 : i32 to vector<16xi32>
      %ne3A_1217 = arith.cmpi ne, %rem3A_1214, %ne3A_1216 : vector<16xi32>
      %lt3A_1218 = arith.constant 0 : i32
      %lt3A_1219 = vector.broadcast %lt3A_1218 : i32 to vector<16xi32>
      %lt3A_1220 = arith.cmpi slt, %rem3A_1214, %lt3A_1219 : vector<16xi32>
      %lt3A_1221 = arith.constant 0 : i32
      %lt3A_1222 = arith.cmpi slt, %select_n3A_1212, %lt3A_1221 : i32
      %ne3A_1223 = vector.broadcast %lt3A_1222 : i1 to vector<16xi1>
      %ne3A_1224 = vector.broadcast %ne3A_1223 : vector<16xi1> to vector<16xi1>
      %ne3A_1225 = arith.xori %lt3A_1220, %ne3A_1224 : vector<16xi1>
      %and3A_1226 = arith.andi %ne3A_1225, %ne3A_1217 : vector<16xi1>
      %add3A_1227 = vector.broadcast %select_n3A_1212 : i32 to vector<16xi32>
      %add3A_1228 = arith.addi %rem3A_1214, %add3A_1227 : vector<16xi32>
      %select_n3A_1229 = arith.select %and3A_1226, %add3A_1228, %rem3A_1214 : vector<16xi1>, vector<16xi32>
      %scan3A_1230 = arith.constant 0 : i32
      %scan3A_1231 = arith.constant 32 : i32
      %scan3A_1232 = arith.addi %scan3A_1230, %scan3A_1231 : i32
      %scan3A_1233 = arith.constant 1 : i32
      %scan3A_1234 = scf.for %scan3A_2412 = %scan3A_1230 to %scan3A_1232 step %scan3A_1233 iter_args(%scan3A_2413 = %iota3A) -> (vector<16xi32>)  : i32 {
        %gather3A = tpu.vector_load_idx %arg6[%scan3A_2413, %select_n3A_454] : memref<512x32xf32, #tpu.memory_space<vmem>>[vector<16xi32>, vector<16xi32>], vector<16xf32>,
        tpu.vector_store_idx %arg8[%select_n3A_454, %scan3A_2413], %gather3A : memref<32x512xf32, #tpu.memory_space<vmem>>[vector<16xi32>, vector<16xi32>], vector<16xf32>,
        %gather3A_2414 = tpu.vector_load_idx %arg6[%scan3A_2413, %select_n3A_479] : memref<512x32xf32, #tpu.memory_space<vmem>>[vector<16xi32>, vector<16xi32>], vector<16xf32>,
        tpu.vector_store_idx %arg8[%select_n3A_479, %scan3A_2413], %gather3A_2414 : memref<32x512xf32, #tpu.memory_space<vmem>>[vector<16xi32>, vector<16xi32>], vector<16xf32>,
        %gather3A_2415 = tpu.vector_load_idx %arg6[%scan3A_2413, %select_n3A_504] : memref<512x32xf32, #tpu.memory_space<vmem>>[vector<16xi32>, vector<16xi32>], vector<16xf32>,
        tpu.vector_store_idx %arg8[%select_n3A_504, %scan3A_2413], %gather3A_2415 : memref<32x512xf32, #tpu.memory_space<vmem>>[vector<16xi32>, vector<16xi32>], vector<16xf32>,
        %gather3A_2416 = tpu.vector_load_idx %arg6[%scan3A_2413, %select_n3A_529] : memref<512x32xf32, #tpu.memory_space<vmem>>[vector<16xi32>, vector<16xi32>], vector<16xf32>,
        tpu.vector_store_idx %arg8[%select_n3A_529, %scan3A_2413], %gather3A_2416 : memref<32x512xf32, #tpu.memory_space<vmem>>[vector<16xi32>, vector<16xi32>], vector<16xf32>,
        %gather3A_2417 = tpu.vector_load_idx %arg6[%scan3A_2413, %select_n3A_554] : memref<512x32xf32, #tpu.memory_space<vmem>>[vector<16xi32>, vector<16xi32>], vector<16xf32>,
        tpu.vector_store_idx %arg8[%select_n3A_554, %scan3A_2413], %gather3A_2417 : memref<32x512xf32, #tpu.memory_space<vmem>>[vector<16xi32>, vector<16xi32>], vector<16xf32>,
        %gather3A_2418 = tpu.vector_load_idx %arg6[%scan3A_2413, %select_n3A_579] : memref<512x32xf32, #tpu.memory_space<vmem>>[vector<16xi32>, vector<16xi32>], vector<16xf32>,
        tpu.vector_store_idx %arg8[%select_n3A_579, %scan3A_2413], %gather3A_2418 : memref<32x512xf32, #tpu.memory_space<vmem>>[vector<16xi32>, vector<16xi32>], vector<16xf32>,
        %gather3A_2419 = tpu.vector_load_idx %arg6[%scan3A_2413, %select_n3A_604] : memref<512x32xf32, #tpu.memory_space<vmem>>[vector<16xi32>, vector<16xi32>], vector<16xf32>,
        tpu.vector_store_idx %arg8[%select_n3A_604, %scan3A_2413], %gather3A_2419 : memref<32x512xf32, #tpu.memory_space<vmem>>[vector<16xi32>, vector<16xi32>], vector<16xf32>,
        %gather3A_2420 = tpu.vector_load_idx %arg6[%scan3A_2413, %select_n3A_629] : memref<512x32xf32, #tpu.memory_space<vmem>>[vector<16xi32>, vector<16xi32>], vector<16xf32>,
        tpu.vector_store_idx %arg8[%select_n3A_629, %scan3A_2413], %gather3A_2420 : memref<32x512xf32, #tpu.memory_space<vmem>>[vector<16xi32>, vector<16xi32>], vector<16xf32>,
        %gather3A_2421 = tpu.vector_load_idx %arg6[%scan3A_2413, %select_n3A_654] : memref<512x32xf32, #tpu.memory_space<vmem>>[vector<16xi32>, vector<16xi32>], vector<16xf32>,
        tpu.vector_store_idx %arg8[%select_n3A_654, %scan3A_2413], %gather3A_2421 : memref<32x512xf32, #tpu.memory_space<vmem>>[vector<16xi32>, vector<16xi32>], vector<16xf32>,
        %gather3A_2422 = tpu.vector_load_idx %arg6[%scan3A_2413, %select_n3A_679] : memref<512x32xf32, #tpu.memory_space<vmem>>[vector<16xi32>, vector<16xi32>], vector<16xf32>,
        tpu.vector_store_idx %arg8[%select_n3A_679, %scan3A_2413], %gather3A_2422 : memref<32x512xf32, #tpu.memory_space<vmem>>[vector<16xi32>, vector<16xi32>], vector<16xf32>,
        %gather3A_2423 = tpu.vector_load_idx %arg6[%scan3A_2413, %select_n3A_704] : memref<512x32xf32, #tpu.memory_space<vmem>>[vector<16xi32>, vector<16xi32>], vector<16xf32>,
        tpu.vector_store_idx %arg8[%select_n3A_704, %scan3A_2413], %gather3A_2423 : memref<32x512xf32, #tpu.memory_space<vmem>>[vector<16xi32>, vector<16xi32>], vector<16xf32>,
        %gather3A_2424 = tpu.vector_load_idx %arg6[%scan3A_2413, %select_n3A_729] : memref<512x32xf32, #tpu.memory_space<vmem>>[vector<16xi32>, vector<16xi32>], vector<16xf32>,
        tpu.vector_store_idx %arg8[%select_n3A_729, %scan3A_2413], %gather3A_2424 : memref<32x512xf32, #tpu.memory_space<vmem>>[vector<16xi32>, vector<16xi32>], vector<16xf32>,
        %gather3A_2425 = tpu.vector_load_idx %arg6[%scan3A_2413, %select_n3A_754] : memref<512x32xf32, #tpu.memory_space<vmem>>[vector<16xi32>, vector<16xi32>], vector<16xf32>,
        tpu.vector_store_idx %arg8[%select_n3A_754, %scan3A_2413], %gather3A_2425 : memref<32x512xf32, #tpu.memory_space<vmem>>[vector<16xi32>, vector<16xi32>], vector<16xf32>,
        %gather3A_2426 = tpu.vector_load_idx %arg6[%scan3A_2413, %select_n3A_779] : memref<512x32xf32, #tpu.memory_space<vmem>>[vector<16xi32>, vector<16xi32>], vector<16xf32>,
        tpu.vector_store_idx %arg8[%select_n3A_779, %scan3A_2413], %gather3A_2426 : memref<32x512xf32, #tpu.memory_space<vmem>>[vector<16xi32>, vector<16xi32>], vector<16xf32>,
        %gather3A_2427 = tpu.vector_load_idx %arg6[%scan3A_2413, %select_n3A_804] : memref<512x32xf32, #tpu.memory_space<vmem>>[vector<16xi32>, vector<16xi32>], vector<16xf32>,
        tpu.vector_store_idx %arg8[%select_n3A_804, %scan3A_2413], %gather3A_2427 : memref<32x512xf32, #tpu.memory_space<vmem>>[vector<16xi32>, vector<16xi32>], vector<16xf32>,
        %gather3A_2428 = tpu.vector_load_idx %arg6[%scan3A_2413, %select_n3A_829] : memref<512x32xf32, #tpu.memory_space<vmem>>[vector<16xi32>, vector<16xi32>], vector<16xf32>,
        tpu.vector_store_idx %arg8[%select_n3A_829, %scan3A_2413], %gather3A_2428 : memref<32x512xf32, #tpu.memory_space<vmem>>[vector<16xi32>, vector<16xi32>], vector<16xf32>,
        %gather3A_2429 = tpu.vector_load_idx %arg6[%scan3A_2413, %select_n3A_854] : memref<512x32xf32, #tpu.memory_space<vmem>>[vector<16xi32>, vector<16xi32>], vector<16xf32>,
        tpu.vector_store_idx %arg8[%select_n3A_854, %scan3A_2413], %gather3A_2429 : memref<32x512xf32, #tpu.memory_space<vmem>>[vector<16xi32>, vector<16xi32>], vector<16xf32>,
        %gather3A_2430 = tpu.vector_load_idx %arg6[%scan3A_2413, %select_n3A_879] : memref<512x32xf32, #tpu.memory_space<vmem>>[vector<16xi32>, vector<16xi32>], vector<16xf32>,
        tpu.vector_store_idx %arg8[%select_n3A_879, %scan3A_2413], %gather3A_2430 : memref<32x512xf32, #tpu.memory_space<vmem>>[vector<16xi32>, vector<16xi32>], vector<16xf32>,
        %gather3A_2431 = tpu.vector_load_idx %arg6[%scan3A_2413, %select_n3A_904] : memref<512x32xf32, #tpu.memory_space<vmem>>[vector<16xi32>, vector<16xi32>], vector<16xf32>,
        tpu.vector_store_idx %arg8[%select_n3A_904, %scan3A_2413], %gather3A_2431 : memref<32x512xf32, #tpu.memory_space<vmem>>[vector<16xi32>, vector<16xi32>], vector<16xf32>,
        %gather3A_2432 = tpu.vector_load_idx %arg6[%scan3A_2413, %select_n3A_929] : memref<512x32xf32, #tpu.memory_space<vmem>>[vector<16xi32>, vector<16xi32>], vector<16xf32>,
        tpu.vector_store_idx %arg8[%select_n3A_929, %scan3A_2413], %gather3A_2432 : memref<32x512xf32, #tpu.memory_space<vmem>>[vector<16xi32>, vector<16xi32>], vector<16xf32>,
        %gather3A_2433 = tpu.vector_load_idx %arg6[%scan3A_2413, %select_n3A_954] : memref<512x32xf32, #tpu.memory_space<vmem>>[vector<16xi32>, vector<16xi32>], vector<16xf32>,
        tpu.vector_store_idx %arg8[%select_n3A_954, %scan3A_2413], %gather3A_2433 : memref<32x512xf32, #tpu.memory_space<vmem>>[vector<16xi32>, vector<16xi32>], vector<16xf32>,
        %gather3A_2434 = tpu.vector_load_idx %arg6[%scan3A_2413, %select_n3A_979] : memref<512x32xf32, #tpu.memory_space<vmem>>[vector<16xi32>, vector<16xi32>], vector<16xf32>,
        tpu.vector_store_idx %arg8[%select_n3A_979, %scan3A_2413], %gather3A_2434 : memref<32x512xf32, #tpu.memory_space<vmem>>[vector<16xi32>, vector<16xi32>], vector<16xf32>,
        %gather3A_2435 = tpu.vector_load_idx %arg6[%scan3A_2413, %select_n3A_1004] : memref<512x32xf32, #tpu.memory_space<vmem>>[vector<16xi32>, vector<16xi32>], vector<16xf32>,
        tpu.vector_store_idx %arg8[%select_n3A_1004, %scan3A_2413], %gather3A_2435 : memref<32x512xf32, #tpu.memory_space<vmem>>[vector<16xi32>, vector<16xi32>], vector<16xf32>,
        %gather3A_2436 = tpu.vector_load_idx %arg6[%scan3A_2413, %select_n3A_1029] : memref<512x32xf32, #tpu.memory_space<vmem>>[vector<16xi32>, vector<16xi32>], vector<16xf32>,
        tpu.vector_store_idx %arg8[%select_n3A_1029, %scan3A_2413], %gather3A_2436 : memref<32x512xf32, #tpu.memory_space<vmem>>[vector<16xi32>, vector<16xi32>], vector<16xf32>,
        %gather3A_2437 = tpu.vector_load_idx %arg6[%scan3A_2413, %select_n3A_1054] : memref<512x32xf32, #tpu.memory_space<vmem>>[vector<16xi32>, vector<16xi32>], vector<16xf32>,
        tpu.vector_store_idx %arg8[%select_n3A_1054, %scan3A_2413], %gather3A_2437 : memref<32x512xf32, #tpu.memory_space<vmem>>[vector<16xi32>, vector<16xi32>], vector<16xf32>,
        %gather3A_2438 = tpu.vector_load_idx %arg6[%scan3A_2413, %select_n3A_1079] : memref<512x32xf32, #tpu.memory_space<vmem>>[vector<16xi32>, vector<16xi32>], vector<16xf32>,
        tpu.vector_store_idx %arg8[%select_n3A_1079, %scan3A_2413], %gather3A_2438 : memref<32x512xf32, #tpu.memory_space<vmem>>[vector<16xi32>, vector<16xi32>], vector<16xf32>,
        %gather3A_2439 = tpu.vector_load_idx %arg6[%scan3A_2413, %select_n3A_1104] : memref<512x32xf32, #tpu.memory_space<vmem>>[vector<16xi32>, vector<16xi32>], vector<16xf32>,
        tpu.vector_store_idx %arg8[%select_n3A_1104, %scan3A_2413], %gather3A_2439 : memref<32x512xf32, #tpu.memory_space<vmem>>[vector<16xi32>, vector<16xi32>], vector<16xf32>,
        %gather3A_2440 = tpu.vector_load_idx %arg6[%scan3A_2413, %select_n3A_1129] : memref<512x32xf32, #tpu.memory_space<vmem>>[vector<16xi32>, vector<16xi32>], vector<16xf32>,
        tpu.vector_store_idx %arg8[%select_n3A_1129, %scan3A_2413], %gather3A_2440 : memref<32x512xf32, #tpu.memory_space<vmem>>[vector<16xi32>, vector<16xi32>], vector<16xf32>,
        %gather3A_2441 = tpu.vector_load_idx %arg6[%scan3A_2413, %select_n3A_1154] : memref<512x32xf32, #tpu.memory_space<vmem>>[vector<16xi32>, vector<16xi32>], vector<16xf32>,
        tpu.vector_store_idx %arg8[%select_n3A_1154, %scan3A_2413], %gather3A_2441 : memref<32x512xf32, #tpu.memory_space<vmem>>[vector<16xi32>, vector<16xi32>], vector<16xf32>,
        %gather3A_2442 = tpu.vector_load_idx %arg6[%scan3A_2413, %select_n3A_1179] : memref<512x32xf32, #tpu.memory_space<vmem>>[vector<16xi32>, vector<16xi32>], vector<16xf32>,
        tpu.vector_store_idx %arg8[%select_n3A_1179, %scan3A_2413], %gather3A_2442 : memref<32x512xf32, #tpu.memory_space<vmem>>[vector<16xi32>, vector<16xi32>], vector<16xf32>,
        %gather3A_2443 = tpu.vector_load_idx %arg6[%scan3A_2413, %select_n3A_1204] : memref<512x32xf32, #tpu.memory_space<vmem>>[vector<16xi32>, vector<16xi32>], vector<16xf32>,
        tpu.vector_store_idx %arg8[%select_n3A_1204, %scan3A_2413], %gather3A_2443 : memref<32x512xf32, #tpu.memory_space<vmem>>[vector<16xi32>, vector<16xi32>], vector<16xf32>,
        %gather3A_2444 = tpu.vector_load_idx %arg6[%scan3A_2413, %select_n3A_1229] : memref<512x32xf32, #tpu.memory_space<vmem>>[vector<16xi32>, vector<16xi32>], vector<16xf32>,
        tpu.vector_store_idx %arg8[%select_n3A_1229, %scan3A_2413], %gather3A_2444 : memref<32x512xf32, #tpu.memory_space<vmem>>[vector<16xi32>, vector<16xi32>], vector<16xf32>,
        %add3A_2445 = arith.constant 16 : i32
        %add3A_2446 = vector.broadcast %add3A_2445 : i32 to vector<16xi32>
        %add3A_2447 = arith.addi %scan3A_2413, %add3A_2446 : vector<16xi32>
        scf.yield %add3A_2447 : vector<16xi32>
      }
      %scan3A_1235 = arith.constant 32 : i32
      %dma_start3A_1236 = arith.constant 0 : i32
      %dma_start3A_1237 = tpu.memref_slice %arg4[%mul3A_55, %dma_start3A_1236, %mul3A_2] : memref<50x32x16384xf32, #tpu.memory_space<hbm>> -> memref<1x32x512xf32, #tpu.memory_space<hbm>>
      %dma_start3A_1238 = tpu.memref_squeeze %dma_start3A_1237 : memref<1x32x512xf32, #tpu.memory_space<hbm>> -> memref<32x512xf32, #tpu.memory_space<hbm>>
      %dma_start3A_1239 = arith.constant 0 : i32
      %dma_start3A_1240 = tpu.memref_slice %arg4[%mul3A_55, %dma_start3A_1239, %mul3A_2] : memref<50x32x16384xf32, #tpu.memory_space<hbm>> -> memref<1x32x512xf32, #tpu.memory_space<hbm>>
      %dma_start3A_1241 = tpu.memref_squeeze %dma_start3A_1240 : memref<1x32x512xf32, #tpu.memory_space<hbm>> -> memref<32x512xf32, #tpu.memory_space<hbm>>
      tpu.enqueue_dma source(%arg8 : memref<32x512xf32, #tpu.memory_space<vmem>>) target(%dma_start3A_1241 : memref<32x512xf32, #tpu.memory_space<hbm>>) target_semaphore(%arg12 : memref<!tpu.dma_semaphore, #tpu.memory_space<semaphore_mem>>)
      %dma_wait3A_1242 = arith.constant 0 : i32
      %dma_wait3A_1243 = arith.constant 0 : i32
      %dma_wait3A_1244 = tpu.memref_slice %arg7[%dma_wait3A_1242, %dma_wait3A_1243] : memref<512x32xf32, #tpu.memory_space<vmem>> -> memref<128x32xf32, #tpu.memory_space<vmem>>
      %dma_wait3A_1245 = arith.constant 0 : i32
      %dma_wait3A_1246 = tpu.memref_slice %arg5[%add3A_57, %dma_wait3A_1245] : memref<50x512xi32, #tpu.memory_space<vmem>> -> memref<1x128xi32, #tpu.memory_space<vmem>>
      %dma_wait3A_1247 = tpu.memref_squeeze %dma_wait3A_1246 : memref<1x128xi32, #tpu.memory_space<vmem>> -> memref<128xi32, #tpu.memory_space<vmem>>
      %dma_wait3A_1248 = arith.constant 0 : i32
      %dma_wait3A_1249 = arith.constant 0 : i32
      %dma_wait3A_1250 = tpu.memref_slice %arg3[%dma_wait3A_1248, %dma_wait3A_1249] : memref<1000000x32xf32, #tpu.memory_space<hbm>> -> memref<1000000x32xf32, #tpu.memory_space<hbm>>
      tpu.wait_indirect_dma semaphore(%arg11 : memref<!tpu.dma_semaphore, #tpu.memory_space<semaphore_mem>>) src(%dma_wait3A_1250 : memref<1000000x32xf32, #tpu.memory_space<hbm>>) dst(%dma_wait3A_1244 : memref<128x32xf32, #tpu.memory_space<vmem>>)
      %dma_wait3A_1251 = arith.constant 128 : i32
      %dma_wait3A_1252 = arith.constant 0 : i32
      %dma_wait3A_1253 = tpu.memref_slice %arg7[%dma_wait3A_1251, %dma_wait3A_1252] : memref<512x32xf32, #tpu.memory_space<vmem>> -> memref<128x32xf32, #tpu.memory_space<vmem>>
      %dma_wait3A_1254 = arith.constant 128 : i32
      %dma_wait3A_1255 = tpu.memref_slice %arg5[%add3A_57, %dma_wait3A_1254] : memref<50x512xi32, #tpu.memory_space<vmem>> -> memref<1x128xi32, #tpu.memory_space<vmem>>
      %dma_wait3A_1256 = tpu.memref_squeeze %dma_wait3A_1255 : memref<1x128xi32, #tpu.memory_space<vmem>> -> memref<128xi32, #tpu.memory_space<vmem>>
      %dma_wait3A_1257 = arith.constant 0 : i32
      %dma_wait3A_1258 = arith.constant 0 : i32
      %dma_wait3A_1259 = tpu.memref_slice %arg3[%dma_wait3A_1257, %dma_wait3A_1258] : memref<1000000x32xf32, #tpu.memory_space<hbm>> -> memref<1000000x32xf32, #tpu.memory_space<hbm>>
      tpu.wait_indirect_dma semaphore(%arg11 : memref<!tpu.dma_semaphore, #tpu.memory_space<semaphore_mem>>) src(%dma_wait3A_1259 : memref<1000000x32xf32, #tpu.memory_space<hbm>>) dst(%dma_wait3A_1253 : memref<128x32xf32, #tpu.memory_space<vmem>>)
      %dma_wait3A_1260 = arith.constant 256 : i32
      %dma_wait3A_1261 = arith.constant 0 : i32
      %dma_wait3A_1262 = tpu.memref_slice %arg7[%dma_wait3A_1260, %dma_wait3A_1261] : memref<512x32xf32, #tpu.memory_space<vmem>> -> memref<128x32xf32, #tpu.memory_space<vmem>>
      %dma_wait3A_1263 = arith.constant 256 : i32
      %dma_wait3A_1264 = tpu.memref_slice %arg5[%add3A_57, %dma_wait3A_1263] : memref<50x512xi32, #tpu.memory_space<vmem>> -> memref<1x128xi32, #tpu.memory_space<vmem>>
      %dma_wait3A_1265 = tpu.memref_squeeze %dma_wait3A_1264 : memref<1x128xi32, #tpu.memory_space<vmem>> -> memref<128xi32, #tpu.memory_space<vmem>>
      %dma_wait3A_1266 = arith.constant 0 : i32
      %dma_wait3A_1267 = arith.constant 0 : i32
      %dma_wait3A_1268 = tpu.memref_slice %arg3[%dma_wait3A_1266, %dma_wait3A_1267] : memref<1000000x32xf32, #tpu.memory_space<hbm>> -> memref<1000000x32xf32, #tpu.memory_space<hbm>>
      tpu.wait_indirect_dma semaphore(%arg11 : memref<!tpu.dma_semaphore, #tpu.memory_space<semaphore_mem>>) src(%dma_wait3A_1268 : memref<1000000x32xf32, #tpu.memory_space<hbm>>) dst(%dma_wait3A_1262 : memref<128x32xf32, #tpu.memory_space<vmem>>)
      %dma_wait3A_1269 = arith.constant 384 : i32
      %dma_wait3A_1270 = arith.constant 0 : i32
      %dma_wait3A_1271 = tpu.memref_slice %arg7[%dma_wait3A_1269, %dma_wait3A_1270] : memref<512x32xf32, #tpu.memory_space<vmem>> -> memref<128x32xf32, #tpu.memory_space<vmem>>
      %dma_wait3A_1272 = arith.constant 384 : i32
      %dma_wait3A_1273 = tpu.memref_slice %arg5[%add3A_57, %dma_wait3A_1272] : memref<50x512xi32, #tpu.memory_space<vmem>> -> memref<1x128xi32, #tpu.memory_space<vmem>>
      %dma_wait3A_1274 = tpu.memref_squeeze %dma_wait3A_1273 : memref<1x128xi32, #tpu.memory_space<vmem>> -> memref<128xi32, #tpu.memory_space<vmem>>
      %dma_wait3A_1275 = arith.constant 0 : i32
      %dma_wait3A_1276 = arith.constant 0 : i32
      %dma_wait3A_1277 = tpu.memref_slice %arg3[%dma_wait3A_1275, %dma_wait3A_1276] : memref<1000000x32xf32, #tpu.memory_space<hbm>> -> memref<1000000x32xf32, #tpu.memory_space<hbm>>
      tpu.wait_indirect_dma semaphore(%arg11 : memref<!tpu.dma_semaphore, #tpu.memory_space<semaphore_mem>>) src(%dma_wait3A_1277 : memref<1000000x32xf32, #tpu.memory_space<hbm>>) dst(%dma_wait3A_1271 : memref<128x32xf32, #tpu.memory_space<vmem>>)
      %broadcast_in_dim3A_1278 = arith.constant 0 : i32
      %broadcast_in_dim3A_1279 = vector.broadcast %broadcast_in_dim3A_1278 : i32 to vector<16xi32>
      %get3A_1280 = arith.index_cast %add3A_57 : i32 to index
      %get3A_1281 = arith.constant 0 : index
      %get3A_1282 = tpu.vector_load %arg5[%get3A_1280, %get3A_1281] {strides = array<i32>} : memref<50x512xi32, #tpu.memory_space<vmem>>, vector<16xi32>,
      %eq3A_1283 = arith.constant 0 : i32
      %eq3A_1284 = vector.broadcast %eq3A_1283 : i32 to vector<16xi32>
      %eq3A_1285 = arith.cmpi eq, %get3A_1282, %eq3A_1284 : vector<16xi32>
      %convert_element_type3A_1286 = arith.extui %eq3A_1285 : vector<16xi1> to vector<16xi32>
      %or3A_1287 = arith.ori %broadcast_in_dim3A_1279, %convert_element_type3A_1286 : vector<16xi32>
      %get3A_1288 = arith.index_cast %add3A_57 : i32 to index
      %get3A_1289 = arith.constant 16 : index
      %get3A_1290 = tpu.vector_load %arg5[%get3A_1288, %get3A_1289] {strides = array<i32>} : memref<50x512xi32, #tpu.memory_space<vmem>>, vector<16xi32>,
      %eq3A_1291 = arith.constant 0 : i32
      %eq3A_1292 = vector.broadcast %eq3A_1291 : i32 to vector<16xi32>
      %eq3A_1293 = arith.cmpi eq, %get3A_1290, %eq3A_1292 : vector<16xi32>
      %convert_element_type3A_1294 = arith.extui %eq3A_1293 : vector<16xi1> to vector<16xi32>
      %or3A_1295 = arith.ori %or3A_1287, %convert_element_type3A_1294 : vector<16xi32>
      %get3A_1296 = arith.index_cast %add3A_57 : i32 to index
      %get3A_1297 = arith.constant 32 : index
      %get3A_1298 = tpu.vector_load %arg5[%get3A_1296, %get3A_1297] {strides = array<i32>} : memref<50x512xi32, #tpu.memory_space<vmem>>, vector<16xi32>,
      %eq3A_1299 = arith.constant 0 : i32
      %eq3A_1300 = vector.broadcast %eq3A_1299 : i32 to vector<16xi32>
      %eq3A_1301 = arith.cmpi eq, %get3A_1298, %eq3A_1300 : vector<16xi32>
      %convert_element_type3A_1302 = arith.extui %eq3A_1301 : vector<16xi1> to vector<16xi32>
      %or3A_1303 = arith.ori %or3A_1295, %convert_element_type3A_1302 : vector<16xi32>
      %get3A_1304 = arith.index_cast %add3A_57 : i32 to index
      %get3A_1305 = arith.constant 48 : index
      %get3A_1306 = tpu.vector_load %arg5[%get3A_1304, %get3A_1305] {strides = array<i32>} : memref<50x512xi32, #tpu.memory_space<vmem>>, vector<16xi32>,
      %eq3A_1307 = arith.constant 0 : i32
      %eq3A_1308 = vector.broadcast %eq3A_1307 : i32 to vector<16xi32>
      %eq3A_1309 = arith.cmpi eq, %get3A_1306, %eq3A_1308 : vector<16xi32>
      %convert_element_type3A_1310 = arith.extui %eq3A_1309 : vector<16xi1> to vector<16xi32>
      %or3A_1311 = arith.ori %or3A_1303, %convert_element_type3A_1310 : vector<16xi32>
      %get3A_1312 = arith.index_cast %add3A_57 : i32 to index
      %get3A_1313 = arith.constant 64 : index
      %get3A_1314 = tpu.vector_load %arg5[%get3A_1312, %get3A_1313] {strides = array<i32>} : memref<50x512xi32, #tpu.memory_space<vmem>>, vector<16xi32>,
      %eq3A_1315 = arith.constant 0 : i32
      %eq3A_1316 = vector.broadcast %eq3A_1315 : i32 to vector<16xi32>
      %eq3A_1317 = arith.cmpi eq, %get3A_1314, %eq3A_1316 : vector<16xi32>
      %convert_element_type3A_1318 = arith.extui %eq3A_1317 : vector<16xi1> to vector<16xi32>
      %or3A_1319 = arith.ori %or3A_1311, %convert_element_type3A_1318 : vector<16xi32>
      %get3A_1320 = arith.index_cast %add3A_57 : i32 to index
      %get3A_1321 = arith.constant 80 : index
      %get3A_1322 = tpu.vector_load %arg5[%get3A_1320, %get3A_1321] {strides = array<i32>} : memref<50x512xi32, #tpu.memory_space<vmem>>, vector<16xi32>,
      %eq3A_1323 = arith.constant 0 : i32
      %eq3A_1324 = vector.broadcast %eq3A_1323 : i32 to vector<16xi32>
      %eq3A_1325 = arith.cmpi eq, %get3A_1322, %eq3A_1324 : vector<16xi32>
      %convert_element_type3A_1326 = arith.extui %eq3A_1325 : vector<16xi1> to vector<16xi32>
      %or3A_1327 = arith.ori %or3A_1319, %convert_element_type3A_1326 : vector<16xi32>
      %get3A_1328 = arith.index_cast %add3A_57 : i32 to index
      %get3A_1329 = arith.constant 96 : index
      %get3A_1330 = tpu.vector_load %arg5[%get3A_1328, %get3A_1329] {strides = array<i32>} : memref<50x512xi32, #tpu.memory_space<vmem>>, vector<16xi32>,
      %eq3A_1331 = arith.constant 0 : i32
      %eq3A_1332 = vector.broadcast %eq3A_1331 : i32 to vector<16xi32>
      %eq3A_1333 = arith.cmpi eq, %get3A_1330, %eq3A_1332 : vector<16xi32>
      %convert_element_type3A_1334 = arith.extui %eq3A_1333 : vector<16xi1> to vector<16xi32>
      %or3A_1335 = arith.ori %or3A_1327, %convert_element_type3A_1334 : vector<16xi32>
      %get3A_1336 = arith.index_cast %add3A_57 : i32 to index
      %get3A_1337 = arith.constant 112 : index
      %get3A_1338 = tpu.vector_load %arg5[%get3A_1336, %get3A_1337] {strides = array<i32>} : memref<50x512xi32, #tpu.memory_space<vmem>>, vector<16xi32>,
      %eq3A_1339 = arith.constant 0 : i32
      %eq3A_1340 = vector.broadcast %eq3A_1339 : i32 to vector<16xi32>
      %eq3A_1341 = arith.cmpi eq, %get3A_1338, %eq3A_1340 : vector<16xi32>
      %convert_element_type3A_1342 = arith.extui %eq3A_1341 : vector<16xi1> to vector<16xi32>
      %or3A_1343 = arith.ori %or3A_1335, %convert_element_type3A_1342 : vector<16xi32>
      %get3A_1344 = arith.index_cast %add3A_57 : i32 to index
      %get3A_1345 = arith.constant 128 : index
      %get3A_1346 = tpu.vector_load %arg5[%get3A_1344, %get3A_1345] {strides = array<i32>} : memref<50x512xi32, #tpu.memory_space<vmem>>, vector<16xi32>,
      %eq3A_1347 = arith.constant 0 : i32
      %eq3A_1348 = vector.broadcast %eq3A_1347 : i32 to vector<16xi32>
      %eq3A_1349 = arith.cmpi eq, %get3A_1346, %eq3A_1348 : vector<16xi32>
      %convert_element_type3A_1350 = arith.extui %eq3A_1349 : vector<16xi1> to vector<16xi32>
      %or3A_1351 = arith.ori %or3A_1343, %convert_element_type3A_1350 : vector<16xi32>
      %get3A_1352 = arith.index_cast %add3A_57 : i32 to index
      %get3A_1353 = arith.constant 144 : index
      %get3A_1354 = tpu.vector_load %arg5[%get3A_1352, %get3A_1353] {strides = array<i32>} : memref<50x512xi32, #tpu.memory_space<vmem>>, vector<16xi32>,
      %eq3A_1355 = arith.constant 0 : i32
      %eq3A_1356 = vector.broadcast %eq3A_1355 : i32 to vector<16xi32>
      %eq3A_1357 = arith.cmpi eq, %get3A_1354, %eq3A_1356 : vector<16xi32>
      %convert_element_type3A_1358 = arith.extui %eq3A_1357 : vector<16xi1> to vector<16xi32>
      %or3A_1359 = arith.ori %or3A_1351, %convert_element_type3A_1358 : vector<16xi32>
      %get3A_1360 = arith.index_cast %add3A_57 : i32 to index
      %get3A_1361 = arith.constant 160 : index
      %get3A_1362 = tpu.vector_load %arg5[%get3A_1360, %get3A_1361] {strides = array<i32>} : memref<50x512xi32, #tpu.memory_space<vmem>>, vector<16xi32>,
      %eq3A_1363 = arith.constant 0 : i32
      %eq3A_1364 = vector.broadcast %eq3A_1363 : i32 to vector<16xi32>
      %eq3A_1365 = arith.cmpi eq, %get3A_1362, %eq3A_1364 : vector<16xi32>
      %convert_element_type3A_1366 = arith.extui %eq3A_1365 : vector<16xi1> to vector<16xi32>
      %or3A_1367 = arith.ori %or3A_1359, %convert_element_type3A_1366 : vector<16xi32>
      %get3A_1368 = arith.index_cast %add3A_57 : i32 to index
      %get3A_1369 = arith.constant 176 : index
      %get3A_1370 = tpu.vector_load %arg5[%get3A_1368, %get3A_1369] {strides = array<i32>} : memref<50x512xi32, #tpu.memory_space<vmem>>, vector<16xi32>,
      %eq3A_1371 = arith.constant 0 : i32
      %eq3A_1372 = vector.broadcast %eq3A_1371 : i32 to vector<16xi32>
      %eq3A_1373 = arith.cmpi eq, %get3A_1370, %eq3A_1372 : vector<16xi32>
      %convert_element_type3A_1374 = arith.extui %eq3A_1373 : vector<16xi1> to vector<16xi32>
      %or3A_1375 = arith.ori %or3A_1367, %convert_element_type3A_1374 : vector<16xi32>
      %get3A_1376 = arith.index_cast %add3A_57 : i32 to index
      %get3A_1377 = arith.constant 192 : index
      %get3A_1378 = tpu.vector_load %arg5[%get3A_1376, %get3A_1377] {strides = array<i32>} : memref<50x512xi32, #tpu.memory_space<vmem>>, vector<16xi32>,
      %eq3A_1379 = arith.constant 0 : i32
      %eq3A_1380 = vector.broadcast %eq3A_1379 : i32 to vector<16xi32>
      %eq3A_1381 = arith.cmpi eq, %get3A_1378, %eq3A_1380 : vector<16xi32>
      %convert_element_type3A_1382 = arith.extui %eq3A_1381 : vector<16xi1> to vector<16xi32>
      %or3A_1383 = arith.ori %or3A_1375, %convert_element_type3A_1382 : vector<16xi32>
      %get3A_1384 = arith.index_cast %add3A_57 : i32 to index
      %get3A_1385 = arith.constant 208 : index
      %get3A_1386 = tpu.vector_load %arg5[%get3A_1384, %get3A_1385] {strides = array<i32>} : memref<50x512xi32, #tpu.memory_space<vmem>>, vector<16xi32>,
      %eq3A_1387 = arith.constant 0 : i32
      %eq3A_1388 = vector.broadcast %eq3A_1387 : i32 to vector<16xi32>
      %eq3A_1389 = arith.cmpi eq, %get3A_1386, %eq3A_1388 : vector<16xi32>
      %convert_element_type3A_1390 = arith.extui %eq3A_1389 : vector<16xi1> to vector<16xi32>
      %or3A_1391 = arith.ori %or3A_1383, %convert_element_type3A_1390 : vector<16xi32>
      %get3A_1392 = arith.index_cast %add3A_57 : i32 to index
      %get3A_1393 = arith.constant 224 : index
      %get3A_1394 = tpu.vector_load %arg5[%get3A_1392, %get3A_1393] {strides = array<i32>} : memref<50x512xi32, #tpu.memory_space<vmem>>, vector<16xi32>,
      %eq3A_1395 = arith.constant 0 : i32
      %eq3A_1396 = vector.broadcast %eq3A_1395 : i32 to vector<16xi32>
      %eq3A_1397 = arith.cmpi eq, %get3A_1394, %eq3A_1396 : vector<16xi32>
      %convert_element_type3A_1398 = arith.extui %eq3A_1397 : vector<16xi1> to vector<16xi32>
      %or3A_1399 = arith.ori %or3A_1391, %convert_element_type3A_1398 : vector<16xi32>
      %get3A_1400 = arith.index_cast %add3A_57 : i32 to index
      %get3A_1401 = arith.constant 240 : index
      %get3A_1402 = tpu.vector_load %arg5[%get3A_1400, %get3A_1401] {strides = array<i32>} : memref<50x512xi32, #tpu.memory_space<vmem>>, vector<16xi32>,
      %eq3A_1403 = arith.constant 0 : i32
      %eq3A_1404 = vector.broadcast %eq3A_1403 : i32 to vector<16xi32>
      %eq3A_1405 = arith.cmpi eq, %get3A_1402, %eq3A_1404 : vector<16xi32>
      %convert_element_type3A_1406 = arith.extui %eq3A_1405 : vector<16xi1> to vector<16xi32>
      %or3A_1407 = arith.ori %or3A_1399, %convert_element_type3A_1406 : vector<16xi32>
      %get3A_1408 = arith.index_cast %add3A_57 : i32 to index
      %get3A_1409 = arith.constant 256 : index
      %get3A_1410 = tpu.vector_load %arg5[%get3A_1408, %get3A_1409] {strides = array<i32>} : memref<50x512xi32, #tpu.memory_space<vmem>>, vector<16xi32>,
      %eq3A_1411 = arith.constant 0 : i32
      %eq3A_1412 = vector.broadcast %eq3A_1411 : i32 to vector<16xi32>
      %eq3A_1413 = arith.cmpi eq, %get3A_1410, %eq3A_1412 : vector<16xi32>
      %convert_element_type3A_1414 = arith.extui %eq3A_1413 : vector<16xi1> to vector<16xi32>
      %or3A_1415 = arith.ori %or3A_1407, %convert_element_type3A_1414 : vector<16xi32>
      %get3A_1416 = arith.index_cast %add3A_57 : i32 to index
      %get3A_1417 = arith.constant 272 : index
      %get3A_1418 = tpu.vector_load %arg5[%get3A_1416, %get3A_1417] {strides = array<i32>} : memref<50x512xi32, #tpu.memory_space<vmem>>, vector<16xi32>,
      %eq3A_1419 = arith.constant 0 : i32
      %eq3A_1420 = vector.broadcast %eq3A_1419 : i32 to vector<16xi32>
      %eq3A_1421 = arith.cmpi eq, %get3A_1418, %eq3A_1420 : vector<16xi32>
      %convert_element_type3A_1422 = arith.extui %eq3A_1421 : vector<16xi1> to vector<16xi32>
      %or3A_1423 = arith.ori %or3A_1415, %convert_element_type3A_1422 : vector<16xi32>
      %get3A_1424 = arith.index_cast %add3A_57 : i32 to index
      %get3A_1425 = arith.constant 288 : index
      %get3A_1426 = tpu.vector_load %arg5[%get3A_1424, %get3A_1425] {strides = array<i32>} : memref<50x512xi32, #tpu.memory_space<vmem>>, vector<16xi32>,
      %eq3A_1427 = arith.constant 0 : i32
      %eq3A_1428 = vector.broadcast %eq3A_1427 : i32 to vector<16xi32>
      %eq3A_1429 = arith.cmpi eq, %get3A_1426, %eq3A_1428 : vector<16xi32>
      %convert_element_type3A_1430 = arith.extui %eq3A_1429 : vector<16xi1> to vector<16xi32>
      %or3A_1431 = arith.ori %or3A_1423, %convert_element_type3A_1430 : vector<16xi32>
      %get3A_1432 = arith.index_cast %add3A_57 : i32 to index
      %get3A_1433 = arith.constant 304 : index
      %get3A_1434 = tpu.vector_load %arg5[%get3A_1432, %get3A_1433] {strides = array<i32>} : memref<50x512xi32, #tpu.memory_space<vmem>>, vector<16xi32>,
      %eq3A_1435 = arith.constant 0 : i32
      %eq3A_1436 = vector.broadcast %eq3A_1435 : i32 to vector<16xi32>
      %eq3A_1437 = arith.cmpi eq, %get3A_1434, %eq3A_1436 : vector<16xi32>
      %convert_element_type3A_1438 = arith.extui %eq3A_1437 : vector<16xi1> to vector<16xi32>
      %or3A_1439 = arith.ori %or3A_1431, %convert_element_type3A_1438 : vector<16xi32>
      %get3A_1440 = arith.index_cast %add3A_57 : i32 to index
      %get3A_1441 = arith.constant 320 : index
      %get3A_1442 = tpu.vector_load %arg5[%get3A_1440, %get3A_1441] {strides = array<i32>} : memref<50x512xi32, #tpu.memory_space<vmem>>, vector<16xi32>,
      %eq3A_1443 = arith.constant 0 : i32
      %eq3A_1444 = vector.broadcast %eq3A_1443 : i32 to vector<16xi32>
      %eq3A_1445 = arith.cmpi eq, %get3A_1442, %eq3A_1444 : vector<16xi32>
      %convert_element_type3A_1446 = arith.extui %eq3A_1445 : vector<16xi1> to vector<16xi32>
      %or3A_1447 = arith.ori %or3A_1439, %convert_element_type3A_1446 : vector<16xi32>
      %get3A_1448 = arith.index_cast %add3A_57 : i32 to index
      %get3A_1449 = arith.constant 336 : index
      %get3A_1450 = tpu.vector_load %arg5[%get3A_1448, %get3A_1449] {strides = array<i32>} : memref<50x512xi32, #tpu.memory_space<vmem>>, vector<16xi32>,
      %eq3A_1451 = arith.constant 0 : i32
      %eq3A_1452 = vector.broadcast %eq3A_1451 : i32 to vector<16xi32>
      %eq3A_1453 = arith.cmpi eq, %get3A_1450, %eq3A_1452 : vector<16xi32>
      %convert_element_type3A_1454 = arith.extui %eq3A_1453 : vector<16xi1> to vector<16xi32>
      %or3A_1455 = arith.ori %or3A_1447, %convert_element_type3A_1454 : vector<16xi32>
      %get3A_1456 = arith.index_cast %add3A_57 : i32 to index
      %get3A_1457 = arith.constant 352 : index
      %get3A_1458 = tpu.vector_load %arg5[%get3A_1456, %get3A_1457] {strides = array<i32>} : memref<50x512xi32, #tpu.memory_space<vmem>>, vector<16xi32>,
      %eq3A_1459 = arith.constant 0 : i32
      %eq3A_1460 = vector.broadcast %eq3A_1459 : i32 to vector<16xi32>
      %eq3A_1461 = arith.cmpi eq, %get3A_1458, %eq3A_1460 : vector<16xi32>
      %convert_element_type3A_1462 = arith.extui %eq3A_1461 : vector<16xi1> to vector<16xi32>
      %or3A_1463 = arith.ori %or3A_1455, %convert_element_type3A_1462 : vector<16xi32>
      %get3A_1464 = arith.index_cast %add3A_57 : i32 to index
      %get3A_1465 = arith.constant 368 : index
      %get3A_1466 = tpu.vector_load %arg5[%get3A_1464, %get3A_1465] {strides = array<i32>} : memref<50x512xi32, #tpu.memory_space<vmem>>, vector<16xi32>,
      %eq3A_1467 = arith.constant 0 : i32
      %eq3A_1468 = vector.broadcast %eq3A_1467 : i32 to vector<16xi32>
      %eq3A_1469 = arith.cmpi eq, %get3A_1466, %eq3A_1468 : vector<16xi32>
      %convert_element_type3A_1470 = arith.extui %eq3A_1469 : vector<16xi1> to vector<16xi32>
      %or3A_1471 = arith.ori %or3A_1463, %convert_element_type3A_1470 : vector<16xi32>
      %get3A_1472 = arith.index_cast %add3A_57 : i32 to index
      %get3A_1473 = arith.constant 384 : index
      %get3A_1474 = tpu.vector_load %arg5[%get3A_1472, %get3A_1473] {strides = array<i32>} : memref<50x512xi32, #tpu.memory_space<vmem>>, vector<16xi32>,
      %eq3A_1475 = arith.constant 0 : i32
      %eq3A_1476 = vector.broadcast %eq3A_1475 : i32 to vector<16xi32>
      %eq3A_1477 = arith.cmpi eq, %get3A_1474, %eq3A_1476 : vector<16xi32>
      %convert_element_type3A_1478 = arith.extui %eq3A_1477 : vector<16xi1> to vector<16xi32>
      %or3A_1479 = arith.ori %or3A_1471, %convert_element_type3A_1478 : vector<16xi32>
      %get3A_1480 = arith.index_cast %add3A_57 : i32 to index
      %get3A_1481 = arith.constant 400 : index
      %get3A_1482 = tpu.vector_load %arg5[%get3A_1480, %get3A_1481] {strides = array<i32>} : memref<50x512xi32, #tpu.memory_space<vmem>>, vector<16xi32>,
      %eq3A_1483 = arith.constant 0 : i32
      %eq3A_1484 = vector.broadcast %eq3A_1483 : i32 to vector<16xi32>
      %eq3A_1485 = arith.cmpi eq, %get3A_1482, %eq3A_1484 : vector<16xi32>
      %convert_element_type3A_1486 = arith.extui %eq3A_1485 : vector<16xi1> to vector<16xi32>
      %or3A_1487 = arith.ori %or3A_1479, %convert_element_type3A_1486 : vector<16xi32>
      %get3A_1488 = arith.index_cast %add3A_57 : i32 to index
      %get3A_1489 = arith.constant 416 : index
      %get3A_1490 = tpu.vector_load %arg5[%get3A_1488, %get3A_1489] {strides = array<i32>} : memref<50x512xi32, #tpu.memory_space<vmem>>, vector<16xi32>,
      %eq3A_1491 = arith.constant 0 : i32
      %eq3A_1492 = vector.broadcast %eq3A_1491 : i32 to vector<16xi32>
      %eq3A_1493 = arith.cmpi eq, %get3A_1490, %eq3A_1492 : vector<16xi32>
      %convert_element_type3A_1494 = arith.extui %eq3A_1493 : vector<16xi1> to vector<16xi32>
      %or3A_1495 = arith.ori %or3A_1487, %convert_element_type3A_1494 : vector<16xi32>
      %get3A_1496 = arith.index_cast %add3A_57 : i32 to index
      %get3A_1497 = arith.constant 432 : index
      %get3A_1498 = tpu.vector_load %arg5[%get3A_1496, %get3A_1497] {strides = array<i32>} : memref<50x512xi32, #tpu.memory_space<vmem>>, vector<16xi32>,
      %eq3A_1499 = arith.constant 0 : i32
      %eq3A_1500 = vector.broadcast %eq3A_1499 : i32 to vector<16xi32>
      %eq3A_1501 = arith.cmpi eq, %get3A_1498, %eq3A_1500 : vector<16xi32>
      %convert_element_type3A_1502 = arith.extui %eq3A_1501 : vector<16xi1> to vector<16xi32>
      %or3A_1503 = arith.ori %or3A_1495, %convert_element_type3A_1502 : vector<16xi32>
      %get3A_1504 = arith.index_cast %add3A_57 : i32 to index
      %get3A_1505 = arith.constant 448 : index
      %get3A_1506 = tpu.vector_load %arg5[%get3A_1504, %get3A_1505] {strides = array<i32>} : memref<50x512xi32, #tpu.memory_space<vmem>>, vector<16xi32>,
      %eq3A_1507 = arith.constant 0 : i32
      %eq3A_1508 = vector.broadcast %eq3A_1507 : i32 to vector<16xi32>
      %eq3A_1509 = arith.cmpi eq, %get3A_1506, %eq3A_1508 : vector<16xi32>
      %convert_element_type3A_1510 = arith.extui %eq3A_1509 : vector<16xi1> to vector<16xi32>
      %or3A_1511 = arith.ori %or3A_1503, %convert_element_type3A_1510 : vector<16xi32>
      %get3A_1512 = arith.index_cast %add3A_57 : i32 to index
      %get3A_1513 = arith.constant 464 : index
      %get3A_1514 = tpu.vector_load %arg5[%get3A_1512, %get3A_1513] {strides = array<i32>} : memref<50x512xi32, #tpu.memory_space<vmem>>, vector<16xi32>,
      %eq3A_1515 = arith.constant 0 : i32
      %eq3A_1516 = vector.broadcast %eq3A_1515 : i32 to vector<16xi32>
      %eq3A_1517 = arith.cmpi eq, %get3A_1514, %eq3A_1516 : vector<16xi32>
      %convert_element_type3A_1518 = arith.extui %eq3A_1517 : vector<16xi1> to vector<16xi32>
      %or3A_1519 = arith.ori %or3A_1511, %convert_element_type3A_1518 : vector<16xi32>
      %get3A_1520 = arith.index_cast %add3A_57 : i32 to index
      %get3A_1521 = arith.constant 480 : index
      %get3A_1522 = tpu.vector_load %arg5[%get3A_1520, %get3A_1521] {strides = array<i32>} : memref<50x512xi32, #tpu.memory_space<vmem>>, vector<16xi32>,
      %eq3A_1523 = arith.constant 0 : i32
      %eq3A_1524 = vector.broadcast %eq3A_1523 : i32 to vector<16xi32>
      %eq3A_1525 = arith.cmpi eq, %get3A_1522, %eq3A_1524 : vector<16xi32>
      %convert_element_type3A_1526 = arith.extui %eq3A_1525 : vector<16xi1> to vector<16xi32>
      %or3A_1527 = arith.ori %or3A_1519, %convert_element_type3A_1526 : vector<16xi32>
      %get3A_1528 = arith.index_cast %add3A_57 : i32 to index
      %get3A_1529 = arith.constant 496 : index
      %get3A_1530 = tpu.vector_load %arg5[%get3A_1528, %get3A_1529] {strides = array<i32>} : memref<50x512xi32, #tpu.memory_space<vmem>>, vector<16xi32>,
      %eq3A_1531 = arith.constant 0 : i32
      %eq3A_1532 = vector.broadcast %eq3A_1531 : i32 to vector<16xi32>
      %eq3A_1533 = arith.cmpi eq, %get3A_1530, %eq3A_1532 : vector<16xi32>
      %convert_element_type3A_1534 = arith.extui %eq3A_1533 : vector<16xi1> to vector<16xi32>
      %or3A_1535 = arith.ori %or3A_1527, %convert_element_type3A_1534 : vector<16xi32>
      %slice3A_1536 = vector.extract_strided_slice %or3A_1535 {offsets = [0], sizes = [1], strides = [1]} : vector<16xi32> to vector<1xi32>
      %squeeze3A_1537 = vector.extract %slice3A_1536[0] : i32 from vector<1xi32>
      %slice3A_1538 = vector.extract_strided_slice %or3A_1535 {offsets = [1], sizes = [1], strides = [1]} : vector<16xi32> to vector<1xi32>
      %squeeze3A_1539 = vector.extract %slice3A_1538[0] : i32 from vector<1xi32>
      %add3A_1540 = arith.addi %squeeze3A_1537, %squeeze3A_1539 : i32
      %slice3A_1541 = vector.extract_strided_slice %or3A_1535 {offsets = [2], sizes = [1], strides = [1]} : vector<16xi32> to vector<1xi32>
      %squeeze3A_1542 = vector.extract %slice3A_1541[0] : i32 from vector<1xi32>
      %add3A_1543 = arith.addi %add3A_1540, %squeeze3A_1542 : i32
      %slice3A_1544 = vector.extract_strided_slice %or3A_1535 {offsets = [3], sizes = [1], strides = [1]} : vector<16xi32> to vector<1xi32>
      %squeeze3A_1545 = vector.extract %slice3A_1544[0] : i32 from vector<1xi32>
      %add3A_1546 = arith.addi %add3A_1543, %squeeze3A_1545 : i32
      %slice3A_1547 = vector.extract_strided_slice %or3A_1535 {offsets = [4], sizes = [1], strides = [1]} : vector<16xi32> to vector<1xi32>
      %squeeze3A_1548 = vector.extract %slice3A_1547[0] : i32 from vector<1xi32>
      %add3A_1549 = arith.addi %add3A_1546, %squeeze3A_1548 : i32
      %slice3A_1550 = vector.extract_strided_slice %or3A_1535 {offsets = [5], sizes = [1], strides = [1]} : vector<16xi32> to vector<1xi32>
      %squeeze3A_1551 = vector.extract %slice3A_1550[0] : i32 from vector<1xi32>
      %add3A_1552 = arith.addi %add3A_1549, %squeeze3A_1551 : i32
      %slice3A_1553 = vector.extract_strided_slice %or3A_1535 {offsets = [6], sizes = [1], strides = [1]} : vector<16xi32> to vector<1xi32>
      %squeeze3A_1554 = vector.extract %slice3A_1553[0] : i32 from vector<1xi32>
      %add3A_1555 = arith.addi %add3A_1552, %squeeze3A_1554 : i32
      %slice3A_1556 = vector.extract_strided_slice %or3A_1535 {offsets = [7], sizes = [1], strides = [1]} : vector<16xi32> to vector<1xi32>
      %squeeze3A_1557 = vector.extract %slice3A_1556[0] : i32 from vector<1xi32>
      %add3A_1558 = arith.addi %add3A_1555, %squeeze3A_1557 : i32
      %slice3A_1559 = vector.extract_strided_slice %or3A_1535 {offsets = [8], sizes = [1], strides = [1]} : vector<16xi32> to vector<1xi32>
      %squeeze3A_1560 = vector.extract %slice3A_1559[0] : i32 from vector<1xi32>
      %add3A_1561 = arith.addi %add3A_1558, %squeeze3A_1560 : i32
      %slice3A_1562 = vector.extract_strided_slice %or3A_1535 {offsets = [9], sizes = [1], strides = [1]} : vector<16xi32> to vector<1xi32>
      %squeeze3A_1563 = vector.extract %slice3A_1562[0] : i32 from vector<1xi32>
      %add3A_1564 = arith.addi %add3A_1561, %squeeze3A_1563 : i32
      %slice3A_1565 = vector.extract_strided_slice %or3A_1535 {offsets = [10], sizes = [1], strides = [1]} : vector<16xi32> to vector<1xi32>
      %squeeze3A_1566 = vector.extract %slice3A_1565[0] : i32 from vector<1xi32>
      %add3A_1567 = arith.addi %add3A_1564, %squeeze3A_1566 : i32
      %slice3A_1568 = vector.extract_strided_slice %or3A_1535 {offsets = [11], sizes = [1], strides = [1]} : vector<16xi32> to vector<1xi32>
      %squeeze3A_1569 = vector.extract %slice3A_1568[0] : i32 from vector<1xi32>
      %add3A_1570 = arith.addi %add3A_1567, %squeeze3A_1569 : i32
      %slice3A_1571 = vector.extract_strided_slice %or3A_1535 {offsets = [12], sizes = [1], strides = [1]} : vector<16xi32> to vector<1xi32>
      %squeeze3A_1572 = vector.extract %slice3A_1571[0] : i32 from vector<1xi32>
      %add3A_1573 = arith.addi %add3A_1570, %squeeze3A_1572 : i32
      %slice3A_1574 = vector.extract_strided_slice %or3A_1535 {offsets = [13], sizes = [1], strides = [1]} : vector<16xi32> to vector<1xi32>
      %squeeze3A_1575 = vector.extract %slice3A_1574[0] : i32 from vector<1xi32>
      %add3A_1576 = arith.addi %add3A_1573, %squeeze3A_1575 : i32
      %slice3A_1577 = vector.extract_strided_slice %or3A_1535 {offsets = [14], sizes = [1], strides = [1]} : vector<16xi32> to vector<1xi32>
      %squeeze3A_1578 = vector.extract %slice3A_1577[0] : i32 from vector<1xi32>
      %add3A_1579 = arith.addi %add3A_1576, %squeeze3A_1578 : i32
      %slice3A_1580 = vector.extract_strided_slice %or3A_1535 {offsets = [15], sizes = [1], strides = [1]} : vector<16xi32> to vector<1xi32>
      %squeeze3A_1581 = vector.extract %slice3A_1580[0] : i32 from vector<1xi32>
      %add3A_1582 = arith.addi %add3A_1579, %squeeze3A_1581 : i32
      %gt3A_1583 = arith.constant 0 : i32
      %gt3A_1584 = arith.cmpi sgt, %add3A_1582, %gt3A_1583 : i32
      %convert_element_type3A_1585 = arith.extui %gt3A_1584 : i1 to i32
      %cond3A_1586 = arith.constant 0 : i32
      %cond3A_1587 = arith.cmpi ne, %convert_element_type3A_1585, %cond3A_1586 : i32
      scf.if %cond3A_1587 {
        %broadcast_in_dim3A_2412 = arith.constant 0.000000e+00 : f32
        %broadcast_in_dim3A_2413 = vector.broadcast %broadcast_in_dim3A_2412 : f32 to vector<16xf32>
        %get3A_2414 = arith.index_cast %add3A_57 : i32 to index
        %get3A_2415 = arith.constant 0 : index
        %get3A_2416 = tpu.vector_load %arg5[%get3A_2414, %get3A_2415] {strides = array<i32>} : memref<50x512xi32, #tpu.memory_space<vmem>>, vector<16xi32>,
        %eq3A_2417 = arith.constant 0 : i32
        %eq3A_2418 = vector.broadcast %eq3A_2417 : i32 to vector<16xi32>
        %eq3A_2419 = arith.cmpi eq, %get3A_2416, %eq3A_2418 : vector<16xi32>
        %iota3A_2420 = tpu.iota {dimensions = array<i32: 0>} : vector<16xi32>
        %add3A_2421 = arith.constant 0 : i32
        %add3A_2422 = vector.broadcast %add3A_2421 : i32 to vector<16xi32>
        %add3A_2423 = arith.addi %add3A_2422, %iota3A_2420 : vector<16xi32>
        %broadcast_in_dim3A_2424 = arith.constant 0 : i32
        %broadcast_in_dim3A_2425 = vector.broadcast %broadcast_in_dim3A_2424 : i32 to vector<16xi32>
        %scan3A_2426 = arith.constant 0 : i32
        %scan3A_2427 = arith.constant 32 : i32
        %scan3A_2428 = arith.addi %scan3A_2426, %scan3A_2427 : i32
        %scan3A_2429 = arith.constant 1 : i32
        %scan3A_2430 = scf.for %scan3A_2990 = %scan3A_2426 to %scan3A_2428 step %scan3A_2429 iter_args(%scan3A_2991 = %broadcast_in_dim3A_2425) -> (vector<16xi32>)  : i32 {
          tpu.vector_store_idx %arg7[%add3A_2423, %scan3A_2991], %broadcast_in_dim3A_2413 masked %eq3A_2419 : memref<512x32xf32, #tpu.memory_space<vmem>>[vector<16xi32>, vector<16xi32>], vector<16xf32>, vector<16xi1>
          %add3A_2992 = arith.constant 1 : i32
          %add3A_2993 = vector.broadcast %add3A_2992 : i32 to vector<16xi32>
          %add3A_2994 = arith.addi %scan3A_2991, %add3A_2993 : vector<16xi32>
          scf.yield %add3A_2994 : vector<16xi32>
        }
        %scan3A_2431 = arith.constant 32 : i32
        %get3A_2432 = arith.index_cast %add3A_57 : i32 to index
        %get3A_2433 = arith.constant 16 : index
        %get3A_2434 = tpu.vector_load %arg5[%get3A_2432, %get3A_2433] {strides = array<i32>} : memref<50x512xi32, #tpu.memory_space<vmem>>, vector<16xi32>,
        %eq3A_2435 = arith.constant 0 : i32
        %eq3A_2436 = vector.broadcast %eq3A_2435 : i32 to vector<16xi32>
        %eq3A_2437 = arith.cmpi eq, %get3A_2434, %eq3A_2436 : vector<16xi32>
        %iota3A_2438 = tpu.iota {dimensions = array<i32: 0>} : vector<16xi32>
        %add3A_2439 = arith.constant 16 : i32
        %add3A_2440 = vector.broadcast %add3A_2439 : i32 to vector<16xi32>
        %add3A_2441 = arith.addi %add3A_2440, %iota3A_2438 : vector<16xi32>
        %broadcast_in_dim3A_2442 = arith.constant 0 : i32
        %broadcast_in_dim3A_2443 = vector.broadcast %broadcast_in_dim3A_2442 : i32 to vector<16xi32>
        %scan3A_2444 = arith.constant 0 : i32
        %scan3A_2445 = arith.constant 32 : i32
        %scan3A_2446 = arith.addi %scan3A_2444, %scan3A_2445 : i32
        %scan3A_2447 = arith.constant 1 : i32
        %scan3A_2448 = scf.for %scan3A_2990 = %scan3A_2444 to %scan3A_2446 step %scan3A_2447 iter_args(%scan3A_2991 = %broadcast_in_dim3A_2443) -> (vector<16xi32>)  : i32 {
          tpu.vector_store_idx %arg7[%add3A_2441, %scan3A_2991], %broadcast_in_dim3A_2413 masked %eq3A_2437 : memref<512x32xf32, #tpu.memory_space<vmem>>[vector<16xi32>, vector<16xi32>], vector<16xf32>, vector<16xi1>
          %add3A_2992 = arith.constant 1 : i32
          %add3A_2993 = vector.broadcast %add3A_2992 : i32 to vector<16xi32>
          %add3A_2994 = arith.addi %scan3A_2991, %add3A_2993 : vector<16xi32>
          scf.yield %add3A_2994 : vector<16xi32>
        }
        %scan3A_2449 = arith.constant 32 : i32
        %get3A_2450 = arith.index_cast %add3A_57 : i32 to index
        %get3A_2451 = arith.constant 32 : index
        %get3A_2452 = tpu.vector_load %arg5[%get3A_2450, %get3A_2451] {strides = array<i32>} : memref<50x512xi32, #tpu.memory_space<vmem>>, vector<16xi32>,
        %eq3A_2453 = arith.constant 0 : i32
        %eq3A_2454 = vector.broadcast %eq3A_2453 : i32 to vector<16xi32>
        %eq3A_2455 = arith.cmpi eq, %get3A_2452, %eq3A_2454 : vector<16xi32>
        %iota3A_2456 = tpu.iota {dimensions = array<i32: 0>} : vector<16xi32>
        %add3A_2457 = arith.constant 32 : i32
        %add3A_2458 = vector.broadcast %add3A_2457 : i32 to vector<16xi32>
        %add3A_2459 = arith.addi %add3A_2458, %iota3A_2456 : vector<16xi32>
        %broadcast_in_dim3A_2460 = arith.constant 0 : i32
        %broadcast_in_dim3A_2461 = vector.broadcast %broadcast_in_dim3A_2460 : i32 to vector<16xi32>
        %scan3A_2462 = arith.constant 0 : i32
        %scan3A_2463 = arith.constant 32 : i32
        %scan3A_2464 = arith.addi %scan3A_2462, %scan3A_2463 : i32
        %scan3A_2465 = arith.constant 1 : i32
        %scan3A_2466 = scf.for %scan3A_2990 = %scan3A_2462 to %scan3A_2464 step %scan3A_2465 iter_args(%scan3A_2991 = %broadcast_in_dim3A_2461) -> (vector<16xi32>)  : i32 {
          tpu.vector_store_idx %arg7[%add3A_2459, %scan3A_2991], %broadcast_in_dim3A_2413 masked %eq3A_2455 : memref<512x32xf32, #tpu.memory_space<vmem>>[vector<16xi32>, vector<16xi32>], vector<16xf32>, vector<16xi1>
          %add3A_2992 = arith.constant 1 : i32
          %add3A_2993 = vector.broadcast %add3A_2992 : i32 to vector<16xi32>
          %add3A_2994 = arith.addi %scan3A_2991, %add3A_2993 : vector<16xi32>
          scf.yield %add3A_2994 : vector<16xi32>
        }
        %scan3A_2467 = arith.constant 32 : i32
        %get3A_2468 = arith.index_cast %add3A_57 : i32 to index
        %get3A_2469 = arith.constant 48 : index
        %get3A_2470 = tpu.vector_load %arg5[%get3A_2468, %get3A_2469] {strides = array<i32>} : memref<50x512xi32, #tpu.memory_space<vmem>>, vector<16xi32>,
        %eq3A_2471 = arith.constant 0 : i32
        %eq3A_2472 = vector.broadcast %eq3A_2471 : i32 to vector<16xi32>
        %eq3A_2473 = arith.cmpi eq, %get3A_2470, %eq3A_2472 : vector<16xi32>
        %iota3A_2474 = tpu.iota {dimensions = array<i32: 0>} : vector<16xi32>
        %add3A_2475 = arith.constant 48 : i32
        %add3A_2476 = vector.broadcast %add3A_2475 : i32 to vector<16xi32>
        %add3A_2477 = arith.addi %add3A_2476, %iota3A_2474 : vector<16xi32>
        %broadcast_in_dim3A_2478 = arith.constant 0 : i32
        %broadcast_in_dim3A_2479 = vector.broadcast %broadcast_in_dim3A_2478 : i32 to vector<16xi32>
        %scan3A_2480 = arith.constant 0 : i32
        %scan3A_2481 = arith.constant 32 : i32
        %scan3A_2482 = arith.addi %scan3A_2480, %scan3A_2481 : i32
        %scan3A_2483 = arith.constant 1 : i32
        %scan3A_2484 = scf.for %scan3A_2990 = %scan3A_2480 to %scan3A_2482 step %scan3A_2483 iter_args(%scan3A_2991 = %broadcast_in_dim3A_2479) -> (vector<16xi32>)  : i32 {
          tpu.vector_store_idx %arg7[%add3A_2477, %scan3A_2991], %broadcast_in_dim3A_2413 masked %eq3A_2473 : memref<512x32xf32, #tpu.memory_space<vmem>>[vector<16xi32>, vector<16xi32>], vector<16xf32>, vector<16xi1>
          %add3A_2992 = arith.constant 1 : i32
          %add3A_2993 = vector.broadcast %add3A_2992 : i32 to vector<16xi32>
          %add3A_2994 = arith.addi %scan3A_2991, %add3A_2993 : vector<16xi32>
          scf.yield %add3A_2994 : vector<16xi32>
        }
        %scan3A_2485 = arith.constant 32 : i32
        %get3A_2486 = arith.index_cast %add3A_57 : i32 to index
        %get3A_2487 = arith.constant 64 : index
        %get3A_2488 = tpu.vector_load %arg5[%get3A_2486, %get3A_2487] {strides = array<i32>} : memref<50x512xi32, #tpu.memory_space<vmem>>, vector<16xi32>,
        %eq3A_2489 = arith.constant 0 : i32
        %eq3A_2490 = vector.broadcast %eq3A_2489 : i32 to vector<16xi32>
        %eq3A_2491 = arith.cmpi eq, %get3A_2488, %eq3A_2490 : vector<16xi32>
        %iota3A_2492 = tpu.iota {dimensions = array<i32: 0>} : vector<16xi32>
        %add3A_2493 = arith.constant 64 : i32
        %add3A_2494 = vector.broadcast %add3A_2493 : i32 to vector<16xi32>
        %add3A_2495 = arith.addi %add3A_2494, %iota3A_2492 : vector<16xi32>
        %broadcast_in_dim3A_2496 = arith.constant 0 : i32
        %broadcast_in_dim3A_2497 = vector.broadcast %broadcast_in_dim3A_2496 : i32 to vector<16xi32>
        %scan3A_2498 = arith.constant 0 : i32
        %scan3A_2499 = arith.constant 32 : i32
        %scan3A_2500 = arith.addi %scan3A_2498, %scan3A_2499 : i32
        %scan3A_2501 = arith.constant 1 : i32
        %scan3A_2502 = scf.for %scan3A_2990 = %scan3A_2498 to %scan3A_2500 step %scan3A_2501 iter_args(%scan3A_2991 = %broadcast_in_dim3A_2497) -> (vector<16xi32>)  : i32 {
          tpu.vector_store_idx %arg7[%add3A_2495, %scan3A_2991], %broadcast_in_dim3A_2413 masked %eq3A_2491 : memref<512x32xf32, #tpu.memory_space<vmem>>[vector<16xi32>, vector<16xi32>], vector<16xf32>, vector<16xi1>
          %add3A_2992 = arith.constant 1 : i32
          %add3A_2993 = vector.broadcast %add3A_2992 : i32 to vector<16xi32>
          %add3A_2994 = arith.addi %scan3A_2991, %add3A_2993 : vector<16xi32>
          scf.yield %add3A_2994 : vector<16xi32>
        }
        %scan3A_2503 = arith.constant 32 : i32
        %get3A_2504 = arith.index_cast %add3A_57 : i32 to index
        %get3A_2505 = arith.constant 80 : index
        %get3A_2506 = tpu.vector_load %arg5[%get3A_2504, %get3A_2505] {strides = array<i32>} : memref<50x512xi32, #tpu.memory_space<vmem>>, vector<16xi32>,
        %eq3A_2507 = arith.constant 0 : i32
        %eq3A_2508 = vector.broadcast %eq3A_2507 : i32 to vector<16xi32>
        %eq3A_2509 = arith.cmpi eq, %get3A_2506, %eq3A_2508 : vector<16xi32>
        %iota3A_2510 = tpu.iota {dimensions = array<i32: 0>} : vector<16xi32>
        %add3A_2511 = arith.constant 80 : i32
        %add3A_2512 = vector.broadcast %add3A_2511 : i32 to vector<16xi32>
        %add3A_2513 = arith.addi %add3A_2512, %iota3A_2510 : vector<16xi32>
        %broadcast_in_dim3A_2514 = arith.constant 0 : i32
        %broadcast_in_dim3A_2515 = vector.broadcast %broadcast_in_dim3A_2514 : i32 to vector<16xi32>
        %scan3A_2516 = arith.constant 0 : i32
        %scan3A_2517 = arith.constant 32 : i32
        %scan3A_2518 = arith.addi %scan3A_2516, %scan3A_2517 : i32
        %scan3A_2519 = arith.constant 1 : i32
        %scan3A_2520 = scf.for %scan3A_2990 = %scan3A_2516 to %scan3A_2518 step %scan3A_2519 iter_args(%scan3A_2991 = %broadcast_in_dim3A_2515) -> (vector<16xi32>)  : i32 {
          tpu.vector_store_idx %arg7[%add3A_2513, %scan3A_2991], %broadcast_in_dim3A_2413 masked %eq3A_2509 : memref<512x32xf32, #tpu.memory_space<vmem>>[vector<16xi32>, vector<16xi32>], vector<16xf32>, vector<16xi1>
          %add3A_2992 = arith.constant 1 : i32
          %add3A_2993 = vector.broadcast %add3A_2992 : i32 to vector<16xi32>
          %add3A_2994 = arith.addi %scan3A_2991, %add3A_2993 : vector<16xi32>
          scf.yield %add3A_2994 : vector<16xi32>
        }
        %scan3A_2521 = arith.constant 32 : i32
        %get3A_2522 = arith.index_cast %add3A_57 : i32 to index
        %get3A_2523 = arith.constant 96 : index
        %get3A_2524 = tpu.vector_load %arg5[%get3A_2522, %get3A_2523] {strides = array<i32>} : memref<50x512xi32, #tpu.memory_space<vmem>>, vector<16xi32>,
        %eq3A_2525 = arith.constant 0 : i32
        %eq3A_2526 = vector.broadcast %eq3A_2525 : i32 to vector<16xi32>
        %eq3A_2527 = arith.cmpi eq, %get3A_2524, %eq3A_2526 : vector<16xi32>
        %iota3A_2528 = tpu.iota {dimensions = array<i32: 0>} : vector<16xi32>
        %add3A_2529 = arith.constant 96 : i32
        %add3A_2530 = vector.broadcast %add3A_2529 : i32 to vector<16xi32>
        %add3A_2531 = arith.addi %add3A_2530, %iota3A_2528 : vector<16xi32>
        %broadcast_in_dim3A_2532 = arith.constant 0 : i32
        %broadcast_in_dim3A_2533 = vector.broadcast %broadcast_in_dim3A_2532 : i32 to vector<16xi32>
        %scan3A_2534 = arith.constant 0 : i32
        %scan3A_2535 = arith.constant 32 : i32
        %scan3A_2536 = arith.addi %scan3A_2534, %scan3A_2535 : i32
        %scan3A_2537 = arith.constant 1 : i32
        %scan3A_2538 = scf.for %scan3A_2990 = %scan3A_2534 to %scan3A_2536 step %scan3A_2537 iter_args(%scan3A_2991 = %broadcast_in_dim3A_2533) -> (vector<16xi32>)  : i32 {
          tpu.vector_store_idx %arg7[%add3A_2531, %scan3A_2991], %broadcast_in_dim3A_2413 masked %eq3A_2527 : memref<512x32xf32, #tpu.memory_space<vmem>>[vector<16xi32>, vector<16xi32>], vector<16xf32>, vector<16xi1>
          %add3A_2992 = arith.constant 1 : i32
          %add3A_2993 = vector.broadcast %add3A_2992 : i32 to vector<16xi32>
          %add3A_2994 = arith.addi %scan3A_2991, %add3A_2993 : vector<16xi32>
          scf.yield %add3A_2994 : vector<16xi32>
        }
        %scan3A_2539 = arith.constant 32 : i32
        %get3A_2540 = arith.index_cast %add3A_57 : i32 to index
        %get3A_2541 = arith.constant 112 : index
        %get3A_2542 = tpu.vector_load %arg5[%get3A_2540, %get3A_2541] {strides = array<i32>} : memref<50x512xi32, #tpu.memory_space<vmem>>, vector<16xi32>,
        %eq3A_2543 = arith.constant 0 : i32
        %eq3A_2544 = vector.broadcast %eq3A_2543 : i32 to vector<16xi32>
        %eq3A_2545 = arith.cmpi eq, %get3A_2542, %eq3A_2544 : vector<16xi32>
        %iota3A_2546 = tpu.iota {dimensions = array<i32: 0>} : vector<16xi32>
        %add3A_2547 = arith.constant 112 : i32
        %add3A_2548 = vector.broadcast %add3A_2547 : i32 to vector<16xi32>
        %add3A_2549 = arith.addi %add3A_2548, %iota3A_2546 : vector<16xi32>
        %broadcast_in_dim3A_2550 = arith.constant 0 : i32
        %broadcast_in_dim3A_2551 = vector.broadcast %broadcast_in_dim3A_2550 : i32 to vector<16xi32>
        %scan3A_2552 = arith.constant 0 : i32
        %scan3A_2553 = arith.constant 32 : i32
        %scan3A_2554 = arith.addi %scan3A_2552, %scan3A_2553 : i32
        %scan3A_2555 = arith.constant 1 : i32
        %scan3A_2556 = scf.for %scan3A_2990 = %scan3A_2552 to %scan3A_2554 step %scan3A_2555 iter_args(%scan3A_2991 = %broadcast_in_dim3A_2551) -> (vector<16xi32>)  : i32 {
          tpu.vector_store_idx %arg7[%add3A_2549, %scan3A_2991], %broadcast_in_dim3A_2413 masked %eq3A_2545 : memref<512x32xf32, #tpu.memory_space<vmem>>[vector<16xi32>, vector<16xi32>], vector<16xf32>, vector<16xi1>
          %add3A_2992 = arith.constant 1 : i32
          %add3A_2993 = vector.broadcast %add3A_2992 : i32 to vector<16xi32>
          %add3A_2994 = arith.addi %scan3A_2991, %add3A_2993 : vector<16xi32>
          scf.yield %add3A_2994 : vector<16xi32>
        }
        %scan3A_2557 = arith.constant 32 : i32
        %get3A_2558 = arith.index_cast %add3A_57 : i32 to index
        %get3A_2559 = arith.constant 128 : index
        %get3A_2560 = tpu.vector_load %arg5[%get3A_2558, %get3A_2559] {strides = array<i32>} : memref<50x512xi32, #tpu.memory_space<vmem>>, vector<16xi32>,
        %eq3A_2561 = arith.constant 0 : i32
        %eq3A_2562 = vector.broadcast %eq3A_2561 : i32 to vector<16xi32>
        %eq3A_2563 = arith.cmpi eq, %get3A_2560, %eq3A_2562 : vector<16xi32>
        %iota3A_2564 = tpu.iota {dimensions = array<i32: 0>} : vector<16xi32>
        %add3A_2565 = arith.constant 128 : i32
        %add3A_2566 = vector.broadcast %add3A_2565 : i32 to vector<16xi32>
        %add3A_2567 = arith.addi %add3A_2566, %iota3A_2564 : vector<16xi32>
        %broadcast_in_dim3A_2568 = arith.constant 0 : i32
        %broadcast_in_dim3A_2569 = vector.broadcast %broadcast_in_dim3A_2568 : i32 to vector<16xi32>
        %scan3A_2570 = arith.constant 0 : i32
        %scan3A_2571 = arith.constant 32 : i32
        %scan3A_2572 = arith.addi %scan3A_2570, %scan3A_2571 : i32
        %scan3A_2573 = arith.constant 1 : i32
        %scan3A_2574 = scf.for %scan3A_2990 = %scan3A_2570 to %scan3A_2572 step %scan3A_2573 iter_args(%scan3A_2991 = %broadcast_in_dim3A_2569) -> (vector<16xi32>)  : i32 {
          tpu.vector_store_idx %arg7[%add3A_2567, %scan3A_2991], %broadcast_in_dim3A_2413 masked %eq3A_2563 : memref<512x32xf32, #tpu.memory_space<vmem>>[vector<16xi32>, vector<16xi32>], vector<16xf32>, vector<16xi1>
          %add3A_2992 = arith.constant 1 : i32
          %add3A_2993 = vector.broadcast %add3A_2992 : i32 to vector<16xi32>
          %add3A_2994 = arith.addi %scan3A_2991, %add3A_2993 : vector<16xi32>
          scf.yield %add3A_2994 : vector<16xi32>
        }
        %scan3A_2575 = arith.constant 32 : i32
        %get3A_2576 = arith.index_cast %add3A_57 : i32 to index
        %get3A_2577 = arith.constant 144 : index
        %get3A_2578 = tpu.vector_load %arg5[%get3A_2576, %get3A_2577] {strides = array<i32>} : memref<50x512xi32, #tpu.memory_space<vmem>>, vector<16xi32>,
        %eq3A_2579 = arith.constant 0 : i32
        %eq3A_2580 = vector.broadcast %eq3A_2579 : i32 to vector<16xi32>
        %eq3A_2581 = arith.cmpi eq, %get3A_2578, %eq3A_2580 : vector<16xi32>
        %iota3A_2582 = tpu.iota {dimensions = array<i32: 0>} : vector<16xi32>
        %add3A_2583 = arith.constant 144 : i32
        %add3A_2584 = vector.broadcast %add3A_2583 : i32 to vector<16xi32>
        %add3A_2585 = arith.addi %add3A_2584, %iota3A_2582 : vector<16xi32>
        %broadcast_in_dim3A_2586 = arith.constant 0 : i32
        %broadcast_in_dim3A_2587 = vector.broadcast %broadcast_in_dim3A_2586 : i32 to vector<16xi32>
        %scan3A_2588 = arith.constant 0 : i32
        %scan3A_2589 = arith.constant 32 : i32
        %scan3A_2590 = arith.addi %scan3A_2588, %scan3A_2589 : i32
        %scan3A_2591 = arith.constant 1 : i32
        %scan3A_2592 = scf.for %scan3A_2990 = %scan3A_2588 to %scan3A_2590 step %scan3A_2591 iter_args(%scan3A_2991 = %broadcast_in_dim3A_2587) -> (vector<16xi32>)  : i32 {
          tpu.vector_store_idx %arg7[%add3A_2585, %scan3A_2991], %broadcast_in_dim3A_2413 masked %eq3A_2581 : memref<512x32xf32, #tpu.memory_space<vmem>>[vector<16xi32>, vector<16xi32>], vector<16xf32>, vector<16xi1>
          %add3A_2992 = arith.constant 1 : i32
          %add3A_2993 = vector.broadcast %add3A_2992 : i32 to vector<16xi32>
          %add3A_2994 = arith.addi %scan3A_2991, %add3A_2993 : vector<16xi32>
          scf.yield %add3A_2994 : vector<16xi32>
        }
        %scan3A_2593 = arith.constant 32 : i32
        %get3A_2594 = arith.index_cast %add3A_57 : i32 to index
        %get3A_2595 = arith.constant 160 : index
        %get3A_2596 = tpu.vector_load %arg5[%get3A_2594, %get3A_2595] {strides = array<i32>} : memref<50x512xi32, #tpu.memory_space<vmem>>, vector<16xi32>,
        %eq3A_2597 = arith.constant 0 : i32
        %eq3A_2598 = vector.broadcast %eq3A_2597 : i32 to vector<16xi32>
        %eq3A_2599 = arith.cmpi eq, %get3A_2596, %eq3A_2598 : vector<16xi32>
        %iota3A_2600 = tpu.iota {dimensions = array<i32: 0>} : vector<16xi32>
        %add3A_2601 = arith.constant 160 : i32
        %add3A_2602 = vector.broadcast %add3A_2601 : i32 to vector<16xi32>
        %add3A_2603 = arith.addi %add3A_2602, %iota3A_2600 : vector<16xi32>
        %broadcast_in_dim3A_2604 = arith.constant 0 : i32
        %broadcast_in_dim3A_2605 = vector.broadcast %broadcast_in_dim3A_2604 : i32 to vector<16xi32>
        %scan3A_2606 = arith.constant 0 : i32
        %scan3A_2607 = arith.constant 32 : i32
        %scan3A_2608 = arith.addi %scan3A_2606, %scan3A_2607 : i32
        %scan3A_2609 = arith.constant 1 : i32
        %scan3A_2610 = scf.for %scan3A_2990 = %scan3A_2606 to %scan3A_2608 step %scan3A_2609 iter_args(%scan3A_2991 = %broadcast_in_dim3A_2605) -> (vector<16xi32>)  : i32 {
          tpu.vector_store_idx %arg7[%add3A_2603, %scan3A_2991], %broadcast_in_dim3A_2413 masked %eq3A_2599 : memref<512x32xf32, #tpu.memory_space<vmem>>[vector<16xi32>, vector<16xi32>], vector<16xf32>, vector<16xi1>
          %add3A_2992 = arith.constant 1 : i32
          %add3A_2993 = vector.broadcast %add3A_2992 : i32 to vector<16xi32>
          %add3A_2994 = arith.addi %scan3A_2991, %add3A_2993 : vector<16xi32>
          scf.yield %add3A_2994 : vector<16xi32>
        }
        %scan3A_2611 = arith.constant 32 : i32
        %get3A_2612 = arith.index_cast %add3A_57 : i32 to index
        %get3A_2613 = arith.constant 176 : index
        %get3A_2614 = tpu.vector_load %arg5[%get3A_2612, %get3A_2613] {strides = array<i32>} : memref<50x512xi32, #tpu.memory_space<vmem>>, vector<16xi32>,
        %eq3A_2615 = arith.constant 0 : i32
        %eq3A_2616 = vector.broadcast %eq3A_2615 : i32 to vector<16xi32>
        %eq3A_2617 = arith.cmpi eq, %get3A_2614, %eq3A_2616 : vector<16xi32>
        %iota3A_2618 = tpu.iota {dimensions = array<i32: 0>} : vector<16xi32>
        %add3A_2619 = arith.constant 176 : i32
        %add3A_2620 = vector.broadcast %add3A_2619 : i32 to vector<16xi32>
        %add3A_2621 = arith.addi %add3A_2620, %iota3A_2618 : vector<16xi32>
        %broadcast_in_dim3A_2622 = arith.constant 0 : i32
        %broadcast_in_dim3A_2623 = vector.broadcast %broadcast_in_dim3A_2622 : i32 to vector<16xi32>
        %scan3A_2624 = arith.constant 0 : i32
        %scan3A_2625 = arith.constant 32 : i32
        %scan3A_2626 = arith.addi %scan3A_2624, %scan3A_2625 : i32
        %scan3A_2627 = arith.constant 1 : i32
        %scan3A_2628 = scf.for %scan3A_2990 = %scan3A_2624 to %scan3A_2626 step %scan3A_2627 iter_args(%scan3A_2991 = %broadcast_in_dim3A_2623) -> (vector<16xi32>)  : i32 {
          tpu.vector_store_idx %arg7[%add3A_2621, %scan3A_2991], %broadcast_in_dim3A_2413 masked %eq3A_2617 : memref<512x32xf32, #tpu.memory_space<vmem>>[vector<16xi32>, vector<16xi32>], vector<16xf32>, vector<16xi1>
          %add3A_2992 = arith.constant 1 : i32
          %add3A_2993 = vector.broadcast %add3A_2992 : i32 to vector<16xi32>
          %add3A_2994 = arith.addi %scan3A_2991, %add3A_2993 : vector<16xi32>
          scf.yield %add3A_2994 : vector<16xi32>
        }
        %scan3A_2629 = arith.constant 32 : i32
        %get3A_2630 = arith.index_cast %add3A_57 : i32 to index
        %get3A_2631 = arith.constant 192 : index
        %get3A_2632 = tpu.vector_load %arg5[%get3A_2630, %get3A_2631] {strides = array<i32>} : memref<50x512xi32, #tpu.memory_space<vmem>>, vector<16xi32>,
        %eq3A_2633 = arith.constant 0 : i32
        %eq3A_2634 = vector.broadcast %eq3A_2633 : i32 to vector<16xi32>
        %eq3A_2635 = arith.cmpi eq, %get3A_2632, %eq3A_2634 : vector<16xi32>
        %iota3A_2636 = tpu.iota {dimensions = array<i32: 0>} : vector<16xi32>
        %add3A_2637 = arith.constant 192 : i32
        %add3A_2638 = vector.broadcast %add3A_2637 : i32 to vector<16xi32>
        %add3A_2639 = arith.addi %add3A_2638, %iota3A_2636 : vector<16xi32>
        %broadcast_in_dim3A_2640 = arith.constant 0 : i32
        %broadcast_in_dim3A_2641 = vector.broadcast %broadcast_in_dim3A_2640 : i32 to vector<16xi32>
        %scan3A_2642 = arith.constant 0 : i32
        %scan3A_2643 = arith.constant 32 : i32
        %scan3A_2644 = arith.addi %scan3A_2642, %scan3A_2643 : i32
        %scan3A_2645 = arith.constant 1 : i32
        %scan3A_2646 = scf.for %scan3A_2990 = %scan3A_2642 to %scan3A_2644 step %scan3A_2645 iter_args(%scan3A_2991 = %broadcast_in_dim3A_2641) -> (vector<16xi32>)  : i32 {
          tpu.vector_store_idx %arg7[%add3A_2639, %scan3A_2991], %broadcast_in_dim3A_2413 masked %eq3A_2635 : memref<512x32xf32, #tpu.memory_space<vmem>>[vector<16xi32>, vector<16xi32>], vector<16xf32>, vector<16xi1>
          %add3A_2992 = arith.constant 1 : i32
          %add3A_2993 = vector.broadcast %add3A_2992 : i32 to vector<16xi32>
          %add3A_2994 = arith.addi %scan3A_2991, %add3A_2993 : vector<16xi32>
          scf.yield %add3A_2994 : vector<16xi32>
        }
        %scan3A_2647 = arith.constant 32 : i32
        %get3A_2648 = arith.index_cast %add3A_57 : i32 to index
        %get3A_2649 = arith.constant 208 : index
        %get3A_2650 = tpu.vector_load %arg5[%get3A_2648, %get3A_2649] {strides = array<i32>} : memref<50x512xi32, #tpu.memory_space<vmem>>, vector<16xi32>,
        %eq3A_2651 = arith.constant 0 : i32
        %eq3A_2652 = vector.broadcast %eq3A_2651 : i32 to vector<16xi32>
        %eq3A_2653 = arith.cmpi eq, %get3A_2650, %eq3A_2652 : vector<16xi32>
        %iota3A_2654 = tpu.iota {dimensions = array<i32: 0>} : vector<16xi32>
        %add3A_2655 = arith.constant 208 : i32
        %add3A_2656 = vector.broadcast %add3A_2655 : i32 to vector<16xi32>
        %add3A_2657 = arith.addi %add3A_2656, %iota3A_2654 : vector<16xi32>
        %broadcast_in_dim3A_2658 = arith.constant 0 : i32
        %broadcast_in_dim3A_2659 = vector.broadcast %broadcast_in_dim3A_2658 : i32 to vector<16xi32>
        %scan3A_2660 = arith.constant 0 : i32
        %scan3A_2661 = arith.constant 32 : i32
        %scan3A_2662 = arith.addi %scan3A_2660, %scan3A_2661 : i32
        %scan3A_2663 = arith.constant 1 : i32
        %scan3A_2664 = scf.for %scan3A_2990 = %scan3A_2660 to %scan3A_2662 step %scan3A_2663 iter_args(%scan3A_2991 = %broadcast_in_dim3A_2659) -> (vector<16xi32>)  : i32 {
          tpu.vector_store_idx %arg7[%add3A_2657, %scan3A_2991], %broadcast_in_dim3A_2413 masked %eq3A_2653 : memref<512x32xf32, #tpu.memory_space<vmem>>[vector<16xi32>, vector<16xi32>], vector<16xf32>, vector<16xi1>
          %add3A_2992 = arith.constant 1 : i32
          %add3A_2993 = vector.broadcast %add3A_2992 : i32 to vector<16xi32>
          %add3A_2994 = arith.addi %scan3A_2991, %add3A_2993 : vector<16xi32>
          scf.yield %add3A_2994 : vector<16xi32>
        }
        %scan3A_2665 = arith.constant 32 : i32
        %get3A_2666 = arith.index_cast %add3A_57 : i32 to index
        %get3A_2667 = arith.constant 224 : index
        %get3A_2668 = tpu.vector_load %arg5[%get3A_2666, %get3A_2667] {strides = array<i32>} : memref<50x512xi32, #tpu.memory_space<vmem>>, vector<16xi32>,
        %eq3A_2669 = arith.constant 0 : i32
        %eq3A_2670 = vector.broadcast %eq3A_2669 : i32 to vector<16xi32>
        %eq3A_2671 = arith.cmpi eq, %get3A_2668, %eq3A_2670 : vector<16xi32>
        %iota3A_2672 = tpu.iota {dimensions = array<i32: 0>} : vector<16xi32>
        %add3A_2673 = arith.constant 224 : i32
        %add3A_2674 = vector.broadcast %add3A_2673 : i32 to vector<16xi32>
        %add3A_2675 = arith.addi %add3A_2674, %iota3A_2672 : vector<16xi32>
        %broadcast_in_dim3A_2676 = arith.constant 0 : i32
        %broadcast_in_dim3A_2677 = vector.broadcast %broadcast_in_dim3A_2676 : i32 to vector<16xi32>
        %scan3A_2678 = arith.constant 0 : i32
        %scan3A_2679 = arith.constant 32 : i32
        %scan3A_2680 = arith.addi %scan3A_2678, %scan3A_2679 : i32
        %scan3A_2681 = arith.constant 1 : i32
        %scan3A_2682 = scf.for %scan3A_2990 = %scan3A_2678 to %scan3A_2680 step %scan3A_2681 iter_args(%scan3A_2991 = %broadcast_in_dim3A_2677) -> (vector<16xi32>)  : i32 {
          tpu.vector_store_idx %arg7[%add3A_2675, %scan3A_2991], %broadcast_in_dim3A_2413 masked %eq3A_2671 : memref<512x32xf32, #tpu.memory_space<vmem>>[vector<16xi32>, vector<16xi32>], vector<16xf32>, vector<16xi1>
          %add3A_2992 = arith.constant 1 : i32
          %add3A_2993 = vector.broadcast %add3A_2992 : i32 to vector<16xi32>
          %add3A_2994 = arith.addi %scan3A_2991, %add3A_2993 : vector<16xi32>
          scf.yield %add3A_2994 : vector<16xi32>
        }
        %scan3A_2683 = arith.constant 32 : i32
        %get3A_2684 = arith.index_cast %add3A_57 : i32 to index
        %get3A_2685 = arith.constant 240 : index
        %get3A_2686 = tpu.vector_load %arg5[%get3A_2684, %get3A_2685] {strides = array<i32>} : memref<50x512xi32, #tpu.memory_space<vmem>>, vector<16xi32>,
        %eq3A_2687 = arith.constant 0 : i32
        %eq3A_2688 = vector.broadcast %eq3A_2687 : i32 to vector<16xi32>
        %eq3A_2689 = arith.cmpi eq, %get3A_2686, %eq3A_2688 : vector<16xi32>
        %iota3A_2690 = tpu.iota {dimensions = array<i32: 0>} : vector<16xi32>
        %add3A_2691 = arith.constant 240 : i32
        %add3A_2692 = vector.broadcast %add3A_2691 : i32 to vector<16xi32>
        %add3A_2693 = arith.addi %add3A_2692, %iota3A_2690 : vector<16xi32>
        %broadcast_in_dim3A_2694 = arith.constant 0 : i32
        %broadcast_in_dim3A_2695 = vector.broadcast %broadcast_in_dim3A_2694 : i32 to vector<16xi32>
        %scan3A_2696 = arith.constant 0 : i32
        %scan3A_2697 = arith.constant 32 : i32
        %scan3A_2698 = arith.addi %scan3A_2696, %scan3A_2697 : i32
        %scan3A_2699 = arith.constant 1 : i32
        %scan3A_2700 = scf.for %scan3A_2990 = %scan3A_2696 to %scan3A_2698 step %scan3A_2699 iter_args(%scan3A_2991 = %broadcast_in_dim3A_2695) -> (vector<16xi32>)  : i32 {
          tpu.vector_store_idx %arg7[%add3A_2693, %scan3A_2991], %broadcast_in_dim3A_2413 masked %eq3A_2689 : memref<512x32xf32, #tpu.memory_space<vmem>>[vector<16xi32>, vector<16xi32>], vector<16xf32>, vector<16xi1>
          %add3A_2992 = arith.constant 1 : i32
          %add3A_2993 = vector.broadcast %add3A_2992 : i32 to vector<16xi32>
          %add3A_2994 = arith.addi %scan3A_2991, %add3A_2993 : vector<16xi32>
          scf.yield %add3A_2994 : vector<16xi32>
        }
        %scan3A_2701 = arith.constant 32 : i32
        %get3A_2702 = arith.index_cast %add3A_57 : i32 to index
        %get3A_2703 = arith.constant 256 : index
        %get3A_2704 = tpu.vector_load %arg5[%get3A_2702, %get3A_2703] {strides = array<i32>} : memref<50x512xi32, #tpu.memory_space<vmem>>, vector<16xi32>,
        %eq3A_2705 = arith.constant 0 : i32
        %eq3A_2706 = vector.broadcast %eq3A_2705 : i32 to vector<16xi32>
        %eq3A_2707 = arith.cmpi eq, %get3A_2704, %eq3A_2706 : vector<16xi32>
        %iota3A_2708 = tpu.iota {dimensions = array<i32: 0>} : vector<16xi32>
        %add3A_2709 = arith.constant 256 : i32
        %add3A_2710 = vector.broadcast %add3A_2709 : i32 to vector<16xi32>
        %add3A_2711 = arith.addi %add3A_2710, %iota3A_2708 : vector<16xi32>
        %broadcast_in_dim3A_2712 = arith.constant 0 : i32
        %broadcast_in_dim3A_2713 = vector.broadcast %broadcast_in_dim3A_2712 : i32 to vector<16xi32>
        %scan3A_2714 = arith.constant 0 : i32
        %scan3A_2715 = arith.constant 32 : i32
        %scan3A_2716 = arith.addi %scan3A_2714, %scan3A_2715 : i32
        %scan3A_2717 = arith.constant 1 : i32
        %scan3A_2718 = scf.for %scan3A_2990 = %scan3A_2714 to %scan3A_2716 step %scan3A_2717 iter_args(%scan3A_2991 = %broadcast_in_dim3A_2713) -> (vector<16xi32>)  : i32 {
          tpu.vector_store_idx %arg7[%add3A_2711, %scan3A_2991], %broadcast_in_dim3A_2413 masked %eq3A_2707 : memref<512x32xf32, #tpu.memory_space<vmem>>[vector<16xi32>, vector<16xi32>], vector<16xf32>, vector<16xi1>
          %add3A_2992 = arith.constant 1 : i32
          %add3A_2993 = vector.broadcast %add3A_2992 : i32 to vector<16xi32>
          %add3A_2994 = arith.addi %scan3A_2991, %add3A_2993 : vector<16xi32>
          scf.yield %add3A_2994 : vector<16xi32>
        }
        %scan3A_2719 = arith.constant 32 : i32
        %get3A_2720 = arith.index_cast %add3A_57 : i32 to index
        %get3A_2721 = arith.constant 272 : index
        %get3A_2722 = tpu.vector_load %arg5[%get3A_2720, %get3A_2721] {strides = array<i32>} : memref<50x512xi32, #tpu.memory_space<vmem>>, vector<16xi32>,
        %eq3A_2723 = arith.constant 0 : i32
        %eq3A_2724 = vector.broadcast %eq3A_2723 : i32 to vector<16xi32>
        %eq3A_2725 = arith.cmpi eq, %get3A_2722, %eq3A_2724 : vector<16xi32>
        %iota3A_2726 = tpu.iota {dimensions = array<i32: 0>} : vector<16xi32>
        %add3A_2727 = arith.constant 272 : i32
        %add3A_2728 = vector.broadcast %add3A_2727 : i32 to vector<16xi32>
        %add3A_2729 = arith.addi %add3A_2728, %iota3A_2726 : vector<16xi32>
        %broadcast_in_dim3A_2730 = arith.constant 0 : i32
        %broadcast_in_dim3A_2731 = vector.broadcast %broadcast_in_dim3A_2730 : i32 to vector<16xi32>
        %scan3A_2732 = arith.constant 0 : i32
        %scan3A_2733 = arith.constant 32 : i32
        %scan3A_2734 = arith.addi %scan3A_2732, %scan3A_2733 : i32
        %scan3A_2735 = arith.constant 1 : i32
        %scan3A_2736 = scf.for %scan3A_2990 = %scan3A_2732 to %scan3A_2734 step %scan3A_2735 iter_args(%scan3A_2991 = %broadcast_in_dim3A_2731) -> (vector<16xi32>)  : i32 {
          tpu.vector_store_idx %arg7[%add3A_2729, %scan3A_2991], %broadcast_in_dim3A_2413 masked %eq3A_2725 : memref<512x32xf32, #tpu.memory_space<vmem>>[vector<16xi32>, vector<16xi32>], vector<16xf32>, vector<16xi1>
          %add3A_2992 = arith.constant 1 : i32
          %add3A_2993 = vector.broadcast %add3A_2992 : i32 to vector<16xi32>
          %add3A_2994 = arith.addi %scan3A_2991, %add3A_2993 : vector<16xi32>
          scf.yield %add3A_2994 : vector<16xi32>
        }
        %scan3A_2737 = arith.constant 32 : i32
        %get3A_2738 = arith.index_cast %add3A_57 : i32 to index
        %get3A_2739 = arith.constant 288 : index
        %get3A_2740 = tpu.vector_load %arg5[%get3A_2738, %get3A_2739] {strides = array<i32>} : memref<50x512xi32, #tpu.memory_space<vmem>>, vector<16xi32>,
        %eq3A_2741 = arith.constant 0 : i32
        %eq3A_2742 = vector.broadcast %eq3A_2741 : i32 to vector<16xi32>
        %eq3A_2743 = arith.cmpi eq, %get3A_2740, %eq3A_2742 : vector<16xi32>
        %iota3A_2744 = tpu.iota {dimensions = array<i32: 0>} : vector<16xi32>
        %add3A_2745 = arith.constant 288 : i32
        %add3A_2746 = vector.broadcast %add3A_2745 : i32 to vector<16xi32>
        %add3A_2747 = arith.addi %add3A_2746, %iota3A_2744 : vector<16xi32>
        %broadcast_in_dim3A_2748 = arith.constant 0 : i32
        %broadcast_in_dim3A_2749 = vector.broadcast %broadcast_in_dim3A_2748 : i32 to vector<16xi32>
        %scan3A_2750 = arith.constant 0 : i32
        %scan3A_2751 = arith.constant 32 : i32
        %scan3A_2752 = arith.addi %scan3A_2750, %scan3A_2751 : i32
        %scan3A_2753 = arith.constant 1 : i32
        %scan3A_2754 = scf.for %scan3A_2990 = %scan3A_2750 to %scan3A_2752 step %scan3A_2753 iter_args(%scan3A_2991 = %broadcast_in_dim3A_2749) -> (vector<16xi32>)  : i32 {
          tpu.vector_store_idx %arg7[%add3A_2747, %scan3A_2991], %broadcast_in_dim3A_2413 masked %eq3A_2743 : memref<512x32xf32, #tpu.memory_space<vmem>>[vector<16xi32>, vector<16xi32>], vector<16xf32>, vector<16xi1>
          %add3A_2992 = arith.constant 1 : i32
          %add3A_2993 = vector.broadcast %add3A_2992 : i32 to vector<16xi32>
          %add3A_2994 = arith.addi %scan3A_2991, %add3A_2993 : vector<16xi32>
          scf.yield %add3A_2994 : vector<16xi32>
        }
        %scan3A_2755 = arith.constant 32 : i32
        %get3A_2756 = arith.index_cast %add3A_57 : i32 to index
        %get3A_2757 = arith.constant 304 : index
        %get3A_2758 = tpu.vector_load %arg5[%get3A_2756, %get3A_2757] {strides = array<i32>} : memref<50x512xi32, #tpu.memory_space<vmem>>, vector<16xi32>,
        %eq3A_2759 = arith.constant 0 : i32
        %eq3A_2760 = vector.broadcast %eq3A_2759 : i32 to vector<16xi32>
        %eq3A_2761 = arith.cmpi eq, %get3A_2758, %eq3A_2760 : vector<16xi32>
        %iota3A_2762 = tpu.iota {dimensions = array<i32: 0>} : vector<16xi32>
        %add3A_2763 = arith.constant 304 : i32
        %add3A_2764 = vector.broadcast %add3A_2763 : i32 to vector<16xi32>
        %add3A_2765 = arith.addi %add3A_2764, %iota3A_2762 : vector<16xi32>
        %broadcast_in_dim3A_2766 = arith.constant 0 : i32
        %broadcast_in_dim3A_2767 = vector.broadcast %broadcast_in_dim3A_2766 : i32 to vector<16xi32>
        %scan3A_2768 = arith.constant 0 : i32
        %scan3A_2769 = arith.constant 32 : i32
        %scan3A_2770 = arith.addi %scan3A_2768, %scan3A_2769 : i32
        %scan3A_2771 = arith.constant 1 : i32
        %scan3A_2772 = scf.for %scan3A_2990 = %scan3A_2768 to %scan3A_2770 step %scan3A_2771 iter_args(%scan3A_2991 = %broadcast_in_dim3A_2767) -> (vector<16xi32>)  : i32 {
          tpu.vector_store_idx %arg7[%add3A_2765, %scan3A_2991], %broadcast_in_dim3A_2413 masked %eq3A_2761 : memref<512x32xf32, #tpu.memory_space<vmem>>[vector<16xi32>, vector<16xi32>], vector<16xf32>, vector<16xi1>
          %add3A_2992 = arith.constant 1 : i32
          %add3A_2993 = vector.broadcast %add3A_2992 : i32 to vector<16xi32>
          %add3A_2994 = arith.addi %scan3A_2991, %add3A_2993 : vector<16xi32>
          scf.yield %add3A_2994 : vector<16xi32>
        }
        %scan3A_2773 = arith.constant 32 : i32
        %get3A_2774 = arith.index_cast %add3A_57 : i32 to index
        %get3A_2775 = arith.constant 320 : index
        %get3A_2776 = tpu.vector_load %arg5[%get3A_2774, %get3A_2775] {strides = array<i32>} : memref<50x512xi32, #tpu.memory_space<vmem>>, vector<16xi32>,
        %eq3A_2777 = arith.constant 0 : i32
        %eq3A_2778 = vector.broadcast %eq3A_2777 : i32 to vector<16xi32>
        %eq3A_2779 = arith.cmpi eq, %get3A_2776, %eq3A_2778 : vector<16xi32>
        %iota3A_2780 = tpu.iota {dimensions = array<i32: 0>} : vector<16xi32>
        %add3A_2781 = arith.constant 320 : i32
        %add3A_2782 = vector.broadcast %add3A_2781 : i32 to vector<16xi32>
        %add3A_2783 = arith.addi %add3A_2782, %iota3A_2780 : vector<16xi32>
        %broadcast_in_dim3A_2784 = arith.constant 0 : i32
        %broadcast_in_dim3A_2785 = vector.broadcast %broadcast_in_dim3A_2784 : i32 to vector<16xi32>
        %scan3A_2786 = arith.constant 0 : i32
        %scan3A_2787 = arith.constant 32 : i32
        %scan3A_2788 = arith.addi %scan3A_2786, %scan3A_2787 : i32
        %scan3A_2789 = arith.constant 1 : i32
        %scan3A_2790 = scf.for %scan3A_2990 = %scan3A_2786 to %scan3A_2788 step %scan3A_2789 iter_args(%scan3A_2991 = %broadcast_in_dim3A_2785) -> (vector<16xi32>)  : i32 {
          tpu.vector_store_idx %arg7[%add3A_2783, %scan3A_2991], %broadcast_in_dim3A_2413 masked %eq3A_2779 : memref<512x32xf32, #tpu.memory_space<vmem>>[vector<16xi32>, vector<16xi32>], vector<16xf32>, vector<16xi1>
          %add3A_2992 = arith.constant 1 : i32
          %add3A_2993 = vector.broadcast %add3A_2992 : i32 to vector<16xi32>
          %add3A_2994 = arith.addi %scan3A_2991, %add3A_2993 : vector<16xi32>
          scf.yield %add3A_2994 : vector<16xi32>
        }
        %scan3A_2791 = arith.constant 32 : i32
        %get3A_2792 = arith.index_cast %add3A_57 : i32 to index
        %get3A_2793 = arith.constant 336 : index
        %get3A_2794 = tpu.vector_load %arg5[%get3A_2792, %get3A_2793] {strides = array<i32>} : memref<50x512xi32, #tpu.memory_space<vmem>>, vector<16xi32>,
        %eq3A_2795 = arith.constant 0 : i32
        %eq3A_2796 = vector.broadcast %eq3A_2795 : i32 to vector<16xi32>
        %eq3A_2797 = arith.cmpi eq, %get3A_2794, %eq3A_2796 : vector<16xi32>
        %iota3A_2798 = tpu.iota {dimensions = array<i32: 0>} : vector<16xi32>
        %add3A_2799 = arith.constant 336 : i32
        %add3A_2800 = vector.broadcast %add3A_2799 : i32 to vector<16xi32>
        %add3A_2801 = arith.addi %add3A_2800, %iota3A_2798 : vector<16xi32>
        %broadcast_in_dim3A_2802 = arith.constant 0 : i32
        %broadcast_in_dim3A_2803 = vector.broadcast %broadcast_in_dim3A_2802 : i32 to vector<16xi32>
        %scan3A_2804 = arith.constant 0 : i32
        %scan3A_2805 = arith.constant 32 : i32
        %scan3A_2806 = arith.addi %scan3A_2804, %scan3A_2805 : i32
        %scan3A_2807 = arith.constant 1 : i32
        %scan3A_2808 = scf.for %scan3A_2990 = %scan3A_2804 to %scan3A_2806 step %scan3A_2807 iter_args(%scan3A_2991 = %broadcast_in_dim3A_2803) -> (vector<16xi32>)  : i32 {
          tpu.vector_store_idx %arg7[%add3A_2801, %scan3A_2991], %broadcast_in_dim3A_2413 masked %eq3A_2797 : memref<512x32xf32, #tpu.memory_space<vmem>>[vector<16xi32>, vector<16xi32>], vector<16xf32>, vector<16xi1>
          %add3A_2992 = arith.constant 1 : i32
          %add3A_2993 = vector.broadcast %add3A_2992 : i32 to vector<16xi32>
          %add3A_2994 = arith.addi %scan3A_2991, %add3A_2993 : vector<16xi32>
          scf.yield %add3A_2994 : vector<16xi32>
        }
        %scan3A_2809 = arith.constant 32 : i32
        %get3A_2810 = arith.index_cast %add3A_57 : i32 to index
        %get3A_2811 = arith.constant 352 : index
        %get3A_2812 = tpu.vector_load %arg5[%get3A_2810, %get3A_2811] {strides = array<i32>} : memref<50x512xi32, #tpu.memory_space<vmem>>, vector<16xi32>,
        %eq3A_2813 = arith.constant 0 : i32
        %eq3A_2814 = vector.broadcast %eq3A_2813 : i32 to vector<16xi32>
        %eq3A_2815 = arith.cmpi eq, %get3A_2812, %eq3A_2814 : vector<16xi32>
        %iota3A_2816 = tpu.iota {dimensions = array<i32: 0>} : vector<16xi32>
        %add3A_2817 = arith.constant 352 : i32
        %add3A_2818 = vector.broadcast %add3A_2817 : i32 to vector<16xi32>
        %add3A_2819 = arith.addi %add3A_2818, %iota3A_2816 : vector<16xi32>
        %broadcast_in_dim3A_2820 = arith.constant 0 : i32
        %broadcast_in_dim3A_2821 = vector.broadcast %broadcast_in_dim3A_2820 : i32 to vector<16xi32>
        %scan3A_2822 = arith.constant 0 : i32
        %scan3A_2823 = arith.constant 32 : i32
        %scan3A_2824 = arith.addi %scan3A_2822, %scan3A_2823 : i32
        %scan3A_2825 = arith.constant 1 : i32
        %scan3A_2826 = scf.for %scan3A_2990 = %scan3A_2822 to %scan3A_2824 step %scan3A_2825 iter_args(%scan3A_2991 = %broadcast_in_dim3A_2821) -> (vector<16xi32>)  : i32 {
          tpu.vector_store_idx %arg7[%add3A_2819, %scan3A_2991], %broadcast_in_dim3A_2413 masked %eq3A_2815 : memref<512x32xf32, #tpu.memory_space<vmem>>[vector<16xi32>, vector<16xi32>], vector<16xf32>, vector<16xi1>
          %add3A_2992 = arith.constant 1 : i32
          %add3A_2993 = vector.broadcast %add3A_2992 : i32 to vector<16xi32>
          %add3A_2994 = arith.addi %scan3A_2991, %add3A_2993 : vector<16xi32>
          scf.yield %add3A_2994 : vector<16xi32>
        }
        %scan3A_2827 = arith.constant 32 : i32
        %get3A_2828 = arith.index_cast %add3A_57 : i32 to index
        %get3A_2829 = arith.constant 368 : index
        %get3A_2830 = tpu.vector_load %arg5[%get3A_2828, %get3A_2829] {strides = array<i32>} : memref<50x512xi32, #tpu.memory_space<vmem>>, vector<16xi32>,
        %eq3A_2831 = arith.constant 0 : i32
        %eq3A_2832 = vector.broadcast %eq3A_2831 : i32 to vector<16xi32>
        %eq3A_2833 = arith.cmpi eq, %get3A_2830, %eq3A_2832 : vector<16xi32>
        %iota3A_2834 = tpu.iota {dimensions = array<i32: 0>} : vector<16xi32>
        %add3A_2835 = arith.constant 368 : i32
        %add3A_2836 = vector.broadcast %add3A_2835 : i32 to vector<16xi32>
        %add3A_2837 = arith.addi %add3A_2836, %iota3A_2834 : vector<16xi32>
        %broadcast_in_dim3A_2838 = arith.constant 0 : i32
        %broadcast_in_dim3A_2839 = vector.broadcast %broadcast_in_dim3A_2838 : i32 to vector<16xi32>
        %scan3A_2840 = arith.constant 0 : i32
        %scan3A_2841 = arith.constant 32 : i32
        %scan3A_2842 = arith.addi %scan3A_2840, %scan3A_2841 : i32
        %scan3A_2843 = arith.constant 1 : i32
        %scan3A_2844 = scf.for %scan3A_2990 = %scan3A_2840 to %scan3A_2842 step %scan3A_2843 iter_args(%scan3A_2991 = %broadcast_in_dim3A_2839) -> (vector<16xi32>)  : i32 {
          tpu.vector_store_idx %arg7[%add3A_2837, %scan3A_2991], %broadcast_in_dim3A_2413 masked %eq3A_2833 : memref<512x32xf32, #tpu.memory_space<vmem>>[vector<16xi32>, vector<16xi32>], vector<16xf32>, vector<16xi1>
          %add3A_2992 = arith.constant 1 : i32
          %add3A_2993 = vector.broadcast %add3A_2992 : i32 to vector<16xi32>
          %add3A_2994 = arith.addi %scan3A_2991, %add3A_2993 : vector<16xi32>
          scf.yield %add3A_2994 : vector<16xi32>
        }
        %scan3A_2845 = arith.constant 32 : i32
        %get3A_2846 = arith.index_cast %add3A_57 : i32 to index
        %get3A_2847 = arith.constant 384 : index
        %get3A_2848 = tpu.vector_load %arg5[%get3A_2846, %get3A_2847] {strides = array<i32>} : memref<50x512xi32, #tpu.memory_space<vmem>>, vector<16xi32>,
        %eq3A_2849 = arith.constant 0 : i32
        %eq3A_2850 = vector.broadcast %eq3A_2849 : i32 to vector<16xi32>
        %eq3A_2851 = arith.cmpi eq, %get3A_2848, %eq3A_2850 : vector<16xi32>
        %iota3A_2852 = tpu.iota {dimensions = array<i32: 0>} : vector<16xi32>
        %add3A_2853 = arith.constant 384 : i32
        %add3A_2854 = vector.broadcast %add3A_2853 : i32 to vector<16xi32>
        %add3A_2855 = arith.addi %add3A_2854, %iota3A_2852 : vector<16xi32>
        %broadcast_in_dim3A_2856 = arith.constant 0 : i32
        %broadcast_in_dim3A_2857 = vector.broadcast %broadcast_in_dim3A_2856 : i32 to vector<16xi32>
        %scan3A_2858 = arith.constant 0 : i32
        %scan3A_2859 = arith.constant 32 : i32
        %scan3A_2860 = arith.addi %scan3A_2858, %scan3A_2859 : i32
        %scan3A_2861 = arith.constant 1 : i32
        %scan3A_2862 = scf.for %scan3A_2990 = %scan3A_2858 to %scan3A_2860 step %scan3A_2861 iter_args(%scan3A_2991 = %broadcast_in_dim3A_2857) -> (vector<16xi32>)  : i32 {
          tpu.vector_store_idx %arg7[%add3A_2855, %scan3A_2991], %broadcast_in_dim3A_2413 masked %eq3A_2851 : memref<512x32xf32, #tpu.memory_space<vmem>>[vector<16xi32>, vector<16xi32>], vector<16xf32>, vector<16xi1>
          %add3A_2992 = arith.constant 1 : i32
          %add3A_2993 = vector.broadcast %add3A_2992 : i32 to vector<16xi32>
          %add3A_2994 = arith.addi %scan3A_2991, %add3A_2993 : vector<16xi32>
          scf.yield %add3A_2994 : vector<16xi32>
        }
        %scan3A_2863 = arith.constant 32 : i32
        %get3A_2864 = arith.index_cast %add3A_57 : i32 to index
        %get3A_2865 = arith.constant 400 : index
        %get3A_2866 = tpu.vector_load %arg5[%get3A_2864, %get3A_2865] {strides = array<i32>} : memref<50x512xi32, #tpu.memory_space<vmem>>, vector<16xi32>,
        %eq3A_2867 = arith.constant 0 : i32
        %eq3A_2868 = vector.broadcast %eq3A_2867 : i32 to vector<16xi32>
        %eq3A_2869 = arith.cmpi eq, %get3A_2866, %eq3A_2868 : vector<16xi32>
        %iota3A_2870 = tpu.iota {dimensions = array<i32: 0>} : vector<16xi32>
        %add3A_2871 = arith.constant 400 : i32
        %add3A_2872 = vector.broadcast %add3A_2871 : i32 to vector<16xi32>
        %add3A_2873 = arith.addi %add3A_2872, %iota3A_2870 : vector<16xi32>
        %broadcast_in_dim3A_2874 = arith.constant 0 : i32
        %broadcast_in_dim3A_2875 = vector.broadcast %broadcast_in_dim3A_2874 : i32 to vector<16xi32>
        %scan3A_2876 = arith.constant 0 : i32
        %scan3A_2877 = arith.constant 32 : i32
        %scan3A_2878 = arith.addi %scan3A_2876, %scan3A_2877 : i32
        %scan3A_2879 = arith.constant 1 : i32
        %scan3A_2880 = scf.for %scan3A_2990 = %scan3A_2876 to %scan3A_2878 step %scan3A_2879 iter_args(%scan3A_2991 = %broadcast_in_dim3A_2875) -> (vector<16xi32>)  : i32 {
          tpu.vector_store_idx %arg7[%add3A_2873, %scan3A_2991], %broadcast_in_dim3A_2413 masked %eq3A_2869 : memref<512x32xf32, #tpu.memory_space<vmem>>[vector<16xi32>, vector<16xi32>], vector<16xf32>, vector<16xi1>
          %add3A_2992 = arith.constant 1 : i32
          %add3A_2993 = vector.broadcast %add3A_2992 : i32 to vector<16xi32>
          %add3A_2994 = arith.addi %scan3A_2991, %add3A_2993 : vector<16xi32>
          scf.yield %add3A_2994 : vector<16xi32>
        }
        %scan3A_2881 = arith.constant 32 : i32
        %get3A_2882 = arith.index_cast %add3A_57 : i32 to index
        %get3A_2883 = arith.constant 416 : index
        %get3A_2884 = tpu.vector_load %arg5[%get3A_2882, %get3A_2883] {strides = array<i32>} : memref<50x512xi32, #tpu.memory_space<vmem>>, vector<16xi32>,
        %eq3A_2885 = arith.constant 0 : i32
        %eq3A_2886 = vector.broadcast %eq3A_2885 : i32 to vector<16xi32>
        %eq3A_2887 = arith.cmpi eq, %get3A_2884, %eq3A_2886 : vector<16xi32>
        %iota3A_2888 = tpu.iota {dimensions = array<i32: 0>} : vector<16xi32>
        %add3A_2889 = arith.constant 416 : i32
        %add3A_2890 = vector.broadcast %add3A_2889 : i32 to vector<16xi32>
        %add3A_2891 = arith.addi %add3A_2890, %iota3A_2888 : vector<16xi32>
        %broadcast_in_dim3A_2892 = arith.constant 0 : i32
        %broadcast_in_dim3A_2893 = vector.broadcast %broadcast_in_dim3A_2892 : i32 to vector<16xi32>
        %scan3A_2894 = arith.constant 0 : i32
        %scan3A_2895 = arith.constant 32 : i32
        %scan3A_2896 = arith.addi %scan3A_2894, %scan3A_2895 : i32
        %scan3A_2897 = arith.constant 1 : i32
        %scan3A_2898 = scf.for %scan3A_2990 = %scan3A_2894 to %scan3A_2896 step %scan3A_2897 iter_args(%scan3A_2991 = %broadcast_in_dim3A_2893) -> (vector<16xi32>)  : i32 {
          tpu.vector_store_idx %arg7[%add3A_2891, %scan3A_2991], %broadcast_in_dim3A_2413 masked %eq3A_2887 : memref<512x32xf32, #tpu.memory_space<vmem>>[vector<16xi32>, vector<16xi32>], vector<16xf32>, vector<16xi1>
          %add3A_2992 = arith.constant 1 : i32
          %add3A_2993 = vector.broadcast %add3A_2992 : i32 to vector<16xi32>
          %add3A_2994 = arith.addi %scan3A_2991, %add3A_2993 : vector<16xi32>
          scf.yield %add3A_2994 : vector<16xi32>
        }
        %scan3A_2899 = arith.constant 32 : i32
        %get3A_2900 = arith.index_cast %add3A_57 : i32 to index
        %get3A_2901 = arith.constant 432 : index
        %get3A_2902 = tpu.vector_load %arg5[%get3A_2900, %get3A_2901] {strides = array<i32>} : memref<50x512xi32, #tpu.memory_space<vmem>>, vector<16xi32>,
        %eq3A_2903 = arith.constant 0 : i32
        %eq3A_2904 = vector.broadcast %eq3A_2903 : i32 to vector<16xi32>
        %eq3A_2905 = arith.cmpi eq, %get3A_2902, %eq3A_2904 : vector<16xi32>
        %iota3A_2906 = tpu.iota {dimensions = array<i32: 0>} : vector<16xi32>
        %add3A_2907 = arith.constant 432 : i32
        %add3A_2908 = vector.broadcast %add3A_2907 : i32 to vector<16xi32>
        %add3A_2909 = arith.addi %add3A_2908, %iota3A_2906 : vector<16xi32>
        %broadcast_in_dim3A_2910 = arith.constant 0 : i32
        %broadcast_in_dim3A_2911 = vector.broadcast %broadcast_in_dim3A_2910 : i32 to vector<16xi32>
        %scan3A_2912 = arith.constant 0 : i32
        %scan3A_2913 = arith.constant 32 : i32
        %scan3A_2914 = arith.addi %scan3A_2912, %scan3A_2913 : i32
        %scan3A_2915 = arith.constant 1 : i32
        %scan3A_2916 = scf.for %scan3A_2990 = %scan3A_2912 to %scan3A_2914 step %scan3A_2915 iter_args(%scan3A_2991 = %broadcast_in_dim3A_2911) -> (vector<16xi32>)  : i32 {
          tpu.vector_store_idx %arg7[%add3A_2909, %scan3A_2991], %broadcast_in_dim3A_2413 masked %eq3A_2905 : memref<512x32xf32, #tpu.memory_space<vmem>>[vector<16xi32>, vector<16xi32>], vector<16xf32>, vector<16xi1>
          %add3A_2992 = arith.constant 1 : i32
          %add3A_2993 = vector.broadcast %add3A_2992 : i32 to vector<16xi32>
          %add3A_2994 = arith.addi %scan3A_2991, %add3A_2993 : vector<16xi32>
          scf.yield %add3A_2994 : vector<16xi32>
        }
        %scan3A_2917 = arith.constant 32 : i32
        %get3A_2918 = arith.index_cast %add3A_57 : i32 to index
        %get3A_2919 = arith.constant 448 : index
        %get3A_2920 = tpu.vector_load %arg5[%get3A_2918, %get3A_2919] {strides = array<i32>} : memref<50x512xi32, #tpu.memory_space<vmem>>, vector<16xi32>,
        %eq3A_2921 = arith.constant 0 : i32
        %eq3A_2922 = vector.broadcast %eq3A_2921 : i32 to vector<16xi32>
        %eq3A_2923 = arith.cmpi eq, %get3A_2920, %eq3A_2922 : vector<16xi32>
        %iota3A_2924 = tpu.iota {dimensions = array<i32: 0>} : vector<16xi32>
        %add3A_2925 = arith.constant 448 : i32
        %add3A_2926 = vector.broadcast %add3A_2925 : i32 to vector<16xi32>
        %add3A_2927 = arith.addi %add3A_2926, %iota3A_2924 : vector<16xi32>
        %broadcast_in_dim3A_2928 = arith.constant 0 : i32
        %broadcast_in_dim3A_2929 = vector.broadcast %broadcast_in_dim3A_2928 : i32 to vector<16xi32>
        %scan3A_2930 = arith.constant 0 : i32
        %scan3A_2931 = arith.constant 32 : i32
        %scan3A_2932 = arith.addi %scan3A_2930, %scan3A_2931 : i32
        %scan3A_2933 = arith.constant 1 : i32
        %scan3A_2934 = scf.for %scan3A_2990 = %scan3A_2930 to %scan3A_2932 step %scan3A_2933 iter_args(%scan3A_2991 = %broadcast_in_dim3A_2929) -> (vector<16xi32>)  : i32 {
          tpu.vector_store_idx %arg7[%add3A_2927, %scan3A_2991], %broadcast_in_dim3A_2413 masked %eq3A_2923 : memref<512x32xf32, #tpu.memory_space<vmem>>[vector<16xi32>, vector<16xi32>], vector<16xf32>, vector<16xi1>
          %add3A_2992 = arith.constant 1 : i32
          %add3A_2993 = vector.broadcast %add3A_2992 : i32 to vector<16xi32>
          %add3A_2994 = arith.addi %scan3A_2991, %add3A_2993 : vector<16xi32>
          scf.yield %add3A_2994 : vector<16xi32>
        }
        %scan3A_2935 = arith.constant 32 : i32
        %get3A_2936 = arith.index_cast %add3A_57 : i32 to index
        %get3A_2937 = arith.constant 464 : index
        %get3A_2938 = tpu.vector_load %arg5[%get3A_2936, %get3A_2937] {strides = array<i32>} : memref<50x512xi32, #tpu.memory_space<vmem>>, vector<16xi32>,
        %eq3A_2939 = arith.constant 0 : i32
        %eq3A_2940 = vector.broadcast %eq3A_2939 : i32 to vector<16xi32>
        %eq3A_2941 = arith.cmpi eq, %get3A_2938, %eq3A_2940 : vector<16xi32>
        %iota3A_2942 = tpu.iota {dimensions = array<i32: 0>} : vector<16xi32>
        %add3A_2943 = arith.constant 464 : i32
        %add3A_2944 = vector.broadcast %add3A_2943 : i32 to vector<16xi32>
        %add3A_2945 = arith.addi %add3A_2944, %iota3A_2942 : vector<16xi32>
        %broadcast_in_dim3A_2946 = arith.constant 0 : i32
        %broadcast_in_dim3A_2947 = vector.broadcast %broadcast_in_dim3A_2946 : i32 to vector<16xi32>
        %scan3A_2948 = arith.constant 0 : i32
        %scan3A_2949 = arith.constant 32 : i32
        %scan3A_2950 = arith.addi %scan3A_2948, %scan3A_2949 : i32
        %scan3A_2951 = arith.constant 1 : i32
        %scan3A_2952 = scf.for %scan3A_2990 = %scan3A_2948 to %scan3A_2950 step %scan3A_2951 iter_args(%scan3A_2991 = %broadcast_in_dim3A_2947) -> (vector<16xi32>)  : i32 {
          tpu.vector_store_idx %arg7[%add3A_2945, %scan3A_2991], %broadcast_in_dim3A_2413 masked %eq3A_2941 : memref<512x32xf32, #tpu.memory_space<vmem>>[vector<16xi32>, vector<16xi32>], vector<16xf32>, vector<16xi1>
          %add3A_2992 = arith.constant 1 : i32
          %add3A_2993 = vector.broadcast %add3A_2992 : i32 to vector<16xi32>
          %add3A_2994 = arith.addi %scan3A_2991, %add3A_2993 : vector<16xi32>
          scf.yield %add3A_2994 : vector<16xi32>
        }
        %scan3A_2953 = arith.constant 32 : i32
        %get3A_2954 = arith.index_cast %add3A_57 : i32 to index
        %get3A_2955 = arith.constant 480 : index
        %get3A_2956 = tpu.vector_load %arg5[%get3A_2954, %get3A_2955] {strides = array<i32>} : memref<50x512xi32, #tpu.memory_space<vmem>>, vector<16xi32>,
        %eq3A_2957 = arith.constant 0 : i32
        %eq3A_2958 = vector.broadcast %eq3A_2957 : i32 to vector<16xi32>
        %eq3A_2959 = arith.cmpi eq, %get3A_2956, %eq3A_2958 : vector<16xi32>
        %iota3A_2960 = tpu.iota {dimensions = array<i32: 0>} : vector<16xi32>
        %add3A_2961 = arith.constant 480 : i32
        %add3A_2962 = vector.broadcast %add3A_2961 : i32 to vector<16xi32>
        %add3A_2963 = arith.addi %add3A_2962, %iota3A_2960 : vector<16xi32>
        %broadcast_in_dim3A_2964 = arith.constant 0 : i32
        %broadcast_in_dim3A_2965 = vector.broadcast %broadcast_in_dim3A_2964 : i32 to vector<16xi32>
        %scan3A_2966 = arith.constant 0 : i32
        %scan3A_2967 = arith.constant 32 : i32
        %scan3A_2968 = arith.addi %scan3A_2966, %scan3A_2967 : i32
        %scan3A_2969 = arith.constant 1 : i32
        %scan3A_2970 = scf.for %scan3A_2990 = %scan3A_2966 to %scan3A_2968 step %scan3A_2969 iter_args(%scan3A_2991 = %broadcast_in_dim3A_2965) -> (vector<16xi32>)  : i32 {
          tpu.vector_store_idx %arg7[%add3A_2963, %scan3A_2991], %broadcast_in_dim3A_2413 masked %eq3A_2959 : memref<512x32xf32, #tpu.memory_space<vmem>>[vector<16xi32>, vector<16xi32>], vector<16xf32>, vector<16xi1>
          %add3A_2992 = arith.constant 1 : i32
          %add3A_2993 = vector.broadcast %add3A_2992 : i32 to vector<16xi32>
          %add3A_2994 = arith.addi %scan3A_2991, %add3A_2993 : vector<16xi32>
          scf.yield %add3A_2994 : vector<16xi32>
        }
        %scan3A_2971 = arith.constant 32 : i32
        %get3A_2972 = arith.index_cast %add3A_57 : i32 to index
        %get3A_2973 = arith.constant 496 : index
        %get3A_2974 = tpu.vector_load %arg5[%get3A_2972, %get3A_2973] {strides = array<i32>} : memref<50x512xi32, #tpu.memory_space<vmem>>, vector<16xi32>,
        %eq3A_2975 = arith.constant 0 : i32
        %eq3A_2976 = vector.broadcast %eq3A_2975 : i32 to vector<16xi32>
        %eq3A_2977 = arith.cmpi eq, %get3A_2974, %eq3A_2976 : vector<16xi32>
        %iota3A_2978 = tpu.iota {dimensions = array<i32: 0>} : vector<16xi32>
        %add3A_2979 = arith.constant 496 : i32
        %add3A_2980 = vector.broadcast %add3A_2979 : i32 to vector<16xi32>
        %add3A_2981 = arith.addi %add3A_2980, %iota3A_2978 : vector<16xi32>
        %broadcast_in_dim3A_2982 = arith.constant 0 : i32
        %broadcast_in_dim3A_2983 = vector.broadcast %broadcast_in_dim3A_2982 : i32 to vector<16xi32>
        %scan3A_2984 = arith.constant 0 : i32
        %scan3A_2985 = arith.constant 32 : i32
        %scan3A_2986 = arith.addi %scan3A_2984, %scan3A_2985 : i32
        %scan3A_2987 = arith.constant 1 : i32
        %scan3A_2988 = scf.for %scan3A_2990 = %scan3A_2984 to %scan3A_2986 step %scan3A_2987 iter_args(%scan3A_2991 = %broadcast_in_dim3A_2983) -> (vector<16xi32>)  : i32 {
          tpu.vector_store_idx %arg7[%add3A_2981, %scan3A_2991], %broadcast_in_dim3A_2413 masked %eq3A_2977 : memref<512x32xf32, #tpu.memory_space<vmem>>[vector<16xi32>, vector<16xi32>], vector<16xf32>, vector<16xi1>
          %add3A_2992 = arith.constant 1 : i32
          %add3A_2993 = vector.broadcast %add3A_2992 : i32 to vector<16xi32>
          %add3A_2994 = arith.addi %scan3A_2991, %add3A_2993 : vector<16xi32>
          scf.yield %add3A_2994 : vector<16xi32>
        }
        %scan3A_2989 = arith.constant 32 : i32
      } else {
      }
      %dma_wait3A_1588 = arith.constant 0 : i32
      %dma_wait3A_1589 = tpu.memref_slice %arg4[%mul3A_55, %dma_wait3A_1588, %mul3A_2] : memref<50x32x16384xf32, #tpu.memory_space<hbm>> -> memref<1x32x512xf32, #tpu.memory_space<hbm>>
      %dma_wait3A_1590 = tpu.memref_squeeze %dma_wait3A_1589 : memref<1x32x512xf32, #tpu.memory_space<hbm>> -> memref<32x512xf32, #tpu.memory_space<hbm>>
      %dma_wait3A_1591 = arith.constant 0 : i32
      %dma_wait3A_1592 = tpu.memref_slice %arg4[%mul3A_55, %dma_wait3A_1591, %mul3A_2] : memref<50x32x16384xf32, #tpu.memory_space<hbm>> -> memref<1x32x512xf32, #tpu.memory_space<hbm>>
      %dma_wait3A_1593 = tpu.memref_squeeze %dma_wait3A_1592 : memref<1x32x512xf32, #tpu.memory_space<hbm>> -> memref<32x512xf32, #tpu.memory_space<hbm>>
      tpu.wait_dma2 semaphore(%arg12 : memref<!tpu.dma_semaphore, #tpu.memory_space<semaphore_mem>>) src(%arg8 : memref<32x512xf32, #tpu.memory_space<vmem>>) dst(%dma_wait3A_1593 : memref<32x512xf32, #tpu.memory_space<hbm>>)
      %lt3A_1594 = arith.constant 24 : i32
      %lt3A_1595 = arith.cmpi slt, %scan3A_53, %lt3A_1594 : i32
      %convert_element_type3A_1596 = arith.extui %lt3A_1595 : i1 to i32
      %cond3A_1597 = arith.constant 0 : i32
      %cond3A_1598 = arith.cmpi ne, %convert_element_type3A_1596, %cond3A_1597 : i32
      scf.if %cond3A_1598 {
        %add3A_2412 = arith.constant 2 : i32
        %add3A_2413 = arith.addi %mul3A_55, %add3A_2412 : i32
        %dma_start3A_2414 = arith.constant 0 : i32
        %dma_start3A_2415 = arith.constant 0 : i32
        %dma_start3A_2416 = tpu.memref_slice %arg6[%dma_start3A_2414, %dma_start3A_2415] : memref<512x32xf32, #tpu.memory_space<vmem>> -> memref<128x32xf32, #tpu.memory_space<vmem>>
        %dma_start3A_2417 = arith.constant 0 : i32
        %dma_start3A_2418 = tpu.memref_slice %arg5[%add3A_2413, %dma_start3A_2417] : memref<50x512xi32, #tpu.memory_space<vmem>> -> memref<1x128xi32, #tpu.memory_space<vmem>>
        %dma_start3A_2419 = tpu.memref_squeeze %dma_start3A_2418 : memref<1x128xi32, #tpu.memory_space<vmem>> -> memref<128xi32, #tpu.memory_space<vmem>>
        %dma_start3A_2420 = arith.constant 0 : i32
        %dma_start3A_2421 = arith.constant 0 : i32
        %dma_start3A_2422 = tpu.memref_slice %arg3[%dma_start3A_2420, %dma_start3A_2421] : memref<1000000x32xf32, #tpu.memory_space<hbm>> -> memref<1000000x32xf32, #tpu.memory_space<hbm>>
        tpu.enqueue_indirect_dma source(%dma_start3A_2422 : memref<1000000x32xf32, #tpu.memory_space<hbm>>) target(%dma_start3A_2416 : memref<128x32xf32, #tpu.memory_space<vmem>>) offsets(%dma_start3A_2419 : memref<128xi32, #tpu.memory_space<vmem>>) semaphore(%arg10 : memref<!tpu.dma_semaphore, #tpu.memory_space<semaphore_mem>>)
        %dma_start3A_2423 = arith.constant 128 : i32
        %dma_start3A_2424 = arith.constant 0 : i32
        %dma_start3A_2425 = tpu.memref_slice %arg6[%dma_start3A_2423, %dma_start3A_2424] : memref<512x32xf32, #tpu.memory_space<vmem>> -> memref<128x32xf32, #tpu.memory_space<vmem>>
        %dma_start3A_2426 = arith.constant 128 : i32
        %dma_start3A_2427 = tpu.memref_slice %arg5[%add3A_2413, %dma_start3A_2426] : memref<50x512xi32, #tpu.memory_space<vmem>> -> memref<1x128xi32, #tpu.memory_space<vmem>>
        %dma_start3A_2428 = tpu.memref_squeeze %dma_start3A_2427 : memref<1x128xi32, #tpu.memory_space<vmem>> -> memref<128xi32, #tpu.memory_space<vmem>>
        %dma_start3A_2429 = arith.constant 0 : i32
        %dma_start3A_2430 = arith.constant 0 : i32
        %dma_start3A_2431 = tpu.memref_slice %arg3[%dma_start3A_2429, %dma_start3A_2430] : memref<1000000x32xf32, #tpu.memory_space<hbm>> -> memref<1000000x32xf32, #tpu.memory_space<hbm>>
        tpu.enqueue_indirect_dma source(%dma_start3A_2431 : memref<1000000x32xf32, #tpu.memory_space<hbm>>) target(%dma_start3A_2425 : memref<128x32xf32, #tpu.memory_space<vmem>>) offsets(%dma_start3A_2428 : memref<128xi32, #tpu.memory_space<vmem>>) semaphore(%arg10 : memref<!tpu.dma_semaphore, #tpu.memory_space<semaphore_mem>>)
        %dma_start3A_2432 = arith.constant 256 : i32
        %dma_start3A_2433 = arith.constant 0 : i32
        %dma_start3A_2434 = tpu.memref_slice %arg6[%dma_start3A_2432, %dma_start3A_2433] : memref<512x32xf32, #tpu.memory_space<vmem>> -> memref<128x32xf32, #tpu.memory_space<vmem>>
        %dma_start3A_2435 = arith.constant 256 : i32
        %dma_start3A_2436 = tpu.memref_slice %arg5[%add3A_2413, %dma_start3A_2435] : memref<50x512xi32, #tpu.memory_space<vmem>> -> memref<1x128xi32, #tpu.memory_space<vmem>>
        %dma_start3A_2437 = tpu.memref_squeeze %dma_start3A_2436 : memref<1x128xi32, #tpu.memory_space<vmem>> -> memref<128xi32, #tpu.memory_space<vmem>>
        %dma_start3A_2438 = arith.constant 0 : i32
        %dma_start3A_2439 = arith.constant 0 : i32
        %dma_start3A_2440 = tpu.memref_slice %arg3[%dma_start3A_2438, %dma_start3A_2439] : memref<1000000x32xf32, #tpu.memory_space<hbm>> -> memref<1000000x32xf32, #tpu.memory_space<hbm>>
        tpu.enqueue_indirect_dma source(%dma_start3A_2440 : memref<1000000x32xf32, #tpu.memory_space<hbm>>) target(%dma_start3A_2434 : memref<128x32xf32, #tpu.memory_space<vmem>>) offsets(%dma_start3A_2437 : memref<128xi32, #tpu.memory_space<vmem>>) semaphore(%arg10 : memref<!tpu.dma_semaphore, #tpu.memory_space<semaphore_mem>>)
        %dma_start3A_2441 = arith.constant 384 : i32
        %dma_start3A_2442 = arith.constant 0 : i32
        %dma_start3A_2443 = tpu.memref_slice %arg6[%dma_start3A_2441, %dma_start3A_2442] : memref<512x32xf32, #tpu.memory_space<vmem>> -> memref<128x32xf32, #tpu.memory_space<vmem>>
        %dma_start3A_2444 = arith.constant 384 : i32
        %dma_start3A_2445 = tpu.memref_slice %arg5[%add3A_2413, %dma_start3A_2444] : memref<50x512xi32, #tpu.memory_space<vmem>> -> memref<1x128xi32, #tpu.memory_space<vmem>>
        %dma_start3A_2446 = tpu.memref_squeeze %dma_start3A_2445 : memref<1x128xi32, #tpu.memory_space<vmem>> -> memref<128xi32, #tpu.memory_space<vmem>>
        %dma_start3A_2447 = arith.constant 0 : i32
        %dma_start3A_2448 = arith.constant 0 : i32
        %dma_start3A_2449 = tpu.memref_slice %arg3[%dma_start3A_2447, %dma_start3A_2448] : memref<1000000x32xf32, #tpu.memory_space<hbm>> -> memref<1000000x32xf32, #tpu.memory_space<hbm>>
        tpu.enqueue_indirect_dma source(%dma_start3A_2449 : memref<1000000x32xf32, #tpu.memory_space<hbm>>) target(%dma_start3A_2443 : memref<128x32xf32, #tpu.memory_space<vmem>>) offsets(%dma_start3A_2446 : memref<128xi32, #tpu.memory_space<vmem>>) semaphore(%arg10 : memref<!tpu.dma_semaphore, #tpu.memory_space<semaphore_mem>>)
      } else {
      }
      %iota3A_1599 = tpu.iota {dimensions = array<i32: 0>} : vector<16xi32>
      %add3A_1600 = arith.constant 0 : i32
      %add3A_1601 = vector.broadcast %add3A_1600 : i32 to vector<16xi32>
      %add3A_1602 = arith.addi %iota3A_1599, %add3A_1601 : vector<16xi32>
      %jit3A_1603 = arith.constant 32 : i32
      %eq3A_1604 = arith.constant 0 : i32
      %eq3A_1605 = arith.cmpi eq, %jit3A_1603, %eq3A_1604 : i32
      %jit3A_1606 = arith.constant 1 : i32
      %select_n3A_1607 = arith.select %eq3A_1605, %jit3A_1606, %jit3A_1603 : i32
      %rem3A_1608 = vector.broadcast %select_n3A_1607 : i32 to vector<16xi32>
      %rem3A_1609 = arith.remsi %add3A_1602, %rem3A_1608 : vector<16xi32>
      %ne3A_1610 = arith.constant 0 : i32
      %ne3A_1611 = vector.broadcast %ne3A_1610 : i32 to vector<16xi32>
      %ne3A_1612 = arith.cmpi ne, %rem3A_1609, %ne3A_1611 : vector<16xi32>
      %lt3A_1613 = arith.constant 0 : i32
      %lt3A_1614 = vector.broadcast %lt3A_1613 : i32 to vector<16xi32>
      %lt3A_1615 = arith.cmpi slt, %rem3A_1609, %lt3A_1614 : vector<16xi32>
      %lt3A_1616 = arith.constant 0 : i32
      %lt3A_1617 = arith.cmpi slt, %select_n3A_1607, %lt3A_1616 : i32
      %ne3A_1618 = vector.broadcast %lt3A_1617 : i1 to vector<16xi1>
      %ne3A_1619 = vector.broadcast %ne3A_1618 : vector<16xi1> to vector<16xi1>
      %ne3A_1620 = arith.xori %lt3A_1615, %ne3A_1619 : vector<16xi1>
      %and3A_1621 = arith.andi %ne3A_1620, %ne3A_1612 : vector<16xi1>
      %add3A_1622 = vector.broadcast %select_n3A_1607 : i32 to vector<16xi32>
      %add3A_1623 = arith.addi %rem3A_1609, %add3A_1622 : vector<16xi32>
      %select_n3A_1624 = arith.select %and3A_1621, %add3A_1623, %rem3A_1609 : vector<16xi1>, vector<16xi32>
      %add3A_1625 = arith.constant 1 : i32
      %add3A_1626 = vector.broadcast %add3A_1625 : i32 to vector<16xi32>
      %add3A_1627 = arith.addi %iota3A_1599, %add3A_1626 : vector<16xi32>
      %jit3A_1628 = arith.constant 32 : i32
      %eq3A_1629 = arith.constant 0 : i32
      %eq3A_1630 = arith.cmpi eq, %jit3A_1628, %eq3A_1629 : i32
      %jit3A_1631 = arith.constant 1 : i32
      %select_n3A_1632 = arith.select %eq3A_1630, %jit3A_1631, %jit3A_1628 : i32
      %rem3A_1633 = vector.broadcast %select_n3A_1632 : i32 to vector<16xi32>
      %rem3A_1634 = arith.remsi %add3A_1627, %rem3A_1633 : vector<16xi32>
      %ne3A_1635 = arith.constant 0 : i32
      %ne3A_1636 = vector.broadcast %ne3A_1635 : i32 to vector<16xi32>
      %ne3A_1637 = arith.cmpi ne, %rem3A_1634, %ne3A_1636 : vector<16xi32>
      %lt3A_1638 = arith.constant 0 : i32
      %lt3A_1639 = vector.broadcast %lt3A_1638 : i32 to vector<16xi32>
      %lt3A_1640 = arith.cmpi slt, %rem3A_1634, %lt3A_1639 : vector<16xi32>
      %lt3A_1641 = arith.constant 0 : i32
      %lt3A_1642 = arith.cmpi slt, %select_n3A_1632, %lt3A_1641 : i32
      %ne3A_1643 = vector.broadcast %lt3A_1642 : i1 to vector<16xi1>
      %ne3A_1644 = vector.broadcast %ne3A_1643 : vector<16xi1> to vector<16xi1>
      %ne3A_1645 = arith.xori %lt3A_1640, %ne3A_1644 : vector<16xi1>
      %and3A_1646 = arith.andi %ne3A_1645, %ne3A_1637 : vector<16xi1>
      %add3A_1647 = vector.broadcast %select_n3A_1632 : i32 to vector<16xi32>
      %add3A_1648 = arith.addi %rem3A_1634, %add3A_1647 : vector<16xi32>
      %select_n3A_1649 = arith.select %and3A_1646, %add3A_1648, %rem3A_1634 : vector<16xi1>, vector<16xi32>
      %add3A_1650 = arith.constant 2 : i32
      %add3A_1651 = vector.broadcast %add3A_1650 : i32 to vector<16xi32>
      %add3A_1652 = arith.addi %iota3A_1599, %add3A_1651 : vector<16xi32>
      %jit3A_1653 = arith.constant 32 : i32
      %eq3A_1654 = arith.constant 0 : i32
      %eq3A_1655 = arith.cmpi eq, %jit3A_1653, %eq3A_1654 : i32
      %jit3A_1656 = arith.constant 1 : i32
      %select_n3A_1657 = arith.select %eq3A_1655, %jit3A_1656, %jit3A_1653 : i32
      %rem3A_1658 = vector.broadcast %select_n3A_1657 : i32 to vector<16xi32>
      %rem3A_1659 = arith.remsi %add3A_1652, %rem3A_1658 : vector<16xi32>
      %ne3A_1660 = arith.constant 0 : i32
      %ne3A_1661 = vector.broadcast %ne3A_1660 : i32 to vector<16xi32>
      %ne3A_1662 = arith.cmpi ne, %rem3A_1659, %ne3A_1661 : vector<16xi32>
      %lt3A_1663 = arith.constant 0 : i32
      %lt3A_1664 = vector.broadcast %lt3A_1663 : i32 to vector<16xi32>
      %lt3A_1665 = arith.cmpi slt, %rem3A_1659, %lt3A_1664 : vector<16xi32>
      %lt3A_1666 = arith.constant 0 : i32
      %lt3A_1667 = arith.cmpi slt, %select_n3A_1657, %lt3A_1666 : i32
      %ne3A_1668 = vector.broadcast %lt3A_1667 : i1 to vector<16xi1>
      %ne3A_1669 = vector.broadcast %ne3A_1668 : vector<16xi1> to vector<16xi1>
      %ne3A_1670 = arith.xori %lt3A_1665, %ne3A_1669 : vector<16xi1>
      %and3A_1671 = arith.andi %ne3A_1670, %ne3A_1662 : vector<16xi1>
      %add3A_1672 = vector.broadcast %select_n3A_1657 : i32 to vector<16xi32>
      %add3A_1673 = arith.addi %rem3A_1659, %add3A_1672 : vector<16xi32>
      %select_n3A_1674 = arith.select %and3A_1671, %add3A_1673, %rem3A_1659 : vector<16xi1>, vector<16xi32>
      %add3A_1675 = arith.constant 3 : i32
      %add3A_1676 = vector.broadcast %add3A_1675 : i32 to vector<16xi32>
      %add3A_1677 = arith.addi %iota3A_1599, %add3A_1676 : vector<16xi32>
      %jit3A_1678 = arith.constant 32 : i32
      %eq3A_1679 = arith.constant 0 : i32
      %eq3A_1680 = arith.cmpi eq, %jit3A_1678, %eq3A_1679 : i32
      %jit3A_1681 = arith.constant 1 : i32
      %select_n3A_1682 = arith.select %eq3A_1680, %jit3A_1681, %jit3A_1678 : i32
      %rem3A_1683 = vector.broadcast %select_n3A_1682 : i32 to vector<16xi32>
      %rem3A_1684 = arith.remsi %add3A_1677, %rem3A_1683 : vector<16xi32>
      %ne3A_1685 = arith.constant 0 : i32
      %ne3A_1686 = vector.broadcast %ne3A_1685 : i32 to vector<16xi32>
      %ne3A_1687 = arith.cmpi ne, %rem3A_1684, %ne3A_1686 : vector<16xi32>
      %lt3A_1688 = arith.constant 0 : i32
      %lt3A_1689 = vector.broadcast %lt3A_1688 : i32 to vector<16xi32>
      %lt3A_1690 = arith.cmpi slt, %rem3A_1684, %lt3A_1689 : vector<16xi32>
      %lt3A_1691 = arith.constant 0 : i32
      %lt3A_1692 = arith.cmpi slt, %select_n3A_1682, %lt3A_1691 : i32
      %ne3A_1693 = vector.broadcast %lt3A_1692 : i1 to vector<16xi1>
      %ne3A_1694 = vector.broadcast %ne3A_1693 : vector<16xi1> to vector<16xi1>
      %ne3A_1695 = arith.xori %lt3A_1690, %ne3A_1694 : vector<16xi1>
      %and3A_1696 = arith.andi %ne3A_1695, %ne3A_1687 : vector<16xi1>
      %add3A_1697 = vector.broadcast %select_n3A_1682 : i32 to vector<16xi32>
      %add3A_1698 = arith.addi %rem3A_1684, %add3A_1697 : vector<16xi32>
      %select_n3A_1699 = arith.select %and3A_1696, %add3A_1698, %rem3A_1684 : vector<16xi1>, vector<16xi32>
      %add3A_1700 = arith.constant 4 : i32
      %add3A_1701 = vector.broadcast %add3A_1700 : i32 to vector<16xi32>
      %add3A_1702 = arith.addi %iota3A_1599, %add3A_1701 : vector<16xi32>
      %jit3A_1703 = arith.constant 32 : i32
      %eq3A_1704 = arith.constant 0 : i32
      %eq3A_1705 = arith.cmpi eq, %jit3A_1703, %eq3A_1704 : i32
      %jit3A_1706 = arith.constant 1 : i32
      %select_n3A_1707 = arith.select %eq3A_1705, %jit3A_1706, %jit3A_1703 : i32
      %rem3A_1708 = vector.broadcast %select_n3A_1707 : i32 to vector<16xi32>
      %rem3A_1709 = arith.remsi %add3A_1702, %rem3A_1708 : vector<16xi32>
      %ne3A_1710 = arith.constant 0 : i32
      %ne3A_1711 = vector.broadcast %ne3A_1710 : i32 to vector<16xi32>
      %ne3A_1712 = arith.cmpi ne, %rem3A_1709, %ne3A_1711 : vector<16xi32>
      %lt3A_1713 = arith.constant 0 : i32
      %lt3A_1714 = vector.broadcast %lt3A_1713 : i32 to vector<16xi32>
      %lt3A_1715 = arith.cmpi slt, %rem3A_1709, %lt3A_1714 : vector<16xi32>
      %lt3A_1716 = arith.constant 0 : i32
      %lt3A_1717 = arith.cmpi slt, %select_n3A_1707, %lt3A_1716 : i32
      %ne3A_1718 = vector.broadcast %lt3A_1717 : i1 to vector<16xi1>
      %ne3A_1719 = vector.broadcast %ne3A_1718 : vector<16xi1> to vector<16xi1>
      %ne3A_1720 = arith.xori %lt3A_1715, %ne3A_1719 : vector<16xi1>
      %and3A_1721 = arith.andi %ne3A_1720, %ne3A_1712 : vector<16xi1>
      %add3A_1722 = vector.broadcast %select_n3A_1707 : i32 to vector<16xi32>
      %add3A_1723 = arith.addi %rem3A_1709, %add3A_1722 : vector<16xi32>
      %select_n3A_1724 = arith.select %and3A_1721, %add3A_1723, %rem3A_1709 : vector<16xi1>, vector<16xi32>
      %add3A_1725 = arith.constant 5 : i32
      %add3A_1726 = vector.broadcast %add3A_1725 : i32 to vector<16xi32>
      %add3A_1727 = arith.addi %iota3A_1599, %add3A_1726 : vector<16xi32>
      %jit3A_1728 = arith.constant 32 : i32
      %eq3A_1729 = arith.constant 0 : i32
      %eq3A_1730 = arith.cmpi eq, %jit3A_1728, %eq3A_1729 : i32
      %jit3A_1731 = arith.constant 1 : i32
      %select_n3A_1732 = arith.select %eq3A_1730, %jit3A_1731, %jit3A_1728 : i32
      %rem3A_1733 = vector.broadcast %select_n3A_1732 : i32 to vector<16xi32>
      %rem3A_1734 = arith.remsi %add3A_1727, %rem3A_1733 : vector<16xi32>
      %ne3A_1735 = arith.constant 0 : i32
      %ne3A_1736 = vector.broadcast %ne3A_1735 : i32 to vector<16xi32>
      %ne3A_1737 = arith.cmpi ne, %rem3A_1734, %ne3A_1736 : vector<16xi32>
      %lt3A_1738 = arith.constant 0 : i32
      %lt3A_1739 = vector.broadcast %lt3A_1738 : i32 to vector<16xi32>
      %lt3A_1740 = arith.cmpi slt, %rem3A_1734, %lt3A_1739 : vector<16xi32>
      %lt3A_1741 = arith.constant 0 : i32
      %lt3A_1742 = arith.cmpi slt, %select_n3A_1732, %lt3A_1741 : i32
      %ne3A_1743 = vector.broadcast %lt3A_1742 : i1 to vector<16xi1>
      %ne3A_1744 = vector.broadcast %ne3A_1743 : vector<16xi1> to vector<16xi1>
      %ne3A_1745 = arith.xori %lt3A_1740, %ne3A_1744 : vector<16xi1>
      %and3A_1746 = arith.andi %ne3A_1745, %ne3A_1737 : vector<16xi1>
      %add3A_1747 = vector.broadcast %select_n3A_1732 : i32 to vector<16xi32>
      %add3A_1748 = arith.addi %rem3A_1734, %add3A_1747 : vector<16xi32>
      %select_n3A_1749 = arith.select %and3A_1746, %add3A_1748, %rem3A_1734 : vector<16xi1>, vector<16xi32>
      %add3A_1750 = arith.constant 6 : i32
      %add3A_1751 = vector.broadcast %add3A_1750 : i32 to vector<16xi32>
      %add3A_1752 = arith.addi %iota3A_1599, %add3A_1751 : vector<16xi32>
      %jit3A_1753 = arith.constant 32 : i32
      %eq3A_1754 = arith.constant 0 : i32
      %eq3A_1755 = arith.cmpi eq, %jit3A_1753, %eq3A_1754 : i32
      %jit3A_1756 = arith.constant 1 : i32
      %select_n3A_1757 = arith.select %eq3A_1755, %jit3A_1756, %jit3A_1753 : i32
      %rem3A_1758 = vector.broadcast %select_n3A_1757 : i32 to vector<16xi32>
      %rem3A_1759 = arith.remsi %add3A_1752, %rem3A_1758 : vector<16xi32>
      %ne3A_1760 = arith.constant 0 : i32
      %ne3A_1761 = vector.broadcast %ne3A_1760 : i32 to vector<16xi32>
      %ne3A_1762 = arith.cmpi ne, %rem3A_1759, %ne3A_1761 : vector<16xi32>
      %lt3A_1763 = arith.constant 0 : i32
      %lt3A_1764 = vector.broadcast %lt3A_1763 : i32 to vector<16xi32>
      %lt3A_1765 = arith.cmpi slt, %rem3A_1759, %lt3A_1764 : vector<16xi32>
      %lt3A_1766 = arith.constant 0 : i32
      %lt3A_1767 = arith.cmpi slt, %select_n3A_1757, %lt3A_1766 : i32
      %ne3A_1768 = vector.broadcast %lt3A_1767 : i1 to vector<16xi1>
      %ne3A_1769 = vector.broadcast %ne3A_1768 : vector<16xi1> to vector<16xi1>
      %ne3A_1770 = arith.xori %lt3A_1765, %ne3A_1769 : vector<16xi1>
      %and3A_1771 = arith.andi %ne3A_1770, %ne3A_1762 : vector<16xi1>
      %add3A_1772 = vector.broadcast %select_n3A_1757 : i32 to vector<16xi32>
      %add3A_1773 = arith.addi %rem3A_1759, %add3A_1772 : vector<16xi32>
      %select_n3A_1774 = arith.select %and3A_1771, %add3A_1773, %rem3A_1759 : vector<16xi1>, vector<16xi32>
      %add3A_1775 = arith.constant 7 : i32
      %add3A_1776 = vector.broadcast %add3A_1775 : i32 to vector<16xi32>
      %add3A_1777 = arith.addi %iota3A_1599, %add3A_1776 : vector<16xi32>
      %jit3A_1778 = arith.constant 32 : i32
      %eq3A_1779 = arith.constant 0 : i32
      %eq3A_1780 = arith.cmpi eq, %jit3A_1778, %eq3A_1779 : i32
      %jit3A_1781 = arith.constant 1 : i32
      %select_n3A_1782 = arith.select %eq3A_1780, %jit3A_1781, %jit3A_1778 : i32
      %rem3A_1783 = vector.broadcast %select_n3A_1782 : i32 to vector<16xi32>
      %rem3A_1784 = arith.remsi %add3A_1777, %rem3A_1783 : vector<16xi32>
      %ne3A_1785 = arith.constant 0 : i32
      %ne3A_1786 = vector.broadcast %ne3A_1785 : i32 to vector<16xi32>
      %ne3A_1787 = arith.cmpi ne, %rem3A_1784, %ne3A_1786 : vector<16xi32>
      %lt3A_1788 = arith.constant 0 : i32
      %lt3A_1789 = vector.broadcast %lt3A_1788 : i32 to vector<16xi32>
      %lt3A_1790 = arith.cmpi slt, %rem3A_1784, %lt3A_1789 : vector<16xi32>
      %lt3A_1791 = arith.constant 0 : i32
      %lt3A_1792 = arith.cmpi slt, %select_n3A_1782, %lt3A_1791 : i32
      %ne3A_1793 = vector.broadcast %lt3A_1792 : i1 to vector<16xi1>
      %ne3A_1794 = vector.broadcast %ne3A_1793 : vector<16xi1> to vector<16xi1>
      %ne3A_1795 = arith.xori %lt3A_1790, %ne3A_1794 : vector<16xi1>
      %and3A_1796 = arith.andi %ne3A_1795, %ne3A_1787 : vector<16xi1>
      %add3A_1797 = vector.broadcast %select_n3A_1782 : i32 to vector<16xi32>
      %add3A_1798 = arith.addi %rem3A_1784, %add3A_1797 : vector<16xi32>
      %select_n3A_1799 = arith.select %and3A_1796, %add3A_1798, %rem3A_1784 : vector<16xi1>, vector<16xi32>
      %add3A_1800 = arith.constant 8 : i32
      %add3A_1801 = vector.broadcast %add3A_1800 : i32 to vector<16xi32>
      %add3A_1802 = arith.addi %iota3A_1599, %add3A_1801 : vector<16xi32>
      %jit3A_1803 = arith.constant 32 : i32
      %eq3A_1804 = arith.constant 0 : i32
      %eq3A_1805 = arith.cmpi eq, %jit3A_1803, %eq3A_1804 : i32
      %jit3A_1806 = arith.constant 1 : i32
      %select_n3A_1807 = arith.select %eq3A_1805, %jit3A_1806, %jit3A_1803 : i32
      %rem3A_1808 = vector.broadcast %select_n3A_1807 : i32 to vector<16xi32>
      %rem3A_1809 = arith.remsi %add3A_1802, %rem3A_1808 : vector<16xi32>
      %ne3A_1810 = arith.constant 0 : i32
      %ne3A_1811 = vector.broadcast %ne3A_1810 : i32 to vector<16xi32>
      %ne3A_1812 = arith.cmpi ne, %rem3A_1809, %ne3A_1811 : vector<16xi32>
      %lt3A_1813 = arith.constant 0 : i32
      %lt3A_1814 = vector.broadcast %lt3A_1813 : i32 to vector<16xi32>
      %lt3A_1815 = arith.cmpi slt, %rem3A_1809, %lt3A_1814 : vector<16xi32>
      %lt3A_1816 = arith.constant 0 : i32
      %lt3A_1817 = arith.cmpi slt, %select_n3A_1807, %lt3A_1816 : i32
      %ne3A_1818 = vector.broadcast %lt3A_1817 : i1 to vector<16xi1>
      %ne3A_1819 = vector.broadcast %ne3A_1818 : vector<16xi1> to vector<16xi1>
      %ne3A_1820 = arith.xori %lt3A_1815, %ne3A_1819 : vector<16xi1>
      %and3A_1821 = arith.andi %ne3A_1820, %ne3A_1812 : vector<16xi1>
      %add3A_1822 = vector.broadcast %select_n3A_1807 : i32 to vector<16xi32>
      %add3A_1823 = arith.addi %rem3A_1809, %add3A_1822 : vector<16xi32>
      %select_n3A_1824 = arith.select %and3A_1821, %add3A_1823, %rem3A_1809 : vector<16xi1>, vector<16xi32>
      %add3A_1825 = arith.constant 9 : i32
      %add3A_1826 = vector.broadcast %add3A_1825 : i32 to vector<16xi32>
      %add3A_1827 = arith.addi %iota3A_1599, %add3A_1826 : vector<16xi32>
      %jit3A_1828 = arith.constant 32 : i32
      %eq3A_1829 = arith.constant 0 : i32
      %eq3A_1830 = arith.cmpi eq, %jit3A_1828, %eq3A_1829 : i32
      %jit3A_1831 = arith.constant 1 : i32
      %select_n3A_1832 = arith.select %eq3A_1830, %jit3A_1831, %jit3A_1828 : i32
      %rem3A_1833 = vector.broadcast %select_n3A_1832 : i32 to vector<16xi32>
      %rem3A_1834 = arith.remsi %add3A_1827, %rem3A_1833 : vector<16xi32>
      %ne3A_1835 = arith.constant 0 : i32
      %ne3A_1836 = vector.broadcast %ne3A_1835 : i32 to vector<16xi32>
      %ne3A_1837 = arith.cmpi ne, %rem3A_1834, %ne3A_1836 : vector<16xi32>
      %lt3A_1838 = arith.constant 0 : i32
      %lt3A_1839 = vector.broadcast %lt3A_1838 : i32 to vector<16xi32>
      %lt3A_1840 = arith.cmpi slt, %rem3A_1834, %lt3A_1839 : vector<16xi32>
      %lt3A_1841 = arith.constant 0 : i32
      %lt3A_1842 = arith.cmpi slt, %select_n3A_1832, %lt3A_1841 : i32
      %ne3A_1843 = vector.broadcast %lt3A_1842 : i1 to vector<16xi1>
      %ne3A_1844 = vector.broadcast %ne3A_1843 : vector<16xi1> to vector<16xi1>
      %ne3A_1845 = arith.xori %lt3A_1840, %ne3A_1844 : vector<16xi1>
      %and3A_1846 = arith.andi %ne3A_1845, %ne3A_1837 : vector<16xi1>
      %add3A_1847 = vector.broadcast %select_n3A_1832 : i32 to vector<16xi32>
      %add3A_1848 = arith.addi %rem3A_1834, %add3A_1847 : vector<16xi32>
      %select_n3A_1849 = arith.select %and3A_1846, %add3A_1848, %rem3A_1834 : vector<16xi1>, vector<16xi32>
      %add3A_1850 = arith.constant 10 : i32
      %add3A_1851 = vector.broadcast %add3A_1850 : i32 to vector<16xi32>
      %add3A_1852 = arith.addi %iota3A_1599, %add3A_1851 : vector<16xi32>
      %jit3A_1853 = arith.constant 32 : i32
      %eq3A_1854 = arith.constant 0 : i32
      %eq3A_1855 = arith.cmpi eq, %jit3A_1853, %eq3A_1854 : i32
      %jit3A_1856 = arith.constant 1 : i32
      %select_n3A_1857 = arith.select %eq3A_1855, %jit3A_1856, %jit3A_1853 : i32
      %rem3A_1858 = vector.broadcast %select_n3A_1857 : i32 to vector<16xi32>
      %rem3A_1859 = arith.remsi %add3A_1852, %rem3A_1858 : vector<16xi32>
      %ne3A_1860 = arith.constant 0 : i32
      %ne3A_1861 = vector.broadcast %ne3A_1860 : i32 to vector<16xi32>
      %ne3A_1862 = arith.cmpi ne, %rem3A_1859, %ne3A_1861 : vector<16xi32>
      %lt3A_1863 = arith.constant 0 : i32
      %lt3A_1864 = vector.broadcast %lt3A_1863 : i32 to vector<16xi32>
      %lt3A_1865 = arith.cmpi slt, %rem3A_1859, %lt3A_1864 : vector<16xi32>
      %lt3A_1866 = arith.constant 0 : i32
      %lt3A_1867 = arith.cmpi slt, %select_n3A_1857, %lt3A_1866 : i32
      %ne3A_1868 = vector.broadcast %lt3A_1867 : i1 to vector<16xi1>
      %ne3A_1869 = vector.broadcast %ne3A_1868 : vector<16xi1> to vector<16xi1>
      %ne3A_1870 = arith.xori %lt3A_1865, %ne3A_1869 : vector<16xi1>
      %and3A_1871 = arith.andi %ne3A_1870, %ne3A_1862 : vector<16xi1>
      %add3A_1872 = vector.broadcast %select_n3A_1857 : i32 to vector<16xi32>
      %add3A_1873 = arith.addi %rem3A_1859, %add3A_1872 : vector<16xi32>
      %select_n3A_1874 = arith.select %and3A_1871, %add3A_1873, %rem3A_1859 : vector<16xi1>, vector<16xi32>
      %add3A_1875 = arith.constant 11 : i32
      %add3A_1876 = vector.broadcast %add3A_1875 : i32 to vector<16xi32>
      %add3A_1877 = arith.addi %iota3A_1599, %add3A_1876 : vector<16xi32>
      %jit3A_1878 = arith.constant 32 : i32
      %eq3A_1879 = arith.constant 0 : i32
      %eq3A_1880 = arith.cmpi eq, %jit3A_1878, %eq3A_1879 : i32
      %jit3A_1881 = arith.constant 1 : i32
      %select_n3A_1882 = arith.select %eq3A_1880, %jit3A_1881, %jit3A_1878 : i32
      %rem3A_1883 = vector.broadcast %select_n3A_1882 : i32 to vector<16xi32>
      %rem3A_1884 = arith.remsi %add3A_1877, %rem3A_1883 : vector<16xi32>
      %ne3A_1885 = arith.constant 0 : i32
      %ne3A_1886 = vector.broadcast %ne3A_1885 : i32 to vector<16xi32>
      %ne3A_1887 = arith.cmpi ne, %rem3A_1884, %ne3A_1886 : vector<16xi32>
      %lt3A_1888 = arith.constant 0 : i32
      %lt3A_1889 = vector.broadcast %lt3A_1888 : i32 to vector<16xi32>
      %lt3A_1890 = arith.cmpi slt, %rem3A_1884, %lt3A_1889 : vector<16xi32>
      %lt3A_1891 = arith.constant 0 : i32
      %lt3A_1892 = arith.cmpi slt, %select_n3A_1882, %lt3A_1891 : i32
      %ne3A_1893 = vector.broadcast %lt3A_1892 : i1 to vector<16xi1>
      %ne3A_1894 = vector.broadcast %ne3A_1893 : vector<16xi1> to vector<16xi1>
      %ne3A_1895 = arith.xori %lt3A_1890, %ne3A_1894 : vector<16xi1>
      %and3A_1896 = arith.andi %ne3A_1895, %ne3A_1887 : vector<16xi1>
      %add3A_1897 = vector.broadcast %select_n3A_1882 : i32 to vector<16xi32>
      %add3A_1898 = arith.addi %rem3A_1884, %add3A_1897 : vector<16xi32>
      %select_n3A_1899 = arith.select %and3A_1896, %add3A_1898, %rem3A_1884 : vector<16xi1>, vector<16xi32>
      %add3A_1900 = arith.constant 12 : i32
      %add3A_1901 = vector.broadcast %add3A_1900 : i32 to vector<16xi32>
      %add3A_1902 = arith.addi %iota3A_1599, %add3A_1901 : vector<16xi32>
      %jit3A_1903 = arith.constant 32 : i32
      %eq3A_1904 = arith.constant 0 : i32
      %eq3A_1905 = arith.cmpi eq, %jit3A_1903, %eq3A_1904 : i32
      %jit3A_1906 = arith.constant 1 : i32
      %select_n3A_1907 = arith.select %eq3A_1905, %jit3A_1906, %jit3A_1903 : i32
      %rem3A_1908 = vector.broadcast %select_n3A_1907 : i32 to vector<16xi32>
      %rem3A_1909 = arith.remsi %add3A_1902, %rem3A_1908 : vector<16xi32>
      %ne3A_1910 = arith.constant 0 : i32
      %ne3A_1911 = vector.broadcast %ne3A_1910 : i32 to vector<16xi32>
      %ne3A_1912 = arith.cmpi ne, %rem3A_1909, %ne3A_1911 : vector<16xi32>
      %lt3A_1913 = arith.constant 0 : i32
      %lt3A_1914 = vector.broadcast %lt3A_1913 : i32 to vector<16xi32>
      %lt3A_1915 = arith.cmpi slt, %rem3A_1909, %lt3A_1914 : vector<16xi32>
      %lt3A_1916 = arith.constant 0 : i32
      %lt3A_1917 = arith.cmpi slt, %select_n3A_1907, %lt3A_1916 : i32
      %ne3A_1918 = vector.broadcast %lt3A_1917 : i1 to vector<16xi1>
      %ne3A_1919 = vector.broadcast %ne3A_1918 : vector<16xi1> to vector<16xi1>
      %ne3A_1920 = arith.xori %lt3A_1915, %ne3A_1919 : vector<16xi1>
      %and3A_1921 = arith.andi %ne3A_1920, %ne3A_1912 : vector<16xi1>
      %add3A_1922 = vector.broadcast %select_n3A_1907 : i32 to vector<16xi32>
      %add3A_1923 = arith.addi %rem3A_1909, %add3A_1922 : vector<16xi32>
      %select_n3A_1924 = arith.select %and3A_1921, %add3A_1923, %rem3A_1909 : vector<16xi1>, vector<16xi32>
      %add3A_1925 = arith.constant 13 : i32
      %add3A_1926 = vector.broadcast %add3A_1925 : i32 to vector<16xi32>
      %add3A_1927 = arith.addi %iota3A_1599, %add3A_1926 : vector<16xi32>
      %jit3A_1928 = arith.constant 32 : i32
      %eq3A_1929 = arith.constant 0 : i32
      %eq3A_1930 = arith.cmpi eq, %jit3A_1928, %eq3A_1929 : i32
      %jit3A_1931 = arith.constant 1 : i32
      %select_n3A_1932 = arith.select %eq3A_1930, %jit3A_1931, %jit3A_1928 : i32
      %rem3A_1933 = vector.broadcast %select_n3A_1932 : i32 to vector<16xi32>
      %rem3A_1934 = arith.remsi %add3A_1927, %rem3A_1933 : vector<16xi32>
      %ne3A_1935 = arith.constant 0 : i32
      %ne3A_1936 = vector.broadcast %ne3A_1935 : i32 to vector<16xi32>
      %ne3A_1937 = arith.cmpi ne, %rem3A_1934, %ne3A_1936 : vector<16xi32>
      %lt3A_1938 = arith.constant 0 : i32
      %lt3A_1939 = vector.broadcast %lt3A_1938 : i32 to vector<16xi32>
      %lt3A_1940 = arith.cmpi slt, %rem3A_1934, %lt3A_1939 : vector<16xi32>
      %lt3A_1941 = arith.constant 0 : i32
      %lt3A_1942 = arith.cmpi slt, %select_n3A_1932, %lt3A_1941 : i32
      %ne3A_1943 = vector.broadcast %lt3A_1942 : i1 to vector<16xi1>
      %ne3A_1944 = vector.broadcast %ne3A_1943 : vector<16xi1> to vector<16xi1>
      %ne3A_1945 = arith.xori %lt3A_1940, %ne3A_1944 : vector<16xi1>
      %and3A_1946 = arith.andi %ne3A_1945, %ne3A_1937 : vector<16xi1>
      %add3A_1947 = vector.broadcast %select_n3A_1932 : i32 to vector<16xi32>
      %add3A_1948 = arith.addi %rem3A_1934, %add3A_1947 : vector<16xi32>
      %select_n3A_1949 = arith.select %and3A_1946, %add3A_1948, %rem3A_1934 : vector<16xi1>, vector<16xi32>
      %add3A_1950 = arith.constant 14 : i32
      %add3A_1951 = vector.broadcast %add3A_1950 : i32 to vector<16xi32>
      %add3A_1952 = arith.addi %iota3A_1599, %add3A_1951 : vector<16xi32>
      %jit3A_1953 = arith.constant 32 : i32
      %eq3A_1954 = arith.constant 0 : i32
      %eq3A_1955 = arith.cmpi eq, %jit3A_1953, %eq3A_1954 : i32
      %jit3A_1956 = arith.constant 1 : i32
      %select_n3A_1957 = arith.select %eq3A_1955, %jit3A_1956, %jit3A_1953 : i32
      %rem3A_1958 = vector.broadcast %select_n3A_1957 : i32 to vector<16xi32>
      %rem3A_1959 = arith.remsi %add3A_1952, %rem3A_1958 : vector<16xi32>
      %ne3A_1960 = arith.constant 0 : i32
      %ne3A_1961 = vector.broadcast %ne3A_1960 : i32 to vector<16xi32>
      %ne3A_1962 = arith.cmpi ne, %rem3A_1959, %ne3A_1961 : vector<16xi32>
      %lt3A_1963 = arith.constant 0 : i32
      %lt3A_1964 = vector.broadcast %lt3A_1963 : i32 to vector<16xi32>
      %lt3A_1965 = arith.cmpi slt, %rem3A_1959, %lt3A_1964 : vector<16xi32>
      %lt3A_1966 = arith.constant 0 : i32
      %lt3A_1967 = arith.cmpi slt, %select_n3A_1957, %lt3A_1966 : i32
      %ne3A_1968 = vector.broadcast %lt3A_1967 : i1 to vector<16xi1>
      %ne3A_1969 = vector.broadcast %ne3A_1968 : vector<16xi1> to vector<16xi1>
      %ne3A_1970 = arith.xori %lt3A_1965, %ne3A_1969 : vector<16xi1>
      %and3A_1971 = arith.andi %ne3A_1970, %ne3A_1962 : vector<16xi1>
      %add3A_1972 = vector.broadcast %select_n3A_1957 : i32 to vector<16xi32>
      %add3A_1973 = arith.addi %rem3A_1959, %add3A_1972 : vector<16xi32>
      %select_n3A_1974 = arith.select %and3A_1971, %add3A_1973, %rem3A_1959 : vector<16xi1>, vector<16xi32>
      %add3A_1975 = arith.constant 15 : i32
      %add3A_1976 = vector.broadcast %add3A_1975 : i32 to vector<16xi32>
      %add3A_1977 = arith.addi %iota3A_1599, %add3A_1976 : vector<16xi32>
      %jit3A_1978 = arith.constant 32 : i32
      %eq3A_1979 = arith.constant 0 : i32
      %eq3A_1980 = arith.cmpi eq, %jit3A_1978, %eq3A_1979 : i32
      %jit3A_1981 = arith.constant 1 : i32
      %select_n3A_1982 = arith.select %eq3A_1980, %jit3A_1981, %jit3A_1978 : i32
      %rem3A_1983 = vector.broadcast %select_n3A_1982 : i32 to vector<16xi32>
      %rem3A_1984 = arith.remsi %add3A_1977, %rem3A_1983 : vector<16xi32>
      %ne3A_1985 = arith.constant 0 : i32
      %ne3A_1986 = vector.broadcast %ne3A_1985 : i32 to vector<16xi32>
      %ne3A_1987 = arith.cmpi ne, %rem3A_1984, %ne3A_1986 : vector<16xi32>
      %lt3A_1988 = arith.constant 0 : i32
      %lt3A_1989 = vector.broadcast %lt3A_1988 : i32 to vector<16xi32>
      %lt3A_1990 = arith.cmpi slt, %rem3A_1984, %lt3A_1989 : vector<16xi32>
      %lt3A_1991 = arith.constant 0 : i32
      %lt3A_1992 = arith.cmpi slt, %select_n3A_1982, %lt3A_1991 : i32
      %ne3A_1993 = vector.broadcast %lt3A_1992 : i1 to vector<16xi1>
      %ne3A_1994 = vector.broadcast %ne3A_1993 : vector<16xi1> to vector<16xi1>
      %ne3A_1995 = arith.xori %lt3A_1990, %ne3A_1994 : vector<16xi1>
      %and3A_1996 = arith.andi %ne3A_1995, %ne3A_1987 : vector<16xi1>
      %add3A_1997 = vector.broadcast %select_n3A_1982 : i32 to vector<16xi32>
      %add3A_1998 = arith.addi %rem3A_1984, %add3A_1997 : vector<16xi32>
      %select_n3A_1999 = arith.select %and3A_1996, %add3A_1998, %rem3A_1984 : vector<16xi1>, vector<16xi32>
      %add3A_2000 = arith.constant 16 : i32
      %add3A_2001 = vector.broadcast %add3A_2000 : i32 to vector<16xi32>
      %add3A_2002 = arith.addi %iota3A_1599, %add3A_2001 : vector<16xi32>
      %jit3A_2003 = arith.constant 32 : i32
      %eq3A_2004 = arith.constant 0 : i32
      %eq3A_2005 = arith.cmpi eq, %jit3A_2003, %eq3A_2004 : i32
      %jit3A_2006 = arith.constant 1 : i32
      %select_n3A_2007 = arith.select %eq3A_2005, %jit3A_2006, %jit3A_2003 : i32
      %rem3A_2008 = vector.broadcast %select_n3A_2007 : i32 to vector<16xi32>
      %rem3A_2009 = arith.remsi %add3A_2002, %rem3A_2008 : vector<16xi32>
      %ne3A_2010 = arith.constant 0 : i32
      %ne3A_2011 = vector.broadcast %ne3A_2010 : i32 to vector<16xi32>
      %ne3A_2012 = arith.cmpi ne, %rem3A_2009, %ne3A_2011 : vector<16xi32>
      %lt3A_2013 = arith.constant 0 : i32
      %lt3A_2014 = vector.broadcast %lt3A_2013 : i32 to vector<16xi32>
      %lt3A_2015 = arith.cmpi slt, %rem3A_2009, %lt3A_2014 : vector<16xi32>
      %lt3A_2016 = arith.constant 0 : i32
      %lt3A_2017 = arith.cmpi slt, %select_n3A_2007, %lt3A_2016 : i32
      %ne3A_2018 = vector.broadcast %lt3A_2017 : i1 to vector<16xi1>
      %ne3A_2019 = vector.broadcast %ne3A_2018 : vector<16xi1> to vector<16xi1>
      %ne3A_2020 = arith.xori %lt3A_2015, %ne3A_2019 : vector<16xi1>
      %and3A_2021 = arith.andi %ne3A_2020, %ne3A_2012 : vector<16xi1>
      %add3A_2022 = vector.broadcast %select_n3A_2007 : i32 to vector<16xi32>
      %add3A_2023 = arith.addi %rem3A_2009, %add3A_2022 : vector<16xi32>
      %select_n3A_2024 = arith.select %and3A_2021, %add3A_2023, %rem3A_2009 : vector<16xi1>, vector<16xi32>
      %add3A_2025 = arith.constant 17 : i32
      %add3A_2026 = vector.broadcast %add3A_2025 : i32 to vector<16xi32>
      %add3A_2027 = arith.addi %iota3A_1599, %add3A_2026 : vector<16xi32>
      %jit3A_2028 = arith.constant 32 : i32
      %eq3A_2029 = arith.constant 0 : i32
      %eq3A_2030 = arith.cmpi eq, %jit3A_2028, %eq3A_2029 : i32
      %jit3A_2031 = arith.constant 1 : i32
      %select_n3A_2032 = arith.select %eq3A_2030, %jit3A_2031, %jit3A_2028 : i32
      %rem3A_2033 = vector.broadcast %select_n3A_2032 : i32 to vector<16xi32>
      %rem3A_2034 = arith.remsi %add3A_2027, %rem3A_2033 : vector<16xi32>
      %ne3A_2035 = arith.constant 0 : i32
      %ne3A_2036 = vector.broadcast %ne3A_2035 : i32 to vector<16xi32>
      %ne3A_2037 = arith.cmpi ne, %rem3A_2034, %ne3A_2036 : vector<16xi32>
      %lt3A_2038 = arith.constant 0 : i32
      %lt3A_2039 = vector.broadcast %lt3A_2038 : i32 to vector<16xi32>
      %lt3A_2040 = arith.cmpi slt, %rem3A_2034, %lt3A_2039 : vector<16xi32>
      %lt3A_2041 = arith.constant 0 : i32
      %lt3A_2042 = arith.cmpi slt, %select_n3A_2032, %lt3A_2041 : i32
      %ne3A_2043 = vector.broadcast %lt3A_2042 : i1 to vector<16xi1>
      %ne3A_2044 = vector.broadcast %ne3A_2043 : vector<16xi1> to vector<16xi1>
      %ne3A_2045 = arith.xori %lt3A_2040, %ne3A_2044 : vector<16xi1>
      %and3A_2046 = arith.andi %ne3A_2045, %ne3A_2037 : vector<16xi1>
      %add3A_2047 = vector.broadcast %select_n3A_2032 : i32 to vector<16xi32>
      %add3A_2048 = arith.addi %rem3A_2034, %add3A_2047 : vector<16xi32>
      %select_n3A_2049 = arith.select %and3A_2046, %add3A_2048, %rem3A_2034 : vector<16xi1>, vector<16xi32>
      %add3A_2050 = arith.constant 18 : i32
      %add3A_2051 = vector.broadcast %add3A_2050 : i32 to vector<16xi32>
      %add3A_2052 = arith.addi %iota3A_1599, %add3A_2051 : vector<16xi32>
      %jit3A_2053 = arith.constant 32 : i32
      %eq3A_2054 = arith.constant 0 : i32
      %eq3A_2055 = arith.cmpi eq, %jit3A_2053, %eq3A_2054 : i32
      %jit3A_2056 = arith.constant 1 : i32
      %select_n3A_2057 = arith.select %eq3A_2055, %jit3A_2056, %jit3A_2053 : i32
      %rem3A_2058 = vector.broadcast %select_n3A_2057 : i32 to vector<16xi32>
      %rem3A_2059 = arith.remsi %add3A_2052, %rem3A_2058 : vector<16xi32>
      %ne3A_2060 = arith.constant 0 : i32
      %ne3A_2061 = vector.broadcast %ne3A_2060 : i32 to vector<16xi32>
      %ne3A_2062 = arith.cmpi ne, %rem3A_2059, %ne3A_2061 : vector<16xi32>
      %lt3A_2063 = arith.constant 0 : i32
      %lt3A_2064 = vector.broadcast %lt3A_2063 : i32 to vector<16xi32>
      %lt3A_2065 = arith.cmpi slt, %rem3A_2059, %lt3A_2064 : vector<16xi32>
      %lt3A_2066 = arith.constant 0 : i32
      %lt3A_2067 = arith.cmpi slt, %select_n3A_2057, %lt3A_2066 : i32
      %ne3A_2068 = vector.broadcast %lt3A_2067 : i1 to vector<16xi1>
      %ne3A_2069 = vector.broadcast %ne3A_2068 : vector<16xi1> to vector<16xi1>
      %ne3A_2070 = arith.xori %lt3A_2065, %ne3A_2069 : vector<16xi1>
      %and3A_2071 = arith.andi %ne3A_2070, %ne3A_2062 : vector<16xi1>
      %add3A_2072 = vector.broadcast %select_n3A_2057 : i32 to vector<16xi32>
      %add3A_2073 = arith.addi %rem3A_2059, %add3A_2072 : vector<16xi32>
      %select_n3A_2074 = arith.select %and3A_2071, %add3A_2073, %rem3A_2059 : vector<16xi1>, vector<16xi32>
      %add3A_2075 = arith.constant 19 : i32
      %add3A_2076 = vector.broadcast %add3A_2075 : i32 to vector<16xi32>
      %add3A_2077 = arith.addi %iota3A_1599, %add3A_2076 : vector<16xi32>
      %jit3A_2078 = arith.constant 32 : i32
      %eq3A_2079 = arith.constant 0 : i32
      %eq3A_2080 = arith.cmpi eq, %jit3A_2078, %eq3A_2079 : i32
      %jit3A_2081 = arith.constant 1 : i32
      %select_n3A_2082 = arith.select %eq3A_2080, %jit3A_2081, %jit3A_2078 : i32
      %rem3A_2083 = vector.broadcast %select_n3A_2082 : i32 to vector<16xi32>
      %rem3A_2084 = arith.remsi %add3A_2077, %rem3A_2083 : vector<16xi32>
      %ne3A_2085 = arith.constant 0 : i32
      %ne3A_2086 = vector.broadcast %ne3A_2085 : i32 to vector<16xi32>
      %ne3A_2087 = arith.cmpi ne, %rem3A_2084, %ne3A_2086 : vector<16xi32>
      %lt3A_2088 = arith.constant 0 : i32
      %lt3A_2089 = vector.broadcast %lt3A_2088 : i32 to vector<16xi32>
      %lt3A_2090 = arith.cmpi slt, %rem3A_2084, %lt3A_2089 : vector<16xi32>
      %lt3A_2091 = arith.constant 0 : i32
      %lt3A_2092 = arith.cmpi slt, %select_n3A_2082, %lt3A_2091 : i32
      %ne3A_2093 = vector.broadcast %lt3A_2092 : i1 to vector<16xi1>
      %ne3A_2094 = vector.broadcast %ne3A_2093 : vector<16xi1> to vector<16xi1>
      %ne3A_2095 = arith.xori %lt3A_2090, %ne3A_2094 : vector<16xi1>
      %and3A_2096 = arith.andi %ne3A_2095, %ne3A_2087 : vector<16xi1>
      %add3A_2097 = vector.broadcast %select_n3A_2082 : i32 to vector<16xi32>
      %add3A_2098 = arith.addi %rem3A_2084, %add3A_2097 : vector<16xi32>
      %select_n3A_2099 = arith.select %and3A_2096, %add3A_2098, %rem3A_2084 : vector<16xi1>, vector<16xi32>
      %add3A_2100 = arith.constant 20 : i32
      %add3A_2101 = vector.broadcast %add3A_2100 : i32 to vector<16xi32>
      %add3A_2102 = arith.addi %iota3A_1599, %add3A_2101 : vector<16xi32>
      %jit3A_2103 = arith.constant 32 : i32
      %eq3A_2104 = arith.constant 0 : i32
      %eq3A_2105 = arith.cmpi eq, %jit3A_2103, %eq3A_2104 : i32
      %jit3A_2106 = arith.constant 1 : i32
      %select_n3A_2107 = arith.select %eq3A_2105, %jit3A_2106, %jit3A_2103 : i32
      %rem3A_2108 = vector.broadcast %select_n3A_2107 : i32 to vector<16xi32>
      %rem3A_2109 = arith.remsi %add3A_2102, %rem3A_2108 : vector<16xi32>
      %ne3A_2110 = arith.constant 0 : i32
      %ne3A_2111 = vector.broadcast %ne3A_2110 : i32 to vector<16xi32>
      %ne3A_2112 = arith.cmpi ne, %rem3A_2109, %ne3A_2111 : vector<16xi32>
      %lt3A_2113 = arith.constant 0 : i32
      %lt3A_2114 = vector.broadcast %lt3A_2113 : i32 to vector<16xi32>
      %lt3A_2115 = arith.cmpi slt, %rem3A_2109, %lt3A_2114 : vector<16xi32>
      %lt3A_2116 = arith.constant 0 : i32
      %lt3A_2117 = arith.cmpi slt, %select_n3A_2107, %lt3A_2116 : i32
      %ne3A_2118 = vector.broadcast %lt3A_2117 : i1 to vector<16xi1>
      %ne3A_2119 = vector.broadcast %ne3A_2118 : vector<16xi1> to vector<16xi1>
      %ne3A_2120 = arith.xori %lt3A_2115, %ne3A_2119 : vector<16xi1>
      %and3A_2121 = arith.andi %ne3A_2120, %ne3A_2112 : vector<16xi1>
      %add3A_2122 = vector.broadcast %select_n3A_2107 : i32 to vector<16xi32>
      %add3A_2123 = arith.addi %rem3A_2109, %add3A_2122 : vector<16xi32>
      %select_n3A_2124 = arith.select %and3A_2121, %add3A_2123, %rem3A_2109 : vector<16xi1>, vector<16xi32>
      %add3A_2125 = arith.constant 21 : i32
      %add3A_2126 = vector.broadcast %add3A_2125 : i32 to vector<16xi32>
      %add3A_2127 = arith.addi %iota3A_1599, %add3A_2126 : vector<16xi32>
      %jit3A_2128 = arith.constant 32 : i32
      %eq3A_2129 = arith.constant 0 : i32
      %eq3A_2130 = arith.cmpi eq, %jit3A_2128, %eq3A_2129 : i32
      %jit3A_2131 = arith.constant 1 : i32
      %select_n3A_2132 = arith.select %eq3A_2130, %jit3A_2131, %jit3A_2128 : i32
      %rem3A_2133 = vector.broadcast %select_n3A_2132 : i32 to vector<16xi32>
      %rem3A_2134 = arith.remsi %add3A_2127, %rem3A_2133 : vector<16xi32>
      %ne3A_2135 = arith.constant 0 : i32
      %ne3A_2136 = vector.broadcast %ne3A_2135 : i32 to vector<16xi32>
      %ne3A_2137 = arith.cmpi ne, %rem3A_2134, %ne3A_2136 : vector<16xi32>
      %lt3A_2138 = arith.constant 0 : i32
      %lt3A_2139 = vector.broadcast %lt3A_2138 : i32 to vector<16xi32>
      %lt3A_2140 = arith.cmpi slt, %rem3A_2134, %lt3A_2139 : vector<16xi32>
      %lt3A_2141 = arith.constant 0 : i32
      %lt3A_2142 = arith.cmpi slt, %select_n3A_2132, %lt3A_2141 : i32
      %ne3A_2143 = vector.broadcast %lt3A_2142 : i1 to vector<16xi1>
      %ne3A_2144 = vector.broadcast %ne3A_2143 : vector<16xi1> to vector<16xi1>
      %ne3A_2145 = arith.xori %lt3A_2140, %ne3A_2144 : vector<16xi1>
      %and3A_2146 = arith.andi %ne3A_2145, %ne3A_2137 : vector<16xi1>
      %add3A_2147 = vector.broadcast %select_n3A_2132 : i32 to vector<16xi32>
      %add3A_2148 = arith.addi %rem3A_2134, %add3A_2147 : vector<16xi32>
      %select_n3A_2149 = arith.select %and3A_2146, %add3A_2148, %rem3A_2134 : vector<16xi1>, vector<16xi32>
      %add3A_2150 = arith.constant 22 : i32
      %add3A_2151 = vector.broadcast %add3A_2150 : i32 to vector<16xi32>
      %add3A_2152 = arith.addi %iota3A_1599, %add3A_2151 : vector<16xi32>
      %jit3A_2153 = arith.constant 32 : i32
      %eq3A_2154 = arith.constant 0 : i32
      %eq3A_2155 = arith.cmpi eq, %jit3A_2153, %eq3A_2154 : i32
      %jit3A_2156 = arith.constant 1 : i32
      %select_n3A_2157 = arith.select %eq3A_2155, %jit3A_2156, %jit3A_2153 : i32
      %rem3A_2158 = vector.broadcast %select_n3A_2157 : i32 to vector<16xi32>
      %rem3A_2159 = arith.remsi %add3A_2152, %rem3A_2158 : vector<16xi32>
      %ne3A_2160 = arith.constant 0 : i32
      %ne3A_2161 = vector.broadcast %ne3A_2160 : i32 to vector<16xi32>
      %ne3A_2162 = arith.cmpi ne, %rem3A_2159, %ne3A_2161 : vector<16xi32>
      %lt3A_2163 = arith.constant 0 : i32
      %lt3A_2164 = vector.broadcast %lt3A_2163 : i32 to vector<16xi32>
      %lt3A_2165 = arith.cmpi slt, %rem3A_2159, %lt3A_2164 : vector<16xi32>
      %lt3A_2166 = arith.constant 0 : i32
      %lt3A_2167 = arith.cmpi slt, %select_n3A_2157, %lt3A_2166 : i32
      %ne3A_2168 = vector.broadcast %lt3A_2167 : i1 to vector<16xi1>
      %ne3A_2169 = vector.broadcast %ne3A_2168 : vector<16xi1> to vector<16xi1>
      %ne3A_2170 = arith.xori %lt3A_2165, %ne3A_2169 : vector<16xi1>
      %and3A_2171 = arith.andi %ne3A_2170, %ne3A_2162 : vector<16xi1>
      %add3A_2172 = vector.broadcast %select_n3A_2157 : i32 to vector<16xi32>
      %add3A_2173 = arith.addi %rem3A_2159, %add3A_2172 : vector<16xi32>
      %select_n3A_2174 = arith.select %and3A_2171, %add3A_2173, %rem3A_2159 : vector<16xi1>, vector<16xi32>
      %add3A_2175 = arith.constant 23 : i32
      %add3A_2176 = vector.broadcast %add3A_2175 : i32 to vector<16xi32>
      %add3A_2177 = arith.addi %iota3A_1599, %add3A_2176 : vector<16xi32>
      %jit3A_2178 = arith.constant 32 : i32
      %eq3A_2179 = arith.constant 0 : i32
      %eq3A_2180 = arith.cmpi eq, %jit3A_2178, %eq3A_2179 : i32
      %jit3A_2181 = arith.constant 1 : i32
      %select_n3A_2182 = arith.select %eq3A_2180, %jit3A_2181, %jit3A_2178 : i32
      %rem3A_2183 = vector.broadcast %select_n3A_2182 : i32 to vector<16xi32>
      %rem3A_2184 = arith.remsi %add3A_2177, %rem3A_2183 : vector<16xi32>
      %ne3A_2185 = arith.constant 0 : i32
      %ne3A_2186 = vector.broadcast %ne3A_2185 : i32 to vector<16xi32>
      %ne3A_2187 = arith.cmpi ne, %rem3A_2184, %ne3A_2186 : vector<16xi32>
      %lt3A_2188 = arith.constant 0 : i32
      %lt3A_2189 = vector.broadcast %lt3A_2188 : i32 to vector<16xi32>
      %lt3A_2190 = arith.cmpi slt, %rem3A_2184, %lt3A_2189 : vector<16xi32>
      %lt3A_2191 = arith.constant 0 : i32
      %lt3A_2192 = arith.cmpi slt, %select_n3A_2182, %lt3A_2191 : i32
      %ne3A_2193 = vector.broadcast %lt3A_2192 : i1 to vector<16xi1>
      %ne3A_2194 = vector.broadcast %ne3A_2193 : vector<16xi1> to vector<16xi1>
      %ne3A_2195 = arith.xori %lt3A_2190, %ne3A_2194 : vector<16xi1>
      %and3A_2196 = arith.andi %ne3A_2195, %ne3A_2187 : vector<16xi1>
      %add3A_2197 = vector.broadcast %select_n3A_2182 : i32 to vector<16xi32>
      %add3A_2198 = arith.addi %rem3A_2184, %add3A_2197 : vector<16xi32>
      %select_n3A_2199 = arith.select %and3A_2196, %add3A_2198, %rem3A_2184 : vector<16xi1>, vector<16xi32>
      %add3A_2200 = arith.constant 24 : i32
      %add3A_2201 = vector.broadcast %add3A_2200 : i32 to vector<16xi32>
      %add3A_2202 = arith.addi %iota3A_1599, %add3A_2201 : vector<16xi32>
      %jit3A_2203 = arith.constant 32 : i32
      %eq3A_2204 = arith.constant 0 : i32
      %eq3A_2205 = arith.cmpi eq, %jit3A_2203, %eq3A_2204 : i32
      %jit3A_2206 = arith.constant 1 : i32
      %select_n3A_2207 = arith.select %eq3A_2205, %jit3A_2206, %jit3A_2203 : i32
      %rem3A_2208 = vector.broadcast %select_n3A_2207 : i32 to vector<16xi32>
      %rem3A_2209 = arith.remsi %add3A_2202, %rem3A_2208 : vector<16xi32>
      %ne3A_2210 = arith.constant 0 : i32
      %ne3A_2211 = vector.broadcast %ne3A_2210 : i32 to vector<16xi32>
      %ne3A_2212 = arith.cmpi ne, %rem3A_2209, %ne3A_2211 : vector<16xi32>
      %lt3A_2213 = arith.constant 0 : i32
      %lt3A_2214 = vector.broadcast %lt3A_2213 : i32 to vector<16xi32>
      %lt3A_2215 = arith.cmpi slt, %rem3A_2209, %lt3A_2214 : vector<16xi32>
      %lt3A_2216 = arith.constant 0 : i32
      %lt3A_2217 = arith.cmpi slt, %select_n3A_2207, %lt3A_2216 : i32
      %ne3A_2218 = vector.broadcast %lt3A_2217 : i1 to vector<16xi1>
      %ne3A_2219 = vector.broadcast %ne3A_2218 : vector<16xi1> to vector<16xi1>
      %ne3A_2220 = arith.xori %lt3A_2215, %ne3A_2219 : vector<16xi1>
      %and3A_2221 = arith.andi %ne3A_2220, %ne3A_2212 : vector<16xi1>
      %add3A_2222 = vector.broadcast %select_n3A_2207 : i32 to vector<16xi32>
      %add3A_2223 = arith.addi %rem3A_2209, %add3A_2222 : vector<16xi32>
      %select_n3A_2224 = arith.select %and3A_2221, %add3A_2223, %rem3A_2209 : vector<16xi1>, vector<16xi32>
      %add3A_2225 = arith.constant 25 : i32
      %add3A_2226 = vector.broadcast %add3A_2225 : i32 to vector<16xi32>
      %add3A_2227 = arith.addi %iota3A_1599, %add3A_2226 : vector<16xi32>
      %jit3A_2228 = arith.constant 32 : i32
      %eq3A_2229 = arith.constant 0 : i32
      %eq3A_2230 = arith.cmpi eq, %jit3A_2228, %eq3A_2229 : i32
      %jit3A_2231 = arith.constant 1 : i32
      %select_n3A_2232 = arith.select %eq3A_2230, %jit3A_2231, %jit3A_2228 : i32
      %rem3A_2233 = vector.broadcast %select_n3A_2232 : i32 to vector<16xi32>
      %rem3A_2234 = arith.remsi %add3A_2227, %rem3A_2233 : vector<16xi32>
      %ne3A_2235 = arith.constant 0 : i32
      %ne3A_2236 = vector.broadcast %ne3A_2235 : i32 to vector<16xi32>
      %ne3A_2237 = arith.cmpi ne, %rem3A_2234, %ne3A_2236 : vector<16xi32>
      %lt3A_2238 = arith.constant 0 : i32
      %lt3A_2239 = vector.broadcast %lt3A_2238 : i32 to vector<16xi32>
      %lt3A_2240 = arith.cmpi slt, %rem3A_2234, %lt3A_2239 : vector<16xi32>
      %lt3A_2241 = arith.constant 0 : i32
      %lt3A_2242 = arith.cmpi slt, %select_n3A_2232, %lt3A_2241 : i32
      %ne3A_2243 = vector.broadcast %lt3A_2242 : i1 to vector<16xi1>
      %ne3A_2244 = vector.broadcast %ne3A_2243 : vector<16xi1> to vector<16xi1>
      %ne3A_2245 = arith.xori %lt3A_2240, %ne3A_2244 : vector<16xi1>
      %and3A_2246 = arith.andi %ne3A_2245, %ne3A_2237 : vector<16xi1>
      %add3A_2247 = vector.broadcast %select_n3A_2232 : i32 to vector<16xi32>
      %add3A_2248 = arith.addi %rem3A_2234, %add3A_2247 : vector<16xi32>
      %select_n3A_2249 = arith.select %and3A_2246, %add3A_2248, %rem3A_2234 : vector<16xi1>, vector<16xi32>
      %add3A_2250 = arith.constant 26 : i32
      %add3A_2251 = vector.broadcast %add3A_2250 : i32 to vector<16xi32>
      %add3A_2252 = arith.addi %iota3A_1599, %add3A_2251 : vector<16xi32>
      %jit3A_2253 = arith.constant 32 : i32
      %eq3A_2254 = arith.constant 0 : i32
      %eq3A_2255 = arith.cmpi eq, %jit3A_2253, %eq3A_2254 : i32
      %jit3A_2256 = arith.constant 1 : i32
      %select_n3A_2257 = arith.select %eq3A_2255, %jit3A_2256, %jit3A_2253 : i32
      %rem3A_2258 = vector.broadcast %select_n3A_2257 : i32 to vector<16xi32>
      %rem3A_2259 = arith.remsi %add3A_2252, %rem3A_2258 : vector<16xi32>
      %ne3A_2260 = arith.constant 0 : i32
      %ne3A_2261 = vector.broadcast %ne3A_2260 : i32 to vector<16xi32>
      %ne3A_2262 = arith.cmpi ne, %rem3A_2259, %ne3A_2261 : vector<16xi32>
      %lt3A_2263 = arith.constant 0 : i32
      %lt3A_2264 = vector.broadcast %lt3A_2263 : i32 to vector<16xi32>
      %lt3A_2265 = arith.cmpi slt, %rem3A_2259, %lt3A_2264 : vector<16xi32>
      %lt3A_2266 = arith.constant 0 : i32
      %lt3A_2267 = arith.cmpi slt, %select_n3A_2257, %lt3A_2266 : i32
      %ne3A_2268 = vector.broadcast %lt3A_2267 : i1 to vector<16xi1>
      %ne3A_2269 = vector.broadcast %ne3A_2268 : vector<16xi1> to vector<16xi1>
      %ne3A_2270 = arith.xori %lt3A_2265, %ne3A_2269 : vector<16xi1>
      %and3A_2271 = arith.andi %ne3A_2270, %ne3A_2262 : vector<16xi1>
      %add3A_2272 = vector.broadcast %select_n3A_2257 : i32 to vector<16xi32>
      %add3A_2273 = arith.addi %rem3A_2259, %add3A_2272 : vector<16xi32>
      %select_n3A_2274 = arith.select %and3A_2271, %add3A_2273, %rem3A_2259 : vector<16xi1>, vector<16xi32>
      %add3A_2275 = arith.constant 27 : i32
      %add3A_2276 = vector.broadcast %add3A_2275 : i32 to vector<16xi32>
      %add3A_2277 = arith.addi %iota3A_1599, %add3A_2276 : vector<16xi32>
      %jit3A_2278 = arith.constant 32 : i32
      %eq3A_2279 = arith.constant 0 : i32
      %eq3A_2280 = arith.cmpi eq, %jit3A_2278, %eq3A_2279 : i32
      %jit3A_2281 = arith.constant 1 : i32
      %select_n3A_2282 = arith.select %eq3A_2280, %jit3A_2281, %jit3A_2278 : i32
      %rem3A_2283 = vector.broadcast %select_n3A_2282 : i32 to vector<16xi32>
      %rem3A_2284 = arith.remsi %add3A_2277, %rem3A_2283 : vector<16xi32>
      %ne3A_2285 = arith.constant 0 : i32
      %ne3A_2286 = vector.broadcast %ne3A_2285 : i32 to vector<16xi32>
      %ne3A_2287 = arith.cmpi ne, %rem3A_2284, %ne3A_2286 : vector<16xi32>
      %lt3A_2288 = arith.constant 0 : i32
      %lt3A_2289 = vector.broadcast %lt3A_2288 : i32 to vector<16xi32>
      %lt3A_2290 = arith.cmpi slt, %rem3A_2284, %lt3A_2289 : vector<16xi32>
      %lt3A_2291 = arith.constant 0 : i32
      %lt3A_2292 = arith.cmpi slt, %select_n3A_2282, %lt3A_2291 : i32
      %ne3A_2293 = vector.broadcast %lt3A_2292 : i1 to vector<16xi1>
      %ne3A_2294 = vector.broadcast %ne3A_2293 : vector<16xi1> to vector<16xi1>
      %ne3A_2295 = arith.xori %lt3A_2290, %ne3A_2294 : vector<16xi1>
      %and3A_2296 = arith.andi %ne3A_2295, %ne3A_2287 : vector<16xi1>
      %add3A_2297 = vector.broadcast %select_n3A_2282 : i32 to vector<16xi32>
      %add3A_2298 = arith.addi %rem3A_2284, %add3A_2297 : vector<16xi32>
      %select_n3A_2299 = arith.select %and3A_2296, %add3A_2298, %rem3A_2284 : vector<16xi1>, vector<16xi32>
      %add3A_2300 = arith.constant 28 : i32
      %add3A_2301 = vector.broadcast %add3A_2300 : i32 to vector<16xi32>
      %add3A_2302 = arith.addi %iota3A_1599, %add3A_2301 : vector<16xi32>
      %jit3A_2303 = arith.constant 32 : i32
      %eq3A_2304 = arith.constant 0 : i32
      %eq3A_2305 = arith.cmpi eq, %jit3A_2303, %eq3A_2304 : i32
      %jit3A_2306 = arith.constant 1 : i32
      %select_n3A_2307 = arith.select %eq3A_2305, %jit3A_2306, %jit3A_2303 : i32
      %rem3A_2308 = vector.broadcast %select_n3A_2307 : i32 to vector<16xi32>
      %rem3A_2309 = arith.remsi %add3A_2302, %rem3A_2308 : vector<16xi32>
      %ne3A_2310 = arith.constant 0 : i32
      %ne3A_2311 = vector.broadcast %ne3A_2310 : i32 to vector<16xi32>
      %ne3A_2312 = arith.cmpi ne, %rem3A_2309, %ne3A_2311 : vector<16xi32>
      %lt3A_2313 = arith.constant 0 : i32
      %lt3A_2314 = vector.broadcast %lt3A_2313 : i32 to vector<16xi32>
      %lt3A_2315 = arith.cmpi slt, %rem3A_2309, %lt3A_2314 : vector<16xi32>
      %lt3A_2316 = arith.constant 0 : i32
      %lt3A_2317 = arith.cmpi slt, %select_n3A_2307, %lt3A_2316 : i32
      %ne3A_2318 = vector.broadcast %lt3A_2317 : i1 to vector<16xi1>
      %ne3A_2319 = vector.broadcast %ne3A_2318 : vector<16xi1> to vector<16xi1>
      %ne3A_2320 = arith.xori %lt3A_2315, %ne3A_2319 : vector<16xi1>
      %and3A_2321 = arith.andi %ne3A_2320, %ne3A_2312 : vector<16xi1>
      %add3A_2322 = vector.broadcast %select_n3A_2307 : i32 to vector<16xi32>
      %add3A_2323 = arith.addi %rem3A_2309, %add3A_2322 : vector<16xi32>
      %select_n3A_2324 = arith.select %and3A_2321, %add3A_2323, %rem3A_2309 : vector<16xi1>, vector<16xi32>
      %add3A_2325 = arith.constant 29 : i32
      %add3A_2326 = vector.broadcast %add3A_2325 : i32 to vector<16xi32>
      %add3A_2327 = arith.addi %iota3A_1599, %add3A_2326 : vector<16xi32>
      %jit3A_2328 = arith.constant 32 : i32
      %eq3A_2329 = arith.constant 0 : i32
      %eq3A_2330 = arith.cmpi eq, %jit3A_2328, %eq3A_2329 : i32
      %jit3A_2331 = arith.constant 1 : i32
      %select_n3A_2332 = arith.select %eq3A_2330, %jit3A_2331, %jit3A_2328 : i32
      %rem3A_2333 = vector.broadcast %select_n3A_2332 : i32 to vector<16xi32>
      %rem3A_2334 = arith.remsi %add3A_2327, %rem3A_2333 : vector<16xi32>
      %ne3A_2335 = arith.constant 0 : i32
      %ne3A_2336 = vector.broadcast %ne3A_2335 : i32 to vector<16xi32>
      %ne3A_2337 = arith.cmpi ne, %rem3A_2334, %ne3A_2336 : vector<16xi32>
      %lt3A_2338 = arith.constant 0 : i32
      %lt3A_2339 = vector.broadcast %lt3A_2338 : i32 to vector<16xi32>
      %lt3A_2340 = arith.cmpi slt, %rem3A_2334, %lt3A_2339 : vector<16xi32>
      %lt3A_2341 = arith.constant 0 : i32
      %lt3A_2342 = arith.cmpi slt, %select_n3A_2332, %lt3A_2341 : i32
      %ne3A_2343 = vector.broadcast %lt3A_2342 : i1 to vector<16xi1>
      %ne3A_2344 = vector.broadcast %ne3A_2343 : vector<16xi1> to vector<16xi1>
      %ne3A_2345 = arith.xori %lt3A_2340, %ne3A_2344 : vector<16xi1>
      %and3A_2346 = arith.andi %ne3A_2345, %ne3A_2337 : vector<16xi1>
      %add3A_2347 = vector.broadcast %select_n3A_2332 : i32 to vector<16xi32>
      %add3A_2348 = arith.addi %rem3A_2334, %add3A_2347 : vector<16xi32>
      %select_n3A_2349 = arith.select %and3A_2346, %add3A_2348, %rem3A_2334 : vector<16xi1>, vector<16xi32>
      %add3A_2350 = arith.constant 30 : i32
      %add3A_2351 = vector.broadcast %add3A_2350 : i32 to vector<16xi32>
      %add3A_2352 = arith.addi %iota3A_1599, %add3A_2351 : vector<16xi32>
      %jit3A_2353 = arith.constant 32 : i32
      %eq3A_2354 = arith.constant 0 : i32
      %eq3A_2355 = arith.cmpi eq, %jit3A_2353, %eq3A_2354 : i32
      %jit3A_2356 = arith.constant 1 : i32
      %select_n3A_2357 = arith.select %eq3A_2355, %jit3A_2356, %jit3A_2353 : i32
      %rem3A_2358 = vector.broadcast %select_n3A_2357 : i32 to vector<16xi32>
      %rem3A_2359 = arith.remsi %add3A_2352, %rem3A_2358 : vector<16xi32>
      %ne3A_2360 = arith.constant 0 : i32
      %ne3A_2361 = vector.broadcast %ne3A_2360 : i32 to vector<16xi32>
      %ne3A_2362 = arith.cmpi ne, %rem3A_2359, %ne3A_2361 : vector<16xi32>
      %lt3A_2363 = arith.constant 0 : i32
      %lt3A_2364 = vector.broadcast %lt3A_2363 : i32 to vector<16xi32>
      %lt3A_2365 = arith.cmpi slt, %rem3A_2359, %lt3A_2364 : vector<16xi32>
      %lt3A_2366 = arith.constant 0 : i32
      %lt3A_2367 = arith.cmpi slt, %select_n3A_2357, %lt3A_2366 : i32
      %ne3A_2368 = vector.broadcast %lt3A_2367 : i1 to vector<16xi1>
      %ne3A_2369 = vector.broadcast %ne3A_2368 : vector<16xi1> to vector<16xi1>
      %ne3A_2370 = arith.xori %lt3A_2365, %ne3A_2369 : vector<16xi1>
      %and3A_2371 = arith.andi %ne3A_2370, %ne3A_2362 : vector<16xi1>
      %add3A_2372 = vector.broadcast %select_n3A_2357 : i32 to vector<16xi32>
      %add3A_2373 = arith.addi %rem3A_2359, %add3A_2372 : vector<16xi32>
      %select_n3A_2374 = arith.select %and3A_2371, %add3A_2373, %rem3A_2359 : vector<16xi1>, vector<16xi32>
      %add3A_2375 = arith.constant 31 : i32
      %add3A_2376 = vector.broadcast %add3A_2375 : i32 to vector<16xi32>
      %add3A_2377 = arith.addi %iota3A_1599, %add3A_2376 : vector<16xi32>
      %jit3A_2378 = arith.constant 32 : i32
      %eq3A_2379 = arith.constant 0 : i32
      %eq3A_2380 = arith.cmpi eq, %jit3A_2378, %eq3A_2379 : i32
      %jit3A_2381 = arith.constant 1 : i32
      %select_n3A_2382 = arith.select %eq3A_2380, %jit3A_2381, %jit3A_2378 : i32
      %rem3A_2383 = vector.broadcast %select_n3A_2382 : i32 to vector<16xi32>
      %rem3A_2384 = arith.remsi %add3A_2377, %rem3A_2383 : vector<16xi32>
      %ne3A_2385 = arith.constant 0 : i32
      %ne3A_2386 = vector.broadcast %ne3A_2385 : i32 to vector<16xi32>
      %ne3A_2387 = arith.cmpi ne, %rem3A_2384, %ne3A_2386 : vector<16xi32>
      %lt3A_2388 = arith.constant 0 : i32
      %lt3A_2389 = vector.broadcast %lt3A_2388 : i32 to vector<16xi32>
      %lt3A_2390 = arith.cmpi slt, %rem3A_2384, %lt3A_2389 : vector<16xi32>
      %lt3A_2391 = arith.constant 0 : i32
      %lt3A_2392 = arith.cmpi slt, %select_n3A_2382, %lt3A_2391 : i32
      %ne3A_2393 = vector.broadcast %lt3A_2392 : i1 to vector<16xi1>
      %ne3A_2394 = vector.broadcast %ne3A_2393 : vector<16xi1> to vector<16xi1>
      %ne3A_2395 = arith.xori %lt3A_2390, %ne3A_2394 : vector<16xi1>
      %and3A_2396 = arith.andi %ne3A_2395, %ne3A_2387 : vector<16xi1>
      %add3A_2397 = vector.broadcast %select_n3A_2382 : i32 to vector<16xi32>
      %add3A_2398 = arith.addi %rem3A_2384, %add3A_2397 : vector<16xi32>
      %select_n3A_2399 = arith.select %and3A_2396, %add3A_2398, %rem3A_2384 : vector<16xi1>, vector<16xi32>
      %scan3A_2400 = arith.constant 0 : i32
      %scan3A_2401 = arith.constant 32 : i32
      %scan3A_2402 = arith.addi %scan3A_2400, %scan3A_2401 : i32
      %scan3A_2403 = arith.constant 1 : i32
      %scan3A_2404 = scf.for %scan3A_2412 = %scan3A_2400 to %scan3A_2402 step %scan3A_2403 iter_args(%scan3A_2413 = %iota3A_1599) -> (vector<16xi32>)  : i32 {
        %gather3A = tpu.vector_load_idx %arg7[%scan3A_2413, %select_n3A_1624] : memref<512x32xf32, #tpu.memory_space<vmem>>[vector<16xi32>, vector<16xi32>], vector<16xf32>,
        tpu.vector_store_idx %arg9[%select_n3A_1624, %scan3A_2413], %gather3A : memref<32x512xf32, #tpu.memory_space<vmem>>[vector<16xi32>, vector<16xi32>], vector<16xf32>,
        %gather3A_2414 = tpu.vector_load_idx %arg7[%scan3A_2413, %select_n3A_1649] : memref<512x32xf32, #tpu.memory_space<vmem>>[vector<16xi32>, vector<16xi32>], vector<16xf32>,
        tpu.vector_store_idx %arg9[%select_n3A_1649, %scan3A_2413], %gather3A_2414 : memref<32x512xf32, #tpu.memory_space<vmem>>[vector<16xi32>, vector<16xi32>], vector<16xf32>,
        %gather3A_2415 = tpu.vector_load_idx %arg7[%scan3A_2413, %select_n3A_1674] : memref<512x32xf32, #tpu.memory_space<vmem>>[vector<16xi32>, vector<16xi32>], vector<16xf32>,
        tpu.vector_store_idx %arg9[%select_n3A_1674, %scan3A_2413], %gather3A_2415 : memref<32x512xf32, #tpu.memory_space<vmem>>[vector<16xi32>, vector<16xi32>], vector<16xf32>,
        %gather3A_2416 = tpu.vector_load_idx %arg7[%scan3A_2413, %select_n3A_1699] : memref<512x32xf32, #tpu.memory_space<vmem>>[vector<16xi32>, vector<16xi32>], vector<16xf32>,
        tpu.vector_store_idx %arg9[%select_n3A_1699, %scan3A_2413], %gather3A_2416 : memref<32x512xf32, #tpu.memory_space<vmem>>[vector<16xi32>, vector<16xi32>], vector<16xf32>,
        %gather3A_2417 = tpu.vector_load_idx %arg7[%scan3A_2413, %select_n3A_1724] : memref<512x32xf32, #tpu.memory_space<vmem>>[vector<16xi32>, vector<16xi32>], vector<16xf32>,
        tpu.vector_store_idx %arg9[%select_n3A_1724, %scan3A_2413], %gather3A_2417 : memref<32x512xf32, #tpu.memory_space<vmem>>[vector<16xi32>, vector<16xi32>], vector<16xf32>,
        %gather3A_2418 = tpu.vector_load_idx %arg7[%scan3A_2413, %select_n3A_1749] : memref<512x32xf32, #tpu.memory_space<vmem>>[vector<16xi32>, vector<16xi32>], vector<16xf32>,
        tpu.vector_store_idx %arg9[%select_n3A_1749, %scan3A_2413], %gather3A_2418 : memref<32x512xf32, #tpu.memory_space<vmem>>[vector<16xi32>, vector<16xi32>], vector<16xf32>,
        %gather3A_2419 = tpu.vector_load_idx %arg7[%scan3A_2413, %select_n3A_1774] : memref<512x32xf32, #tpu.memory_space<vmem>>[vector<16xi32>, vector<16xi32>], vector<16xf32>,
        tpu.vector_store_idx %arg9[%select_n3A_1774, %scan3A_2413], %gather3A_2419 : memref<32x512xf32, #tpu.memory_space<vmem>>[vector<16xi32>, vector<16xi32>], vector<16xf32>,
        %gather3A_2420 = tpu.vector_load_idx %arg7[%scan3A_2413, %select_n3A_1799] : memref<512x32xf32, #tpu.memory_space<vmem>>[vector<16xi32>, vector<16xi32>], vector<16xf32>,
        tpu.vector_store_idx %arg9[%select_n3A_1799, %scan3A_2413], %gather3A_2420 : memref<32x512xf32, #tpu.memory_space<vmem>>[vector<16xi32>, vector<16xi32>], vector<16xf32>,
        %gather3A_2421 = tpu.vector_load_idx %arg7[%scan3A_2413, %select_n3A_1824] : memref<512x32xf32, #tpu.memory_space<vmem>>[vector<16xi32>, vector<16xi32>], vector<16xf32>,
        tpu.vector_store_idx %arg9[%select_n3A_1824, %scan3A_2413], %gather3A_2421 : memref<32x512xf32, #tpu.memory_space<vmem>>[vector<16xi32>, vector<16xi32>], vector<16xf32>,
        %gather3A_2422 = tpu.vector_load_idx %arg7[%scan3A_2413, %select_n3A_1849] : memref<512x32xf32, #tpu.memory_space<vmem>>[vector<16xi32>, vector<16xi32>], vector<16xf32>,
        tpu.vector_store_idx %arg9[%select_n3A_1849, %scan3A_2413], %gather3A_2422 : memref<32x512xf32, #tpu.memory_space<vmem>>[vector<16xi32>, vector<16xi32>], vector<16xf32>,
        %gather3A_2423 = tpu.vector_load_idx %arg7[%scan3A_2413, %select_n3A_1874] : memref<512x32xf32, #tpu.memory_space<vmem>>[vector<16xi32>, vector<16xi32>], vector<16xf32>,
        tpu.vector_store_idx %arg9[%select_n3A_1874, %scan3A_2413], %gather3A_2423 : memref<32x512xf32, #tpu.memory_space<vmem>>[vector<16xi32>, vector<16xi32>], vector<16xf32>,
        %gather3A_2424 = tpu.vector_load_idx %arg7[%scan3A_2413, %select_n3A_1899] : memref<512x32xf32, #tpu.memory_space<vmem>>[vector<16xi32>, vector<16xi32>], vector<16xf32>,
        tpu.vector_store_idx %arg9[%select_n3A_1899, %scan3A_2413], %gather3A_2424 : memref<32x512xf32, #tpu.memory_space<vmem>>[vector<16xi32>, vector<16xi32>], vector<16xf32>,
        %gather3A_2425 = tpu.vector_load_idx %arg7[%scan3A_2413, %select_n3A_1924] : memref<512x32xf32, #tpu.memory_space<vmem>>[vector<16xi32>, vector<16xi32>], vector<16xf32>,
        tpu.vector_store_idx %arg9[%select_n3A_1924, %scan3A_2413], %gather3A_2425 : memref<32x512xf32, #tpu.memory_space<vmem>>[vector<16xi32>, vector<16xi32>], vector<16xf32>,
        %gather3A_2426 = tpu.vector_load_idx %arg7[%scan3A_2413, %select_n3A_1949] : memref<512x32xf32, #tpu.memory_space<vmem>>[vector<16xi32>, vector<16xi32>], vector<16xf32>,
        tpu.vector_store_idx %arg9[%select_n3A_1949, %scan3A_2413], %gather3A_2426 : memref<32x512xf32, #tpu.memory_space<vmem>>[vector<16xi32>, vector<16xi32>], vector<16xf32>,
        %gather3A_2427 = tpu.vector_load_idx %arg7[%scan3A_2413, %select_n3A_1974] : memref<512x32xf32, #tpu.memory_space<vmem>>[vector<16xi32>, vector<16xi32>], vector<16xf32>,
        tpu.vector_store_idx %arg9[%select_n3A_1974, %scan3A_2413], %gather3A_2427 : memref<32x512xf32, #tpu.memory_space<vmem>>[vector<16xi32>, vector<16xi32>], vector<16xf32>,
        %gather3A_2428 = tpu.vector_load_idx %arg7[%scan3A_2413, %select_n3A_1999] : memref<512x32xf32, #tpu.memory_space<vmem>>[vector<16xi32>, vector<16xi32>], vector<16xf32>,
        tpu.vector_store_idx %arg9[%select_n3A_1999, %scan3A_2413], %gather3A_2428 : memref<32x512xf32, #tpu.memory_space<vmem>>[vector<16xi32>, vector<16xi32>], vector<16xf32>,
        %gather3A_2429 = tpu.vector_load_idx %arg7[%scan3A_2413, %select_n3A_2024] : memref<512x32xf32, #tpu.memory_space<vmem>>[vector<16xi32>, vector<16xi32>], vector<16xf32>,
        tpu.vector_store_idx %arg9[%select_n3A_2024, %scan3A_2413], %gather3A_2429 : memref<32x512xf32, #tpu.memory_space<vmem>>[vector<16xi32>, vector<16xi32>], vector<16xf32>,
        %gather3A_2430 = tpu.vector_load_idx %arg7[%scan3A_2413, %select_n3A_2049] : memref<512x32xf32, #tpu.memory_space<vmem>>[vector<16xi32>, vector<16xi32>], vector<16xf32>,
        tpu.vector_store_idx %arg9[%select_n3A_2049, %scan3A_2413], %gather3A_2430 : memref<32x512xf32, #tpu.memory_space<vmem>>[vector<16xi32>, vector<16xi32>], vector<16xf32>,
        %gather3A_2431 = tpu.vector_load_idx %arg7[%scan3A_2413, %select_n3A_2074] : memref<512x32xf32, #tpu.memory_space<vmem>>[vector<16xi32>, vector<16xi32>], vector<16xf32>,
        tpu.vector_store_idx %arg9[%select_n3A_2074, %scan3A_2413], %gather3A_2431 : memref<32x512xf32, #tpu.memory_space<vmem>>[vector<16xi32>, vector<16xi32>], vector<16xf32>,
        %gather3A_2432 = tpu.vector_load_idx %arg7[%scan3A_2413, %select_n3A_2099] : memref<512x32xf32, #tpu.memory_space<vmem>>[vector<16xi32>, vector<16xi32>], vector<16xf32>,
        tpu.vector_store_idx %arg9[%select_n3A_2099, %scan3A_2413], %gather3A_2432 : memref<32x512xf32, #tpu.memory_space<vmem>>[vector<16xi32>, vector<16xi32>], vector<16xf32>,
        %gather3A_2433 = tpu.vector_load_idx %arg7[%scan3A_2413, %select_n3A_2124] : memref<512x32xf32, #tpu.memory_space<vmem>>[vector<16xi32>, vector<16xi32>], vector<16xf32>,
        tpu.vector_store_idx %arg9[%select_n3A_2124, %scan3A_2413], %gather3A_2433 : memref<32x512xf32, #tpu.memory_space<vmem>>[vector<16xi32>, vector<16xi32>], vector<16xf32>,
        %gather3A_2434 = tpu.vector_load_idx %arg7[%scan3A_2413, %select_n3A_2149] : memref<512x32xf32, #tpu.memory_space<vmem>>[vector<16xi32>, vector<16xi32>], vector<16xf32>,
        tpu.vector_store_idx %arg9[%select_n3A_2149, %scan3A_2413], %gather3A_2434 : memref<32x512xf32, #tpu.memory_space<vmem>>[vector<16xi32>, vector<16xi32>], vector<16xf32>,
        %gather3A_2435 = tpu.vector_load_idx %arg7[%scan3A_2413, %select_n3A_2174] : memref<512x32xf32, #tpu.memory_space<vmem>>[vector<16xi32>, vector<16xi32>], vector<16xf32>,
        tpu.vector_store_idx %arg9[%select_n3A_2174, %scan3A_2413], %gather3A_2435 : memref<32x512xf32, #tpu.memory_space<vmem>>[vector<16xi32>, vector<16xi32>], vector<16xf32>,
        %gather3A_2436 = tpu.vector_load_idx %arg7[%scan3A_2413, %select_n3A_2199] : memref<512x32xf32, #tpu.memory_space<vmem>>[vector<16xi32>, vector<16xi32>], vector<16xf32>,
        tpu.vector_store_idx %arg9[%select_n3A_2199, %scan3A_2413], %gather3A_2436 : memref<32x512xf32, #tpu.memory_space<vmem>>[vector<16xi32>, vector<16xi32>], vector<16xf32>,
        %gather3A_2437 = tpu.vector_load_idx %arg7[%scan3A_2413, %select_n3A_2224] : memref<512x32xf32, #tpu.memory_space<vmem>>[vector<16xi32>, vector<16xi32>], vector<16xf32>,
        tpu.vector_store_idx %arg9[%select_n3A_2224, %scan3A_2413], %gather3A_2437 : memref<32x512xf32, #tpu.memory_space<vmem>>[vector<16xi32>, vector<16xi32>], vector<16xf32>,
        %gather3A_2438 = tpu.vector_load_idx %arg7[%scan3A_2413, %select_n3A_2249] : memref<512x32xf32, #tpu.memory_space<vmem>>[vector<16xi32>, vector<16xi32>], vector<16xf32>,
        tpu.vector_store_idx %arg9[%select_n3A_2249, %scan3A_2413], %gather3A_2438 : memref<32x512xf32, #tpu.memory_space<vmem>>[vector<16xi32>, vector<16xi32>], vector<16xf32>,
        %gather3A_2439 = tpu.vector_load_idx %arg7[%scan3A_2413, %select_n3A_2274] : memref<512x32xf32, #tpu.memory_space<vmem>>[vector<16xi32>, vector<16xi32>], vector<16xf32>,
        tpu.vector_store_idx %arg9[%select_n3A_2274, %scan3A_2413], %gather3A_2439 : memref<32x512xf32, #tpu.memory_space<vmem>>[vector<16xi32>, vector<16xi32>], vector<16xf32>,
        %gather3A_2440 = tpu.vector_load_idx %arg7[%scan3A_2413, %select_n3A_2299] : memref<512x32xf32, #tpu.memory_space<vmem>>[vector<16xi32>, vector<16xi32>], vector<16xf32>,
        tpu.vector_store_idx %arg9[%select_n3A_2299, %scan3A_2413], %gather3A_2440 : memref<32x512xf32, #tpu.memory_space<vmem>>[vector<16xi32>, vector<16xi32>], vector<16xf32>,
        %gather3A_2441 = tpu.vector_load_idx %arg7[%scan3A_2413, %select_n3A_2324] : memref<512x32xf32, #tpu.memory_space<vmem>>[vector<16xi32>, vector<16xi32>], vector<16xf32>,
        tpu.vector_store_idx %arg9[%select_n3A_2324, %scan3A_2413], %gather3A_2441 : memref<32x512xf32, #tpu.memory_space<vmem>>[vector<16xi32>, vector<16xi32>], vector<16xf32>,
        %gather3A_2442 = tpu.vector_load_idx %arg7[%scan3A_2413, %select_n3A_2349] : memref<512x32xf32, #tpu.memory_space<vmem>>[vector<16xi32>, vector<16xi32>], vector<16xf32>,
        tpu.vector_store_idx %arg9[%select_n3A_2349, %scan3A_2413], %gather3A_2442 : memref<32x512xf32, #tpu.memory_space<vmem>>[vector<16xi32>, vector<16xi32>], vector<16xf32>,
        %gather3A_2443 = tpu.vector_load_idx %arg7[%scan3A_2413, %select_n3A_2374] : memref<512x32xf32, #tpu.memory_space<vmem>>[vector<16xi32>, vector<16xi32>], vector<16xf32>,
        tpu.vector_store_idx %arg9[%select_n3A_2374, %scan3A_2413], %gather3A_2443 : memref<32x512xf32, #tpu.memory_space<vmem>>[vector<16xi32>, vector<16xi32>], vector<16xf32>,
        %gather3A_2444 = tpu.vector_load_idx %arg7[%scan3A_2413, %select_n3A_2399] : memref<512x32xf32, #tpu.memory_space<vmem>>[vector<16xi32>, vector<16xi32>], vector<16xf32>,
        tpu.vector_store_idx %arg9[%select_n3A_2399, %scan3A_2413], %gather3A_2444 : memref<32x512xf32, #tpu.memory_space<vmem>>[vector<16xi32>, vector<16xi32>], vector<16xf32>,
        %add3A_2445 = arith.constant 16 : i32
        %add3A_2446 = vector.broadcast %add3A_2445 : i32 to vector<16xi32>
        %add3A_2447 = arith.addi %scan3A_2413, %add3A_2446 : vector<16xi32>
        scf.yield %add3A_2447 : vector<16xi32>
      }
      %scan3A_2405 = arith.constant 32 : i32
      %dma_start3A_2406 = arith.constant 0 : i32
      %dma_start3A_2407 = tpu.memref_slice %arg4[%add3A_57, %dma_start3A_2406, %mul3A_2] : memref<50x32x16384xf32, #tpu.memory_space<hbm>> -> memref<1x32x512xf32, #tpu.memory_space<hbm>>
      %dma_start3A_2408 = tpu.memref_squeeze %dma_start3A_2407 : memref<1x32x512xf32, #tpu.memory_space<hbm>> -> memref<32x512xf32, #tpu.memory_space<hbm>>
      %dma_start3A_2409 = arith.constant 0 : i32
      %dma_start3A_2410 = tpu.memref_slice %arg4[%add3A_57, %dma_start3A_2409, %mul3A_2] : memref<50x32x16384xf32, #tpu.memory_space<hbm>> -> memref<1x32x512xf32, #tpu.memory_space<hbm>>
      %dma_start3A_2411 = tpu.memref_squeeze %dma_start3A_2410 : memref<1x32x512xf32, #tpu.memory_space<hbm>> -> memref<32x512xf32, #tpu.memory_space<hbm>>
      tpu.enqueue_dma source(%arg9 : memref<32x512xf32, #tpu.memory_space<vmem>>) target(%dma_start3A_2411 : memref<32x512xf32, #tpu.memory_space<hbm>>) target_semaphore(%arg13 : memref<!tpu.dma_semaphore, #tpu.memory_space<semaphore_mem>>)
    }
    %scan3A_46 = arith.constant 25 : i32
    %dma_wait3A = arith.constant 49 : i32
    %dma_wait3A_47 = arith.constant 0 : i32
    %dma_wait3A_48 = tpu.memref_slice %arg4[%dma_wait3A, %dma_wait3A_47, %mul3A_2] : memref<50x32x16384xf32, #tpu.memory_space<hbm>> -> memref<1x32x512xf32, #tpu.memory_space<hbm>>
    %dma_wait3A_49 = tpu.memref_squeeze %dma_wait3A_48 : memref<1x32x512xf32, #tpu.memory_space<hbm>> -> memref<32x512xf32, #tpu.memory_space<hbm>>
    %dma_wait3A_50 = arith.constant 0 : i32
    %dma_wait3A_51 = tpu.memref_slice %arg4[%dma_wait3A, %dma_wait3A_50, %mul3A_2] : memref<50x32x16384xf32, #tpu.memory_space<hbm>> -> memref<1x32x512xf32, #tpu.memory_space<hbm>>
    %dma_wait3A_52 = tpu.memref_squeeze %dma_wait3A_51 : memref<1x32x512xf32, #tpu.memory_space<hbm>> -> memref<32x512xf32, #tpu.memory_space<hbm>>
    tpu.wait_dma2 semaphore(%arg13 : memref<!tpu.dma_semaphore, #tpu.memory_space<semaphore_mem>>) src(%arg9 : memref<32x512xf32, #tpu.memory_space<vmem>>) dst(%dma_wait3A_52 : memref<32x512xf32, #tpu.memory_space<hbm>>)
    return
  }
}

</mosaic_0001>

<sc_bundles>
// kernel: kernel.3.cloned.1.call-start
scs
__scs_entry_jumppad:
0x0: {  	(pc) =	sbr.rel $0x88, $3  }
0x1: {  	(tag) =	ssettag $0x0;
	lr =	simm.s32 $0x1  }
0x2: {  	[smem:$0x3F9F] =	sst lr;
	_ =	strace $0xD0000000  }
0x3: {  	_ = 	snop  }
0x4: {  	_ = 	snop  }
0x5: {  	_ = 	snop  }
0x6: {  	_ = 	snop  }
0x7: {  	_ = 	snop  }
__scs_overlays_trampoline_lowered:
0x8: {  	[smem:$0x3FAE] =	sst s0  }
0x9: {  	[smem:$0x3FAF] =	sst s1  }
0xa: {  	[smem:$0x3FB0] =	sst s2  }
0xb: {  	[smem:$0x3FB1] =	sst s3  }
0xc: {  	[smem:$0x3FB2] =	sst s4  }
0xd: {  	[smem:$0x3FB3] =	sst s5  }
0xe: {  	[smem:$0x3FB4] =	sst s6  }
0xf: {  	[smem:$0x3FB5] =	sst s7  }
0x10: {  	[smem:$0x3FB6] =	sst s8  }
0x11: {  	[smem:$0x3FB7] =	sst s9;
	s0 =	simm.s32 @!p0 $0x0  }
0x12: {  	s1 =	sld [smem:$0x3F9D];
	s0 =	simm.s32 @p0 $0x1  }
0x13: {  	[smem:$0x3FB8] =	sst s0;
	s0 =	simm.s32 @!p1 $0x0  }
0x14: {  	s2 =	sld [smem:$0x3F9C];
	s0 =	simm.s32 @p1 $0x1  }
0x15: {  	[smem:$0x3FB9] =	sst s0;
	s0 =	simm.s32 @!p2 $0x0  }
0x16: {  	s3 =	sld [smem:$0x3FDB];
	s0 =	simm.s32 @p2 $0x1  }
0x17: {  	s4 =	simm.s32 $0x1BF5;
	[smem:$0x3FBB] =	sst s0  }
0x18: {  	s0 =	sld [smem:$0x3F9E];
	_ =	swait.ge [sflag:s4], $0x0  }
0x19: {  	s7 =	sld [smem:$0x3F9F]  }
0x1a: {  	s8 =	sadd.s32 $0xFFFFE003, lr  }
0x1b: {  	s9 =	sadd.s32 $0xFFFFFEF7, lr;
	s5 =	simm.s32 $0xFFFFFFFF;
	p2 =	slt.u32 s8, $0xFFFFF086  }
0x1c: {  	p1 =	slt.u32 s9, $0xF7A;
	s5 =	simm.s32 @!p2 $0x0  }
0x1d: {  	s5 =	simm.s32 @p1 $0x1;
	p0 =	seq.s32 s7, s2  }
0x1e: {  	s7 =	smul.u32 @!p0 $0xF7A, s2;
	p2 =	seq.s32 @!p0 s5, $0x0  }
0x1f: {  	s9 =	smul.u32 $0xF7A, s1;
	s8 =	simm.s32 @!p0 $0x1BF5;
	p2 =	por !p2, p0  }
0x20: {  	[sflag:s8] =	ssyncset.s32 @!p0 $0xFFFFF086;
	s6 =	sadd.s32 @!p0 s3, s7;
	s7 =	simm.s32 @!p0 $0x108  }
0x21: {  	s3 =	sadd.s32 s3, s9;
	s6 =	sadd.s32 @!p0 $0x88, s6;
	s7 =	simm.s32 @p2 $0x1082  }
0x22: {  	[simem:s7], [sflag:s8] =	dma.local @!p0 [hbm:s6], $0xF7A  }
0x23: {  	s9 =	sor.u32 $0xD0000000, s2;
	s6 =	simm.s32 $0x108;
	_ =	swait.ge @!p0 [sflag:s8], $0x0  }
0x24: {  	s3 =	sadd.s32 $0x88, s3;
	s6 =	simm.s32 @!p1 $0x1082;
	[sflag:s4] =	ssyncset.s32 $0xFFFFF086  }
0x25: {  	[simem:s6], [sflag:s4] =	dma.local [hbm:s3], $0xF7A  }
0x26: {  	[smem:$0x3F9F] =	sst s1;
	(tag) =	ssettag s2;
	_ =	strace s9  }
0x27: {  	s1 =	sld [smem:$0x3FAF]  }
0x28: {  	s2 =	sld [smem:$0x3FB0]  }
0x29: {  	s4 =	sld [smem:$0x3FB2]  }
0x2a: {  	p0 =	seq.s32 s5, $0x0;
	s5 =	sld [smem:$0x3FB3]  }
0x2b: {  	s6 =	sld [smem:$0x3FB4]  }
0x2c: {  	s7 =	sld [smem:$0x3FB5]  }
0x2d: {  	s3 =	simm.s32 $0x108;
	s8 =	sld [smem:$0x3FB6]  }
0x2e: {  	s3 =	simm.s32 @!p0 $0x1082;
	s9 =	sld [smem:$0x3FB7]  }
0x2f: {  	lr =	sadd.s32 s0, s3;
	s0 =	sld [smem:$0x3FAE]  }
0x30: {  	s3 =	sld [smem:$0x3FB1]  }
0x31: {  	[smem:$0x3FBA] =	sst s10  }
0x32: {  	s10 =	sld [smem:$0x3FB8];
	_ =	sdelay $0x3  }
0x33: {  	p0 =	seq.s32 s10, $0x1;
	s10 =	sld [smem:$0x3FBA];
	_ =	sdelay $0x3  }
0x34: {  	[smem:$0x3FBA] =	sst s10  }
0x35: {  	s10 =	sld [smem:$0x3FB9];
	_ =	sdelay $0x3  }
0x36: {  	p1 =	seq.s32 s10, $0x1;
	s10 =	sld [smem:$0x3FBA];
	_ =	sdelay $0x3  }
0x37: {  	[smem:$0x3FBA] =	sst s10  }
0x38: {  	s10 =	sld [smem:$0x3FBB]  }
0x39: {  	_ = 	snop;
	(pc) =	sbr.ind lr, $3  }
0x3a: {  	_ = 	snop  }
0x3b: {  	_ = 	snop  }
0x3c: {  	p2 =	seq.s32 s10, $0x1;
	s10 =	sld [smem:$0x3FBA]  }
0x3d: {  	_ =	shalt  }
0x3e: {  	_ =	shalt  }
0x3f: {  	_ =	shalt  }
0x40: {  	_ =	shalt  }
0x41: {  	_ =	shalt  }
0x42: {  	_ =	shalt  }
0x43: {  	_ =	shalt  }
0x44: {  	_ =	shalt  }
0x45: {  	_ =	shalt  }
0x46: {  	_ =	shalt  }
0x47: {  	_ =	shalt  }
0x48: {  	_ =	shalt  }
0x49: {  	_ =	shalt  }
0x4a: {  	_ =	shalt  }
0x4b: {  	_ =	shalt  }
0x4c: {  	_ =	shalt  }
0x4d: {  	_ =	shalt  }
0x4e: {  	_ =	shalt  }
0x4f: {  	_ =	shalt  }
0x50: {  	_ =	shalt  }
0x51: {  	_ =	shalt  }
0x52: {  	_ =	shalt  }
0x53: {  	_ =	shalt  }
0x54: {  	_ =	shalt  }
0x55: {  	_ =	shalt  }
0x56: {  	_ =	shalt  }
0x57: {  	_ =	shalt  }
0x58: {  	_ =	shalt  }
0x59: {  	_ =	shalt  }
0x5a: {  	_ =	shalt  }
0x5b: {  	_ =	shalt  }
0x5c: {  	_ =	shalt  }
0x5d: {  	_ =	shalt  }
0x5e: {  	_ =	shalt  }
0x5f: {  	_ =	shalt  }
0x60: {  	_ =	shalt  }
0x61: {  	_ =	shalt  }
0x62: {  	_ =	shalt  }
0x63: {  	_ =	shalt  }
0x64: {  	_ =	shalt  }
0x65: {  	_ =	shalt  }
0x66: {  	_ =	shalt  }
0x67: {  	_ =	shalt  }
0x68: {  	_ =	shalt  }
0x69: {  	_ =	shalt  }
0x6a: {  	_ =	shalt  }
0x6b: {  	_ =	shalt  }
0x6c: {  	_ =	shalt  }
0x6d: {  	_ =	shalt  }
0x6e: {  	_ =	shalt  }
0x6f: {  	_ =	shalt  }
0x70: {  	_ =	shalt  }
0x71: {  	_ =	shalt  }
0x72: {  	_ =	shalt  }
0x73: {  	_ =	shalt  }
0x74: {  	_ =	shalt  }
0x75: {  	_ =	shalt  }
0x76: {  	_ =	shalt  }
0x77: {  	_ =	shalt  }
0x78: {  	_ =	shalt  }
0x79: {  	_ =	shalt  }
0x7a: {  	_ =	shalt  }
0x7b: {  	_ =	shalt  }
0x7c: {  	_ =	shalt  }
0x7d: {  	_ =	shalt  }
0x7e: {  	_ =	shalt  }
0x7f: {  	_ =	shalt  }
0x80: {  	_ =	shalt  }
0x81: {  	_ =	shalt  }
0x82: {  	_ =	shalt  }
0x83: {  	_ =	shalt  }
0x84: {  	_ =	shalt  }
0x85: {  	_ =	shalt  }
0x86: {  	_ =	shalt  }
0x87: {  	_ =	shalt  }
.Lfunc_end0:
.L_simem_size_0:
called_computation_lowered:
.L_overlay_start_0:
0x88: {  	s2 =	sld [smem:$0x3FD9]  }
0x89: {  	s3 =	sld [smem:$0x3FFE];
	_ =	sdelay $0x1  }
0x8a: {  	s1 =	srdreg.scid  }
0x8b: {  	s0 =	sand.u32 $0x1, s1  }
0x8c: {  	s17 =	sshll.u32 s0, $0xA;
	s2 =	sadd.s32 s3, s2  }
0x8d: {  	s2 =	sadd.s32 s2, s17  }
0x8e: {  	[smem:$0x3FC6] =	sst s2  }
0x8f: {  	_ = 	snop  }
0x90: {  	s2 =	sld [smem:$0x3FD0];
	(tm) =	ssettm $0x1  }
0x91: {  	s18 =	sld [smem:$0x3FFB];
	_ =	sdelay $0x3  }
0x92: {  	_ =	strace s18  }
0x93: {  	s3 =	sld [smem:$0x3FFC];
	_ =	sdelay $0x3  }
0x94: {  	_ =	strace s3  }
0x95: {  	s3 =	sld [smem:$0x3FFD];
	_ =	sdelay $0x3  }
0x96: {  	_ =	strace s3  }
0x97: {  	_ =	strace $0x8FFFFFFF  }
0x98: {  	s19 =	sld [smem:$0x3FDB];
	_ =	sdelay $0x1  }
0x99: {  	s4 =	simm.s32 $_scs_section_size  }
0x9a: {  	s5 =	simm.s32 $_size__tile_overlayer_lowered;
	s6 =	simm.s32 $_tile_overlayer_lowered  }
0x9b: {  	s22 =	simm.s32 $0x1BFF;
	s21 =	sshll.u32 s6, $0x1;
	s3 =	sadd.s32 s4, s19  }
0x9c: {  	s7 =	simm.s32 $0x0;
	s20 =	sshll.u32 s5, $0x1;
	s5 =	sadd.s32 s21, s3  }
0x9d: {  	[timem:s7], [sflag:s22] =	dma.local [hbm:s5], s20  }
0x9e: {  	_ =	swait.ge [sflag:s22], s20  }
0x9f: {  	s4 =	ssub.s32 $0x0, s20;
	[sflag:s22] =	ssyncset.done $0x0  }
0xa0: {  	[sflag:s22] =	ssyncadd.s32 s4;
	_ =	sdelay $0x1  }
0xa1: {  	s23 =	simm.s32 $0x1B8B  }
0xa2: {  	_ =	swait.ge [sflag:s23], $0x1  }
0xa3: {  	[sflag:s23] =	ssyncset.done $0x0  }
0xa4: {  	s25 =	simm.s32 $0x1B8E;
	s24 =	sld [smem:$0x3FFE];
	[sflag:s23] =	ssyncadd.s32 $0xFFFFFFFF  }
0xa5: {  	s26 =	simm.s32 $execute0_lowered;
	[smem:$0x3FD2] =	sst s25  }
0xa6: {  	s5 =	sshll.u32 s26, $0x1;
	_ =	strace $0x80000046;
	[dreg:$0x1] =	wrdreg $0xFFFFFFFF  }
0xa7: {  	s28 =	simm.s32 $_size_execute0_lowered;
	s3 =	sadd.s32 s3, s5;
	[dreg:$0x0] =	wrdreg $0x0  }
0xa8: {  	s5 =	sshll.u32 s28, $0x1;
	[dreg:$0x2] =	wrdreg s3  }
0xa9: {  	[dreg:$0x3] =	wrdreg s5  }
0xaa: {  	[dreg:$0x4] =	wrdreg $0xC0  }
0xab: {  	_ =	task [dreg:s7], $0x5FFFF  }
0xac: {  	[dreg:$0x1] =	wrdreg $0xFFFFFFFF  }
0xad: {  	[dreg:$0x0] =	wrdreg $0x60  }
0xae: {  	[dreg:$0x2] =	wrdreg s2  }
0xaf: {  	[dreg:$0x3] =	wrdreg s24  }
0xb0: {  	[dreg:$0x4] =	wrdreg $0x9  }
0xb1: {  	_ =	task.clear_ibuf [dreg:s7], $0x5FFFF;
	_ =	strace $0x90000046  }
0xb2: {  	s29 =	simm.s32 $0x9;
	_ =	strace $0x80000048  }
0xb3: {  	_ =	swait.ge [sflag:s29], $0x1  }
0xb4: {  	[sflag:s29] =	ssyncadd.s32 $0xFFFFFFFF  }
0xb5: {  	_ =	strace $0x90000048  }
0xb6: {  	_ =	sfence  }
0xb7: {  	s30 =	sld [smem:$0x0];
	_ =	sdelay $0x2  }
0xb8: {  	s31 =	sshll.u32 s1, $0xD;
	s1 =	sshrl.u32 s1, $0x2  }
0xb9: {  	s3 =	sand.u32 $0x4000, s31;
	s1 =	sadd.s32 s1, s30  }
0xba: {  	s0 =	sor.u32 s3, s0;
	s1 =	sshll.u32 s1, $0x11  }
0xbb: {  	s0 =	sor.u32 s1, s0  }
0xbc: {  	s0 =	sadd.s32 $0x8F2B, s0  }
0xbd: {  	[sflag:s0] =	ssyncadd.remote.s32 $0x1  }
0xbe: {  	_ =	sfence.sel $0xFFFF  }
0xbf: {  	[dreg:$0x0] =	wrdreg $0xFFFFFFFF;
	(pc) =	sbr.abs _section_cstart, $3  }
0xc0: {  	[dreg:$0x1] =	wrdreg $0xFFFFFFFF  }
0xc1: {  	_ =	task.clear_ibuf [dreg:s7], $0x2FFFF;
	_ =	strace $0x9FFFFFFF  }
0xc2: {  	(tm) =	ssettm $0x7FFFFFFF  }
0xc3: {  	_ =	shalt  }
tec
execute0_lowered:
.L_overlay_start_1:
0x0: {  	(tag) =	ssettag $0x1  }
0x1: {  	v0 =	vimm.s32 $0x14131211  }
0x2: {  	v1 =	vimm.s32 $0x18171615;
	vm0 =	vcmask $0x1F10;
	vm4 =	vcmask $0x300  }
0x3: {  	vm5 =	vcmask $0x704;
	vm6 =	vcmask $0xB08;
	vm3 =	vcmask $0xF0C  }
0x4: {  	vm9 =	vcmask $0x1310;
	vm10 =	vcmask $0x1714;
	vm11 =	vcmask $0x1B18  }
0x5: {  	vm12 =	vcmask $0x1F1C;
	vm13 =	vcmask $0x2320;
	vm14 =	vcmask $0x2724  }
0x6: {  	vm15 =	vcmask $0x2B28;
	vm2 =	vcmask $0x2F2C;
	vm8 =	vcmask $0x3330  }
0x7: {  	vm7 =	vcmask $0x3734;
	v4 =	vimm.s32 $0x1001F1E;
	v5 =	vimm.s32 $0x201001F  }
0x8: {  	v6 =	vimm.s32 $0x43218765;
	v7 =	vimm.s32 $0x54329876;
	v8 =	vimm.s32 $0x6543A987  }
0x9: {  	vm1 =	vcmask $0x2F10;
	v54 =	vimm.s32 $0xB0A0908;
	v9 =	vimm.s32 $0xC0B0A09  }
0xa: {  	v10 =	vimm.s32 $0xD0C0B0A;
	v11 =	vimm.s32 $0xE0D0C0B;
	v0 =	vunpack.c.0.s8.s32 v0  }
0xb: {  	v2 =	vunpack.c.0.s8.s32 v1;
	v1 =	vimm.s32 $0x1C1B1A19;
	v35 =	vunpack.c.0.s8.s32 v4  }
0xc: {  	v4 =	vimm.s32 $0x32107654;
	v36 =	vunpack.c.0.s8.s32 v5;
	v5 =	vimm.s32 $0x1F1E1D1C  }
0xd: {  	v6 =	vunpack.c.l.s4.s8 v6;
	v53 =	vunpack.c.l.s4.s8 v8;
	v8 =	vunpack.c.0.s8.s32 v54  }
0xe: {  	v9 =	vunpack.c.0.s8.s32 v9;
	v10 =	vunpack.c.0.s8.s32 v10;
	v11 =	vunpack.c.0.s8.s32 v11  }
0xf: {  	v4 =	vunpack.c.l.s4.s8 v4;
	v37 =	vunpack.c.0.s8.s32 v5;
	v5 =	vunpack.c.l.s4.s8 v7  }
0x10: {  	[tilespmem:$0x1FC30] =	vst v2;
	v0 =	vsel vm0, v2, v0;
	v2 =	vimm.s32 $0x19181716;
	v6 =	vunpack.c.0.s8.s32 v6  }
0x11: {  	v7 =	vunpack.c.0.s8.s32 v53;
	[tilespmem:$0x1FC40] =	vst v0;
	v0 =	vunpack.c.0.s8.s32 v1;
	v1 =	vimm.s32 $0x15141312  }
0x12: {  	v34 =	vunpack.c.0.s8.s32 v2;
	v2 =	vimm.s32 $0x400;
	v4 =	vunpack.c.0.s8.s32 v4  }
0x13: {  	v5 =	vunpack.c.0.s8.s32 v5;
	v1 =	vunpack.c.0.s8.s32 v1;
	v2 =	vsel vm4, $0x2600, v2  }
0x14: {  	v6 =	vand.u32 $0xF, v6;
	v7 =	vand.u32 $0xF, v7;
	[tilespmem:$0x1FC50] =	vst v0;
	v0 =	vimm.s32 $0x1F1E1D  }
0x15: {  	v2 =	vsel vm5, $0x2800, v2;
	v4 =	vand.u32 $0xF, v4;
	v5 =	vand.u32 $0xF, v5  }
0x16: {  	v7 =	vsel vm1, v7, v36;
	v33 =	vunpack.c.0.s8.s32 v0;
	v0 =	vimm.s32 $0x200  }
0x17: {  	v2 =	vsel vm6, $0x2A00, v2;
	v4 =	vsel vm1, v4, v37;
	v0 =	vsel vm4, $0x2400, v0  }
0x18: {  	v5 =	vsel vm1, v5, v35;
	v2 =	vsel vm3, $0x2C00, v2;
	v0 =	vsel vm5, $0x2600, v0  }
0x19: {  	v1 =	vsel vm0, v34, v1;
	v2 =	vsel vm9, $0x2E00, v2;
	v0 =	vsel vm6, $0x2800, v0  }
0x1a: {  	v6 =	vsel vm1, v6, v33;
	vm1 =	vcmask $0x3F30;
	v0 =	vsel vm3, $0x2A00, v0  }
0x1b: {  	v2 =	vsel vm10, $0x3000, v2;
	v42 =	vsel vm1, v8, v4;
	v0 =	vsel vm9, $0x2C00, v0  }
0x1c: {  	v45 =	vsel vm1, v9, v6;
	v47 =	vsel vm1, v10, v5;
	v0 =	vsel vm10, $0x2E00, v0  }
0x1d: {  	v49 =	vsel vm1, v11, v7;
	v2 =	vsel vm11, $0x3200, v2;
	v0 =	vsel vm11, $0x3000, v0  }
0x1e: {  	[tilespmem:$0x1FC70] =	vst v1;
	v1 =	vsel vm12, $0x3400, v2;
	v2 =	vimm.s32 $0x1D1C1B1A;
	v0 =	vsel vm12, $0x3200, v0  }
0x1f: {  	vm1 =	vcmask $0x3B38;
	v2 =	vunpack.c.0.s8.s32 v2;
	v0 =	vsel vm13, $0x3400, v0  }
0x20: {  	v4 =	vimm.s32 $0x16151413;
	v5 =	vimm.s32 $0x1A191817;
	v0 =	vsel vm14, $0x3600, v0  }
0x21: {  	v4 =	vunpack.c.0.s8.s32 v4;
	[tilespmem:$0x1FC80] =	vst v2;
	v2 =	vimm.s32 $0x1E1D1C1B;
	v0 =	vsel vm15, $0x3800, v0  }
0x22: {  	v1 =	vsel vm13, $0x3600, v1;
	v2 =	vunpack.c.0.s8.s32 v2;
	v0 =	vsel vm2, $0x3A00, v0  }
0x23: {  	v5 =	vunpack.c.0.s8.s32 v5;
	v1 =	vsel vm14, $0x3800, v1;
	v0 =	vsel vm8, $0x3C00, v0  }
0x24: {  	v1 =	vsel vm15, $0x3A00, v1;
	[tilespmem:$0x1FCB0] =	vst v2;
	v2 =	vimm.s32 $0x17161514;
	v0 =	vsel vm7, $0x3E00, v0  }
0x25: {  	v51 =	vsel vm1, $0x0, v0;
	v0 =	vsel vm2, $0x3C00, v1;
	v1 =	vsel vm0, v5, v4  }
0x26: {  	v2 =	vunpack.c.0.s8.s32 v2;
	[tilespmem:$0x1FCA0] =	vst v1;
	v0 =	vsel vm8, $0x3E00, v0;
	v1 =	vimm.s32 $0x600  }
0x27: {  	v4 =	vimm.s32 $0x1B1A1918;
	v0 =	vsel vm7, $0x0, v0;
	v1 =	vsel vm4, $0x2800, v1  }
0x28: {  	[tilespmem:$0x1FC90] =	vst v5;
	v5 =	vimm.s32 $0x800;
	v53 =	vsel vm1, $0x200, v0;
	v0 =	vsel vm5, $0x2A00, v1  }
0x29: {  	v55 =	vunpack.c.0.s8.s32 v4;
	v1 =	vimm.s32 $0x3020100;
	v0 =	vsel vm6, $0x2C00, v0  }
0x2a: {  	v4 =	vsel vm4, $0x2A00, v5;
	v1 =	vunpack.c.0.s8.s32 v1;
	v0 =	vsel vm3, $0x2E00, v0  }
0x2b: {  	v4 =	vsel vm5, $0x2C00, v4;
	v2 =	vsel vm0, v55, v2;
	v0 =	vsel vm9, $0x3000, v0  }
0x2c: {  	v4 =	vsel vm6, $0x2E00, v4;
	v1 =	vsel vm0, v1, v37;
	v0 =	vsel vm10, $0x3200, v0  }
0x2d: {  	v56 =	vcombine.low v2, v1;
	v1 =	vsel vm3, $0x3000, v4;
	v0 =	vsel vm11, $0x3400, v0  }
0x2e: {  	v2 =	vimm.s32 $0xA00;
	v4 =	vimm.s32 $0x4030201;
	v0 =	vsel vm12, $0x3600, v0  }
0x2f: {  	v1 =	vsel vm9, $0x3200, v1;
	v2 =	vsel vm4, $0x2C00, v2;
	v0 =	vsel vm13, $0x3800, v0  }
0x30: {  	v4 =	vunpack.c.0.s8.s32 v4;
	v1 =	vsel vm10, $0x3400, v1;
	v0 =	vsel vm14, $0x3A00, v0  }
0x31: {  	v2 =	vsel vm5, $0x2E00, v2;
	v1 =	vsel vm11, $0x3600, v1;
	v0 =	vsel vm15, $0x3C00, v0  }
0x32: {  	v2 =	vsel vm6, $0x3000, v2;
	v1 =	vsel vm12, $0x3800, v1;
	v0 =	vsel vm2, $0x3E00, v0  }
0x33: {  	v2 =	vsel vm3, $0x3200, v2;
	v1 =	vsel vm13, $0x3A00, v1;
	v0 =	vsel vm8, $0x0, v0  }
0x34: {  	v2 =	vsel vm9, $0x3400, v2;
	v1 =	vsel vm14, $0x3C00, v1;
	v0 =	vsel vm7, $0x200, v0  }
0x35: {  	v2 =	vsel vm10, $0x3600, v2;
	v1 =	vsel vm15, $0x3E00, v1;
	v57 =	vsel vm1, $0x400, v0  }
0x36: {  	v0 =	vsel vm2, $0x0, v1;
	v1 =	vsel vm11, $0x3800, v2;
	v2 =	vsel vm0, v4, v33  }
0x37: {  	v4 =	vimm.s32 $0x5040302;
	v0 =	vsel vm8, $0x200, v0;
	v1 =	vsel vm12, $0x3A00, v1  }
0x38: {  	[tilespmem:$0x1FCF0] =	vst v2;
	v2 =	vimm.s32 $0xC00;
	v4 =	vunpack.c.0.s8.s32 v4;
	v1 =	vsel vm13, $0x3C00, v1  }
0x39: {  	v0 =	vsel vm7, $0x400, v0;
	v2 =	vsel vm4, $0x2E00, v2;
	v1 =	vsel vm14, $0x3E00, v1  }
0x3a: {  	v2 =	vsel vm5, $0x3000, v2;
	v58 =	vsel vm1, $0x600, v0;
	v1 =	vsel vm15, $0x0, v1  }
0x3b: {  	v0 =	vsel vm2, $0x200, v1;
	v1 =	vsel vm6, $0x3200, v2;
	v2 =	vsel vm0, v4, v35  }
0x3c: {  	v4 =	vimm.s32 $0x6050403;
	v0 =	vsel vm8, $0x400, v0;
	v1 =	vsel vm3, $0x3400, v1  }
0x3d: {  	[tilespmem:$0x1FD10] =	vst v2;
	v2 =	vimm.s32 $0xE00;
	v4 =	vunpack.c.0.s8.s32 v4;
	v1 =	vsel vm9, $0x3600, v1  }
0x3e: {  	v0 =	vsel vm7, $0x600, v0;
	v2 =	vsel vm4, $0x3000, v2;
	v1 =	vsel vm10, $0x3800, v1  }
0x3f: {  	v2 =	vsel vm5, $0x3200, v2;
	v59 =	vsel vm1, $0x800, v0;
	v1 =	vsel vm11, $0x3A00, v1  }
0x40: {  	v0 =	vsel vm12, $0x3C00, v1;
	v1 =	vsel vm6, $0x3400, v2;
	v2 =	vsel vm0, v4, v36  }
0x41: {  	v4 =	vimm.s32 $0x76543210;
	v0 =	vsel vm13, $0x3E00, v0;
	v1 =	vsel vm3, $0x3600, v1  }
0x42: {  	[tilespmem:$0x1FD30] =	vst v2;
	v2 =	vimm.s32 $0x1000;
	v4 =	vunpack.c.l.s4.s8 v4;
	v1 =	vsel vm9, $0x3800, v1  }
0x43: {  	v0 =	vsel vm14, $0x0, v0;
	v2 =	vsel vm4, $0x3200, v2;
	v1 =	vsel vm10, $0x3A00, v1  }
0x44: {  	v0 =	vsel vm15, $0x200, v0;
	v2 =	vsel vm5, $0x3400, v2;
	v1 =	vsel vm11, $0x3C00, v1  }
0x45: {  	v0 =	vsel vm2, $0x400, v0;
	v2 =	vsel vm6, $0x3600, v2;
	v1 =	vsel vm12, $0x3E00, v1  }
0x46: {  	v0 =	vsel vm8, $0x600, v0;
	v2 =	vsel vm3, $0x3800, v2;
	v1 =	vsel vm13, $0x0, v1  }
0x47: {  	v0 =	vsel vm7, $0x800, v0;
	v2 =	vsel vm9, $0x3A00, v2;
	v1 =	vsel vm14, $0x200, v1  }
0x48: {  	v2 =	vsel vm10, $0x3C00, v2;
	v61 =	vsel vm1, $0xA00, v0;
	v1 =	vsel vm15, $0x400, v1  }
0x49: {  	v0 =	vsel vm2, $0x600, v1;
	v1 =	vsel vm11, $0x3E00, v2;
	v2 =	vunpack.c.0.s8.s32 v4  }
0x4a: {  	v4 =	vimm.s32 $0x98765432;
	v1 =	vsel vm12, $0x0, v1  }
0x4b: {  	v0 =	vsel vm8, $0x800, v0;
	[tilespmem:$0x1FD40] =	vst v2;
	v2 =	vimm.s32 $0x87654321;
	v1 =	vsel vm13, $0x200, v1  }
0x4c: {  	v0 =	vsel vm7, $0xA00, v0;
	v2 =	vunpack.c.l.s4.s8 v2;
	v1 =	vsel vm14, $0x400, v1  }
0x4d: {  	v62 =	vsel vm1, $0xC00, v0;
	v0 =	vsel vm15, $0x600, v1;
	v1 =	vunpack.c.l.s4.s8 v4  }
0x4e: {  	v4 =	vimm.s32 $0x1200;
	v2 =	vunpack.c.0.s8.s32 v2;
	v0 =	vsel vm2, $0x800, v0  }
0x4f: {  	v39 =	vlaneseq.u32;
	v4 =	vsel vm4, $0x3400, v4;
	v0 =	vsel vm8, $0xA00, v0  }
0x50: {  	v1 =	vunpack.c.0.s8.s32 v1;
	v2 =	vand.u32 $0xF, v2;
	v0 =	vsel vm7, $0xC00, v0  }
0x51: {  	v12 =	vmul.u32 $0x20, v39;
	[tilespmem:$0x1FD50] =	vst v2;
	v2 =	vsel vm5, $0x3600, v4;
	v63 =	vsel vm1, $0xE00, v0  }
0x52: {  	v0 =	vand.u32 $0xF, v1;
	v1 =	vimm.s32 $0x1400;
	v4 =	vimm.s32 $0xA9876543  }
0x53: {  	[tilespmem:$0x1FD60] =	vst v0;
	v0 =	vsel vm6, $0x3800, v2;
	v2 =	vimm.s32 $0x1600;
	v1 =	vsel vm4, $0x3600, v1  }
0x54: {  	v4 =	vunpack.c.l.s4.s8 v4;
	v0 =	vsel vm3, $0x3A00, v0;
	v2 =	vsel vm4, $0x3800, v2  }
0x55: {  	v1 =	vsel vm5, $0x3800, v1;
	v0 =	vsel vm9, $0x3C00, v0;
	v2 =	vsel vm5, $0x3A00, v2  }
0x56: {  	v1 =	vsel vm6, $0x3A00, v1;
	v4 =	vunpack.c.0.s8.s32 v4;
	v2 =	vsel vm6, $0x3C00, v2  }
0x57: {  	v0 =	vsel vm10, $0x3E00, v0;
	v1 =	vsel vm3, $0x3C00, v1;
	v2 =	vsel vm3, $0x3E00, v2  }
0x58: {  	v0 =	vsel vm11, $0x0, v0;
	v1 =	vsel vm9, $0x3E00, v1;
	v2 =	vsel vm9, $0x0, v2  }
0x59: {  	v0 =	vsel vm12, $0x200, v0;
	v1 =	vsel vm10, $0x0, v1;
	v2 =	vsel vm10, $0x200, v2  }
0x5a: {  	v0 =	vsel vm13, $0x400, v0;
	v1 =	vsel vm11, $0x200, v1;
	v2 =	vsel vm11, $0x400, v2  }
0x5b: {  	v0 =	vsel vm14, $0x600, v0;
	v1 =	vsel vm12, $0x400, v1;
	v2 =	vsel vm12, $0x600, v2  }
0x5c: {  	[tilespmem:$0x1FD00] =	vst v35;
	v0 =	vsel vm15, $0x800, v0;
	v1 =	vsel vm13, $0x600, v1;
	v2 =	vsel vm13, $0x800, v2  }
0x5d: {  	[tilespmem:$0x1FD20] =	vst v36;
	v0 =	vsel vm2, $0xA00, v0;
	v1 =	vsel vm14, $0x800, v1;
	v2 =	vsel vm14, $0xA00, v2  }
0x5e: {  	[tilespmem:$0x1FCC0] =	vst v37;
	v0 =	vsel vm8, $0xC00, v0;
	v1 =	vsel vm15, $0xA00, v1;
	v2 =	vsel vm15, $0xC00, v2  }
0x5f: {  	[tilespmem:$0x1FC60] =	vst v34;
	v0 =	vsel vm7, $0xE00, v0;
	v1 =	vsel vm2, $0xC00, v1;
	v2 =	vsel vm2, $0xE00, v2  }
0x60: {  	[tilespmem:$0x1FCE0] =	vst v33;
	v1 =	vsel vm8, $0xE00, v1;
	v28 =	vsel vm1, $0x1000, v0;
	v2 =	vsel vm8, $0x1000, v2  }
0x61: {  	s0 =	rddreg [dreg:$0x0];
	s1 =	simm.s32 $0x0;
	[tilespmem:$0x1FCD0] =	vst v55;
	v0 =	vsel vm7, $0x1000, v1;
	v1 =	vsel vm7, $0x1200, v2;
	v2 =	vand.u32 $0xF, v4  }
0x62: {  	[smem:$0x7FF] =	sst s1;
	[tilespmem:$0x1FD70] =	vst v2  }
0x63: {  	s2 =	rddreg [dreg:$0x1];
	v13 =	vor.u32 $0x200, v12;
	_ =	strace $0x80000047;
	[tilespmem:$0x1FD80] =	vst v12  }
0x64: {  	v14 =	vor.u32 $0x400, v12;
	[tilespmem:$0x1FD90] =	vst v13  }
0x65: {  	v15 =	vor.u32 $0x600, v12;
	[tilespmem:$0x1FDA0] =	vst v14  }
0x66: {  	v16 =	vor.u32 $0x800, v12;
	[tilespmem:$0x1FDB0] =	vst v15  }
0x67: {  	v17 =	vor.u32 $0xA00, v12;
	[tilespmem:$0x1FDC0] =	vst v16  }
0x68: {  	v18 =	vor.u32 $0xC00, v12;
	[tilespmem:$0x1FDD0] =	vst v17  }
0x69: {  	v19 =	vor.u32 $0xE00, v12;
	[tilespmem:$0x1FDE0] =	vst v18  }
0x6a: {  	v20 =	vor.u32 $0x1000, v12;
	[tilespmem:$0x1FDF0] =	vst v19  }
0x6b: {  	v21 =	vor.u32 $0x1200, v12;
	[tilespmem:$0x1FE00] =	vst v20  }
0x6c: {  	v22 =	vor.u32 $0x1400, v12;
	[tilespmem:$0x1FE10] =	vst v21  }
0x6d: {  	v23 =	vor.u32 $0x1600, v12;
	[tilespmem:$0x1FE20] =	vst v22  }
0x6e: {  	v24 =	vor.u32 $0x1800, v12;
	[tilespmem:$0x1FE30] =	vst v23  }
0x6f: {  	v25 =	vor.u32 $0x1A00, v12;
	[tilespmem:$0x1FE40] =	vst v24  }
0x70: {  	v26 =	vor.u32 $0x1C00, v12;
	[tilespmem:$0x1FE50] =	vst v25  }
0x71: {  	v41 =	vor.u32 $0x1E00, v12;
	[tilespmem:$0x1FE60] =	vst v26  }
0x72: {  	v38 =	vor.u32 $0x2000, v12;
	[tilespmem:$0x1FE70] =	vst v41  }
0x73: {  	v40 =	vor.u32 $0x2200, v12;
	[tilespmem:$0x1FE80] =	vst v38  }
0x74: {  	v43 =	vor.u32 $0x2400, v12;
	v46 =	vor.u32 $0x2600, v12;
	v32 =	vor.u32 $0x2800, v12;
	[tilespmem:$0x1FE90] =	vst v40  }
0x75: {  	v29 =	vsel vm1, $0x1200, v0;
	v0 =	vimm.s32 $0x1800;
	vm7 =	vmmov vm9;
	[tilespmem:$0x1FEA0] =	vst v43  }
0x76: {  	v27 =	vsel vm1, $0x1400, v1;
	v1 =	vimm.s32 $0x1A00;
	v2 =	vimm.s32 $0x1C00;
	[tilespmem:$0x1FEB0] =	vst v46  }
0x77: {  	v0 =	vsel vm4, $0x3A00, v0;
	v1 =	vsel vm4, $0x3C00, v1;
	v2 =	vsel vm4, $0x3E00, v2;
	[tilespmem:$0x1FEC0] =	vst v32  }
0x78: {  	v0 =	vsel vm5, $0x3C00, v0;
	[tilespmem:$0x1FED0] =	vst v42;
	v1 =	vsel vm5, $0x3E00, v1;
	v2 =	vsel vm5, $0x0, v2  }
0x79: {  	[tilespmem:$0x1FEE0] =	vst v45;
	v0 =	vsel vm6, $0x3E00, v0;
	v1 =	vsel vm6, $0x0, v1;
	v2 =	vsel vm6, $0x200, v2  }
0x7a: {  	[tilespmem:$0x1FEF0] =	vst v47;
	v0 =	vsel vm3, $0x0, v0;
	v1 =	vsel vm3, $0x200, v1;
	v2 =	vsel vm3, $0x400, v2  }
0x7b: {  	[tilespmem:$0x1FF00] =	vst v49;
	v0 =	vsel vm9, $0x200, v0;
	v1 =	vsel vm9, $0x400, v1;
	v2 =	vsel vm9, $0x600, v2  }
0x7c: {  	[tilespmem:$0x1FF10] =	vst v51;
	v0 =	vsel vm10, $0x400, v0;
	vm9 =	vmmov vm10;
	v1 =	vsel vm10, $0x600, v1  }
0x7d: {  	[tilespmem:$0x1FF20] =	vst v53;
	v2 =	vsel vm10, $0x800, v2;
	v0 =	vsel vm11, $0x600, v0;
	vm10 =	vmmov vm11  }
0x7e: {  	[tilespmem:$0x1FF30] =	vst v56;
	v1 =	vsel vm11, $0x800, v1;
	v2 =	vsel vm11, $0xA00, v2;
	v0 =	vsel vm12, $0x800, v0  }
0x7f: {  	[tilespmem:$0x1FF40] =	vst v57;
	vm11 =	vmmov vm12;
	v1 =	vsel vm12, $0xA00, v1;
	v2 =	vsel vm12, $0xC00, v2  }
0x80: {  	s3 =	srdreg.scid;
	s4 =	stileid.u32;
	s8 =	simm.s32 $0x200;
	[tilespmem:$0x1FF50] =	vst v58;
	v0 =	vsel vm13, $0xA00, v0;
	vm12 =	vmmov vm13;
	v1 =	vsel vm13, $0xC00, v1  }
0x81: {  	s9 =	simm.s32 $0x4000;
	s10 =	simm.s32 $0x5;
	s11 =	simm.s32 $0x80;
	[tilespmem:$0x1FF60] =	vst v59;
	v2 =	vsel vm13, $0xE00, v2;
	v0 =	vsel vm14, $0xC00, v0;
	vm13 =	vmmov vm14  }
0x82: {  	s12 =	simm.s32 $0x6400;
	s15 =	simm.s32 $0x8400;
	s16 =	simm.s32 $0x180;
	[tilespmem:$0x1FF70] =	vst v61;
	v1 =	vsel vm14, $0xE00, v1;
	v2 =	vsel vm14, $0x1000, v2;
	v0 =	vsel vm15, $0xE00, v0  }
0x83: {  	s17 =	simm.s32 $0x9400;
	s18 =	simm.s32 $0x1;
	s19 =	simm.s32 $0xA400;
	[tilespmem:$0x1FF80] =	vst v62;
	vm14 =	vmmov vm15;
	v1 =	vsel vm15, $0x1000, v1;
	v2 =	vsel vm15, $0x1200, v2  }
0x84: {  	s20 =	simm.s32 $0xB400;
	s21 =	simm.s32 $0xC400;
	s22 =	simm.s32 $0xD400;
	[tilespmem:$0x1FF90] =	vst v63;
	v0 =	vsel vm2, $0x1000, v0;
	vm15 =	vmmov vm2;
	v1 =	vsel vm2, $0x1200, v1  }
0x85: {  	s23 =	simm.s32 $0xE400;
	s24 =	simm.s32 $0x2;
	s25 =	simm.s32 $0x3;
	[tilespmem:$0x1FFA0] =	vst v28;
	v2 =	vsel vm2, $0x1400, v2;
	v0 =	vsel vm8, $0x1200, v0;
	vm2 =	vcmask $0x3734  }
0x86: {  	s26 =	simm.s32 $0x12400;
	s28 =	simm.s32 $0x4;
	s3 =	sand.u32 $0x1, s3;
	[tilespmem:$0x1FFB0] =	vst v29;
	v1 =	vsel vm8, $0x1400, v1;
	v0 =	vsel vm2, $0x1400, v0;
	vm2 =	vcmask $0x3734  }
0x87: {  	s4 =	sshll.u32 s4, $0xA;
	s5 =	ssub.s32 $0x2, s3;
	s3 =	sshll.u32 s3, $0x9;
	[tilespmem:$0x1FFC0] =	vst v27;
	v2 =	vsel vm8, $0x1600, v2;
	v1 =	vsel vm2, $0x1600, v1;
	v30 =	vsel vm1, $0x1600, v0  }
0x88: {  	s29 =	simm.s32 $0x0;
	s6 =	sshrl.u32 s5, $0x1;
	s3 =	sor.u32 s3, s4;
	v2 =	vsel vm2, $0x1800, v2;
	v31 =	vsel vm1, $0x1800, v1;
	[tilespmem:$0x1FFD0] =	vst v30  }
0x89: {  	v3 =	vimm.f32 $0.0e+00;
	s4 =	sadd.s32 $0xF42A00, s2;
	s7 =	ssub.s32 s5, s6;
	s31 =	sshrl.u32 s3, $0x3;
	vm4 =	vmmov vm8;
	v60 =	vsel vm1, $0x1A00, v2;
	[tilespmem:$0x1FFE0] =	vst v31  }
0x8a: {  	s5 =	sadd.s32 $0x600, s2;
	s6 =	sadd.s32 s0, s31;
	s7 =	smax.u32 s7, $0x1;
	vm5 =	vmmov vm3;
	vm8 =	vmmov vm1;
	vm6 =	vmmov vm2;
	[tilespmem:$0x1FFF0] =	vst v60  }
.LBB2_1:
0x8b: {  	[tilespmem:s1], [sflag:$0x5] =	stream.strided.gather [hbm4b:s6+s8], $0x6400, s9, s8, $0x38;
	[tilespmem:$0x16400] =	vst v63  }
0x8c: {  	_ =	swait.ge [sflag:s10], $0x6400  }
0x8d: {  	[sflag:s10] =	ssyncset.done $0x0  }
0x8e: {  	[sflag:s10] =	ssyncadd.s32 $0xFFFF9C00  }
0x8f: {  	[tilespmem:s12], [sflag:$0x1] =	stream.indirect.gather [hbm4b:s4+s11], $0x20, s1, s11, $0xb8;
	[tilespmem:$0x16400] =	vst v63  }
0x90: {  	s0 =	simm.s32 $0x7400  }
0x91: {  	[tilespmem:s0], [sflag:$0x1] =	stream.indirect.gather [hbm4b:s4+s11], $0x20, s11, s11, $0xb8;
	[tilespmem:$0x16400] =	vst v63  }
0x92: {  	s31 =	simm.s32 $0x100  }
0x93: {  	[tilespmem:s15], [sflag:$0x1] =	stream.indirect.gather [hbm4b:s4+s11], $0x20, s31, s11, $0xb8;
	[tilespmem:$0x16400] =	vst v63  }
0x94: {  	s30 =	simm.s32 $0x0  }
0x95: {  	[tilespmem:s17], [sflag:$0x1] =	stream.indirect.gather [hbm4b:s4+s11], $0x20, s16, s11, $0xb8;
	[tilespmem:$0x16400] =	vst v63  }
.LBB2_2:
0x96: {  	_ =	swait.ge [sflag:s18], $0x1000  }
0x97: {  	[sflag:s18] =	ssyncset.done $0x0  }
0x98: {  	[sflag:s18] =	ssyncadd.s32 $0xFFFFF000  }
0x99: {  	_ =	swait.ge [sflag:s18], $0x1000  }
0x9a: {  	[sflag:s18] =	ssyncset.done $0x0  }
0x9b: {  	[sflag:s18] =	ssyncadd.s32 $0xFFFFF000  }
0x9c: {  	_ =	swait.ge [sflag:s18], $0x1000  }
0x9d: {  	[sflag:s18] =	ssyncset.done $0x0  }
0x9e: {  	[sflag:s18] =	ssyncadd.s32 $0xFFFFF000  }
0x9f: {  	_ =	swait.ge [sflag:s18], $0x1000  }
0xa0: {  	s0 =	sshll.u32 s30, $0xA;
	[sflag:s18] =	ssyncset.done $0x0  }
0xa1: {  	s31 =	sand.u32 $0x3FFFFC00, s0;
	[sflag:s18] =	ssyncadd.s32 $0xFFFFF000  }
0xa2: {  	v0 =	vld [tilespmem:s31+$0x10]  }
0xa3: {  	v1 =	vld [tilespmem:s31+$0x20]  }
0xa4: {  	v2 =	vld [tilespmem:s31+$0x30]  }
0xa5: {  	v4 =	vld [tilespmem:s31+$0x40]  }
0xa6: {  	v5 =	vld [tilespmem:s31+$0x50]  }
0xa7: {  	v6 =	vld [tilespmem:s31+$0x60]  }
0xa8: {  	vm1 =	veq.s32 v0, $0x0;
	vm2 =	veq.s32 v1, $0x0;
	v0 =	vld [tilespmem:s31+$0x70]  }
0xa9: {  	v1 =	vld [tilespmem:s31+$0x80];
	vm1 =	vmor vm1, vm2;
	vm2 =	veq.s32 v2, $0x0  }
0xaa: {  	v2 =	vld [tilespmem:s31+$0x90];
	vm1 =	vmor vm1, vm2;
	vm2 =	veq.s32 v4, $0x0  }
0xab: {  	v4 =	vld [tilespmem:s31+$0xA0];
	vm1 =	vmor vm1, vm2;
	vm2 =	veq.s32 v5, $0x0  }
0xac: {  	v5 =	vld [tilespmem:s31+$0xB0];
	vm1 =	vmor vm1, vm2;
	vm2 =	veq.s32 v6, $0x0  }
0xad: {  	vm1 =	vmor vm1, vm2;
	vm2 =	veq.s32 v0, $0x0;
	v0 =	vld [tilespmem:s31+$0xC0]  }
0xae: {  	vm1 =	vmor vm1, vm2;
	vm2 =	veq.s32 v1, $0x0;
	v1 =	vld [tilespmem:s31+$0xD0]  }
0xaf: {  	vm1 =	vmor vm1, vm2;
	vm2 =	veq.s32 v2, $0x0;
	v2 =	vld [tilespmem:s31+$0xE0]  }
0xb0: {  	vm1 =	vmor vm1, vm2;
	vm2 =	veq.s32 v4, $0x0;
	v4 =	vld [tilespmem:s31+$0xF0]  }
0xb1: {  	vm1 =	vmor vm1, vm2;
	vm2 =	veq.s32 v5, $0x0;
	v5 =	vld [tilespmem:s31+$0x100]  }
0xb2: {  	vm1 =	vmor vm1, vm2;
	vm2 =	veq.s32 v0, $0x0;
	v0 =	vld [tilespmem:s31+$0x110]  }
0xb3: {  	vm1 =	vmor vm1, vm2;
	vm2 =	veq.s32 v1, $0x0;
	v1 =	vld [tilespmem:s31+$0x120]  }
0xb4: {  	vm1 =	vmor vm1, vm2;
	vm2 =	veq.s32 v2, $0x0;
	v2 =	vld [tilespmem:s31+$0x130]  }
0xb5: {  	vm1 =	vmor vm1, vm2;
	vm2 =	veq.s32 v4, $0x0;
	v4 =	vld [tilespmem:s31+$0x140]  }
0xb6: {  	vm1 =	vmor vm1, vm2;
	vm2 =	veq.s32 v5, $0x0;
	v5 =	vld [tilespmem:s31+$0x150]  }
0xb7: {  	vm1 =	vmor vm1, vm2;
	vm2 =	veq.s32 v0, $0x0;
	v0 =	vld [tilespmem:s31+$0x160]  }
0xb8: {  	vm1 =	vmor vm1, vm2;
	vm2 =	veq.s32 v1, $0x0;
	v1 =	vld [tilespmem:s31+$0x170]  }
0xb9: {  	vm1 =	vmor vm1, vm2;
	vm2 =	veq.s32 v2, $0x0;
	v2 =	vld [tilespmem:s31+$0x180]  }
0xba: {  	vm1 =	vmor vm1, vm2;
	vm2 =	veq.s32 v4, $0x0;
	v4 =	vld [tilespmem:s31+$0x190]  }
0xbb: {  	vm1 =	vmor vm1, vm2;
	vm2 =	veq.s32 v5, $0x0;
	v5 =	vld [tilespmem:s31+$0x1A0]  }
0xbc: {  	vm1 =	vmor vm1, vm2;
	vm2 =	veq.s32 v0, $0x0;
	v0 =	vld [tilespmem:s31+$0x1B0]  }
0xbd: {  	vm1 =	vmor vm1, vm2;
	vm2 =	veq.s32 v1, $0x0;
	v1 =	vld [tilespmem:s31+$0x1C0]  }
0xbe: {  	vm1 =	vmor vm1, vm2;
	vm2 =	veq.s32 v2, $0x0;
	v2 =	vld [tilespmem:s31+$0x1D0]  }
0xbf: {  	vm1 =	vmor vm1, vm2;
	vm2 =	veq.s32 v4, $0x0;
	v4 =	vld [tilespmem:s31+$0x1E0]  }
0xc0: {  	vm1 =	vmor vm1, vm2;
	vm2 =	veq.s32 v5, $0x0;
	v5 =	vld [tilespmem:s31+$0x1F0]  }
0xc1: {  	vm1 =	vmor vm1, vm2;
	vm2 =	veq.s32 v0, $0x0;
	v0 =	vld [tilespmem:s31+$0x0]  }
0xc2: {  	vm3 =	veq.s32 v1, $0x0;
	vm1 =	vmor vm1, vm2  }
0xc3: {  	vm2 =	veq.s32 v2, $0x0;
	vm1 =	vmor vm1, vm3  }
0xc4: {  	vm3 =	veq.s32 v4, $0x0;
	vm1 =	vmor vm1, vm2  }
0xc5: {  	vm2 =	veq.s32 v5, $0x0;
	vm3 =	vmor vm1, vm3  }
0xc6: {  	vm1 =	veq.s32 v0, $0x0;
	vm2 =	vmor vm3, vm2  }
0xc7: {  	v0 =	vimm.s32 $0x0;
	vm2 =	vmor vm1, vm2  }
0xc8: {  	v0 =	vsel vm2, $0x1, v0  }
0xc9: {  	(v2sf) =	vpush v0, $0x0  }
0xca: {  	(v2sf) =	vpush v0, $0x1  }
0xcb: {  	(v2sf) =	vpush v0, $0x2  }
0xcc: {  	(v2sf) =	vpush v0, $0x3  }
0xcd: {  	(v2sf) =	vpush v0, $0x4  }
0xce: {  	(v2sf) =	vpush v0, $0x5  }
0xcf: {  	(v2sf) =	vpush v0, $0x6  }
0xd0: {  	(v2sf) =	vpush v0, $0x7  }
0xd1: {  	(v2sf) =	vpush v0, $0x8  }
0xd2: {  	(v2sf) =	vpush v0, $0x9  }
0xd3: {  	(v2sf) =	vpush v0, $0xA  }
0xd4: {  	(v2sf) =	vpush v0, $0xB  }
0xd5: {  	(v2sf) =	vpush v0, $0xC  }
0xd6: {  	(v2sf) =	vpush v0, $0xD  }
0xd7: {  	(v2sf) =	vpush v0, $0xE  }
0xd8: {  	s14 =	spop (v2sf);
	(v2sf) =	vpush v0, $0xF  }
0xd9: {  	s2 =	spop (v2sf)  }
0xda: {  	s0 =	sadd.s32 s2, s14;
	s13 =	spop (v2sf)  }
0xdb: {  	s0 =	sadd.s32 s13, s0;
	s14 =	spop (v2sf)  }
0xdc: {  	s0 =	sadd.s32 s14, s0;
	s13 =	spop (v2sf)  }
0xdd: {  	s0 =	sadd.s32 s13, s0;
	s14 =	spop (v2sf)  }
0xde: {  	s0 =	sadd.s32 s14, s0;
	s13 =	spop (v2sf)  }
0xdf: {  	s0 =	sadd.s32 s13, s0;
	s14 =	spop (v2sf)  }
0xe0: {  	s0 =	sadd.s32 s14, s0;
	s13 =	spop (v2sf)  }
0xe1: {  	s0 =	sadd.s32 s13, s0;
	s14 =	spop (v2sf)  }
0xe2: {  	s0 =	sadd.s32 s14, s0;
	s13 =	spop (v2sf)  }
0xe3: {  	s0 =	sadd.s32 s13, s0;
	s14 =	spop (v2sf)  }
0xe4: {  	s0 =	sadd.s32 s14, s0;
	s13 =	spop (v2sf)  }
0xe5: {  	s0 =	sadd.s32 s13, s0;
	s14 =	spop (v2sf)  }
0xe6: {  	s0 =	sadd.s32 s14, s0;
	s13 =	spop (v2sf)  }
0xe7: {  	s0 =	sadd.s32 s13, s0;
	s14 =	spop (v2sf)  }
0xe8: {  	s0 =	sadd.s32 s14, s0  }
0xe9: {  	p0 =	slt.s32 s0, $0x1  }
.Ltmp0:
0xea: {  	_ = 	snop;
	(pc) =	sbr.rel @p0 .LBB2_68-.Ltmp0, $1  }
0xeb: {  	_ =	sdelay $0x3  }
0xec: {  	v0 =	vimm.s32 $0x0  }
0xed: {  	s0 =	simm.s32 $0x1F;
	v1 =	vadd.s32 v12, v0  }
.LBB2_4:
0xee: {  	p0 =	sne.s32 s0, $0x1  }
.Ltmp1:
0xef: {  	_ = 	snop;
	(pc) =	sbr.rel @p0 .LBB2_4-.Ltmp1, $3  }
0xf0: {  	_ =	sdelay $0x1  }
0xf1: {  	s0 =	sadd.s32 $0xFFFFFFFF, s0;
	[tilespmem:v1+s12+$0x0] =	vst.idx.msk vm1, v3;
	v0 =	vadd.s32 $0x1, v0  }
0xf2: {  	v1 =	vadd.s32 v12, v0  }
0xf3: {  	_ =	sdelay $0x4  }
0xf4: {  	[tilespmem:v1+s12+$0x0] =	vst.idx.msk vm1, v3  }
0xf5: {  	v1 =	vld [tilespmem:s31+$0x10];
	_ =	sdelay $0x4  }
0xf6: {  	v0 =	vimm.s32 $0x0;
	vm1 =	veq.s32 v1, $0x0  }
0xf7: {  	s0 =	simm.s32 $0x1F;
	v1 =	vadd.s32 v13, v0  }
.LBB2_6:
0xf8: {  	p0 =	sne.s32 s0, $0x1  }
.Ltmp2:
0xf9: {  	_ = 	snop;
	(pc) =	sbr.rel @p0 .LBB2_6-.Ltmp2, $3  }
0xfa: {  	_ =	sdelay $0x1  }
0xfb: {  	s0 =	sadd.s32 $0xFFFFFFFF, s0;
	[tilespmem:v1+s12+$0x0] =	vst.idx.msk vm1, v3;
	v0 =	vadd.s32 $0x1, v0  }
0xfc: {  	v1 =	vadd.s32 v13, v0  }
0xfd: {  	_ =	sdelay $0x4  }
0xfe: {  	[tilespmem:v1+s12+$0x0] =	vst.idx.msk vm1, v3  }
0xff: {  	v1 =	vld [tilespmem:s31+$0x20];
	_ =	sdelay $0x4  }
0x100: {  	v0 =	vimm.s32 $0x0;
	vm1 =	veq.s32 v1, $0x0  }
0x101: {  	s0 =	simm.s32 $0x1F;
	v1 =	vadd.s32 v14, v0  }
.LBB2_8:
0x102: {  	p0 =	sne.s32 s0, $0x1  }
.Ltmp3:
0x103: {  	_ = 	snop;
	(pc) =	sbr.rel @p0 .LBB2_8-.Ltmp3, $3  }
0x104: {  	_ =	sdelay $0x1  }
0x105: {  	s0 =	sadd.s32 $0xFFFFFFFF, s0;
	[tilespmem:v1+s12+$0x0] =	vst.idx.msk vm1, v3;
	v0 =	vadd.s32 $0x1, v0  }
0x106: {  	v1 =	vadd.s32 v14, v0  }
0x107: {  	_ =	sdelay $0x4  }
0x108: {  	[tilespmem:v1+s12+$0x0] =	vst.idx.msk vm1, v3  }
0x109: {  	v1 =	vld [tilespmem:s31+$0x30];
	_ =	sdelay $0x4  }
0x10a: {  	v0 =	vimm.s32 $0x0;
	vm1 =	veq.s32 v1, $0x0  }
0x10b: {  	s0 =	simm.s32 $0x1F;
	v1 =	vadd.s32 v15, v0  }
.LBB2_10:
0x10c: {  	p0 =	sne.s32 s0, $0x1  }
.Ltmp4:
0x10d: {  	_ = 	snop;
	(pc) =	sbr.rel @p0 .LBB2_10-.Ltmp4, $3  }
0x10e: {  	_ =	sdelay $0x1  }
0x10f: {  	s0 =	sadd.s32 $0xFFFFFFFF, s0;
	[tilespmem:v1+s12+$0x0] =	vst.idx.msk vm1, v3;
	v0 =	vadd.s32 $0x1, v0  }
0x110: {  	v1 =	vadd.s32 v15, v0  }
0x111: {  	_ =	sdelay $0x4  }
0x112: {  	[tilespmem:v1+s12+$0x0] =	vst.idx.msk vm1, v3  }
0x113: {  	v1 =	vld [tilespmem:s31+$0x40];
	_ =	sdelay $0x4  }
0x114: {  	v0 =	vimm.s32 $0x0;
	vm1 =	veq.s32 v1, $0x0  }
0x115: {  	s0 =	simm.s32 $0x1F;
	v1 =	vadd.s32 v16, v0  }
.LBB2_12:
0x116: {  	p0 =	sne.s32 s0, $0x1  }
.Ltmp5:
0x117: {  	_ = 	snop;
	(pc) =	sbr.rel @p0 .LBB2_12-.Ltmp5, $3  }
0x118: {  	_ =	sdelay $0x1  }
0x119: {  	s0 =	sadd.s32 $0xFFFFFFFF, s0;
	[tilespmem:v1+s12+$0x0] =	vst.idx.msk vm1, v3;
	v0 =	vadd.s32 $0x1, v0  }
0x11a: {  	v1 =	vadd.s32 v16, v0  }
0x11b: {  	_ =	sdelay $0x4  }
0x11c: {  	[tilespmem:v1+s12+$0x0] =	vst.idx.msk vm1, v3  }
0x11d: {  	v1 =	vld [tilespmem:s31+$0x50];
	_ =	sdelay $0x4  }
0x11e: {  	v0 =	vimm.s32 $0x0;
	vm1 =	veq.s32 v1, $0x0  }
0x11f: {  	s0 =	simm.s32 $0x1F;
	v1 =	vadd.s32 v17, v0  }
.LBB2_14:
0x120: {  	p0 =	sne.s32 s0, $0x1  }
.Ltmp6:
0x121: {  	_ = 	snop;
	(pc) =	sbr.rel @p0 .LBB2_14-.Ltmp6, $3  }
0x122: {  	_ =	sdelay $0x1  }
0x123: {  	s0 =	sadd.s32 $0xFFFFFFFF, s0;
	[tilespmem:v1+s12+$0x0] =	vst.idx.msk vm1, v3;
	v0 =	vadd.s32 $0x1, v0  }
0x124: {  	v1 =	vadd.s32 v17, v0  }
0x125: {  	_ =	sdelay $0x4  }
0x126: {  	[tilespmem:v1+s12+$0x0] =	vst.idx.msk vm1, v3  }
0x127: {  	v1 =	vld [tilespmem:s31+$0x60];
	_ =	sdelay $0x4  }
0x128: {  	v0 =	vimm.s32 $0x0;
	vm1 =	veq.s32 v1, $0x0  }
0x129: {  	s0 =	simm.s32 $0x1F;
	v1 =	vadd.s32 v18, v0  }
.LBB2_16:
0x12a: {  	p0 =	sne.s32 s0, $0x1  }
.Ltmp7:
0x12b: {  	_ = 	snop;
	(pc) =	sbr.rel @p0 .LBB2_16-.Ltmp7, $3  }
0x12c: {  	_ =	sdelay $0x1  }
0x12d: {  	s0 =	sadd.s32 $0xFFFFFFFF, s0;
	[tilespmem:v1+s12+$0x0] =	vst.idx.msk vm1, v3;
	v0 =	vadd.s32 $0x1, v0  }
0x12e: {  	v1 =	vadd.s32 v18, v0  }
0x12f: {  	_ =	sdelay $0x4  }
0x130: {  	[tilespmem:v1+s12+$0x0] =	vst.idx.msk vm1, v3  }
0x131: {  	v1 =	vld [tilespmem:s31+$0x70];
	_ =	sdelay $0x4  }
0x132: {  	v0 =	vimm.s32 $0x0;
	vm1 =	veq.s32 v1, $0x0  }
0x133: {  	s0 =	simm.s32 $0x1F;
	v1 =	vadd.s32 v19, v0  }
.LBB2_18:
0x134: {  	p0 =	sne.s32 s0, $0x1  }
.Ltmp8:
0x135: {  	_ = 	snop;
	(pc) =	sbr.rel @p0 .LBB2_18-.Ltmp8, $3  }
0x136: {  	_ =	sdelay $0x1  }
0x137: {  	s0 =	sadd.s32 $0xFFFFFFFF, s0;
	[tilespmem:v1+s12+$0x0] =	vst.idx.msk vm1, v3;
	v0 =	vadd.s32 $0x1, v0  }
0x138: {  	v1 =	vadd.s32 v19, v0  }
0x139: {  	_ =	sdelay $0x4  }
0x13a: {  	[tilespmem:v1+s12+$0x0] =	vst.idx.msk vm1, v3  }
0x13b: {  	v1 =	vld [tilespmem:s31+$0x80];
	_ =	sdelay $0x4  }
0x13c: {  	v0 =	vimm.s32 $0x0;
	vm1 =	veq.s32 v1, $0x0  }
0x13d: {  	s0 =	simm.s32 $0x1F;
	v1 =	vadd.s32 v20, v0  }
.LBB2_20:
0x13e: {  	p0 =	sne.s32 s0, $0x1  }
.Ltmp9:
0x13f: {  	_ = 	snop;
	(pc) =	sbr.rel @p0 .LBB2_20-.Ltmp9, $3  }
0x140: {  	_ =	sdelay $0x1  }
0x141: {  	s0 =	sadd.s32 $0xFFFFFFFF, s0;
	[tilespmem:v1+s12+$0x0] =	vst.idx.msk vm1, v3;
	v0 =	vadd.s32 $0x1, v0  }
0x142: {  	v1 =	vadd.s32 v20, v0  }
0x143: {  	_ =	sdelay $0x4  }
0x144: {  	[tilespmem:v1+s12+$0x0] =	vst.idx.msk vm1, v3  }
0x145: {  	v1 =	vld [tilespmem:s31+$0x90];
	_ =	sdelay $0x4  }
0x146: {  	v0 =	vimm.s32 $0x0;
	vm1 =	veq.s32 v1, $0x0  }
0x147: {  	s0 =	simm.s32 $0x1F;
	v1 =	vadd.s32 v21, v0  }
.LBB2_22:
0x148: {  	p0 =	sne.s32 s0, $0x1  }
.Ltmp10:
0x149: {  	_ = 	snop;
	(pc) =	sbr.rel @p0 .LBB2_22-.Ltmp10, $3  }
0x14a: {  	_ =	sdelay $0x1  }
0x14b: {  	s0 =	sadd.s32 $0xFFFFFFFF, s0;
	[tilespmem:v1+s12+$0x0] =	vst.idx.msk vm1, v3;
	v0 =	vadd.s32 $0x1, v0  }
0x14c: {  	v1 =	vadd.s32 v21, v0  }
0x14d: {  	_ =	sdelay $0x4  }
0x14e: {  	[tilespmem:v1+s12+$0x0] =	vst.idx.msk vm1, v3  }
0x14f: {  	v1 =	vld [tilespmem:s31+$0xA0];
	_ =	sdelay $0x4  }
0x150: {  	v0 =	vimm.s32 $0x0;
	vm1 =	veq.s32 v1, $0x0  }
0x151: {  	s0 =	simm.s32 $0x1F;
	v1 =	vadd.s32 v22, v0  }
.LBB2_24:
0x152: {  	p0 =	sne.s32 s0, $0x1  }
.Ltmp11:
0x153: {  	_ = 	snop;
	(pc) =	sbr.rel @p0 .LBB2_24-.Ltmp11, $3  }
0x154: {  	_ =	sdelay $0x1  }
0x155: {  	s0 =	sadd.s32 $0xFFFFFFFF, s0;
	[tilespmem:v1+s12+$0x0] =	vst.idx.msk vm1, v3;
	v0 =	vadd.s32 $0x1, v0  }
0x156: {  	v1 =	vadd.s32 v22, v0  }
0x157: {  	_ =	sdelay $0x4  }
0x158: {  	[tilespmem:v1+s12+$0x0] =	vst.idx.msk vm1, v3  }
0x159: {  	v1 =	vld [tilespmem:s31+$0xB0];
	_ =	sdelay $0x4  }
0x15a: {  	v0 =	vimm.s32 $0x0;
	vm1 =	veq.s32 v1, $0x0  }
0x15b: {  	s0 =	simm.s32 $0x1F;
	v1 =	vadd.s32 v23, v0  }
.LBB2_26:
0x15c: {  	p0 =	sne.s32 s0, $0x1  }
.Ltmp12:
0x15d: {  	_ = 	snop;
	(pc) =	sbr.rel @p0 .LBB2_26-.Ltmp12, $3  }
0x15e: {  	_ =	sdelay $0x1  }
0x15f: {  	s0 =	sadd.s32 $0xFFFFFFFF, s0;
	[tilespmem:v1+s12+$0x0] =	vst.idx.msk vm1, v3;
	v0 =	vadd.s32 $0x1, v0  }
0x160: {  	v1 =	vadd.s32 v23, v0  }
0x161: {  	_ =	sdelay $0x4  }
0x162: {  	[tilespmem:v1+s12+$0x0] =	vst.idx.msk vm1, v3  }
0x163: {  	v1 =	vld [tilespmem:s31+$0xC0];
	_ =	sdelay $0x4  }
0x164: {  	v0 =	vimm.s32 $0x0;
	vm1 =	veq.s32 v1, $0x0  }
0x165: {  	s0 =	simm.s32 $0x1F;
	v1 =	vadd.s32 v24, v0  }
.LBB2_28:
0x166: {  	p0 =	sne.s32 s0, $0x1  }
.Ltmp13:
0x167: {  	_ = 	snop;
	(pc) =	sbr.rel @p0 .LBB2_28-.Ltmp13, $3  }
0x168: {  	_ =	sdelay $0x1  }
0x169: {  	s0 =	sadd.s32 $0xFFFFFFFF, s0;
	[tilespmem:v1+s12+$0x0] =	vst.idx.msk vm1, v3;
	v0 =	vadd.s32 $0x1, v0  }
0x16a: {  	v1 =	vadd.s32 v24, v0  }
0x16b: {  	_ =	sdelay $0x4  }
0x16c: {  	[tilespmem:v1+s12+$0x0] =	vst.idx.msk vm1, v3  }
0x16d: {  	v1 =	vld [tilespmem:s31+$0xD0];
	_ =	sdelay $0x4  }
0x16e: {  	v0 =	vimm.s32 $0x0;
	vm1 =	veq.s32 v1, $0x0  }
0x16f: {  	s0 =	simm.s32 $0x1F;
	v1 =	vadd.s32 v25, v0  }
.LBB2_30:
0x170: {  	p0 =	sne.s32 s0, $0x1  }
.Ltmp14:
0x171: {  	_ = 	snop;
	(pc) =	sbr.rel @p0 .LBB2_30-.Ltmp14, $3  }
0x172: {  	_ =	sdelay $0x1  }
0x173: {  	s0 =	sadd.s32 $0xFFFFFFFF, s0;
	[tilespmem:v1+s12+$0x0] =	vst.idx.msk vm1, v3;
	v0 =	vadd.s32 $0x1, v0  }
0x174: {  	v1 =	vadd.s32 v25, v0  }
0x175: {  	_ =	sdelay $0x4  }
0x176: {  	[tilespmem:v1+s12+$0x0] =	vst.idx.msk vm1, v3  }
0x177: {  	v1 =	vld [tilespmem:s31+$0xE0];
	_ =	sdelay $0x4  }
0x178: {  	v0 =	vimm.s32 $0x0;
	vm1 =	veq.s32 v1, $0x0  }
0x179: {  	s0 =	simm.s32 $0x1F;
	v1 =	vadd.s32 v26, v0  }
.LBB2_32:
0x17a: {  	p0 =	sne.s32 s0, $0x1  }
.Ltmp15:
0x17b: {  	_ = 	snop;
	(pc) =	sbr.rel @p0 .LBB2_32-.Ltmp15, $3  }
0x17c: {  	_ =	sdelay $0x1  }
0x17d: {  	s0 =	sadd.s32 $0xFFFFFFFF, s0;
	[tilespmem:v1+s12+$0x0] =	vst.idx.msk vm1, v3;
	v0 =	vadd.s32 $0x1, v0  }
0x17e: {  	v1 =	vadd.s32 v26, v0  }
0x17f: {  	_ =	sdelay $0x4  }
0x180: {  	[tilespmem:v1+s12+$0x0] =	vst.idx.msk vm1, v3  }
0x181: {  	v1 =	vld [tilespmem:s31+$0xF0];
	_ =	sdelay $0x4  }
0x182: {  	v0 =	vimm.s32 $0x0;
	vm1 =	veq.s32 v1, $0x0  }
0x183: {  	s0 =	simm.s32 $0x1F;
	v1 =	vadd.s32 v41, v0  }
.LBB2_34:
0x184: {  	p0 =	sne.s32 s0, $0x1  }
.Ltmp16:
0x185: {  	_ = 	snop;
	(pc) =	sbr.rel @p0 .LBB2_34-.Ltmp16, $3  }
0x186: {  	_ =	sdelay $0x1  }
0x187: {  	s0 =	sadd.s32 $0xFFFFFFFF, s0;
	[tilespmem:v1+s12+$0x0] =	vst.idx.msk vm1, v3;
	v0 =	vadd.s32 $0x1, v0  }
0x188: {  	v1 =	vadd.s32 v41, v0  }
0x189: {  	_ =	sdelay $0x4  }
0x18a: {  	[tilespmem:v1+s12+$0x0] =	vst.idx.msk vm1, v3  }
0x18b: {  	v1 =	vld [tilespmem:s31+$0x100];
	_ =	sdelay $0x4  }
0x18c: {  	v0 =	vimm.s32 $0x0;
	vm1 =	veq.s32 v1, $0x0  }
0x18d: {  	s0 =	simm.s32 $0x1F;
	v1 =	vadd.s32 v38, v0  }
.LBB2_36:
0x18e: {  	p0 =	sne.s32 s0, $0x1  }
.Ltmp17:
0x18f: {  	_ = 	snop;
	(pc) =	sbr.rel @p0 .LBB2_36-.Ltmp17, $3  }
0x190: {  	_ =	sdelay $0x1  }
0x191: {  	s0 =	sadd.s32 $0xFFFFFFFF, s0;
	[tilespmem:v1+s12+$0x0] =	vst.idx.msk vm1, v3;
	v0 =	vadd.s32 $0x1, v0  }
0x192: {  	v1 =	vadd.s32 v38, v0  }
0x193: {  	_ =	sdelay $0x4  }
0x194: {  	[tilespmem:v1+s12+$0x0] =	vst.idx.msk vm1, v3  }
0x195: {  	v1 =	vld [tilespmem:s31+$0x110];
	_ =	sdelay $0x4  }
0x196: {  	v0 =	vimm.s32 $0x0;
	vm1 =	veq.s32 v1, $0x0  }
0x197: {  	s0 =	simm.s32 $0x1F;
	v1 =	vadd.s32 v40, v0  }
.LBB2_38:
0x198: {  	p0 =	sne.s32 s0, $0x1  }
.Ltmp18:
0x199: {  	_ = 	snop;
	(pc) =	sbr.rel @p0 .LBB2_38-.Ltmp18, $3  }
0x19a: {  	_ =	sdelay $0x1  }
0x19b: {  	s0 =	sadd.s32 $0xFFFFFFFF, s0;
	[tilespmem:v1+s12+$0x0] =	vst.idx.msk vm1, v3;
	v0 =	vadd.s32 $0x1, v0  }
0x19c: {  	v1 =	vadd.s32 v40, v0  }
0x19d: {  	_ =	sdelay $0x4  }
0x19e: {  	[tilespmem:v1+s12+$0x0] =	vst.idx.msk vm1, v3  }
0x19f: {  	v1 =	vld [tilespmem:s31+$0x120];
	_ =	sdelay $0x4  }
0x1a0: {  	v0 =	vimm.s32 $0x0;
	vm1 =	veq.s32 v1, $0x0  }
0x1a1: {  	s0 =	simm.s32 $0x1F;
	v1 =	vadd.s32 v43, v0  }
.LBB2_40:
0x1a2: {  	p0 =	sne.s32 s0, $0x1  }
.Ltmp19:
0x1a3: {  	_ = 	snop;
	(pc) =	sbr.rel @p0 .LBB2_40-.Ltmp19, $3  }
0x1a4: {  	_ =	sdelay $0x1  }
0x1a5: {  	s0 =	sadd.s32 $0xFFFFFFFF, s0;
	[tilespmem:v1+s12+$0x0] =	vst.idx.msk vm1, v3;
	v0 =	vadd.s32 $0x1, v0  }
0x1a6: {  	v1 =	vadd.s32 v43, v0  }
0x1a7: {  	_ =	sdelay $0x4  }
0x1a8: {  	[tilespmem:v1+s12+$0x0] =	vst.idx.msk vm1, v3  }
0x1a9: {  	v1 =	vld [tilespmem:s31+$0x130];
	_ =	sdelay $0x4  }
0x1aa: {  	v0 =	vimm.s32 $0x0;
	vm1 =	veq.s32 v1, $0x0  }
0x1ab: {  	s0 =	simm.s32 $0x1F;
	v1 =	vadd.s32 v46, v0  }
.LBB2_42:
0x1ac: {  	p0 =	sne.s32 s0, $0x1  }
.Ltmp20:
0x1ad: {  	_ = 	snop;
	(pc) =	sbr.rel @p0 .LBB2_42-.Ltmp20, $3  }
0x1ae: {  	_ =	sdelay $0x1  }
0x1af: {  	s0 =	sadd.s32 $0xFFFFFFFF, s0;
	[tilespmem:v1+s12+$0x0] =	vst.idx.msk vm1, v3;
	v0 =	vadd.s32 $0x1, v0  }
0x1b0: {  	v1 =	vadd.s32 v46, v0  }
0x1b1: {  	_ =	sdelay $0x4  }
0x1b2: {  	[tilespmem:v1+s12+$0x0] =	vst.idx.msk vm1, v3  }
0x1b3: {  	v1 =	vld [tilespmem:s31+$0x140];
	_ =	sdelay $0x4  }
0x1b4: {  	v0 =	vimm.s32 $0x0;
	vm1 =	veq.s32 v1, $0x0  }
0x1b5: {  	s0 =	simm.s32 $0x1F;
	v1 =	vadd.s32 v32, v0  }
.LBB2_44:
0x1b6: {  	p0 =	sne.s32 s0, $0x1  }
.Ltmp21:
0x1b7: {  	_ = 	snop;
	(pc) =	sbr.rel @p0 .LBB2_44-.Ltmp21, $3  }
0x1b8: {  	_ =	sdelay $0x1  }
0x1b9: {  	s0 =	sadd.s32 $0xFFFFFFFF, s0;
	[tilespmem:v1+s12+$0x0] =	vst.idx.msk vm1, v3;
	v0 =	vadd.s32 $0x1, v0  }
0x1ba: {  	v1 =	vadd.s32 v32, v0  }
0x1bb: {  	_ =	sdelay $0x4  }
0x1bc: {  	[tilespmem:v1+s12+$0x0] =	vst.idx.msk vm1, v3  }
0x1bd: {  	v2 =	vld [tilespmem:s31+$0x150];
	_ =	sdelay $0x4  }
0x1be: {  	v0 =	vimm.s32 $0x0;
	v1 =	vor.u32 $0x2A00, v12;
	vm1 =	veq.s32 v2, $0x0  }
0x1bf: {  	s0 =	simm.s32 $0x1F;
	v2 =	vadd.s32 v1, v0  }
.LBB2_46:
0x1c0: {  	p0 =	sne.s32 s0, $0x1  }
.Ltmp22:
0x1c1: {  	_ = 	snop;
	(pc) =	sbr.rel @p0 .LBB2_46-.Ltmp22, $3  }
0x1c2: {  	_ =	sdelay $0x1  }
0x1c3: {  	s0 =	sadd.s32 $0xFFFFFFFF, s0;
	[tilespmem:v2+s12+$0x0] =	vst.idx.msk vm1, v3;
	v0 =	vadd.s32 $0x1, v0  }
0x1c4: {  	v2 =	vadd.s32 v1, v0  }
0x1c5: {  	_ =	sdelay $0x4  }
0x1c6: {  	[tilespmem:v2+s12+$0x0] =	vst.idx.msk vm1, v3  }
0x1c7: {  	v2 =	vld [tilespmem:s31+$0x160];
	_ =	sdelay $0x4  }
0x1c8: {  	v0 =	vimm.s32 $0x0;
	v1 =	vor.u32 $0x2C00, v12;
	vm1 =	veq.s32 v2, $0x0  }
0x1c9: {  	s0 =	simm.s32 $0x1F;
	v2 =	vadd.s32 v1, v0  }
.LBB2_48:
0x1ca: {  	p0 =	sne.s32 s0, $0x1  }
.Ltmp23:
0x1cb: {  	_ = 	snop;
	(pc) =	sbr.rel @p0 .LBB2_48-.Ltmp23, $3  }
0x1cc: {  	_ =	sdelay $0x1  }
0x1cd: {  	s0 =	sadd.s32 $0xFFFFFFFF, s0;
	[tilespmem:v2+s12+$0x0] =	vst.idx.msk vm1, v3;
	v0 =	vadd.s32 $0x1, v0  }
0x1ce: {  	v2 =	vadd.s32 v1, v0  }
0x1cf: {  	_ =	sdelay $0x4  }
0x1d0: {  	[tilespmem:v2+s12+$0x0] =	vst.idx.msk vm1, v3  }
0x1d1: {  	v2 =	vld [tilespmem:s31+$0x170];
	_ =	sdelay $0x4  }
0x1d2: {  	v0 =	vimm.s32 $0x0;
	v1 =	vor.u32 $0x2E00, v12;
	vm1 =	veq.s32 v2, $0x0  }
0x1d3: {  	s0 =	simm.s32 $0x1F;
	v2 =	vadd.s32 v1, v0  }
.LBB2_50:
0x1d4: {  	p0 =	sne.s32 s0, $0x1  }
.Ltmp24:
0x1d5: {  	_ = 	snop;
	(pc) =	sbr.rel @p0 .LBB2_50-.Ltmp24, $3  }
0x1d6: {  	_ =	sdelay $0x1  }
0x1d7: {  	s0 =	sadd.s32 $0xFFFFFFFF, s0;
	[tilespmem:v2+s12+$0x0] =	vst.idx.msk vm1, v3;
	v0 =	vadd.s32 $0x1, v0  }
0x1d8: {  	v2 =	vadd.s32 v1, v0  }
0x1d9: {  	_ =	sdelay $0x4  }
0x1da: {  	[tilespmem:v2+s12+$0x0] =	vst.idx.msk vm1, v3  }
0x1db: {  	v2 =	vld [tilespmem:s31+$0x180];
	_ =	sdelay $0x4  }
0x1dc: {  	v0 =	vimm.s32 $0x0;
	v1 =	vor.u32 $0x3000, v12;
	vm1 =	veq.s32 v2, $0x0  }
0x1dd: {  	s0 =	simm.s32 $0x1F;
	v2 =	vadd.s32 v1, v0  }
.LBB2_52:
0x1de: {  	p0 =	sne.s32 s0, $0x1  }
.Ltmp25:
0x1df: {  	_ = 	snop;
	(pc) =	sbr.rel @p0 .LBB2_52-.Ltmp25, $3  }
0x1e0: {  	_ =	sdelay $0x1  }
0x1e1: {  	s0 =	sadd.s32 $0xFFFFFFFF, s0;
	[tilespmem:v2+s12+$0x0] =	vst.idx.msk vm1, v3;
	v0 =	vadd.s32 $0x1, v0  }
0x1e2: {  	v2 =	vadd.s32 v1, v0  }
0x1e3: {  	_ =	sdelay $0x4  }
0x1e4: {  	[tilespmem:v2+s12+$0x0] =	vst.idx.msk vm1, v3  }
0x1e5: {  	v2 =	vld [tilespmem:s31+$0x190];
	_ =	sdelay $0x4  }
0x1e6: {  	v0 =	vimm.s32 $0x0;
	v1 =	vor.u32 $0x3200, v12;
	vm1 =	veq.s32 v2, $0x0  }
0x1e7: {  	s0 =	simm.s32 $0x1F;
	v2 =	vadd.s32 v1, v0  }
.LBB2_54:
0x1e8: {  	p0 =	sne.s32 s0, $0x1  }
.Ltmp26:
0x1e9: {  	_ = 	snop;
	(pc) =	sbr.rel @p0 .LBB2_54-.Ltmp26, $3  }
0x1ea: {  	_ =	sdelay $0x1  }
0x1eb: {  	s0 =	sadd.s32 $0xFFFFFFFF, s0;
	[tilespmem:v2+s12+$0x0] =	vst.idx.msk vm1, v3;
	v0 =	vadd.s32 $0x1, v0  }
0x1ec: {  	v2 =	vadd.s32 v1, v0  }
0x1ed: {  	_ =	sdelay $0x4  }
0x1ee: {  	[tilespmem:v2+s12+$0x0] =	vst.idx.msk vm1, v3  }
0x1ef: {  	v2 =	vld [tilespmem:s31+$0x1A0];
	_ =	sdelay $0x4  }
0x1f0: {  	v0 =	vimm.s32 $0x0;
	v1 =	vor.u32 $0x3400, v12;
	vm1 =	veq.s32 v2, $0x0  }
0x1f1: {  	s0 =	simm.s32 $0x1F;
	v2 =	vadd.s32 v1, v0  }
.LBB2_56:
0x1f2: {  	p0 =	sne.s32 s0, $0x1  }
.Ltmp27:
0x1f3: {  	_ = 	snop;
	(pc) =	sbr.rel @p0 .LBB2_56-.Ltmp27, $3  }
0x1f4: {  	_ =	sdelay $0x1  }
0x1f5: {  	s0 =	sadd.s32 $0xFFFFFFFF, s0;
	[tilespmem:v2+s12+$0x0] =	vst.idx.msk vm1, v3;
	v0 =	vadd.s32 $0x1, v0  }
0x1f6: {  	v2 =	vadd.s32 v1, v0  }
0x1f7: {  	_ =	sdelay $0x4  }
0x1f8: {  	[tilespmem:v2+s12+$0x0] =	vst.idx.msk vm1, v3  }
0x1f9: {  	v2 =	vld [tilespmem:s31+$0x1B0];
	_ =	sdelay $0x4  }
0x1fa: {  	v0 =	vimm.s32 $0x0;
	v1 =	vor.u32 $0x3600, v12;
	vm1 =	veq.s32 v2, $0x0  }
0x1fb: {  	s0 =	simm.s32 $0x1F;
	v2 =	vadd.s32 v1, v0  }
.LBB2_58:
0x1fc: {  	p0 =	sne.s32 s0, $0x1  }
.Ltmp28:
0x1fd: {  	_ = 	snop;
	(pc) =	sbr.rel @p0 .LBB2_58-.Ltmp28, $3  }
0x1fe: {  	_ =	sdelay $0x1  }
0x1ff: {  	s0 =	sadd.s32 $0xFFFFFFFF, s0;
	[tilespmem:v2+s12+$0x0] =	vst.idx.msk vm1, v3;
	v0 =	vadd.s32 $0x1, v0  }
0x200: {  	v2 =	vadd.s32 v1, v0  }
0x201: {  	_ =	sdelay $0x4  }
0x202: {  	[tilespmem:v2+s12+$0x0] =	vst.idx.msk vm1, v3  }
0x203: {  	v2 =	vld [tilespmem:s31+$0x1C0];
	_ =	sdelay $0x4  }
0x204: {  	v0 =	vimm.s32 $0x0;
	v1 =	vor.u32 $0x3800, v12;
	vm1 =	veq.s32 v2, $0x0  }
0x205: {  	s0 =	simm.s32 $0x1F;
	v2 =	vadd.s32 v1, v0  }
.LBB2_60:
0x206: {  	p0 =	sne.s32 s0, $0x1  }
.Ltmp29:
0x207: {  	_ = 	snop;
	(pc) =	sbr.rel @p0 .LBB2_60-.Ltmp29, $3  }
0x208: {  	_ =	sdelay $0x1  }
0x209: {  	s0 =	sadd.s32 $0xFFFFFFFF, s0;
	[tilespmem:v2+s12+$0x0] =	vst.idx.msk vm1, v3;
	v0 =	vadd.s32 $0x1, v0  }
0x20a: {  	v2 =	vadd.s32 v1, v0  }
0x20b: {  	_ =	sdelay $0x4  }
0x20c: {  	[tilespmem:v2+s12+$0x0] =	vst.idx.msk vm1, v3  }
0x20d: {  	v2 =	vld [tilespmem:s31+$0x1D0];
	_ =	sdelay $0x4  }
0x20e: {  	v0 =	vimm.s32 $0x0;
	v1 =	vor.u32 $0x3A00, v12;
	vm1 =	veq.s32 v2, $0x0  }
0x20f: {  	s0 =	simm.s32 $0x1F;
	v2 =	vadd.s32 v1, v0  }
.LBB2_62:
0x210: {  	p0 =	sne.s32 s0, $0x1  }
.Ltmp30:
0x211: {  	_ = 	snop;
	(pc) =	sbr.rel @p0 .LBB2_62-.Ltmp30, $3  }
0x212: {  	_ =	sdelay $0x1  }
0x213: {  	s0 =	sadd.s32 $0xFFFFFFFF, s0;
	[tilespmem:v2+s12+$0x0] =	vst.idx.msk vm1, v3;
	v0 =	vadd.s32 $0x1, v0  }
0x214: {  	v2 =	vadd.s32 v1, v0  }
0x215: {  	_ =	sdelay $0x4  }
0x216: {  	[tilespmem:v2+s12+$0x0] =	vst.idx.msk vm1, v3  }
0x217: {  	v2 =	vld [tilespmem:s31+$0x1E0];
	_ =	sdelay $0x4  }
0x218: {  	v0 =	vimm.s32 $0x0;
	v1 =	vor.u32 $0x3C00, v12;
	vm1 =	veq.s32 v2, $0x0  }
0x219: {  	s0 =	simm.s32 $0x1F;
	v2 =	vadd.s32 v1, v0  }
.LBB2_64:
0x21a: {  	p0 =	sne.s32 s0, $0x1  }
.Ltmp31:
0x21b: {  	_ = 	snop;
	(pc) =	sbr.rel @p0 .LBB2_64-.Ltmp31, $3  }
0x21c: {  	_ =	sdelay $0x1  }
0x21d: {  	s0 =	sadd.s32 $0xFFFFFFFF, s0;
	[tilespmem:v2+s12+$0x0] =	vst.idx.msk vm1, v3;
	v0 =	vadd.s32 $0x1, v0  }
0x21e: {  	v2 =	vadd.s32 v1, v0  }
0x21f: {  	_ =	sdelay $0x4  }
0x220: {  	[tilespmem:v2+s12+$0x0] =	vst.idx.msk vm1, v3  }
0x221: {  	v2 =	vld [tilespmem:s31+$0x1F0];
	_ =	sdelay $0x4  }
0x222: {  	v0 =	vimm.s32 $0x0;
	v1 =	vor.u32 $0x3E00, v12;
	vm1 =	veq.s32 v2, $0x0  }
0x223: {  	s0 =	simm.s32 $0x1F;
	v2 =	vadd.s32 v1, v0  }
.LBB2_66:
0x224: {  	p0 =	sne.s32 s0, $0x1  }
.Ltmp32:
0x225: {  	_ = 	snop;
	(pc) =	sbr.rel @p0 .LBB2_66-.Ltmp32, $3  }
0x226: {  	_ =	sdelay $0x1  }
0x227: {  	s0 =	sadd.s32 $0xFFFFFFFF, s0;
	[tilespmem:v2+s12+$0x0] =	vst.idx.msk vm1, v3;
	v0 =	vadd.s32 $0x1, v0  }
0x228: {  	v2 =	vadd.s32 v1, v0  }
0x229: {  	_ =	sdelay $0x4  }
0x22a: {  	[tilespmem:v2+s12+$0x0] =	vst.idx.msk vm1, v3  }
.LBB2_68:
0x22b: {  	p0 =	seq.s32 s30, $0x0  }
0x22c: {  	s2 =	simm.s32 @!p0 $0x4  }
0x22d: {  	s0 =	sshllo.u32 s30, $0x1;
	_ =	swait.ge @!p0 [sflag:s2], $0x4000  }
0x22e: {  	s13 =	sshll.u32 s0, $0x9;
	[sflag:s2] =	ssyncset.done @!p0 $0x0  }
0x22f: {  	[sflag:s2] =	ssyncadd.s32 @!p0 $0xFFFFC000;
	s2 =	sand.u32 $0x3FFFFE00, s13  }
0x230: {  	v33 =	vlaneseq.u32;
	[tilespmem:s19], [sflag:$0x2] =	stream.indirect.gather [hbm4b:s4+s11], $0x20, s2, s11, $0xb8;
	[tilespmem:$0x16400] =	vst v63  }
0x231: {  	v32 =	vshll.u32 v33, $0x5;
	s13 =	sor.u32 $0x80, s2  }
0x232: {  	v0 =	vor.u32 v39, v32;
	[tilespmem:s20], [sflag:$0x2] =	stream.indirect.gather [hbm4b:s4+s11], $0x20, s13, s11, $0xb8;
	[tilespmem:$0x16400] =	vst v63  }
0x233: {  	s14 =	sor.u32 $0x100, s2  }
0x234: {  	[tilespmem:s21], [sflag:$0x2] =	stream.indirect.gather [hbm4b:s4+s11], $0x20, s14, s11, $0xb8;
	[tilespmem:$0x16400] =	vst v63  }
0x235: {  	v54 =	vmul.u32 $0x200, v39;
	s14 =	sor.u32 $0x180, s2  }
0x236: {  	[tilespmem:s22], [sflag:$0x2] =	stream.indirect.gather [hbm4b:s4+s11], $0x20, s14, s11, $0xb8;
	[tilespmem:$0x16400] =	vst v63  }
0x237: {  	v2 =	vadd.s32 $0x1, v39;
	v1 =	vadd.s32 v54, v33;
	v0 =	vld.idx.msk [tilespmem:v0+s12+$0x0], $0xffff  }
0x238: {  	[tilespmem:$0x1FBD0] =	vst v2;
	v2 =	vor.u32 v2, v32;
	_ =	sdelay $0x3  }
0x239: {  	[tilespmem:v1+s23+$0x0] =	vst.idx.msk $0xffff, v0;
	v1 =	vadd.s32 $0x200, v54  }
0x23a: {  	v0 =	vld.idx.msk [tilespmem:v2+s12+$0x0], $0xffff;
	[tilespmem:$0x1FBE0] =	vst v1;
	v1 =	vadd.s32 v1, v33;
	v2 =	vadd.s32 $0x2, v39  }
0x23b: {  	[tilespmem:$0x1FBF0] =	vst v2;
	v2 =	vor.u32 v2, v32;
	_ =	sdelay $0x3  }
0x23c: {  	[tilespmem:v1+s23+$0x0] =	vst.idx.msk $0xffff, v0;
	v1 =	vadd.s32 $0x400, v54  }
0x23d: {  	v0 =	vld.idx.msk [tilespmem:v2+s12+$0x0], $0xffff;
	[tilespmem:$0x1FC00] =	vst v1;
	v1 =	vadd.s32 v1, v33;
	v2 =	vadd.s32 $0x3, v39  }
0x23e: {  	[tilespmem:$0x1FC10] =	vst v2;
	v2 =	vor.u32 v2, v32;
	_ =	sdelay $0x3  }
0x23f: {  	[tilespmem:v1+s23+$0x0] =	vst.idx.msk $0xffff, v0;
	v1 =	vadd.s32 $0x600, v54  }
0x240: {  	v50 =	vadd.s32 $0x4, v39;
	v0 =	vld.idx.msk [tilespmem:v2+s12+$0x0], $0xffff;
	[tilespmem:$0x1FC20] =	vst v1;
	v1 =	vadd.s32 v1, v33  }
0x241: {  	v2 =	vor.u32 v50, v32;
	_ =	sdelay $0x3  }
0x242: {  	v52 =	vadd.s32 $0x800, v54;
	[tilespmem:v1+s23+$0x0] =	vst.idx.msk $0xffff, v0  }
0x243: {  	v23 =	vadd.s32 $0x5, v39;
	v1 =	vadd.s32 v52, v33;
	v0 =	vld.idx.msk [tilespmem:v2+s12+$0x0], $0xffff  }
0x244: {  	v2 =	vor.u32 v23, v32;
	_ =	sdelay $0x3  }
0x245: {  	v56 =	vadd.s32 $0xA00, v54;
	[tilespmem:v1+s23+$0x0] =	vst.idx.msk $0xffff, v0  }
0x246: {  	v1 =	vadd.s32 v56, v33;
	v0 =	vld.idx.msk [tilespmem:v2+s12+$0x0], $0xffff;
	v2 =	vadd.s32 $0x6, v39  }
0x247: {  	v4 =	vor.u32 v2, v32;
	_ =	sdelay $0x3  }
0x248: {  	v58 =	vadd.s32 $0xC00, v54;
	[tilespmem:v1+s23+$0x0] =	vst.idx.msk $0xffff, v0  }
0x249: {  	v26 =	vadd.s32 $0x7, v39;
	v1 =	vadd.s32 v58, v33;
	v0 =	vld.idx.msk [tilespmem:v4+s12+$0x0], $0xffff  }
0x24a: {  	v4 =	vor.u32 v26, v32;
	_ =	sdelay $0x3  }
0x24b: {  	v38 =	vadd.s32 $0xE00, v54;
	[tilespmem:v1+s23+$0x0] =	vst.idx.msk $0xffff, v0  }
0x24c: {  	v1 =	vadd.s32 v38, v33;
	v0 =	vadd.s32 $0x8, v39;
	v5 =	vld.idx.msk [tilespmem:v4+s12+$0x0], $0xffff  }
0x24d: {  	v4 =	vor.u32 v0, v32;
	_ =	sdelay $0x3  }
0x24e: {  	v41 =	vadd.s32 $0x1000, v54;
	[tilespmem:v1+s23+$0x0] =	vst.idx.msk $0xffff, v5  }
0x24f: {  	v1 =	vadd.s32 v41, v33;
	v5 =	vld.idx.msk [tilespmem:v4+s12+$0x0], $0xffff;
	v4 =	vadd.s32 $0x9, v39  }
0x250: {  	v6 =	vor.u32 v4, v32;
	_ =	sdelay $0x3  }
0x251: {  	[tilespmem:v1+s23+$0x0] =	vst.idx.msk $0xffff, v5;
	v5 =	vadd.s32 $0x1200, v54  }
0x252: {  	v7 =	vld.idx.msk [tilespmem:v6+s12+$0x0], $0xffff;
	v1 =	vadd.s32 v5, v33;
	v6 =	vadd.s32 $0xA, v39  }
0x253: {  	v8 =	vor.u32 v6, v32;
	_ =	sdelay $0x3  }
0x254: {  	[tilespmem:v1+s23+$0x0] =	vst.idx.msk $0xffff, v7;
	v7 =	vadd.s32 $0x1400, v54  }
0x255: {  	v9 =	vld.idx.msk [tilespmem:v8+s12+$0x0], $0xffff;
	v1 =	vadd.s32 v7, v33;
	v8 =	vadd.s32 $0xB, v39  }
0x256: {  	v10 =	vor.u32 v8, v32;
	_ =	sdelay $0x3  }
0x257: {  	[tilespmem:v1+s23+$0x0] =	vst.idx.msk $0xffff, v9;
	v9 =	vadd.s32 $0x1600, v54  }
0x258: {  	v1 =	vld.idx.msk [tilespmem:v10+s12+$0x0], $0xffff;
	v11 =	vadd.s32 v9, v33;
	v10 =	vadd.s32 $0xC, v39  }
0x259: {  	v12 =	vor.u32 v10, v32;
	_ =	sdelay $0x3  }
0x25a: {  	[tilespmem:v11+s23+$0x0] =	vst.idx.msk $0xffff, v1;
	v11 =	vadd.s32 $0x1800, v54  }
0x25b: {  	v1 =	vld.idx.msk [tilespmem:v12+s12+$0x0], $0xffff;
	v13 =	vadd.s32 v11, v33;
	v12 =	vadd.s32 $0xD, v39  }
0x25c: {  	v14 =	vor.u32 v12, v32;
	_ =	sdelay $0x3  }
0x25d: {  	v15 =	vadd.s32 $0x1A00, v54;
	[tilespmem:v13+s23+$0x0] =	vst.idx.msk $0xffff, v1  }
0x25e: {  	v17 =	vadd.s32 $0xE, v39;
	v13 =	vadd.s32 v15, v33;
	v1 =	vld.idx.msk [tilespmem:v14+s12+$0x0], $0xffff  }
0x25f: {  	v14 =	vor.u32 v17, v32;
	_ =	sdelay $0x3  }
0x260: {  	v22 =	vadd.s32 $0x1C00, v54;
	[tilespmem:v13+s23+$0x0] =	vst.idx.msk $0xffff, v1  }
0x261: {  	v24 =	vadd.s32 $0xF, v39;
	v1 =	vld.idx.msk [tilespmem:v14+s12+$0x0], $0xffff;
	v14 =	vadd.s32 v22, v33  }
0x262: {  	v16 =	vor.u32 v24, v32;
	_ =	sdelay $0x1  }
0x263: {  	vm1 =	vcmask $0x300;
	v13 =	vimm.s32 $0x0  }
0x264: {  	v13 =	vsel vm1, $0x2200, v13;
	vm1 =	vcmask $0x704  }
0x265: {  	v18 =	vsel vm1, $0x2400, v13;
	v13 =	vadd.s32 $0x1E00, v54;
	vm1 =	vcmask $0xB08;
	[tilespmem:v14+s23+$0x0] =	vst.idx.msk $0xffff, v1  }
0x266: {  	v1 =	vsel vm1, $0x2600, v18;
	v14 =	vadd.s32 v13, v33;
	v19 =	vld.idx.msk [tilespmem:v16+s12+$0x0], $0xffff  }
0x267: {  	v25 =	vor.u32 $0x10, v39;
	v21 =	vld [tilespmem:$0x1FC50];
	v1 =	vsel vm5, $0x2800, v1  }
0x268: {  	v18 =	vor.u32 v25, v32;
	v16 =	vld [tilespmem:$0x1FCE0];
	v1 =	vsel vm7, $0x2A00, v1  }
0x269: {  	v1 =	vsel vm9, $0x2C00, v1  }
0x26a: {  	v1 =	vsel vm10, $0x2E00, v1  }
0x26b: {  	v1 =	vsel vm11, $0x3000, v1;
	[tilespmem:v14+s23+$0x0] =	vst.idx.msk $0xffff, v19;
	v14 =	vld [tilespmem:$0x1FC40]  }
0x26c: {  	v29 =	vor.u32 $0x2000, v54;
	v1 =	vsel vm12, $0x3200, v1  }
0x26d: {  	v27 =	vsel vm0, v16, v21;
	v16 =	vadd.s32 v29, v33;
	v19 =	vld.idx.msk [tilespmem:v18+s12+$0x0], $0xffff;
	v1 =	vsel vm13, $0x3400, v1  }
0x26e: {  	v1 =	vsel vm14, $0x3600, v1  }
0x26f: {  	v1 =	vsel vm15, $0x3800, v1  }
0x270: {  	v35 =	vld [tilespmem:$0x1FC80];
	v1 =	vsel vm4, $0x3A00, v1;
	v30 =	vcombine.low v14, v27  }
0x271: {  	v18 =	vld [tilespmem:$0x1FD00];
	v1 =	vsel vm6, $0x3C00, v1  }
0x272: {  	[tilespmem:v16+s23+$0x0] =	vst.idx.msk $0xffff, v19;
	v16 =	vsel vm8, $0x3E00, v1;
	v1 =	vld [tilespmem:$0x1FC70];
	v14 =	vor.u32 v30, v32;
	_ =	sdelay $0x3  }
0x273: {  	v28 =	vsel vm0, v18, v35  }
0x274: {  	v31 =	vcombine.low v1, v28;
	v1 =	vld.idx.msk [tilespmem:v14+s12+$0x0], $0xffff;
	v14 =	vadd.s32 v16, v33;
	_ =	sdelay $0x2  }
0x275: {  	v61 =	vld [tilespmem:$0x1FCB0]  }
0x276: {  	v19 =	vld [tilespmem:$0x1FD20]  }
0x277: {  	[tilespmem:v14+s23+$0x0] =	vst.idx.msk $0xffff, v1;
	v1 =	vld [tilespmem:$0x1FCA0]  }
0x278: {  	v51 =	vld [tilespmem:$0x1FF10];
	v18 =	vor.u32 v31, v32;
	_ =	sdelay $0x2  }
0x279: {  	v34 =	vsel vm0, v19, v61  }
0x27a: {  	v14 =	vcombine.low v1, v34  }
0x27b: {  	v1 =	vld.idx.msk [tilespmem:v18+s12+$0x0], $0xffff;
	v18 =	vadd.s32 v51, v33  }
0x27c: {  	v53 =	vld [tilespmem:$0x1FF20];
	v19 =	vor.u32 v14, v32;
	_ =	sdelay $0x3  }
0x27d: {  	v55 =	vld [tilespmem:$0x1FF30];
	[tilespmem:v18+s23+$0x0] =	vst.idx.msk $0xffff, v1  }
0x27e: {  	v18 =	vadd.s32 v53, v33;
	v1 =	vld.idx.msk [tilespmem:v19+s12+$0x0], $0xffff;
	_ =	sdelay $0x2  }
0x27f: {  	v20 =	vld [tilespmem:$0x1FC30]  }
0x280: {  	v57 =	vld [tilespmem:$0x1FF40]  }
0x281: {  	v19 =	vor.u32 v55, v32;
	[tilespmem:v18+s23+$0x0] =	vst.idx.msk $0xffff, v1;
	v1 =	vld [tilespmem:$0x1FCF0];
	_ =	sdelay $0x3  }
0x282: {  	v20 =	vsel vm0, v21, v20  }
0x283: {  	v18 =	vmov v29;
	v29 =	vcombine.low v20, v1;
	v1 =	vld.idx.msk [tilespmem:v19+s12+$0x0], $0xffff;
	v19 =	vadd.s32 v57, v33;
	_ =	sdelay $0x2  }
0x284: {  	v59 =	vld [tilespmem:$0x1FF50]  }
0x285: {  	v21 =	vld [tilespmem:$0x1FC60]  }
0x286: {  	v20 =	vor.u32 v29, v32;
	[tilespmem:v19+s23+$0x0] =	vst.idx.msk $0xffff, v1;
	v1 =	vld [tilespmem:$0x1FD10];
	_ =	sdelay $0x3  }
0x287: {  	v21 =	vsel vm0, v35, v21  }
0x288: {  	v19 =	vmov v30;
	v30 =	vcombine.low v21, v1;
	v1 =	vld.idx.msk [tilespmem:v20+s12+$0x0], $0xffff;
	v20 =	vadd.s32 v59, v33;
	_ =	sdelay $0x2  }
0x289: {  	v62 =	vld [tilespmem:$0x1FC90]  }
0x28a: {  	v60 =	vld [tilespmem:$0x1FF60]  }
0x28b: {  	v21 =	vor.u32 v30, v32;
	[tilespmem:v20+s23+$0x0] =	vst.idx.msk $0xffff, v1;
	v1 =	vld [tilespmem:$0x1FD30];
	_ =	sdelay $0x3  }
0x28c: {  	v35 =	vsel vm0, v61, v62  }
0x28d: {  	v37 =	vcombine.low v35, v1;
	v1 =	vld.idx.msk [tilespmem:v21+s12+$0x0], $0xffff;
	v21 =	vadd.s32 v60, v33;
	_ =	sdelay $0x1  }
0x28e: {  	v63 =	vld [tilespmem:$0x1FCC0]  }
0x28f: {  	v44 =	vld [tilespmem:$0x1FCD0]  }
0x290: {  	v61 =	vld [tilespmem:$0x1FF70]  }
0x291: {  	v35 =	vor.u32 v37, v32;
	[tilespmem:v21+s23+$0x0] =	vst.idx.msk $0xffff, v1;
	v1 =	vld [tilespmem:$0x1FD40];
	_ =	sdelay $0x3  }
0x292: {  	v39 =	vsel vm0, v63, v44  }
0x293: {  	v48 =	vadd.s32 v61, v33;
	v40 =	vcombine.low v39, v1;
	v1 =	vld.idx.msk [tilespmem:v35+s12+$0x0], $0xffff;
	_ =	sdelay $0x3  }
0x294: {  	v62 =	vld [tilespmem:$0x1FF80]  }
0x295: {  	v39 =	vor.u32 v40, v32;
	[tilespmem:v48+s23+$0x0] =	vst.idx.msk $0xffff, v1;
	v1 =	vld [tilespmem:$0x1FD50];
	_ =	sdelay $0x4  }
0x296: {  	v49 =	vadd.s32 v62, v33;
	v43 =	vcombine.low v27, v1;
	v1 =	vld.idx.msk [tilespmem:v39+s12+$0x0], $0xffff;
	_ =	sdelay $0x4  }
0x297: {  	v63 =	vor.u32 v43, v32;
	[tilespmem:v49+s23+$0x0] =	vst.idx.msk $0xffff, v1;
	v1 =	vld [tilespmem:$0x1FD60];
	_ =	sdelay $0x4  }
0x298: {  	v46 =	vcombine.low v28, v1;
	v1 =	vld.idx.msk [tilespmem:v63+s12+$0x0], $0xffff  }
0x299: {  	v63 =	vld [tilespmem:$0x1FF90];
	_ =	sdelay $0x4  }
0x29a: {  	v44 =	vadd.s32 v63, v33;
	_ =	sdelay $0x4  }
0x29b: {  	[tilespmem:v44+s23+$0x0] =	vst.idx.msk $0xffff, v1;
	v1 =	vld [tilespmem:$0x1FD70]  }
0x29c: {  	v28 =	vld [tilespmem:$0x1FFA0];
	v45 =	vor.u32 v46, v32;
	_ =	sdelay $0x3  }
0x29d: {  	v48 =	vcombine.low v34, v1  }
0x29e: {  	v49 =	vadd.s32 v28, v33;
	v47 =	vld.idx.msk [tilespmem:v45+s12+$0x0], $0xffff  }
0x29f: {  	v21 =	vmov v29;
	v29 =	vld [tilespmem:$0x1FFB0];
	v44 =	vor.u32 v48, v32;
	_ =	sdelay $0x3  }
0x2a0: {  	[tilespmem:v49+s23+$0x0] =	vst.idx.msk $0xffff, v47  }
0x2a1: {  	v45 =	vadd.s32 v29, v33;
	v34 =	vld.idx.msk [tilespmem:v44+s12+$0x0], $0xffff;
	_ =	sdelay $0x3  }
0x2a2: {  	v27 =	vld [tilespmem:$0x1FFC0];
	v47 =	vor.u32 v42, v32  }
0x2a3: {  	[tilespmem:v45+s23+$0x0] =	vst.idx.msk $0xffff, v34;
	v45 =	vld [tilespmem:$0x1FEE0];
	_ =	sdelay $0x3  }
0x2a4: {  	v49 =	vadd.s32 v27, v33;
	v34 =	vld.idx.msk [tilespmem:v47+s12+$0x0], $0xffff  }
0x2a5: {  	v47 =	vor.u32 v45, v32;
	_ =	sdelay $0x3  }
0x2a6: {  	v1 =	vmov v30;
	v30 =	vld [tilespmem:$0x1FFD0];
	[tilespmem:v49+s23+$0x0] =	vst.idx.msk $0xffff, v34  }
0x2a7: {  	v34 =	vld.idx.msk [tilespmem:v47+s12+$0x0], $0xffff  }
0x2a8: {  	v47 =	vld [tilespmem:$0x1FEF0];
	_ =	sdelay $0x3  }
0x2a9: {  	v35 =	vadd.s32 v30, v33  }
0x2aa: {  	v49 =	vor.u32 v47, v32;
	_ =	sdelay $0x3  }
0x2ab: {  	v20 =	vmov v16;
	v16 =	vmov v14;
	v14 =	vmov v31;
	v31 =	vld [tilespmem:$0x1FFE0];
	[tilespmem:v35+s23+$0x0] =	vst.idx.msk $0xffff, v34  }
0x2ac: {  	v34 =	vld.idx.msk [tilespmem:v49+s12+$0x0], $0xffff  }
0x2ad: {  	v49 =	vld [tilespmem:$0x1FF00];
	_ =	sdelay $0x3  }
0x2ae: {  	v35 =	vadd.s32 v31, v33  }
0x2af: {  	v36 =	vld [tilespmem:$0x1FFF0];
	v44 =	vor.u32 v49, v32;
	_ =	sdelay $0x3  }
0x2b0: {  	[tilespmem:v35+s23+$0x0] =	vst.idx.msk $0xffff, v34;
	v32 =	vadd.s32 $0x10, v33  }
0x2b1: {  	s13 =	simm.s32 $0x1E;
	v39 =	vadd.s32 v36, v33;
	v34 =	vshll.u32 v32, $0x5;
	v33 =	vmovc v32;
	v35 =	vld.idx.msk [tilespmem:v44+s12+$0x0], $0xffff;
	v44 =	vmov v42  }
.LBB2_69:
0x2b2: {  	v42 =	vlaneseq.u32  }
0x2b3: {  	v42 =	vor.u32 v42, v34;
	_ =	sdelay $0x3  }
0x2b4: {  	[tilespmem:v39+s23+$0x0] =	vst.idx.msk $0xffff, v35  }
0x2b5: {  	v35 =	vld.idx.msk [tilespmem:v42+s12+$0x0], $0xffff  }
0x2b6: {  	v42 =	vld [tilespmem:$0x1FBD0];
	_ =	sdelay $0x3  }
0x2b7: {  	v39 =	vadd.s32 v54, v32  }
0x2b8: {  	v42 =	vor.u32 v42, v34;
	_ =	sdelay $0x3  }
0x2b9: {  	[tilespmem:v39+s23+$0x0] =	vst.idx.msk $0xffff, v35  }
0x2ba: {  	v35 =	vld.idx.msk [tilespmem:v42+s12+$0x0], $0xffff  }
0x2bb: {  	v42 =	vld [tilespmem:$0x1FBE0];
	_ =	sdelay $0x4  }
0x2bc: {  	v39 =	vadd.s32 v42, v32;
	v42 =	vld [tilespmem:$0x1FBF0];
	_ =	sdelay $0x4  }
0x2bd: {  	v42 =	vor.u32 v42, v34;
	_ =	sdelay $0x3  }
0x2be: {  	[tilespmem:v39+s23+$0x0] =	vst.idx.msk $0xffff, v35  }
0x2bf: {  	v35 =	vld.idx.msk [tilespmem:v42+s12+$0x0], $0xffff  }
0x2c0: {  	v42 =	vld [tilespmem:$0x1FC00];
	_ =	sdelay $0x4  }
0x2c1: {  	v39 =	vadd.s32 v42, v32;
	v42 =	vld [tilespmem:$0x1FC10];
	_ =	sdelay $0x4  }
0x2c2: {  	v42 =	vor.u32 v42, v34;
	_ =	sdelay $0x3  }
0x2c3: {  	[tilespmem:v39+s23+$0x0] =	vst.idx.msk $0xffff, v35  }
0x2c4: {  	v35 =	vld.idx.msk [tilespmem:v42+s12+$0x0], $0xffff  }
0x2c5: {  	v42 =	vld [tilespmem:$0x1FC20];
	_ =	sdelay $0x4  }
0x2c6: {  	v39 =	vadd.s32 v42, v32  }
0x2c7: {  	v42 =	vor.u32 v50, v34;
	_ =	sdelay $0x3  }
0x2c8: {  	[tilespmem:v39+s23+$0x0] =	vst.idx.msk $0xffff, v35  }
0x2c9: {  	v39 =	vadd.s32 v52, v32;
	v35 =	vld.idx.msk [tilespmem:v42+s12+$0x0], $0xffff  }
0x2ca: {  	v42 =	vor.u32 v23, v34;
	_ =	sdelay $0x3  }
0x2cb: {  	[tilespmem:v39+s23+$0x0] =	vst.idx.msk $0xffff, v35  }
0x2cc: {  	v39 =	vadd.s32 v56, v32;
	v35 =	vld.idx.msk [tilespmem:v42+s12+$0x0], $0xffff  }
0x2cd: {  	v42 =	vor.u32 v2, v34;
	_ =	sdelay $0x3  }
0x2ce: {  	[tilespmem:v39+s23+$0x0] =	vst.idx.msk $0xffff, v35  }
0x2cf: {  	v39 =	vadd.s32 v58, v32;
	v35 =	vld.idx.msk [tilespmem:v42+s12+$0x0], $0xffff  }
0x2d0: {  	v42 =	vor.u32 v26, v34;
	_ =	sdelay $0x3  }
0x2d1: {  	[tilespmem:v39+s23+$0x0] =	vst.idx.msk $0xffff, v35  }
0x2d2: {  	v39 =	vadd.s32 v38, v32;
	v35 =	vld.idx.msk [tilespmem:v42+s12+$0x0], $0xffff  }
0x2d3: {  	v42 =	vor.u32 v0, v34;
	_ =	sdelay $0x3  }
0x2d4: {  	[tilespmem:v39+s23+$0x0] =	vst.idx.msk $0xffff, v35  }
0x2d5: {  	v39 =	vadd.s32 v41, v32;
	v35 =	vld.idx.msk [tilespmem:v42+s12+$0x0], $0xffff  }
0x2d6: {  	v42 =	vor.u32 v4, v34;
	_ =	sdelay $0x3  }
0x2d7: {  	[tilespmem:v39+s23+$0x0] =	vst.idx.msk $0xffff, v35  }
0x2d8: {  	v39 =	vadd.s32 v5, v32;
	v35 =	vld.idx.msk [tilespmem:v42+s12+$0x0], $0xffff  }
0x2d9: {  	v42 =	vor.u32 v6, v34;
	_ =	sdelay $0x3  }
0x2da: {  	[tilespmem:v39+s23+$0x0] =	vst.idx.msk $0xffff, v35  }
0x2db: {  	v39 =	vadd.s32 v7, v32;
	v35 =	vld.idx.msk [tilespmem:v42+s12+$0x0], $0xffff  }
0x2dc: {  	v42 =	vor.u32 v8, v34;
	_ =	sdelay $0x3  }
0x2dd: {  	[tilespmem:v39+s23+$0x0] =	vst.idx.msk $0xffff, v35  }
0x2de: {  	v39 =	vadd.s32 v9, v32;
	v35 =	vld.idx.msk [tilespmem:v42+s12+$0x0], $0xffff  }
0x2df: {  	v42 =	vor.u32 v10, v34;
	_ =	sdelay $0x3  }
0x2e0: {  	[tilespmem:v39+s23+$0x0] =	vst.idx.msk $0xffff, v35  }
0x2e1: {  	v39 =	vadd.s32 v11, v32;
	v35 =	vld.idx.msk [tilespmem:v42+s12+$0x0], $0xffff  }
0x2e2: {  	v42 =	vor.u32 v12, v34;
	_ =	sdelay $0x3  }
0x2e3: {  	[tilespmem:v39+s23+$0x0] =	vst.idx.msk $0xffff, v35  }
0x2e4: {  	v39 =	vadd.s32 v15, v32;
	v35 =	vld.idx.msk [tilespmem:v42+s12+$0x0], $0xffff  }
0x2e5: {  	v42 =	vor.u32 v17, v34;
	_ =	sdelay $0x3  }
0x2e6: {  	[tilespmem:v39+s23+$0x0] =	vst.idx.msk $0xffff, v35  }
0x2e7: {  	v39 =	vadd.s32 v22, v32;
	v35 =	vld.idx.msk [tilespmem:v42+s12+$0x0], $0xffff  }
0x2e8: {  	v42 =	vor.u32 v24, v34;
	_ =	sdelay $0x3  }
0x2e9: {  	[tilespmem:v39+s23+$0x0] =	vst.idx.msk $0xffff, v35  }
0x2ea: {  	v39 =	vadd.s32 v13, v32;
	v35 =	vld.idx.msk [tilespmem:v42+s12+$0x0], $0xffff  }
0x2eb: {  	v42 =	vor.u32 v25, v34;
	_ =	sdelay $0x3  }
0x2ec: {  	[tilespmem:v39+s23+$0x0] =	vst.idx.msk $0xffff, v35  }
0x2ed: {  	v39 =	vadd.s32 v18, v32;
	v35 =	vld.idx.msk [tilespmem:v42+s12+$0x0], $0xffff  }
0x2ee: {  	v42 =	vor.u32 v19, v34;
	_ =	sdelay $0x3  }
0x2ef: {  	[tilespmem:v39+s23+$0x0] =	vst.idx.msk $0xffff, v35  }
0x2f0: {  	v39 =	vadd.s32 v20, v32;
	v35 =	vld.idx.msk [tilespmem:v42+s12+$0x0], $0xffff  }
0x2f1: {  	v42 =	vor.u32 v14, v34;
	_ =	sdelay $0x3  }
0x2f2: {  	[tilespmem:v39+s23+$0x0] =	vst.idx.msk $0xffff, v35  }
0x2f3: {  	v39 =	vadd.s32 v51, v32;
	v35 =	vld.idx.msk [tilespmem:v42+s12+$0x0], $0xffff  }
0x2f4: {  	v42 =	vor.u32 v16, v34;
	_ =	sdelay $0x3  }
0x2f5: {  	[tilespmem:v39+s23+$0x0] =	vst.idx.msk $0xffff, v35  }
0x2f6: {  	v39 =	vadd.s32 v53, v32;
	v35 =	vld.idx.msk [tilespmem:v42+s12+$0x0], $0xffff  }
0x2f7: {  	v42 =	vor.u32 v55, v34;
	_ =	sdelay $0x3  }
0x2f8: {  	[tilespmem:v39+s23+$0x0] =	vst.idx.msk $0xffff, v35  }
0x2f9: {  	v39 =	vadd.s32 v57, v32;
	v35 =	vld.idx.msk [tilespmem:v42+s12+$0x0], $0xffff  }
0x2fa: {  	v42 =	vor.u32 v21, v34;
	_ =	sdelay $0x3  }
0x2fb: {  	[tilespmem:v39+s23+$0x0] =	vst.idx.msk $0xffff, v35  }
0x2fc: {  	v39 =	vadd.s32 v59, v32;
	v35 =	vld.idx.msk [tilespmem:v42+s12+$0x0], $0xffff  }
0x2fd: {  	v42 =	vor.u32 v1, v34;
	_ =	sdelay $0x3  }
0x2fe: {  	[tilespmem:v39+s23+$0x0] =	vst.idx.msk $0xffff, v35  }
0x2ff: {  	v39 =	vadd.s32 v60, v32;
	v35 =	vld.idx.msk [tilespmem:v42+s12+$0x0], $0xffff  }
0x300: {  	v42 =	vor.u32 v37, v34;
	_ =	sdelay $0x3  }
0x301: {  	[tilespmem:v39+s23+$0x0] =	vst.idx.msk $0xffff, v35  }
0x302: {  	v39 =	vadd.s32 v61, v32;
	v35 =	vld.idx.msk [tilespmem:v42+s12+$0x0], $0xffff  }
0x303: {  	v42 =	vor.u32 v40, v34;
	_ =	sdelay $0x3  }
0x304: {  	[tilespmem:v39+s23+$0x0] =	vst.idx.msk $0xffff, v35  }
0x305: {  	v39 =	vadd.s32 v62, v32;
	v35 =	vld.idx.msk [tilespmem:v42+s12+$0x0], $0xffff  }
0x306: {  	v42 =	vor.u32 v43, v34;
	_ =	sdelay $0x3  }
0x307: {  	[tilespmem:v39+s23+$0x0] =	vst.idx.msk $0xffff, v35  }
0x308: {  	v39 =	vadd.s32 v63, v32;
	v35 =	vld.idx.msk [tilespmem:v42+s12+$0x0], $0xffff  }
0x309: {  	v42 =	vor.u32 v46, v34;
	_ =	sdelay $0x3  }
0x30a: {  	[tilespmem:v39+s23+$0x0] =	vst.idx.msk $0xffff, v35  }
0x30b: {  	v39 =	vadd.s32 v28, v32;
	v35 =	vld.idx.msk [tilespmem:v42+s12+$0x0], $0xffff  }
0x30c: {  	v42 =	vor.u32 v48, v34;
	_ =	sdelay $0x3  }
0x30d: {  	[tilespmem:v39+s23+$0x0] =	vst.idx.msk $0xffff, v35  }
0x30e: {  	v39 =	vadd.s32 v29, v32;
	v35 =	vld.idx.msk [tilespmem:v42+s12+$0x0], $0xffff  }
0x30f: {  	v42 =	vor.u32 v44, v34;
	_ =	sdelay $0x3  }
0x310: {  	[tilespmem:v39+s23+$0x0] =	vst.idx.msk $0xffff, v35  }
0x311: {  	v39 =	vadd.s32 v27, v32;
	v35 =	vld.idx.msk [tilespmem:v42+s12+$0x0], $0xffff  }
0x312: {  	v42 =	vor.u32 v45, v34;
	_ =	sdelay $0x3  }
0x313: {  	[tilespmem:v39+s23+$0x0] =	vst.idx.msk $0xffff, v35  }
0x314: {  	v39 =	vadd.s32 v30, v32;
	v35 =	vld.idx.msk [tilespmem:v42+s12+$0x0], $0xffff  }
0x315: {  	v42 =	vor.u32 v47, v34;
	_ =	sdelay $0x3  }
0x316: {  	[tilespmem:v39+s23+$0x0] =	vst.idx.msk $0xffff, v35  }
0x317: {  	v39 =	vadd.s32 v31, v32;
	v35 =	vld.idx.msk [tilespmem:v42+s12+$0x0], $0xffff  }
0x318: {  	p0 =	sne.s32 s13, $0x1;
	v42 =	vor.u32 v49, v34  }
.Ltmp33:
0x319: {  	_ = 	snop;
	(pc) =	sbr.rel @p0 .LBB2_69-.Ltmp33, $3  }
0x31a: {  	_ =	sdelay $0x1  }
0x31b: {  	v32 =	vadd.s32 $0x10, v32;
	[tilespmem:v39+s23+$0x0] =	vst.idx.msk $0xffff, v35  }
0x31c: {  	s13 =	sadd.s32 $0xFFFFFFFF, s13;
	v34 =	vshll.u32 v32, $0x5;
	v39 =	vadd.s32 v36, v33;
	v33 =	vmov v32;
	v35 =	vld.idx.msk [tilespmem:v42+s12+$0x0], $0xffff  }
0x31d: {  	_ =	sdelay $0x1  }
0x31e: {  	v42 =	vlaneseq.u32  }
0x31f: {  	[tilespmem:$0x1F970] =	vst v54;
	v42 =	vor.u32 v42, v34  }
0x320: {  	[tilespmem:v39+s23+$0x0] =	vst.idx.msk $0xffff, v35;
	v39 =	vadd.s32 v54, v32;
	v54 =	vld [tilespmem:$0x1FBD0];
	_ =	sdelay $0x3  }
0x321: {  	v35 =	vld.idx.msk [tilespmem:v42+s12+$0x0], $0xffff  }
0x322: {  	v42 =	vor.u32 v54, v34;
	_ =	sdelay $0x3  }
0x323: {  	[tilespmem:v39+s23+$0x0] =	vst.idx.msk $0xffff, v35  }
0x324: {  	v35 =	vld.idx.msk [tilespmem:v42+s12+$0x0], $0xffff  }
0x325: {  	v42 =	vld [tilespmem:$0x1FBE0]  }
0x326: {  	v54 =	vld [tilespmem:$0x1FBF0];
	_ =	sdelay $0x3  }
0x327: {  	v39 =	vadd.s32 v42, v32  }
0x328: {  	v42 =	vor.u32 v54, v34;
	_ =	sdelay $0x3  }
0x329: {  	[tilespmem:v39+s23+$0x0] =	vst.idx.msk $0xffff, v35  }
0x32a: {  	v35 =	vld.idx.msk [tilespmem:v42+s12+$0x0], $0xffff  }
0x32b: {  	v42 =	vld [tilespmem:$0x1FC00]  }
0x32c: {  	v54 =	vld [tilespmem:$0x1FC10];
	_ =	sdelay $0x3  }
0x32d: {  	v39 =	vadd.s32 v42, v32  }
0x32e: {  	v42 =	vor.u32 v54, v34;
	_ =	sdelay $0x3  }
0x32f: {  	[tilespmem:v39+s23+$0x0] =	vst.idx.msk $0xffff, v35  }
0x330: {  	v35 =	vld.idx.msk [tilespmem:v42+s12+$0x0], $0xffff  }
0x331: {  	v42 =	vld [tilespmem:$0x1FC20];
	_ =	sdelay $0x4  }
0x332: {  	v39 =	vadd.s32 v42, v32  }
0x333: {  	v54 =	vor.u32 v50, v34;
	_ =	sdelay $0x3  }
0x334: {  	[tilespmem:v39+s23+$0x0] =	vst.idx.msk $0xffff, v35  }
0x335: {  	[tilespmem:$0x1F980] =	vst v50;
	v50 =	vadd.s32 v52, v32;
	v35 =	vld.idx.msk [tilespmem:v54+s12+$0x0], $0xffff  }
0x336: {  	[tilespmem:$0x1F990] =	vst v52;
	v52 =	vor.u32 v23, v34;
	_ =	sdelay $0x3  }
0x337: {  	[tilespmem:v50+s23+$0x0] =	vst.idx.msk $0xffff, v35  }
0x338: {  	v54 =	vadd.s32 v56, v32;
	v35 =	vld.idx.msk [tilespmem:v52+s12+$0x0], $0xffff  }
0x339: {  	[tilespmem:$0x1F9B0] =	vst v56;
	v56 =	vor.u32 v2, v34;
	_ =	sdelay $0x3  }
0x33a: {  	[tilespmem:v54+s23+$0x0] =	vst.idx.msk $0xffff, v35  }
0x33b: {  	[tilespmem:$0x1F9D0] =	vst v58;
	v58 =	vadd.s32 v58, v32;
	v35 =	vld.idx.msk [tilespmem:v56+s12+$0x0], $0xffff  }
0x33c: {  	[tilespmem:$0x1F9A0] =	vst v23;
	v23 =	vor.u32 v26, v34;
	_ =	sdelay $0x3  }
0x33d: {  	[tilespmem:v58+s23+$0x0] =	vst.idx.msk $0xffff, v35  }
0x33e: {  	[tilespmem:$0x1F9E0] =	vst v26;
	v26 =	vadd.s32 v38, v32;
	v35 =	vld.idx.msk [tilespmem:v23+s12+$0x0], $0xffff  }
0x33f: {  	[tilespmem:$0x1F9F0] =	vst v38;
	v38 =	vor.u32 v0, v34;
	_ =	sdelay $0x3  }
0x340: {  	[tilespmem:v26+s23+$0x0] =	vst.idx.msk $0xffff, v35  }
0x341: {  	v50 =	vadd.s32 v41, v32;
	v35 =	vld.idx.msk [tilespmem:v38+s12+$0x0], $0xffff  }
0x342: {  	v52 =	vor.u32 v4, v34;
	_ =	sdelay $0x3  }
0x343: {  	[tilespmem:v50+s23+$0x0] =	vst.idx.msk $0xffff, v35  }
0x344: {  	v54 =	vadd.s32 v5, v32;
	v35 =	vld.idx.msk [tilespmem:v52+s12+$0x0], $0xffff  }
0x345: {  	v56 =	vor.u32 v6, v34;
	_ =	sdelay $0x3  }
0x346: {  	[tilespmem:v54+s23+$0x0] =	vst.idx.msk $0xffff, v35  }
0x347: {  	v58 =	vadd.s32 v7, v32;
	v35 =	vld.idx.msk [tilespmem:v56+s12+$0x0], $0xffff  }
0x348: {  	[tilespmem:$0x1FA40] =	vst v6;
	v6 =	vor.u32 v8, v34;
	_ =	sdelay $0x3  }
0x349: {  	[tilespmem:v58+s23+$0x0] =	vst.idx.msk $0xffff, v35  }
0x34a: {  	[tilespmem:$0x1FA50] =	vst v7;
	v7 =	vadd.s32 v9, v32;
	v35 =	vld.idx.msk [tilespmem:v6+s12+$0x0], $0xffff  }
0x34b: {  	[tilespmem:$0x1FA60] =	vst v8;
	v8 =	vor.u32 v10, v34;
	_ =	sdelay $0x3  }
0x34c: {  	[tilespmem:v7+s23+$0x0] =	vst.idx.msk $0xffff, v35  }
0x34d: {  	[tilespmem:$0x1FA70] =	vst v9;
	v9 =	vadd.s32 v11, v32;
	v35 =	vld.idx.msk [tilespmem:v8+s12+$0x0], $0xffff  }
0x34e: {  	[tilespmem:$0x1FA80] =	vst v10;
	v10 =	vor.u32 v12, v34;
	_ =	sdelay $0x3  }
0x34f: {  	[tilespmem:v9+s23+$0x0] =	vst.idx.msk $0xffff, v35  }
0x350: {  	[tilespmem:$0x1FA90] =	vst v11;
	v11 =	vadd.s32 v15, v32;
	v35 =	vld.idx.msk [tilespmem:v10+s12+$0x0], $0xffff  }
0x351: {  	[tilespmem:$0x1FAA0] =	vst v12;
	v12 =	vor.u32 v17, v34;
	_ =	sdelay $0x3  }
0x352: {  	[tilespmem:v11+s23+$0x0] =	vst.idx.msk $0xffff, v35  }
0x353: {  	[tilespmem:$0x1FAB0] =	vst v15;
	v15 =	vadd.s32 v22, v32;
	v35 =	vld.idx.msk [tilespmem:v12+s12+$0x0], $0xffff  }
0x354: {  	[tilespmem:$0x1FAC0] =	vst v17;
	v17 =	vor.u32 v24, v34;
	_ =	sdelay $0x3  }
0x355: {  	[tilespmem:v15+s23+$0x0] =	vst.idx.msk $0xffff, v35  }
0x356: {  	[tilespmem:$0x1FAD0] =	vst v22;
	v22 =	vadd.s32 v13, v32;
	v35 =	vld.idx.msk [tilespmem:v17+s12+$0x0], $0xffff  }
0x357: {  	v23 =	vor.u32 v25, v34;
	_ =	sdelay $0x3  }
0x358: {  	[tilespmem:v22+s23+$0x0] =	vst.idx.msk $0xffff, v35  }
0x359: {  	[tilespmem:$0x1FAE0] =	vst v24;
	v24 =	vadd.s32 v18, v32;
	v35 =	vld.idx.msk [tilespmem:v23+s12+$0x0], $0xffff  }
0x35a: {  	[tilespmem:$0x1FB00] =	vst v25;
	v25 =	vor.u32 v19, v34;
	_ =	sdelay $0x3  }
0x35b: {  	[tilespmem:v24+s23+$0x0] =	vst.idx.msk $0xffff, v35  }
0x35c: {  	v26 =	vadd.s32 v20, v32;
	v35 =	vld.idx.msk [tilespmem:v25+s12+$0x0], $0xffff  }
0x35d: {  	v38 =	vor.u32 v14, v34;
	_ =	sdelay $0x3  }
0x35e: {  	[tilespmem:v26+s23+$0x0] =	vst.idx.msk $0xffff, v35  }
0x35f: {  	v50 =	vadd.s32 v51, v32;
	v35 =	vld.idx.msk [tilespmem:v38+s12+$0x0], $0xffff  }
0x360: {  	v51 =	vor.u32 v16, v34;
	_ =	sdelay $0x3  }
0x361: {  	[tilespmem:v50+s23+$0x0] =	vst.idx.msk $0xffff, v35  }
0x362: {  	v52 =	vadd.s32 v53, v32;
	v35 =	vld.idx.msk [tilespmem:v51+s12+$0x0], $0xffff  }
0x363: {  	v53 =	vor.u32 v55, v34;
	_ =	sdelay $0x3  }
0x364: {  	[tilespmem:v52+s23+$0x0] =	vst.idx.msk $0xffff, v35  }
0x365: {  	v54 =	vadd.s32 v57, v32;
	v35 =	vld.idx.msk [tilespmem:v53+s12+$0x0], $0xffff  }
0x366: {  	v55 =	vor.u32 v21, v34;
	_ =	sdelay $0x3  }
0x367: {  	[tilespmem:v54+s23+$0x0] =	vst.idx.msk $0xffff, v35  }
0x368: {  	v56 =	vadd.s32 v59, v32;
	v35 =	vld.idx.msk [tilespmem:v55+s12+$0x0], $0xffff  }
0x369: {  	v57 =	vor.u32 v1, v34;
	_ =	sdelay $0x3  }
0x36a: {  	[tilespmem:v56+s23+$0x0] =	vst.idx.msk $0xffff, v35  }
0x36b: {  	v58 =	vadd.s32 v60, v32;
	v35 =	vld.idx.msk [tilespmem:v57+s12+$0x0], $0xffff  }
0x36c: {  	v59 =	vor.u32 v37, v34;
	_ =	sdelay $0x3  }
0x36d: {  	[tilespmem:v58+s23+$0x0] =	vst.idx.msk $0xffff, v35  }
0x36e: {  	v60 =	vadd.s32 v61, v32;
	v35 =	vld.idx.msk [tilespmem:v59+s12+$0x0], $0xffff  }
0x36f: {  	v61 =	vor.u32 v40, v34;
	_ =	sdelay $0x3  }
0x370: {  	[tilespmem:v60+s23+$0x0] =	vst.idx.msk $0xffff, v35  }
0x371: {  	v62 =	vadd.s32 v62, v32;
	v35 =	vld.idx.msk [tilespmem:v61+s12+$0x0], $0xffff  }
0x372: {  	v6 =	vor.u32 v43, v34;
	_ =	sdelay $0x3  }
0x373: {  	[tilespmem:v62+s23+$0x0] =	vst.idx.msk $0xffff, v35  }
0x374: {  	v7 =	vadd.s32 v63, v32;
	v35 =	vld.idx.msk [tilespmem:v6+s12+$0x0], $0xffff  }
0x375: {  	v8 =	vor.u32 v46, v34;
	_ =	sdelay $0x3  }
0x376: {  	[tilespmem:v7+s23+$0x0] =	vst.idx.msk $0xffff, v35  }
0x377: {  	v9 =	vadd.s32 v28, v32;
	v35 =	vld.idx.msk [tilespmem:v8+s12+$0x0], $0xffff  }
0x378: {  	v10 =	vor.u32 v48, v34;
	_ =	sdelay $0x3  }
0x379: {  	[tilespmem:v9+s23+$0x0] =	vst.idx.msk $0xffff, v35  }
0x37a: {  	v11 =	vadd.s32 v29, v32;
	v35 =	vld.idx.msk [tilespmem:v10+s12+$0x0], $0xffff  }
0x37b: {  	v12 =	vor.u32 v44, v34;
	_ =	sdelay $0x3  }
0x37c: {  	[tilespmem:v11+s23+$0x0] =	vst.idx.msk $0xffff, v35  }
0x37d: {  	[tilespmem:$0x1FAF0] =	vst v13;
	v13 =	vadd.s32 v27, v32;
	v35 =	vld.idx.msk [tilespmem:v12+s12+$0x0], $0xffff  }
0x37e: {  	[tilespmem:$0x1FB40] =	vst v14;
	v14 =	vor.u32 v45, v34;
	_ =	sdelay $0x2  }
0x37f: {  	[tilespmem:$0x1F9C0] =	vst v2  }
0x380: {  	[tilespmem:v13+s23+$0x0] =	vst.idx.msk $0xffff, v35  }
0x381: {  	[tilespmem:$0x1FA00] =	vst v0;
	v15 =	vadd.s32 v30, v32;
	v35 =	vld.idx.msk [tilespmem:v14+s12+$0x0], $0xffff  }
0x382: {  	[tilespmem:$0x1FB50] =	vst v16;
	v16 =	vor.u32 v47, v34  }
0x383: {  	[tilespmem:$0x1FA10] =	vst v41  }
0x384: {  	[tilespmem:$0x1FA20] =	vst v4  }
0x385: {  	[tilespmem:$0x1FA30] =	vst v5  }
0x386: {  	[tilespmem:v15+s23+$0x0] =	vst.idx.msk $0xffff, v35  }
0x387: {  	[tilespmem:$0x1FB10] =	vst v18;
	v17 =	vadd.s32 v31, v32;
	v35 =	vld.idx.msk [tilespmem:v16+s12+$0x0], $0xffff  }
0x388: {  	[tilespmem:$0x1FB20] =	vst v19;
	v18 =	vor.u32 v49, v34  }
0x389: {  	[tilespmem:$0x1FB30] =	vst v20  }
0x38a: {  	[tilespmem:$0x1FB60] =	vst v21  }
0x38b: {  	[tilespmem:$0x1FB70] =	vst v1  }
0x38c: {  	[tilespmem:v17+s23+$0x0] =	vst.idx.msk $0xffff, v35  }
0x38d: {  	[tilespmem:$0x1FB80] =	vst v37;
	v33 =	vadd.s32 v36, v33;
	v32 =	vld.idx.msk [tilespmem:v18+s12+$0x0], $0xffff  }
0x38e: {  	[tilespmem:$0x1FB90] =	vst v40  }
0x38f: {  	[tilespmem:$0x1FBA0] =	vst v43;
	s13 =	sshll.u32 s30, $0x14  }
0x390: {  	[tilespmem:$0x1FBB0] =	vst v46;
	s13 =	sor.u32 s3, s13  }
0x391: {  	[tilespmem:$0x1FBC0] =	vst v48;
	s13 =	sshrl.u32 s13, $0x3  }
0x392: {  	s13 =	sadd.s32 s5, s13;
	[tilespmem:v33+s23+$0x0] =	vst.idx.msk $0xffff, v32  }
0x393: {  	[hbm4b:s13+s8] =	stream.strided.scatter [tilespmem:s23], [sflag:$0x3], $0x4000, s9, s8, $0x38;
	[tilespmem:$0x16400] =	vst v63  }
0x394: {  	_ =	swait.ge [sflag:s24], $0x1000  }
0x395: {  	[sflag:s24] =	ssyncset.done $0x0  }
0x396: {  	[sflag:s24] =	ssyncadd.s32 $0xFFFFF000  }
0x397: {  	_ =	swait.ge [sflag:s24], $0x1000  }
0x398: {  	[sflag:s24] =	ssyncset.done $0x0  }
0x399: {  	[sflag:s24] =	ssyncadd.s32 $0xFFFFF000  }
0x39a: {  	_ =	swait.ge [sflag:s24], $0x1000  }
0x39b: {  	[sflag:s24] =	ssyncset.done $0x0  }
0x39c: {  	[sflag:s24] =	ssyncadd.s32 $0xFFFFF000  }
0x39d: {  	_ =	swait.ge [sflag:s24], $0x1000  }
0x39e: {  	[sflag:s24] =	ssyncset.done $0x0  }
0x39f: {  	[sflag:s24] =	ssyncadd.s32 $0xFFFFF000  }
0x3a0: {  	v19 =	vld [tilespmem:s2+$0x10]  }
0x3a1: {  	v20 =	vld [tilespmem:s2+$0x20]  }
0x3a2: {  	v21 =	vld [tilespmem:s2+$0x30]  }
0x3a3: {  	v22 =	vld [tilespmem:s2+$0x40]  }
0x3a4: {  	v23 =	vld [tilespmem:s2+$0x50]  }
0x3a5: {  	v24 =	vld [tilespmem:s2+$0x60]  }
0x3a6: {  	v25 =	vld [tilespmem:s2+$0x70];
	vm1 =	veq.s32 v19, $0x0;
	vm2 =	veq.s32 v20, $0x0  }
0x3a7: {  	v26 =	vld [tilespmem:s2+$0x80];
	vm1 =	vmor vm1, vm2;
	vm2 =	veq.s32 v21, $0x0  }
0x3a8: {  	v27 =	vld [tilespmem:s2+$0x90];
	vm1 =	vmor vm1, vm2;
	vm2 =	veq.s32 v22, $0x0  }
0x3a9: {  	v28 =	vld [tilespmem:s2+$0xA0];
	vm1 =	vmor vm1, vm2;
	vm2 =	veq.s32 v23, $0x0  }
0x3aa: {  	v29 =	vld [tilespmem:s2+$0xB0];
	vm1 =	vmor vm1, vm2;
	vm2 =	veq.s32 v24, $0x0  }
0x3ab: {  	v42 =	vld [tilespmem:s2+$0xC0];
	vm1 =	vmor vm1, vm2;
	vm2 =	veq.s32 v25, $0x0  }
0x3ac: {  	v43 =	vld [tilespmem:s2+$0xD0];
	vm1 =	vmor vm1, vm2;
	vm2 =	veq.s32 v26, $0x0  }
0x3ad: {  	v44 =	vld [tilespmem:s2+$0xE0];
	vm1 =	vmor vm1, vm2;
	vm2 =	veq.s32 v27, $0x0  }
0x3ae: {  	v45 =	vld [tilespmem:s2+$0xF0];
	vm1 =	vmor vm1, vm2;
	vm2 =	veq.s32 v28, $0x0  }
0x3af: {  	v46 =	vld [tilespmem:s2+$0x100];
	vm1 =	vmor vm1, vm2;
	vm2 =	veq.s32 v29, $0x0  }
0x3b0: {  	v47 =	vld [tilespmem:s2+$0x110];
	vm1 =	vmor vm1, vm2;
	vm2 =	veq.s32 v42, $0x0  }
0x3b1: {  	v48 =	vld [tilespmem:s2+$0x120];
	vm1 =	vmor vm1, vm2;
	vm2 =	veq.s32 v43, $0x0  }
0x3b2: {  	v49 =	vld [tilespmem:s2+$0x130];
	vm1 =	vmor vm1, vm2;
	vm2 =	veq.s32 v44, $0x0  }
0x3b3: {  	v50 =	vld [tilespmem:s2+$0x140];
	vm1 =	vmor vm1, vm2;
	vm2 =	veq.s32 v45, $0x0  }
0x3b4: {  	v51 =	vld [tilespmem:s2+$0x150];
	vm1 =	vmor vm1, vm2;
	vm2 =	veq.s32 v46, $0x0  }
0x3b5: {  	v52 =	vld [tilespmem:s2+$0x160];
	vm1 =	vmor vm1, vm2;
	vm2 =	veq.s32 v47, $0x0  }
0x3b6: {  	v53 =	vld [tilespmem:s2+$0x170];
	vm1 =	vmor vm1, vm2;
	vm2 =	veq.s32 v48, $0x0  }
0x3b7: {  	v54 =	vld [tilespmem:s2+$0x180];
	vm1 =	vmor vm1, vm2;
	vm2 =	veq.s32 v49, $0x0  }
0x3b8: {  	v55 =	vld [tilespmem:s2+$0x190];
	vm1 =	vmor vm1, vm2;
	vm2 =	veq.s32 v50, $0x0  }
0x3b9: {  	v56 =	vld [tilespmem:s2+$0x1A0];
	vm1 =	vmor vm1, vm2;
	vm2 =	veq.s32 v51, $0x0  }
0x3ba: {  	v57 =	vld [tilespmem:s2+$0x1B0];
	vm1 =	vmor vm1, vm2;
	vm2 =	veq.s32 v52, $0x0  }
0x3bb: {  	v58 =	vld [tilespmem:s2+$0x1C0];
	vm1 =	vmor vm1, vm2;
	vm2 =	veq.s32 v53, $0x0  }
0x3bc: {  	v59 =	vld [tilespmem:s2+$0x1D0];
	vm1 =	vmor vm1, vm2;
	vm2 =	veq.s32 v54, $0x0  }
0x3bd: {  	v60 =	vld [tilespmem:s2+$0x1E0];
	vm1 =	vmor vm1, vm2;
	vm2 =	veq.s32 v55, $0x0  }
0x3be: {  	v61 =	vld [tilespmem:s2+$0x1F0];
	vm1 =	vmor vm1, vm2;
	vm2 =	veq.s32 v56, $0x0  }
0x3bf: {  	v62 =	vld [tilespmem:s2+$0x0];
	vm1 =	vmor vm1, vm2;
	vm2 =	veq.s32 v57, $0x0  }
0x3c0: {  	vm3 =	veq.s32 v58, $0x0;
	vm1 =	vmor vm1, vm2  }
0x3c1: {  	vm2 =	veq.s32 v59, $0x0;
	vm1 =	vmor vm1, vm3  }
0x3c2: {  	vm3 =	veq.s32 v60, $0x0;
	vm1 =	vmor vm1, vm2  }
0x3c3: {  	vm2 =	veq.s32 v61, $0x0;
	vm3 =	vmor vm1, vm3  }
0x3c4: {  	vm1 =	veq.s32 v62, $0x0;
	vm2 =	vmor vm3, vm2  }
0x3c5: {  	v63 =	vimm.s32 $0x0;
	vm2 =	vmor vm1, vm2  }
0x3c6: {  	v32 =	vsel vm2, $0x1, v63  }
0x3c7: {  	(v2sf) =	vpush v32, $0x0  }
0x3c8: {  	(v2sf) =	vpush v32, $0x1  }
0x3c9: {  	(v2sf) =	vpush v32, $0x2  }
0x3ca: {  	(v2sf) =	vpush v32, $0x3  }
0x3cb: {  	(v2sf) =	vpush v32, $0x4  }
0x3cc: {  	(v2sf) =	vpush v32, $0x5  }
0x3cd: {  	(v2sf) =	vpush v32, $0x6  }
0x3ce: {  	(v2sf) =	vpush v32, $0x7  }
0x3cf: {  	(v2sf) =	vpush v32, $0x8  }
0x3d0: {  	(v2sf) =	vpush v32, $0x9  }
0x3d1: {  	(v2sf) =	vpush v32, $0xA  }
0x3d2: {  	(v2sf) =	vpush v32, $0xB  }
0x3d3: {  	(v2sf) =	vpush v32, $0xC  }
0x3d4: {  	(v2sf) =	vpush v32, $0xD  }
0x3d5: {  	(v2sf) =	vpush v32, $0xE  }
0x3d6: {  	(v2sf) =	vpush v32, $0xF;
	s13 =	spop (v2sf)  }
0x3d7: {  	s14 =	spop (v2sf)  }
0x3d8: {  	s13 =	sadd.s32 s14, s13;
	s14 =	spop (v2sf)  }
0x3d9: {  	s13 =	sadd.s32 s14, s13;
	s14 =	spop (v2sf)  }
0x3da: {  	s13 =	sadd.s32 s14, s13;
	s14 =	spop (v2sf)  }
0x3db: {  	s13 =	sadd.s32 s14, s13;
	s14 =	spop (v2sf)  }
0x3dc: {  	s13 =	sadd.s32 s14, s13;
	s14 =	spop (v2sf)  }
0x3dd: {  	s13 =	sadd.s32 s14, s13;
	s14 =	spop (v2sf)  }
0x3de: {  	s13 =	sadd.s32 s14, s13;
	s14 =	spop (v2sf)  }
0x3df: {  	s13 =	sadd.s32 s14, s13;
	s14 =	spop (v2sf)  }
0x3e0: {  	s13 =	sadd.s32 s14, s13;
	s14 =	spop (v2sf)  }
0x3e1: {  	s13 =	sadd.s32 s14, s13;
	s14 =	spop (v2sf)  }
0x3e2: {  	s13 =	sadd.s32 s14, s13;
	s14 =	spop (v2sf)  }
0x3e3: {  	s13 =	sadd.s32 s14, s13;
	s14 =	spop (v2sf)  }
0x3e4: {  	s13 =	sadd.s32 s14, s13;
	s14 =	spop (v2sf)  }
0x3e5: {  	s13 =	sadd.s32 s14, s13;
	s14 =	spop (v2sf)  }
0x3e6: {  	s13 =	sadd.s32 s14, s13  }
0x3e7: {  	p0 =	slt.s32 s13, $0x1  }
.Ltmp34:
0x3e8: {  	_ = 	snop;
	(pc) =	sbr.rel @p0 .LBB2_136-.Ltmp34, $1  }
0x3e9: {  	_ =	sdelay $0x3  }
0x3ea: {  	v35 =	vld [tilespmem:$0x1FD80];
	_ =	sdelay $0x3  }
0x3eb: {  	v32 =	vimm.s32 $0x0  }
0x3ec: {  	s13 =	simm.s32 $0x1F;
	v33 =	vadd.s32 v35, v32  }
.LBB2_72:
0x3ed: {  	p0 =	sne.s32 s13, $0x1  }
.Ltmp35:
0x3ee: {  	_ = 	snop;
	(pc) =	sbr.rel @p0 .LBB2_72-.Ltmp35, $3  }
0x3ef: {  	_ =	sdelay $0x1  }
0x3f0: {  	s13 =	sadd.s32 $0xFFFFFFFF, s13;
	[tilespmem:v33+s19+$0x0] =	vst.idx.msk vm1, v3;
	v32 =	vadd.s32 $0x1, v32  }
0x3f1: {  	v33 =	vadd.s32 v35, v32  }
0x3f2: {  	_ =	sdelay $0x4  }
0x3f3: {  	[tilespmem:v33+s19+$0x0] =	vst.idx.msk vm1, v3  }
0x3f4: {  	v33 =	vld [tilespmem:s2+$0x10]  }
0x3f5: {  	v34 =	vld [tilespmem:$0x1FD90];
	_ =	sdelay $0x3  }
0x3f6: {  	v32 =	vimm.s32 $0x0;
	vm1 =	veq.s32 v33, $0x0  }
0x3f7: {  	s13 =	simm.s32 $0x1F;
	v33 =	vadd.s32 v34, v32  }
.LBB2_74:
0x3f8: {  	p0 =	sne.s32 s13, $0x1  }
.Ltmp36:
0x3f9: {  	_ = 	snop;
	(pc) =	sbr.rel @p0 .LBB2_74-.Ltmp36, $3  }
0x3fa: {  	_ =	sdelay $0x1  }
0x3fb: {  	s13 =	sadd.s32 $0xFFFFFFFF, s13;
	[tilespmem:v33+s19+$0x0] =	vst.idx.msk vm1, v3;
	v32 =	vadd.s32 $0x1, v32  }
0x3fc: {  	v33 =	vadd.s32 v34, v32  }
0x3fd: {  	_ =	sdelay $0x4  }
0x3fe: {  	[tilespmem:v33+s19+$0x0] =	vst.idx.msk vm1, v3  }
0x3ff: {  	v33 =	vld [tilespmem:s2+$0x20]  }
0x400: {  	v34 =	vld [tilespmem:$0x1FDA0];
	_ =	sdelay $0x3  }
0x401: {  	v32 =	vimm.s32 $0x0;
	vm1 =	veq.s32 v33, $0x0  }
0x402: {  	s13 =	simm.s32 $0x1F;
	v33 =	vadd.s32 v34, v32  }
.LBB2_76:
0x403: {  	p0 =	sne.s32 s13, $0x1  }
.Ltmp37:
0x404: {  	_ = 	snop;
	(pc) =	sbr.rel @p0 .LBB2_76-.Ltmp37, $3  }
0x405: {  	_ =	sdelay $0x1  }
0x406: {  	s13 =	sadd.s32 $0xFFFFFFFF, s13;
	[tilespmem:v33+s19+$0x0] =	vst.idx.msk vm1, v3;
	v32 =	vadd.s32 $0x1, v32  }
0x407: {  	v33 =	vadd.s32 v34, v32  }
0x408: {  	_ =	sdelay $0x4  }
0x409: {  	[tilespmem:v33+s19+$0x0] =	vst.idx.msk vm1, v3  }
0x40a: {  	v33 =	vld [tilespmem:s2+$0x30]  }
0x40b: {  	v34 =	vld [tilespmem:$0x1FDB0];
	_ =	sdelay $0x3  }
0x40c: {  	v32 =	vimm.s32 $0x0;
	vm1 =	veq.s32 v33, $0x0  }
0x40d: {  	s13 =	simm.s32 $0x1F;
	v33 =	vadd.s32 v34, v32  }
.LBB2_78:
0x40e: {  	p0 =	sne.s32 s13, $0x1  }
.Ltmp38:
0x40f: {  	_ = 	snop;
	(pc) =	sbr.rel @p0 .LBB2_78-.Ltmp38, $3  }
0x410: {  	_ =	sdelay $0x1  }
0x411: {  	s13 =	sadd.s32 $0xFFFFFFFF, s13;
	[tilespmem:v33+s19+$0x0] =	vst.idx.msk vm1, v3;
	v32 =	vadd.s32 $0x1, v32  }
0x412: {  	v33 =	vadd.s32 v34, v32  }
0x413: {  	_ =	sdelay $0x4  }
0x414: {  	[tilespmem:v33+s19+$0x0] =	vst.idx.msk vm1, v3  }
0x415: {  	v33 =	vld [tilespmem:s2+$0x40]  }
0x416: {  	v34 =	vld [tilespmem:$0x1FDC0];
	_ =	sdelay $0x3  }
0x417: {  	v32 =	vimm.s32 $0x0;
	vm1 =	veq.s32 v33, $0x0  }
0x418: {  	s13 =	simm.s32 $0x1F;
	v33 =	vadd.s32 v34, v32  }
.LBB2_80:
0x419: {  	p0 =	sne.s32 s13, $0x1  }
.Ltmp39:
0x41a: {  	_ = 	snop;
	(pc) =	sbr.rel @p0 .LBB2_80-.Ltmp39, $3  }
0x41b: {  	_ =	sdelay $0x1  }
0x41c: {  	s13 =	sadd.s32 $0xFFFFFFFF, s13;
	[tilespmem:v33+s19+$0x0] =	vst.idx.msk vm1, v3;
	v32 =	vadd.s32 $0x1, v32  }
0x41d: {  	v33 =	vadd.s32 v34, v32  }
0x41e: {  	_ =	sdelay $0x4  }
0x41f: {  	[tilespmem:v33+s19+$0x0] =	vst.idx.msk vm1, v3  }
0x420: {  	v33 =	vld [tilespmem:s2+$0x50]  }
0x421: {  	v34 =	vld [tilespmem:$0x1FDD0];
	_ =	sdelay $0x3  }
0x422: {  	v32 =	vimm.s32 $0x0;
	vm1 =	veq.s32 v33, $0x0  }
0x423: {  	s13 =	simm.s32 $0x1F;
	v33 =	vadd.s32 v34, v32  }
.LBB2_82:
0x424: {  	p0 =	sne.s32 s13, $0x1  }
.Ltmp40:
0x425: {  	_ = 	snop;
	(pc) =	sbr.rel @p0 .LBB2_82-.Ltmp40, $3  }
0x426: {  	_ =	sdelay $0x1  }
0x427: {  	s13 =	sadd.s32 $0xFFFFFFFF, s13;
	[tilespmem:v33+s19+$0x0] =	vst.idx.msk vm1, v3;
	v32 =	vadd.s32 $0x1, v32  }
0x428: {  	v33 =	vadd.s32 v34, v32  }
0x429: {  	_ =	sdelay $0x4  }
0x42a: {  	[tilespmem:v33+s19+$0x0] =	vst.idx.msk vm1, v3  }
0x42b: {  	v33 =	vld [tilespmem:s2+$0x60]  }
0x42c: {  	v34 =	vld [tilespmem:$0x1FDE0];
	_ =	sdelay $0x3  }
0x42d: {  	v32 =	vimm.s32 $0x0;
	vm1 =	veq.s32 v33, $0x0  }
0x42e: {  	s13 =	simm.s32 $0x1F;
	v33 =	vadd.s32 v34, v32  }
.LBB2_84:
0x42f: {  	p0 =	sne.s32 s13, $0x1  }
.Ltmp41:
0x430: {  	_ = 	snop;
	(pc) =	sbr.rel @p0 .LBB2_84-.Ltmp41, $3  }
0x431: {  	_ =	sdelay $0x1  }
0x432: {  	s13 =	sadd.s32 $0xFFFFFFFF, s13;
	[tilespmem:v33+s19+$0x0] =	vst.idx.msk vm1, v3;
	v32 =	vadd.s32 $0x1, v32  }
0x433: {  	v33 =	vadd.s32 v34, v32  }
0x434: {  	_ =	sdelay $0x4  }
0x435: {  	[tilespmem:v33+s19+$0x0] =	vst.idx.msk vm1, v3  }
0x436: {  	v33 =	vld [tilespmem:s2+$0x70]  }
0x437: {  	v34 =	vld [tilespmem:$0x1FDF0];
	_ =	sdelay $0x3  }
0x438: {  	v32 =	vimm.s32 $0x0;
	vm1 =	veq.s32 v33, $0x0  }
0x439: {  	s13 =	simm.s32 $0x1F;
	v33 =	vadd.s32 v34, v32  }
.LBB2_86:
0x43a: {  	p0 =	sne.s32 s13, $0x1  }
.Ltmp42:
0x43b: {  	_ = 	snop;
	(pc) =	sbr.rel @p0 .LBB2_86-.Ltmp42, $3  }
0x43c: {  	_ =	sdelay $0x1  }
0x43d: {  	s13 =	sadd.s32 $0xFFFFFFFF, s13;
	[tilespmem:v33+s19+$0x0] =	vst.idx.msk vm1, v3;
	v32 =	vadd.s32 $0x1, v32  }
0x43e: {  	v33 =	vadd.s32 v34, v32  }
0x43f: {  	_ =	sdelay $0x4  }
0x440: {  	[tilespmem:v33+s19+$0x0] =	vst.idx.msk vm1, v3  }
0x441: {  	v33 =	vld [tilespmem:s2+$0x80]  }
0x442: {  	v34 =	vld [tilespmem:$0x1FE00];
	_ =	sdelay $0x3  }
0x443: {  	v32 =	vimm.s32 $0x0;
	vm1 =	veq.s32 v33, $0x0  }
0x444: {  	s13 =	simm.s32 $0x1F;
	v33 =	vadd.s32 v34, v32  }
.LBB2_88:
0x445: {  	p0 =	sne.s32 s13, $0x1  }
.Ltmp43:
0x446: {  	_ = 	snop;
	(pc) =	sbr.rel @p0 .LBB2_88-.Ltmp43, $3  }
0x447: {  	_ =	sdelay $0x1  }
0x448: {  	s13 =	sadd.s32 $0xFFFFFFFF, s13;
	[tilespmem:v33+s19+$0x0] =	vst.idx.msk vm1, v3;
	v32 =	vadd.s32 $0x1, v32  }
0x449: {  	v33 =	vadd.s32 v34, v32  }
0x44a: {  	_ =	sdelay $0x4  }
0x44b: {  	[tilespmem:v33+s19+$0x0] =	vst.idx.msk vm1, v3  }
0x44c: {  	v33 =	vld [tilespmem:s2+$0x90]  }
0x44d: {  	v34 =	vld [tilespmem:$0x1FE10];
	_ =	sdelay $0x3  }
0x44e: {  	v32 =	vimm.s32 $0x0;
	vm1 =	veq.s32 v33, $0x0  }
0x44f: {  	s13 =	simm.s32 $0x1F;
	v33 =	vadd.s32 v34, v32  }
.LBB2_90:
0x450: {  	p0 =	sne.s32 s13, $0x1  }
.Ltmp44:
0x451: {  	_ = 	snop;
	(pc) =	sbr.rel @p0 .LBB2_90-.Ltmp44, $3  }
0x452: {  	_ =	sdelay $0x1  }
0x453: {  	s13 =	sadd.s32 $0xFFFFFFFF, s13;
	[tilespmem:v33+s19+$0x0] =	vst.idx.msk vm1, v3;
	v32 =	vadd.s32 $0x1, v32  }
0x454: {  	v33 =	vadd.s32 v34, v32  }
0x455: {  	_ =	sdelay $0x4  }
0x456: {  	[tilespmem:v33+s19+$0x0] =	vst.idx.msk vm1, v3  }
0x457: {  	v33 =	vld [tilespmem:s2+$0xA0]  }
0x458: {  	v34 =	vld [tilespmem:$0x1FE20];
	_ =	sdelay $0x3  }
0x459: {  	v32 =	vimm.s32 $0x0;
	vm1 =	veq.s32 v33, $0x0  }
0x45a: {  	s13 =	simm.s32 $0x1F;
	v33 =	vadd.s32 v34, v32  }
.LBB2_92:
0x45b: {  	p0 =	sne.s32 s13, $0x1  }
.Ltmp45:
0x45c: {  	_ = 	snop;
	(pc) =	sbr.rel @p0 .LBB2_92-.Ltmp45, $3  }
0x45d: {  	_ =	sdelay $0x1  }
0x45e: {  	s13 =	sadd.s32 $0xFFFFFFFF, s13;
	[tilespmem:v33+s19+$0x0] =	vst.idx.msk vm1, v3;
	v32 =	vadd.s32 $0x1, v32  }
0x45f: {  	v33 =	vadd.s32 v34, v32  }
0x460: {  	_ =	sdelay $0x4  }
0x461: {  	[tilespmem:v33+s19+$0x0] =	vst.idx.msk vm1, v3  }
0x462: {  	v33 =	vld [tilespmem:s2+$0xB0]  }
0x463: {  	v34 =	vld [tilespmem:$0x1FE30];
	_ =	sdelay $0x3  }
0x464: {  	v32 =	vimm.s32 $0x0;
	vm1 =	veq.s32 v33, $0x0  }
0x465: {  	s13 =	simm.s32 $0x1F;
	v33 =	vadd.s32 v34, v32  }
.LBB2_94:
0x466: {  	p0 =	sne.s32 s13, $0x1  }
.Ltmp46:
0x467: {  	_ = 	snop;
	(pc) =	sbr.rel @p0 .LBB2_94-.Ltmp46, $3  }
0x468: {  	_ =	sdelay $0x1  }
0x469: {  	s13 =	sadd.s32 $0xFFFFFFFF, s13;
	[tilespmem:v33+s19+$0x0] =	vst.idx.msk vm1, v3;
	v32 =	vadd.s32 $0x1, v32  }
0x46a: {  	v33 =	vadd.s32 v34, v32  }
0x46b: {  	_ =	sdelay $0x4  }
0x46c: {  	[tilespmem:v33+s19+$0x0] =	vst.idx.msk vm1, v3  }
0x46d: {  	v33 =	vld [tilespmem:s2+$0xC0]  }
0x46e: {  	v34 =	vld [tilespmem:$0x1FE40];
	_ =	sdelay $0x3  }
0x46f: {  	v32 =	vimm.s32 $0x0;
	vm1 =	veq.s32 v33, $0x0  }
0x470: {  	s13 =	simm.s32 $0x1F;
	v33 =	vadd.s32 v34, v32  }
.LBB2_96:
0x471: {  	p0 =	sne.s32 s13, $0x1  }
.Ltmp47:
0x472: {  	_ = 	snop;
	(pc) =	sbr.rel @p0 .LBB2_96-.Ltmp47, $3  }
0x473: {  	_ =	sdelay $0x1  }
0x474: {  	s13 =	sadd.s32 $0xFFFFFFFF, s13;
	[tilespmem:v33+s19+$0x0] =	vst.idx.msk vm1, v3;
	v32 =	vadd.s32 $0x1, v32  }
0x475: {  	v33 =	vadd.s32 v34, v32  }
0x476: {  	_ =	sdelay $0x4  }
0x477: {  	[tilespmem:v33+s19+$0x0] =	vst.idx.msk vm1, v3  }
0x478: {  	v33 =	vld [tilespmem:s2+$0xD0]  }
0x479: {  	v34 =	vld [tilespmem:$0x1FE50];
	_ =	sdelay $0x3  }
0x47a: {  	v32 =	vimm.s32 $0x0;
	vm1 =	veq.s32 v33, $0x0  }
0x47b: {  	s13 =	simm.s32 $0x1F;
	v33 =	vadd.s32 v34, v32  }
.LBB2_98:
0x47c: {  	p0 =	sne.s32 s13, $0x1  }
.Ltmp48:
0x47d: {  	_ = 	snop;
	(pc) =	sbr.rel @p0 .LBB2_98-.Ltmp48, $3  }
0x47e: {  	_ =	sdelay $0x1  }
0x47f: {  	s13 =	sadd.s32 $0xFFFFFFFF, s13;
	[tilespmem:v33+s19+$0x0] =	vst.idx.msk vm1, v3;
	v32 =	vadd.s32 $0x1, v32  }
0x480: {  	v33 =	vadd.s32 v34, v32  }
0x481: {  	_ =	sdelay $0x4  }
0x482: {  	[tilespmem:v33+s19+$0x0] =	vst.idx.msk vm1, v3  }
0x483: {  	v33 =	vld [tilespmem:s2+$0xE0]  }
0x484: {  	v34 =	vld [tilespmem:$0x1FE60];
	_ =	sdelay $0x3  }
0x485: {  	v32 =	vimm.s32 $0x0;
	vm1 =	veq.s32 v33, $0x0  }
0x486: {  	s13 =	simm.s32 $0x1F;
	v33 =	vadd.s32 v34, v32  }
.LBB2_100:
0x487: {  	p0 =	sne.s32 s13, $0x1  }
.Ltmp49:
0x488: {  	_ = 	snop;
	(pc) =	sbr.rel @p0 .LBB2_100-.Ltmp49, $3  }
0x489: {  	_ =	sdelay $0x1  }
0x48a: {  	s13 =	sadd.s32 $0xFFFFFFFF, s13;
	[tilespmem:v33+s19+$0x0] =	vst.idx.msk vm1, v3;
	v32 =	vadd.s32 $0x1, v32  }
0x48b: {  	v33 =	vadd.s32 v34, v32  }
0x48c: {  	_ =	sdelay $0x4  }
0x48d: {  	[tilespmem:v33+s19+$0x0] =	vst.idx.msk vm1, v3  }
0x48e: {  	v33 =	vld [tilespmem:s2+$0xF0]  }
0x48f: {  	v34 =	vld [tilespmem:$0x1FE70];
	_ =	sdelay $0x3  }
0x490: {  	v32 =	vimm.s32 $0x0;
	vm1 =	veq.s32 v33, $0x0  }
0x491: {  	s13 =	simm.s32 $0x1F;
	v33 =	vadd.s32 v34, v32  }
.LBB2_102:
0x492: {  	p0 =	sne.s32 s13, $0x1  }
.Ltmp50:
0x493: {  	_ = 	snop;
	(pc) =	sbr.rel @p0 .LBB2_102-.Ltmp50, $3  }
0x494: {  	_ =	sdelay $0x1  }
0x495: {  	s13 =	sadd.s32 $0xFFFFFFFF, s13;
	[tilespmem:v33+s19+$0x0] =	vst.idx.msk vm1, v3;
	v32 =	vadd.s32 $0x1, v32  }
0x496: {  	v33 =	vadd.s32 v34, v32  }
0x497: {  	_ =	sdelay $0x4  }
0x498: {  	[tilespmem:v33+s19+$0x0] =	vst.idx.msk vm1, v3  }
0x499: {  	v33 =	vld [tilespmem:s2+$0x100]  }
0x49a: {  	v34 =	vld [tilespmem:$0x1FE80];
	_ =	sdelay $0x3  }
0x49b: {  	v32 =	vimm.s32 $0x0;
	vm1 =	veq.s32 v33, $0x0  }
0x49c: {  	s13 =	simm.s32 $0x1F;
	v33 =	vadd.s32 v34, v32  }
.LBB2_104:
0x49d: {  	p0 =	sne.s32 s13, $0x1  }
.Ltmp51:
0x49e: {  	_ = 	snop;
	(pc) =	sbr.rel @p0 .LBB2_104-.Ltmp51, $3  }
0x49f: {  	_ =	sdelay $0x1  }
0x4a0: {  	s13 =	sadd.s32 $0xFFFFFFFF, s13;
	[tilespmem:v33+s19+$0x0] =	vst.idx.msk vm1, v3;
	v32 =	vadd.s32 $0x1, v32  }
0x4a1: {  	v33 =	vadd.s32 v34, v32  }
0x4a2: {  	_ =	sdelay $0x4  }
0x4a3: {  	[tilespmem:v33+s19+$0x0] =	vst.idx.msk vm1, v3  }
0x4a4: {  	v33 =	vld [tilespmem:s2+$0x110]  }
0x4a5: {  	v34 =	vld [tilespmem:$0x1FE90];
	_ =	sdelay $0x3  }
0x4a6: {  	v32 =	vimm.s32 $0x0;
	vm1 =	veq.s32 v33, $0x0  }
0x4a7: {  	s13 =	simm.s32 $0x1F;
	v33 =	vadd.s32 v34, v32  }
.LBB2_106:
0x4a8: {  	p0 =	sne.s32 s13, $0x1  }
.Ltmp52:
0x4a9: {  	_ = 	snop;
	(pc) =	sbr.rel @p0 .LBB2_106-.Ltmp52, $3  }
0x4aa: {  	_ =	sdelay $0x1  }
0x4ab: {  	s13 =	sadd.s32 $0xFFFFFFFF, s13;
	[tilespmem:v33+s19+$0x0] =	vst.idx.msk vm1, v3;
	v32 =	vadd.s32 $0x1, v32  }
0x4ac: {  	v33 =	vadd.s32 v34, v32  }
0x4ad: {  	_ =	sdelay $0x4  }
0x4ae: {  	[tilespmem:v33+s19+$0x0] =	vst.idx.msk vm1, v3  }
0x4af: {  	v33 =	vld [tilespmem:s2+$0x120]  }
0x4b0: {  	v34 =	vld [tilespmem:$0x1FEA0];
	_ =	sdelay $0x3  }
0x4b1: {  	v32 =	vimm.s32 $0x0;
	vm1 =	veq.s32 v33, $0x0  }
0x4b2: {  	s13 =	simm.s32 $0x1F;
	v33 =	vadd.s32 v34, v32  }
.LBB2_108:
0x4b3: {  	p0 =	sne.s32 s13, $0x1  }
.Ltmp53:
0x4b4: {  	_ = 	snop;
	(pc) =	sbr.rel @p0 .LBB2_108-.Ltmp53, $3  }
0x4b5: {  	_ =	sdelay $0x1  }
0x4b6: {  	s13 =	sadd.s32 $0xFFFFFFFF, s13;
	[tilespmem:v33+s19+$0x0] =	vst.idx.msk vm1, v3;
	v32 =	vadd.s32 $0x1, v32  }
0x4b7: {  	v33 =	vadd.s32 v34, v32  }
0x4b8: {  	_ =	sdelay $0x4  }
0x4b9: {  	[tilespmem:v33+s19+$0x0] =	vst.idx.msk vm1, v3  }
0x4ba: {  	v33 =	vld [tilespmem:s2+$0x130]  }
0x4bb: {  	v34 =	vld [tilespmem:$0x1FEB0];
	_ =	sdelay $0x3  }
0x4bc: {  	v32 =	vimm.s32 $0x0;
	vm1 =	veq.s32 v33, $0x0  }
0x4bd: {  	s13 =	simm.s32 $0x1F;
	v33 =	vadd.s32 v34, v32  }
.LBB2_110:
0x4be: {  	p0 =	sne.s32 s13, $0x1  }
.Ltmp54:
0x4bf: {  	_ = 	snop;
	(pc) =	sbr.rel @p0 .LBB2_110-.Ltmp54, $3  }
0x4c0: {  	_ =	sdelay $0x1  }
0x4c1: {  	s13 =	sadd.s32 $0xFFFFFFFF, s13;
	[tilespmem:v33+s19+$0x0] =	vst.idx.msk vm1, v3;
	v32 =	vadd.s32 $0x1, v32  }
0x4c2: {  	v33 =	vadd.s32 v34, v32  }
0x4c3: {  	_ =	sdelay $0x4  }
0x4c4: {  	[tilespmem:v33+s19+$0x0] =	vst.idx.msk vm1, v3  }
0x4c5: {  	v33 =	vld [tilespmem:s2+$0x140]  }
0x4c6: {  	v34 =	vld [tilespmem:$0x1FEC0];
	_ =	sdelay $0x3  }
0x4c7: {  	v32 =	vimm.s32 $0x0;
	vm1 =	veq.s32 v33, $0x0  }
0x4c8: {  	s13 =	simm.s32 $0x1F;
	v33 =	vadd.s32 v34, v32  }
.LBB2_112:
0x4c9: {  	p0 =	sne.s32 s13, $0x1  }
.Ltmp55:
0x4ca: {  	_ = 	snop;
	(pc) =	sbr.rel @p0 .LBB2_112-.Ltmp55, $3  }
0x4cb: {  	_ =	sdelay $0x1  }
0x4cc: {  	s13 =	sadd.s32 $0xFFFFFFFF, s13;
	[tilespmem:v33+s19+$0x0] =	vst.idx.msk vm1, v3;
	v32 =	vadd.s32 $0x1, v32  }
0x4cd: {  	v33 =	vadd.s32 v34, v32  }
0x4ce: {  	_ =	sdelay $0x4  }
0x4cf: {  	[tilespmem:v33+s19+$0x0] =	vst.idx.msk vm1, v3  }
0x4d0: {  	v34 =	vld [tilespmem:s2+$0x150];
	_ =	sdelay $0x4  }
0x4d1: {  	v32 =	vimm.s32 $0x0;
	v33 =	vor.u32 $0x2A00, v35;
	vm1 =	veq.s32 v34, $0x0  }
0x4d2: {  	s13 =	simm.s32 $0x1F;
	v34 =	vadd.s32 v33, v32  }
.LBB2_114:
0x4d3: {  	p0 =	sne.s32 s13, $0x1  }
.Ltmp56:
0x4d4: {  	_ = 	snop;
	(pc) =	sbr.rel @p0 .LBB2_114-.Ltmp56, $3  }
0x4d5: {  	_ =	sdelay $0x1  }
0x4d6: {  	s13 =	sadd.s32 $0xFFFFFFFF, s13;
	[tilespmem:v34+s19+$0x0] =	vst.idx.msk vm1, v3;
	v32 =	vadd.s32 $0x1, v32  }
0x4d7: {  	v34 =	vadd.s32 v33, v32  }
0x4d8: {  	_ =	sdelay $0x4  }
0x4d9: {  	[tilespmem:v34+s19+$0x0] =	vst.idx.msk vm1, v3  }
0x4da: {  	v34 =	vld [tilespmem:s2+$0x160];
	_ =	sdelay $0x4  }
0x4db: {  	v32 =	vimm.s32 $0x0;
	v33 =	vor.u32 $0x2C00, v35;
	vm1 =	veq.s32 v34, $0x0  }
0x4dc: {  	s13 =	simm.s32 $0x1F;
	v34 =	vadd.s32 v33, v32  }
.LBB2_116:
0x4dd: {  	p0 =	sne.s32 s13, $0x1  }
.Ltmp57:
0x4de: {  	_ = 	snop;
	(pc) =	sbr.rel @p0 .LBB2_116-.Ltmp57, $3  }
0x4df: {  	_ =	sdelay $0x1  }
0x4e0: {  	s13 =	sadd.s32 $0xFFFFFFFF, s13;
	[tilespmem:v34+s19+$0x0] =	vst.idx.msk vm1, v3;
	v32 =	vadd.s32 $0x1, v32  }
0x4e1: {  	v34 =	vadd.s32 v33, v32  }
0x4e2: {  	_ =	sdelay $0x4  }
0x4e3: {  	[tilespmem:v34+s19+$0x0] =	vst.idx.msk vm1, v3  }
0x4e4: {  	v34 =	vld [tilespmem:s2+$0x170];
	_ =	sdelay $0x4  }
0x4e5: {  	v32 =	vimm.s32 $0x0;
	v33 =	vor.u32 $0x2E00, v35;
	vm1 =	veq.s32 v34, $0x0  }
0x4e6: {  	s13 =	simm.s32 $0x1F;
	v34 =	vadd.s32 v33, v32  }
.LBB2_118:
0x4e7: {  	p0 =	sne.s32 s13, $0x1  }
.Ltmp58:
0x4e8: {  	_ = 	snop;
	(pc) =	sbr.rel @p0 .LBB2_118-.Ltmp58, $3  }
0x4e9: {  	_ =	sdelay $0x1  }
0x4ea: {  	s13 =	sadd.s32 $0xFFFFFFFF, s13;
	[tilespmem:v34+s19+$0x0] =	vst.idx.msk vm1, v3;
	v32 =	vadd.s32 $0x1, v32  }
0x4eb: {  	v34 =	vadd.s32 v33, v32  }
0x4ec: {  	_ =	sdelay $0x4  }
0x4ed: {  	[tilespmem:v34+s19+$0x0] =	vst.idx.msk vm1, v3  }
0x4ee: {  	v34 =	vld [tilespmem:s2+$0x180];
	_ =	sdelay $0x4  }
0x4ef: {  	v32 =	vimm.s32 $0x0;
	v33 =	vor.u32 $0x3000, v35;
	vm1 =	veq.s32 v34, $0x0  }
0x4f0: {  	s13 =	simm.s32 $0x1F;
	v34 =	vadd.s32 v33, v32  }
.LBB2_120:
0x4f1: {  	p0 =	sne.s32 s13, $0x1  }
.Ltmp59:
0x4f2: {  	_ = 	snop;
	(pc) =	sbr.rel @p0 .LBB2_120-.Ltmp59, $3  }
0x4f3: {  	_ =	sdelay $0x1  }
0x4f4: {  	s13 =	sadd.s32 $0xFFFFFFFF, s13;
	[tilespmem:v34+s19+$0x0] =	vst.idx.msk vm1, v3;
	v32 =	vadd.s32 $0x1, v32  }
0x4f5: {  	v34 =	vadd.s32 v33, v32  }
0x4f6: {  	_ =	sdelay $0x4  }
0x4f7: {  	[tilespmem:v34+s19+$0x0] =	vst.idx.msk vm1, v3  }
0x4f8: {  	v34 =	vld [tilespmem:s2+$0x190];
	_ =	sdelay $0x4  }
0x4f9: {  	v32 =	vimm.s32 $0x0;
	v33 =	vor.u32 $0x3200, v35;
	vm1 =	veq.s32 v34, $0x0  }
0x4fa: {  	s13 =	simm.s32 $0x1F;
	v34 =	vadd.s32 v33, v32  }
.LBB2_122:
0x4fb: {  	p0 =	sne.s32 s13, $0x1  }
.Ltmp60:
0x4fc: {  	_ = 	snop;
	(pc) =	sbr.rel @p0 .LBB2_122-.Ltmp60, $3  }
0x4fd: {  	_ =	sdelay $0x1  }
0x4fe: {  	s13 =	sadd.s32 $0xFFFFFFFF, s13;
	[tilespmem:v34+s19+$0x0] =	vst.idx.msk vm1, v3;
	v32 =	vadd.s32 $0x1, v32  }
0x4ff: {  	v34 =	vadd.s32 v33, v32  }
0x500: {  	_ =	sdelay $0x4  }
0x501: {  	[tilespmem:v34+s19+$0x0] =	vst.idx.msk vm1, v3  }
0x502: {  	v34 =	vld [tilespmem:s2+$0x1A0];
	_ =	sdelay $0x4  }
0x503: {  	v32 =	vimm.s32 $0x0;
	v33 =	vor.u32 $0x3400, v35;
	vm1 =	veq.s32 v34, $0x0  }
0x504: {  	s13 =	simm.s32 $0x1F;
	v34 =	vadd.s32 v33, v32  }
.LBB2_124:
0x505: {  	p0 =	sne.s32 s13, $0x1  }
.Ltmp61:
0x506: {  	_ = 	snop;
	(pc) =	sbr.rel @p0 .LBB2_124-.Ltmp61, $3  }
0x507: {  	_ =	sdelay $0x1  }
0x508: {  	s13 =	sadd.s32 $0xFFFFFFFF, s13;
	[tilespmem:v34+s19+$0x0] =	vst.idx.msk vm1, v3;
	v32 =	vadd.s32 $0x1, v32  }
0x509: {  	v34 =	vadd.s32 v33, v32  }
0x50a: {  	_ =	sdelay $0x4  }
0x50b: {  	[tilespmem:v34+s19+$0x0] =	vst.idx.msk vm1, v3  }
0x50c: {  	v34 =	vld [tilespmem:s2+$0x1B0];
	_ =	sdelay $0x4  }
0x50d: {  	v32 =	vimm.s32 $0x0;
	v33 =	vor.u32 $0x3600, v35;
	vm1 =	veq.s32 v34, $0x0  }
0x50e: {  	s13 =	simm.s32 $0x1F;
	v34 =	vadd.s32 v33, v32  }
.LBB2_126:
0x50f: {  	p0 =	sne.s32 s13, $0x1  }
.Ltmp62:
0x510: {  	_ = 	snop;
	(pc) =	sbr.rel @p0 .LBB2_126-.Ltmp62, $3  }
0x511: {  	_ =	sdelay $0x1  }
0x512: {  	s13 =	sadd.s32 $0xFFFFFFFF, s13;
	[tilespmem:v34+s19+$0x0] =	vst.idx.msk vm1, v3;
	v32 =	vadd.s32 $0x1, v32  }
0x513: {  	v34 =	vadd.s32 v33, v32  }
0x514: {  	_ =	sdelay $0x4  }
0x515: {  	[tilespmem:v34+s19+$0x0] =	vst.idx.msk vm1, v3  }
0x516: {  	v34 =	vld [tilespmem:s2+$0x1C0];
	_ =	sdelay $0x4  }
0x517: {  	v32 =	vimm.s32 $0x0;
	v33 =	vor.u32 $0x3800, v35;
	vm1 =	veq.s32 v34, $0x0  }
0x518: {  	s13 =	simm.s32 $0x1F;
	v34 =	vadd.s32 v33, v32  }
.LBB2_128:
0x519: {  	p0 =	sne.s32 s13, $0x1  }
.Ltmp63:
0x51a: {  	_ = 	snop;
	(pc) =	sbr.rel @p0 .LBB2_128-.Ltmp63, $3  }
0x51b: {  	_ =	sdelay $0x1  }
0x51c: {  	s13 =	sadd.s32 $0xFFFFFFFF, s13;
	[tilespmem:v34+s19+$0x0] =	vst.idx.msk vm1, v3;
	v32 =	vadd.s32 $0x1, v32  }
0x51d: {  	v34 =	vadd.s32 v33, v32  }
0x51e: {  	_ =	sdelay $0x4  }
0x51f: {  	[tilespmem:v34+s19+$0x0] =	vst.idx.msk vm1, v3  }
0x520: {  	v34 =	vld [tilespmem:s2+$0x1D0];
	_ =	sdelay $0x4  }
0x521: {  	v32 =	vimm.s32 $0x0;
	v33 =	vor.u32 $0x3A00, v35;
	vm1 =	veq.s32 v34, $0x0  }
0x522: {  	s13 =	simm.s32 $0x1F;
	v34 =	vadd.s32 v33, v32  }
.LBB2_130:
0x523: {  	p0 =	sne.s32 s13, $0x1  }
.Ltmp64:
0x524: {  	_ = 	snop;
	(pc) =	sbr.rel @p0 .LBB2_130-.Ltmp64, $3  }
0x525: {  	_ =	sdelay $0x1  }
0x526: {  	s13 =	sadd.s32 $0xFFFFFFFF, s13;
	[tilespmem:v34+s19+$0x0] =	vst.idx.msk vm1, v3;
	v32 =	vadd.s32 $0x1, v32  }
0x527: {  	v34 =	vadd.s32 v33, v32  }
0x528: {  	_ =	sdelay $0x4  }
0x529: {  	[tilespmem:v34+s19+$0x0] =	vst.idx.msk vm1, v3  }
0x52a: {  	v34 =	vld [tilespmem:s2+$0x1E0];
	_ =	sdelay $0x4  }
0x52b: {  	v32 =	vimm.s32 $0x0;
	v33 =	vor.u32 $0x3C00, v35;
	vm1 =	veq.s32 v34, $0x0  }
0x52c: {  	s13 =	simm.s32 $0x1F;
	v34 =	vadd.s32 v33, v32  }
.LBB2_132:
0x52d: {  	p0 =	sne.s32 s13, $0x1  }
.Ltmp65:
0x52e: {  	_ = 	snop;
	(pc) =	sbr.rel @p0 .LBB2_132-.Ltmp65, $3  }
0x52f: {  	_ =	sdelay $0x1  }
0x530: {  	s13 =	sadd.s32 $0xFFFFFFFF, s13;
	[tilespmem:v34+s19+$0x0] =	vst.idx.msk vm1, v3;
	v32 =	vadd.s32 $0x1, v32  }
0x531: {  	v34 =	vadd.s32 v33, v32  }
0x532: {  	_ =	sdelay $0x4  }
0x533: {  	[tilespmem:v34+s19+$0x0] =	vst.idx.msk vm1, v3  }
0x534: {  	v34 =	vld [tilespmem:s2+$0x1F0];
	_ =	sdelay $0x4  }
0x535: {  	v32 =	vimm.s32 $0x0;
	v33 =	vor.u32 $0x3E00, v35;
	vm1 =	veq.s32 v34, $0x0  }
0x536: {  	s2 =	simm.s32 $0x1F;
	v34 =	vadd.s32 v33, v32  }
.LBB2_134:
0x537: {  	p0 =	sne.s32 s2, $0x1  }
.Ltmp66:
0x538: {  	_ = 	snop;
	(pc) =	sbr.rel @p0 .LBB2_134-.Ltmp66, $3  }
0x539: {  	_ =	sdelay $0x1  }
0x53a: {  	s2 =	sadd.s32 $0xFFFFFFFF, s2;
	[tilespmem:v34+s19+$0x0] =	vst.idx.msk vm1, v3;
	v32 =	vadd.s32 $0x1, v32  }
0x53b: {  	v34 =	vadd.s32 v33, v32  }
0x53c: {  	_ =	sdelay $0x4  }
0x53d: {  	[tilespmem:v34+s19+$0x0] =	vst.idx.msk vm1, v3  }
.LBB2_136:
0x53e: {  	_ =	swait.ge [sflag:s25], $0x4000;
	p0 =	seq.s32 s30, $0x18  }
0x53f: {  	[sflag:s25] =	ssyncset.done $0x0;
	s2 =	sadd.s32 @!p0 $0x400, s31  }
0x540: {  	s13 =	simm.s32 @!p0 $0x80;
	s14 =	simm.s32 @!p0 $0x6400;
	[sflag:s25] =	ssyncadd.s32 $0xFFFFC000  }
0x541: {  	v33 =	vlaneseq.u32;
	[tilespmem:s14], [sflag:$0x1] =	stream.indirect.gather @!p0 [hbm4b:s4+s13], $0x20, s2, s13, $0xb8;
	[tilespmem:$0x16400] =	vst v63  }
0x542: {  	v34 =	vlaneseq.u32;
	v32 =	vshll.u32 v33, $0x5;
	s2 =	sadd.s32 @!p0 $0x480, s31;
	s14 =	simm.s32 @!p0 $0x7400  }
0x543: {  	v54 =	vld [tilespmem:$0x1F970];
	v34 =	vor.u32 v34, v32;
	[tilespmem:s14], [sflag:$0x1] =	stream.indirect.gather @!p0 [hbm4b:s4+s13], $0x20, s2, s13, $0xb8  }
0x544: {  	v25 =	vld [tilespmem:$0x1FBD0];
	s2 =	sadd.s32 @!p0 $0x500, s31;
	s14 =	simm.s32 @!p0 $0x8400  }
0x545: {  	[tilespmem:s14], [sflag:$0x1] =	stream.indirect.gather @!p0 [hbm4b:s4+s13], $0x20, s2, s13, $0xb8;
	[tilespmem:$0x16400] =	vst v63  }
0x546: {  	s2 =	sadd.s32 @!p0 $0x580, s31;
	s14 =	simm.s32 @!p0 $0x9400  }
0x547: {  	[tilespmem:s14], [sflag:$0x1] =	stream.indirect.gather @!p0 [hbm4b:s4+s13], $0x20, s2, s13, $0xb8;
	[tilespmem:$0x16400] =	vst v63  }
0x548: {  	v35 =	vadd.s32 v54, v33;
	v34 =	vld.idx.msk [tilespmem:v34+s19+$0x0], $0xffff  }
0x549: {  	v37 =	vld [tilespmem:$0x1FBE0];
	v39 =	vor.u32 v25, v32  }
0x54a: {  	v40 =	vld [tilespmem:$0x1FBF0];
	_ =	sdelay $0x2  }
0x54b: {  	[tilespmem:v35+s26+$0x0] =	vst.idx.msk $0xffff, v34  }
0x54c: {  	v59 =	vadd.s32 v37, v33;
	v34 =	vld.idx.msk [tilespmem:v39+s19+$0x0], $0xffff  }
0x54d: {  	v43 =	vld [tilespmem:$0x1FC00];
	v60 =	vor.u32 v40, v32  }
0x54e: {  	v46 =	vld [tilespmem:$0x1FC10];
	_ =	sdelay $0x2  }
0x54f: {  	[tilespmem:v59+s26+$0x0] =	vst.idx.msk $0xffff, v34  }
0x550: {  	v61 =	vadd.s32 v43, v33;
	v34 =	vld.idx.msk [tilespmem:v60+s19+$0x0], $0xffff  }
0x551: {  	v48 =	vld [tilespmem:$0x1FC20];
	v62 =	vor.u32 v46, v32  }
0x552: {  	v50 =	vld [tilespmem:$0x1F980];
	_ =	sdelay $0x2  }
0x553: {  	[tilespmem:v61+s26+$0x0] =	vst.idx.msk $0xffff, v34  }
0x554: {  	v63 =	vadd.s32 v48, v33;
	v34 =	vld.idx.msk [tilespmem:v62+s19+$0x0], $0xffff  }
0x555: {  	v52 =	vld [tilespmem:$0x1F990];
	v42 =	vor.u32 v50, v32  }
0x556: {  	v23 =	vld [tilespmem:$0x1F9A0];
	_ =	sdelay $0x2  }
0x557: {  	[tilespmem:v63+s26+$0x0] =	vst.idx.msk $0xffff, v34  }
0x558: {  	v44 =	vadd.s32 v52, v33;
	v34 =	vld.idx.msk [tilespmem:v42+s19+$0x0], $0xffff  }
0x559: {  	v56 =	vld [tilespmem:$0x1F9B0];
	v45 =	vor.u32 v23, v32  }
0x55a: {  	v2 =	vld [tilespmem:$0x1F9C0];
	_ =	sdelay $0x2  }
0x55b: {  	[tilespmem:v44+s26+$0x0] =	vst.idx.msk $0xffff, v34  }
0x55c: {  	v47 =	vadd.s32 v56, v33;
	v34 =	vld.idx.msk [tilespmem:v45+s19+$0x0], $0xffff  }
0x55d: {  	v58 =	vld [tilespmem:$0x1F9D0];
	v49 =	vor.u32 v2, v32  }
0x55e: {  	v26 =	vld [tilespmem:$0x1F9E0];
	_ =	sdelay $0x2  }
0x55f: {  	[tilespmem:v47+s26+$0x0] =	vst.idx.msk $0xffff, v34  }
0x560: {  	v51 =	vadd.s32 v58, v33;
	v34 =	vld.idx.msk [tilespmem:v49+s19+$0x0], $0xffff  }
0x561: {  	v38 =	vld [tilespmem:$0x1F9F0];
	v53 =	vor.u32 v26, v32  }
0x562: {  	v0 =	vld [tilespmem:$0x1FA00];
	_ =	sdelay $0x2  }
0x563: {  	v1 =	vld [tilespmem:$0x1FA40];
	[tilespmem:v51+s26+$0x0] =	vst.idx.msk $0xffff, v34  }
0x564: {  	v55 =	vadd.s32 v38, v33;
	v34 =	vld.idx.msk [tilespmem:v53+s19+$0x0], $0xffff  }
0x565: {  	v41 =	vld [tilespmem:$0x1FA10];
	v57 =	vor.u32 v0, v32  }
0x566: {  	v4 =	vld [tilespmem:$0x1FA20];
	_ =	sdelay $0x2  }
0x567: {  	v62 =	vor.u32 v1, v32;
	v1 =	vld [tilespmem:$0x1FA50];
	[tilespmem:v55+s26+$0x0] =	vst.idx.msk $0xffff, v34  }
0x568: {  	v59 =	vadd.s32 v41, v33;
	v34 =	vld.idx.msk [tilespmem:v57+s19+$0x0], $0xffff  }
0x569: {  	v60 =	vor.u32 v4, v32;
	v44 =	vld [tilespmem:$0x1FA30];
	_ =	sdelay $0x2  }
0x56a: {  	v63 =	vadd.s32 v1, v33;
	v1 =	vld [tilespmem:$0x1FA60]  }
0x56b: {  	[tilespmem:v59+s26+$0x0] =	vst.idx.msk $0xffff, v34  }
0x56c: {  	v61 =	vadd.s32 v44, v33;
	v34 =	vld.idx.msk [tilespmem:v60+s19+$0x0], $0xffff;
	_ =	sdelay $0x2  }
0x56d: {  	v42 =	vor.u32 v1, v32;
	v1 =	vld [tilespmem:$0x1FA70];
	_ =	sdelay $0x1  }
0x56e: {  	[tilespmem:v61+s26+$0x0] =	vst.idx.msk $0xffff, v34  }
0x56f: {  	v34 =	vld.idx.msk [tilespmem:v62+s19+$0x0], $0xffff;
	_ =	sdelay $0x1  }
0x570: {  	v45 =	vadd.s32 v1, v33;
	v1 =	vld [tilespmem:$0x1FA80];
	_ =	sdelay $0x2  }
0x571: {  	[tilespmem:v63+s26+$0x0] =	vst.idx.msk $0xffff, v34  }
0x572: {  	v34 =	vld.idx.msk [tilespmem:v42+s19+$0x0], $0xffff  }
0x573: {  	v11 =	vld [tilespmem:$0x1FA90];
	v47 =	vor.u32 v1, v32  }
0x574: {  	v12 =	vld [tilespmem:$0x1FAA0];
	_ =	sdelay $0x2  }
0x575: {  	[tilespmem:v45+s26+$0x0] =	vst.idx.msk $0xffff, v34  }
0x576: {  	v49 =	vadd.s32 v11, v33;
	v34 =	vld.idx.msk [tilespmem:v47+s19+$0x0], $0xffff  }
0x577: {  	v15 =	vld [tilespmem:$0x1FAB0];
	v51 =	vor.u32 v12, v32  }
0x578: {  	v17 =	vld [tilespmem:$0x1FAC0];
	_ =	sdelay $0x2  }
0x579: {  	[tilespmem:v49+s26+$0x0] =	vst.idx.msk $0xffff, v34  }
0x57a: {  	v53 =	vadd.s32 v15, v33;
	v34 =	vld.idx.msk [tilespmem:v51+s19+$0x0], $0xffff  }
0x57b: {  	v22 =	vld [tilespmem:$0x1FAD0];
	v55 =	vor.u32 v17, v32  }
0x57c: {  	v24 =	vld [tilespmem:$0x1FAE0];
	_ =	sdelay $0x2  }
0x57d: {  	[tilespmem:v53+s26+$0x0] =	vst.idx.msk $0xffff, v34  }
0x57e: {  	v57 =	vadd.s32 v22, v33;
	v34 =	vld.idx.msk [tilespmem:v55+s19+$0x0], $0xffff  }
0x57f: {  	v13 =	vld [tilespmem:$0x1FAF0];
	v59 =	vor.u32 v24, v32  }
0x580: {  	v18 =	vld [tilespmem:$0x1FB00];
	_ =	sdelay $0x2  }
0x581: {  	[tilespmem:v57+s26+$0x0] =	vst.idx.msk $0xffff, v34  }
0x582: {  	v60 =	vadd.s32 v13, v33;
	v34 =	vld.idx.msk [tilespmem:v59+s19+$0x0], $0xffff  }
0x583: {  	v19 =	vld [tilespmem:$0x1FB10];
	v61 =	vor.u32 v18, v32  }
0x584: {  	v20 =	vld [tilespmem:$0x1FB20];
	_ =	sdelay $0x2  }
0x585: {  	v1 =	vld [tilespmem:$0x1FF10];
	[tilespmem:v60+s26+$0x0] =	vst.idx.msk $0xffff, v34  }
0x586: {  	v62 =	vadd.s32 v19, v33;
	v34 =	vld.idx.msk [tilespmem:v61+s19+$0x0], $0xffff  }
0x587: {  	v21 =	vld [tilespmem:$0x1FB30];
	v63 =	vor.u32 v20, v32  }
0x588: {  	v14 =	vld [tilespmem:$0x1FB40];
	_ =	sdelay $0x2  }
0x589: {  	v5 =	vmov v1;
	v47 =	vadd.s32 v1, v33;
	v1 =	vld [tilespmem:$0x1FF20];
	[tilespmem:v62+s26+$0x0] =	vst.idx.msk $0xffff, v34  }
0x58a: {  	v42 =	vadd.s32 v21, v33;
	v34 =	vld.idx.msk [tilespmem:v63+s19+$0x0], $0xffff  }
0x58b: {  	v45 =	vor.u32 v14, v32  }
0x58c: {  	v16 =	vld [tilespmem:$0x1FB50];
	_ =	sdelay $0x1  }
0x58d: {  	v6 =	vmov v1;
	v51 =	vadd.s32 v1, v33;
	v1 =	vld [tilespmem:$0x1FF30]  }
0x58e: {  	[tilespmem:v42+s26+$0x0] =	vst.idx.msk $0xffff, v34  }
0x58f: {  	v34 =	vld.idx.msk [tilespmem:v45+s19+$0x0], $0xffff  }
0x590: {  	v49 =	vor.u32 v16, v32;
	_ =	sdelay $0x1  }
0x591: {  	v7 =	vmov v1;
	v53 =	vor.u32 v1, v32;
	v1 =	vld [tilespmem:$0x1FF40];
	_ =	sdelay $0x1  }
0x592: {  	[tilespmem:v47+s26+$0x0] =	vst.idx.msk $0xffff, v34  }
0x593: {  	v34 =	vld.idx.msk [tilespmem:v49+s19+$0x0], $0xffff;
	_ =	sdelay $0x1  }
0x594: {  	v8 =	vmov v1;
	v55 =	vadd.s32 v1, v33;
	v1 =	vld [tilespmem:$0x1FB60];
	_ =	sdelay $0x2  }
0x595: {  	[tilespmem:v51+s26+$0x0] =	vst.idx.msk $0xffff, v34  }
0x596: {  	v34 =	vld.idx.msk [tilespmem:v53+s19+$0x0], $0xffff  }
0x597: {  	v10 =	vld [tilespmem:$0x1FF50];
	v57 =	vor.u32 v1, v32  }
0x598: {  	v51 =	vld [tilespmem:$0x1FB70];
	_ =	sdelay $0x2  }
0x599: {  	[tilespmem:v55+s26+$0x0] =	vst.idx.msk $0xffff, v34  }
0x59a: {  	v59 =	vadd.s32 v10, v33;
	v34 =	vld.idx.msk [tilespmem:v57+s19+$0x0], $0xffff  }
0x59b: {  	v28 =	vld [tilespmem:$0x1FF60];
	v60 =	vor.u32 v51, v32  }
0x59c: {  	v53 =	vld [tilespmem:$0x1FB80];
	_ =	sdelay $0x2  }
0x59d: {  	[tilespmem:v59+s26+$0x0] =	vst.idx.msk $0xffff, v34  }
0x59e: {  	v61 =	vadd.s32 v28, v33;
	v34 =	vld.idx.msk [tilespmem:v60+s19+$0x0], $0xffff  }
0x59f: {  	v9 =	vmov v10;
	v10 =	vmov v28;
	v28 =	vld [tilespmem:$0x1FF70];
	v62 =	vor.u32 v53, v32  }
0x5a0: {  	v55 =	vld [tilespmem:$0x1FB90];
	_ =	sdelay $0x2  }
0x5a1: {  	[tilespmem:v61+s26+$0x0] =	vst.idx.msk $0xffff, v34  }
0x5a2: {  	v63 =	vadd.s32 v28, v33;
	v34 =	vld.idx.msk [tilespmem:v62+s19+$0x0], $0xffff  }
0x5a3: {  	v42 =	vor.u32 v55, v32;
	v61 =	vmov v28;
	v28 =	vld [tilespmem:$0x1FF80]  }
0x5a4: {  	v57 =	vld [tilespmem:$0x1FBA0];
	_ =	sdelay $0x2  }
0x5a5: {  	[tilespmem:v63+s26+$0x0] =	vst.idx.msk $0xffff, v34  }
0x5a6: {  	v45 =	vadd.s32 v28, v33;
	v34 =	vld.idx.msk [tilespmem:v42+s19+$0x0], $0xffff  }
0x5a7: {  	v47 =	vor.u32 v57, v32;
	v62 =	vmov v28;
	v28 =	vld [tilespmem:$0x1FF90]  }
0x5a8: {  	v59 =	vld [tilespmem:$0x1FBB0];
	_ =	sdelay $0x2  }
0x5a9: {  	[tilespmem:v45+s26+$0x0] =	vst.idx.msk $0xffff, v34  }
0x5aa: {  	v49 =	vadd.s32 v28, v33;
	v34 =	vld.idx.msk [tilespmem:v47+s19+$0x0], $0xffff  }
0x5ab: {  	v60 =	vor.u32 v59, v32;
	_ =	sdelay $0x3  }
0x5ac: {  	v42 =	vld [tilespmem:$0x1FFA0];
	[tilespmem:v49+s26+$0x0] =	vst.idx.msk $0xffff, v34  }
0x5ad: {  	v34 =	vld.idx.msk [tilespmem:v60+s19+$0x0], $0xffff  }
0x5ae: {  	v60 =	vld [tilespmem:$0x1FBC0];
	_ =	sdelay $0x3  }
0x5af: {  	v35 =	vadd.s32 v42, v33  }
0x5b0: {  	v47 =	vld [tilespmem:$0x1FFB0];
	v45 =	vor.u32 v60, v32  }
0x5b1: {  	v27 =	vld [tilespmem:$0x1FED0];
	_ =	sdelay $0x2  }
0x5b2: {  	[tilespmem:v35+s26+$0x0] =	vst.idx.msk $0xffff, v34  }
0x5b3: {  	v35 =	vadd.s32 v47, v33;
	v34 =	vld.idx.msk [tilespmem:v45+s19+$0x0], $0xffff  }
0x5b4: {  	v39 =	vld [tilespmem:$0x1FFC0];
	v49 =	vor.u32 v27, v32  }
0x5b5: {  	v30 =	vld [tilespmem:$0x1FEE0];
	_ =	sdelay $0x2  }
0x5b6: {  	[tilespmem:v35+s26+$0x0] =	vst.idx.msk $0xffff, v34  }
0x5b7: {  	v35 =	vadd.s32 v39, v33;
	v34 =	vld.idx.msk [tilespmem:v49+s19+$0x0], $0xffff  }
0x5b8: {  	v63 =	vmovc v28;
	v28 =	vmov v42;
	v42 =	vor.u32 v30, v32;
	v29 =	vmov v47;
	v47 =	vld [tilespmem:$0x1FFD0]  }
0x5b9: {  	v31 =	vld [tilespmem:$0x1FEF0];
	_ =	sdelay $0x2  }
0x5ba: {  	[tilespmem:v35+s26+$0x0] =	vst.idx.msk $0xffff, v34  }
0x5bb: {  	v35 =	vadd.s32 v47, v33;
	v34 =	vld.idx.msk [tilespmem:v42+s19+$0x0], $0xffff  }
0x5bc: {  	v1 =	vmov v27;
	v27 =	vmov v39;
	v39 =	vld [tilespmem:$0x1FFE0];
	v49 =	vor.u32 v31, v32  }
0x5bd: {  	v42 =	vld [tilespmem:$0x1FF00];
	_ =	sdelay $0x2  }
0x5be: {  	[tilespmem:v35+s26+$0x0] =	vst.idx.msk $0xffff, v34  }
0x5bf: {  	v45 =	vmov v30;
	v35 =	vadd.s32 v39, v33;
	v34 =	vld.idx.msk [tilespmem:v49+s19+$0x0], $0xffff  }
0x5c0: {  	v30 =	vmovc v47;
	v47 =	vmovc v31;
	v31 =	vmov v39;
	v39 =	vor.u32 v42, v32;
	v49 =	vmov v42;
	v42 =	vld [tilespmem:$0x1FFF0];
	_ =	sdelay $0x3  }
0x5c1: {  	v32 =	vadd.s32 $0x10, v33;
	[tilespmem:v35+s26+$0x0] =	vst.idx.msk $0xffff, v34  }
0x5c2: {  	s2 =	simm.s32 $0x1E;
	v34 =	vshll.u32 v32, $0x5;
	v36 =	vmovc v42;
	v35 =	vld.idx.msk [tilespmem:v39+s19+$0x0], $0xffff;
	v39 =	vadd.s32 v42, v33;
	v33 =	vmov v32  }
.LBB2_137:
0x5c3: {  	v42 =	vlaneseq.u32  }
0x5c4: {  	v42 =	vor.u32 v42, v34;
	_ =	sdelay $0x3  }
0x5c5: {  	[tilespmem:v39+s26+$0x0] =	vst.idx.msk $0xffff, v35  }
0x5c6: {  	v39 =	vadd.s32 v54, v32;
	v35 =	vld.idx.msk [tilespmem:v42+s19+$0x0], $0xffff  }
0x5c7: {  	v42 =	vor.u32 v25, v34;
	_ =	sdelay $0x3  }
0x5c8: {  	[tilespmem:v39+s26+$0x0] =	vst.idx.msk $0xffff, v35  }
0x5c9: {  	v39 =	vadd.s32 v37, v32;
	v35 =	vld.idx.msk [tilespmem:v42+s19+$0x0], $0xffff  }
0x5ca: {  	v42 =	vor.u32 v40, v34;
	_ =	sdelay $0x3  }
0x5cb: {  	[tilespmem:v39+s26+$0x0] =	vst.idx.msk $0xffff, v35  }
0x5cc: {  	v39 =	vadd.s32 v43, v32;
	v35 =	vld.idx.msk [tilespmem:v42+s19+$0x0], $0xffff  }
0x5cd: {  	v42 =	vor.u32 v46, v34;
	_ =	sdelay $0x3  }
0x5ce: {  	[tilespmem:v39+s26+$0x0] =	vst.idx.msk $0xffff, v35  }
0x5cf: {  	v39 =	vadd.s32 v48, v32;
	v35 =	vld.idx.msk [tilespmem:v42+s19+$0x0], $0xffff  }
0x5d0: {  	v42 =	vor.u32 v50, v34;
	_ =	sdelay $0x3  }
0x5d1: {  	[tilespmem:v39+s26+$0x0] =	vst.idx.msk $0xffff, v35  }
0x5d2: {  	v39 =	vadd.s32 v52, v32;
	v35 =	vld.idx.msk [tilespmem:v42+s19+$0x0], $0xffff  }
0x5d3: {  	v42 =	vor.u32 v23, v34;
	_ =	sdelay $0x3  }
0x5d4: {  	[tilespmem:v39+s26+$0x0] =	vst.idx.msk $0xffff, v35  }
0x5d5: {  	v39 =	vadd.s32 v56, v32;
	v35 =	vld.idx.msk [tilespmem:v42+s19+$0x0], $0xffff  }
0x5d6: {  	v42 =	vor.u32 v2, v34;
	_ =	sdelay $0x3  }
0x5d7: {  	[tilespmem:v39+s26+$0x0] =	vst.idx.msk $0xffff, v35  }
0x5d8: {  	v39 =	vadd.s32 v58, v32;
	v35 =	vld.idx.msk [tilespmem:v42+s19+$0x0], $0xffff  }
0x5d9: {  	v42 =	vor.u32 v26, v34;
	_ =	sdelay $0x3  }
0x5da: {  	[tilespmem:v39+s26+$0x0] =	vst.idx.msk $0xffff, v35  }
0x5db: {  	v39 =	vadd.s32 v38, v32;
	v35 =	vld.idx.msk [tilespmem:v42+s19+$0x0], $0xffff  }
0x5dc: {  	v42 =	vor.u32 v0, v34;
	_ =	sdelay $0x3  }
0x5dd: {  	[tilespmem:v39+s26+$0x0] =	vst.idx.msk $0xffff, v35  }
0x5de: {  	v39 =	vadd.s32 v41, v32;
	v35 =	vld.idx.msk [tilespmem:v42+s19+$0x0], $0xffff  }
0x5df: {  	v42 =	vor.u32 v4, v34;
	_ =	sdelay $0x3  }
0x5e0: {  	[tilespmem:v39+s26+$0x0] =	vst.idx.msk $0xffff, v35  }
0x5e1: {  	v35 =	vld.idx.msk [tilespmem:v42+s19+$0x0], $0xffff  }
0x5e2: {  	v42 =	vld [tilespmem:$0x1FA40];
	_ =	sdelay $0x3  }
0x5e3: {  	v39 =	vadd.s32 v44, v32  }
0x5e4: {  	v42 =	vor.u32 v42, v34;
	_ =	sdelay $0x3  }
0x5e5: {  	[tilespmem:v39+s26+$0x0] =	vst.idx.msk $0xffff, v35  }
0x5e6: {  	v35 =	vld.idx.msk [tilespmem:v42+s19+$0x0], $0xffff  }
0x5e7: {  	v42 =	vld [tilespmem:$0x1FA50];
	_ =	sdelay $0x4  }
0x5e8: {  	v39 =	vadd.s32 v42, v32;
	v42 =	vld [tilespmem:$0x1FA60];
	_ =	sdelay $0x4  }
0x5e9: {  	v42 =	vor.u32 v42, v34;
	_ =	sdelay $0x3  }
0x5ea: {  	[tilespmem:v39+s26+$0x0] =	vst.idx.msk $0xffff, v35  }
0x5eb: {  	v35 =	vld.idx.msk [tilespmem:v42+s19+$0x0], $0xffff  }
0x5ec: {  	v42 =	vld [tilespmem:$0x1FA70];
	_ =	sdelay $0x4  }
0x5ed: {  	v39 =	vadd.s32 v42, v32;
	v42 =	vld [tilespmem:$0x1FA80];
	_ =	sdelay $0x4  }
0x5ee: {  	v42 =	vor.u32 v42, v34;
	_ =	sdelay $0x3  }
0x5ef: {  	[tilespmem:v39+s26+$0x0] =	vst.idx.msk $0xffff, v35  }
0x5f0: {  	v39 =	vadd.s32 v11, v32;
	v35 =	vld.idx.msk [tilespmem:v42+s19+$0x0], $0xffff  }
0x5f1: {  	v42 =	vor.u32 v12, v34;
	_ =	sdelay $0x3  }
0x5f2: {  	[tilespmem:v39+s26+$0x0] =	vst.idx.msk $0xffff, v35  }
0x5f3: {  	v39 =	vadd.s32 v15, v32;
	v35 =	vld.idx.msk [tilespmem:v42+s19+$0x0], $0xffff  }
0x5f4: {  	v42 =	vor.u32 v17, v34;
	_ =	sdelay $0x3  }
0x5f5: {  	[tilespmem:v39+s26+$0x0] =	vst.idx.msk $0xffff, v35  }
0x5f6: {  	v39 =	vadd.s32 v22, v32;
	v35 =	vld.idx.msk [tilespmem:v42+s19+$0x0], $0xffff  }
0x5f7: {  	v42 =	vor.u32 v24, v34;
	_ =	sdelay $0x3  }
0x5f8: {  	[tilespmem:v39+s26+$0x0] =	vst.idx.msk $0xffff, v35  }
0x5f9: {  	v39 =	vadd.s32 v13, v32;
	v35 =	vld.idx.msk [tilespmem:v42+s19+$0x0], $0xffff  }
0x5fa: {  	v42 =	vor.u32 v18, v34;
	_ =	sdelay $0x3  }
0x5fb: {  	[tilespmem:v39+s26+$0x0] =	vst.idx.msk $0xffff, v35  }
0x5fc: {  	v39 =	vadd.s32 v19, v32;
	v35 =	vld.idx.msk [tilespmem:v42+s19+$0x0], $0xffff  }
0x5fd: {  	v42 =	vor.u32 v20, v34;
	_ =	sdelay $0x3  }
0x5fe: {  	[tilespmem:v39+s26+$0x0] =	vst.idx.msk $0xffff, v35  }
0x5ff: {  	v39 =	vadd.s32 v21, v32;
	v35 =	vld.idx.msk [tilespmem:v42+s19+$0x0], $0xffff  }
0x600: {  	v42 =	vor.u32 v14, v34;
	_ =	sdelay $0x3  }
0x601: {  	[tilespmem:v39+s26+$0x0] =	vst.idx.msk $0xffff, v35  }
0x602: {  	v39 =	vadd.s32 v5, v32;
	v35 =	vld.idx.msk [tilespmem:v42+s19+$0x0], $0xffff  }
0x603: {  	v42 =	vor.u32 v16, v34;
	_ =	sdelay $0x3  }
0x604: {  	[tilespmem:v39+s26+$0x0] =	vst.idx.msk $0xffff, v35  }
0x605: {  	v39 =	vadd.s32 v6, v32;
	v35 =	vld.idx.msk [tilespmem:v42+s19+$0x0], $0xffff  }
0x606: {  	v42 =	vor.u32 v7, v34;
	_ =	sdelay $0x3  }
0x607: {  	[tilespmem:v39+s26+$0x0] =	vst.idx.msk $0xffff, v35  }
0x608: {  	v35 =	vld.idx.msk [tilespmem:v42+s19+$0x0], $0xffff  }
0x609: {  	v42 =	vld [tilespmem:$0x1FB60];
	_ =	sdelay $0x3  }
0x60a: {  	v39 =	vadd.s32 v8, v32  }
0x60b: {  	v42 =	vor.u32 v42, v34;
	_ =	sdelay $0x3  }
0x60c: {  	[tilespmem:v39+s26+$0x0] =	vst.idx.msk $0xffff, v35  }
0x60d: {  	v39 =	vadd.s32 v9, v32;
	v35 =	vld.idx.msk [tilespmem:v42+s19+$0x0], $0xffff  }
0x60e: {  	v42 =	vor.u32 v51, v34;
	_ =	sdelay $0x3  }
0x60f: {  	[tilespmem:v39+s26+$0x0] =	vst.idx.msk $0xffff, v35  }
0x610: {  	v39 =	vadd.s32 v10, v32;
	v35 =	vld.idx.msk [tilespmem:v42+s19+$0x0], $0xffff  }
0x611: {  	v42 =	vor.u32 v53, v34;
	_ =	sdelay $0x3  }
0x612: {  	[tilespmem:v39+s26+$0x0] =	vst.idx.msk $0xffff, v35  }
0x613: {  	v39 =	vadd.s32 v61, v32;
	v35 =	vld.idx.msk [tilespmem:v42+s19+$0x0], $0xffff  }
0x614: {  	v42 =	vor.u32 v55, v34;
	_ =	sdelay $0x3  }
0x615: {  	[tilespmem:v39+s26+$0x0] =	vst.idx.msk $0xffff, v35  }
0x616: {  	v39 =	vadd.s32 v62, v32;
	v35 =	vld.idx.msk [tilespmem:v42+s19+$0x0], $0xffff  }
0x617: {  	v42 =	vor.u32 v57, v34;
	_ =	sdelay $0x3  }
0x618: {  	[tilespmem:v39+s26+$0x0] =	vst.idx.msk $0xffff, v35  }
0x619: {  	v39 =	vadd.s32 v63, v32;
	v35 =	vld.idx.msk [tilespmem:v42+s19+$0x0], $0xffff  }
0x61a: {  	v42 =	vor.u32 v59, v34;
	_ =	sdelay $0x3  }
0x61b: {  	[tilespmem:v39+s26+$0x0] =	vst.idx.msk $0xffff, v35  }
0x61c: {  	v39 =	vadd.s32 v28, v32;
	v35 =	vld.idx.msk [tilespmem:v42+s19+$0x0], $0xffff  }
0x61d: {  	v42 =	vor.u32 v60, v34;
	_ =	sdelay $0x3  }
0x61e: {  	[tilespmem:v39+s26+$0x0] =	vst.idx.msk $0xffff, v35  }
0x61f: {  	v39 =	vadd.s32 v29, v32;
	v35 =	vld.idx.msk [tilespmem:v42+s19+$0x0], $0xffff  }
0x620: {  	v42 =	vor.u32 v1, v34;
	_ =	sdelay $0x3  }
0x621: {  	[tilespmem:v39+s26+$0x0] =	vst.idx.msk $0xffff, v35  }
0x622: {  	v39 =	vadd.s32 v27, v32;
	v35 =	vld.idx.msk [tilespmem:v42+s19+$0x0], $0xffff  }
0x623: {  	v42 =	vor.u32 v45, v34;
	_ =	sdelay $0x3  }
0x624: {  	[tilespmem:v39+s26+$0x0] =	vst.idx.msk $0xffff, v35  }
0x625: {  	v39 =	vadd.s32 v30, v32;
	v35 =	vld.idx.msk [tilespmem:v42+s19+$0x0], $0xffff  }
0x626: {  	v42 =	vor.u32 v47, v34;
	_ =	sdelay $0x3  }
0x627: {  	[tilespmem:v39+s26+$0x0] =	vst.idx.msk $0xffff, v35  }
0x628: {  	v39 =	vadd.s32 v31, v32;
	v35 =	vld.idx.msk [tilespmem:v42+s19+$0x0], $0xffff  }
0x629: {  	p0 =	sne.s32 s2, $0x1;
	v42 =	vor.u32 v49, v34  }
.Ltmp67:
0x62a: {  	_ = 	snop;
	(pc) =	sbr.rel @p0 .LBB2_137-.Ltmp67, $3  }
0x62b: {  	_ =	sdelay $0x1  }
0x62c: {  	v32 =	vadd.s32 $0x10, v32;
	[tilespmem:v39+s26+$0x0] =	vst.idx.msk $0xffff, v35  }
0x62d: {  	s2 =	sadd.s32 $0xFFFFFFFF, s2;
	v34 =	vshll.u32 v32, $0x5;
	v39 =	vadd.s32 v36, v33;
	v33 =	vmov v32;
	v35 =	vld.idx.msk [tilespmem:v42+s19+$0x0], $0xffff  }
0x62e: {  	v42 =	vlaneseq.u32  }
0x62f: {  	v42 =	vor.u32 v42, v34;
	_ =	sdelay $0x3  }
0x630: {  	[tilespmem:v39+s26+$0x0] =	vst.idx.msk $0xffff, v35  }
0x631: {  	v39 =	vadd.s32 v54, v32;
	v35 =	vld.idx.msk [tilespmem:v42+s19+$0x0], $0xffff  }
0x632: {  	v54 =	vor.u32 v25, v34;
	_ =	sdelay $0x3  }
0x633: {  	[tilespmem:v39+s26+$0x0] =	vst.idx.msk $0xffff, v35  }
0x634: {  	v37 =	vadd.s32 v37, v32;
	v25 =	vld.idx.msk [tilespmem:v54+s19+$0x0], $0xffff  }
0x635: {  	v54 =	vor.u32 v40, v34;
	_ =	sdelay $0x3  }
0x636: {  	[tilespmem:v37+s26+$0x0] =	vst.idx.msk $0xffff, v25  }
0x637: {  	v37 =	vadd.s32 v43, v32;
	v25 =	vld.idx.msk [tilespmem:v54+s19+$0x0], $0xffff  }
0x638: {  	v54 =	vor.u32 v46, v34;
	_ =	sdelay $0x3  }
0x639: {  	[tilespmem:v37+s26+$0x0] =	vst.idx.msk $0xffff, v25  }
0x63a: {  	v37 =	vadd.s32 v48, v32;
	v25 =	vld.idx.msk [tilespmem:v54+s19+$0x0], $0xffff  }
0x63b: {  	v46 =	vor.u32 v50, v34;
	_ =	sdelay $0x3  }
0x63c: {  	[tilespmem:v37+s26+$0x0] =	vst.idx.msk $0xffff, v25  }
0x63d: {  	v25 =	vadd.s32 v52, v32;
	v48 =	vld.idx.msk [tilespmem:v46+s19+$0x0], $0xffff  }
0x63e: {  	v50 =	vor.u32 v23, v34;
	_ =	sdelay $0x3  }
0x63f: {  	[tilespmem:v25+s26+$0x0] =	vst.idx.msk $0xffff, v48  }
0x640: {  	v25 =	vadd.s32 v56, v32;
	v23 =	vld.idx.msk [tilespmem:v50+s19+$0x0], $0xffff  }
0x641: {  	v52 =	vor.u32 v2, v34;
	_ =	sdelay $0x3  }
0x642: {  	[tilespmem:v25+s26+$0x0] =	vst.idx.msk $0xffff, v23  }
0x643: {  	v25 =	vadd.s32 v58, v32;
	v23 =	vld.idx.msk [tilespmem:v52+s19+$0x0], $0xffff  }
0x644: {  	v54 =	vor.u32 v26, v34;
	_ =	sdelay $0x3  }
0x645: {  	[tilespmem:v25+s26+$0x0] =	vst.idx.msk $0xffff, v23  }
0x646: {  	v25 =	vadd.s32 v38, v32;
	v23 =	vld.idx.msk [tilespmem:v54+s19+$0x0], $0xffff  }
0x647: {  	v56 =	vor.u32 v0, v34;
	_ =	sdelay $0x3  }
0x648: {  	v0 =	vld [tilespmem:$0x1FA40];
	[tilespmem:v25+s26+$0x0] =	vst.idx.msk $0xffff, v23  }
0x649: {  	v25 =	vadd.s32 v41, v32;
	v23 =	vld.idx.msk [tilespmem:v56+s19+$0x0], $0xffff  }
0x64a: {  	v58 =	vor.u32 v4, v34;
	_ =	sdelay $0x3  }
0x64b: {  	[tilespmem:v25+s26+$0x0] =	vst.idx.msk $0xffff, v23;
	v25 =	vor.u32 v0, v34;
	v0 =	vld [tilespmem:$0x1FA50]  }
0x64c: {  	v2 =	vadd.s32 v44, v32;
	v23 =	vld.idx.msk [tilespmem:v58+s19+$0x0], $0xffff;
	_ =	sdelay $0x4  }
0x64d: {  	[tilespmem:v2+s26+$0x0] =	vst.idx.msk $0xffff, v23;
	v23 =	vadd.s32 v0, v32;
	v0 =	vld [tilespmem:$0x1FA60];
	_ =	sdelay $0x3  }
0x64e: {  	v2 =	vld.idx.msk [tilespmem:v25+s19+$0x0], $0xffff  }
0x64f: {  	v25 =	vor.u32 v0, v34;
	v0 =	vld [tilespmem:$0x1FA70]  }
0x650: {  	v4 =	vld [tilespmem:$0x1FA80];
	_ =	sdelay $0x2  }
0x651: {  	[tilespmem:v23+s26+$0x0] =	vst.idx.msk $0xffff, v2  }
0x652: {  	v2 =	vld.idx.msk [tilespmem:v25+s19+$0x0], $0xffff;
	v0 =	vadd.s32 v0, v32  }
0x653: {  	v4 =	vor.u32 v4, v34;
	_ =	sdelay $0x3  }
0x654: {  	[tilespmem:v0+s26+$0x0] =	vst.idx.msk $0xffff, v2  }
0x655: {  	v2 =	vadd.s32 v11, v32;
	v0 =	vld.idx.msk [tilespmem:v4+s19+$0x0], $0xffff  }
0x656: {  	v4 =	vor.u32 v12, v34;
	_ =	sdelay $0x3  }
0x657: {  	[tilespmem:v2+s26+$0x0] =	vst.idx.msk $0xffff, v0  }
0x658: {  	v2 =	vadd.s32 v15, v32;
	v0 =	vld.idx.msk [tilespmem:v4+s19+$0x0], $0xffff  }
0x659: {  	v4 =	vor.u32 v17, v34;
	_ =	sdelay $0x3  }
0x65a: {  	[tilespmem:v2+s26+$0x0] =	vst.idx.msk $0xffff, v0  }
0x65b: {  	v2 =	vadd.s32 v22, v32;
	v0 =	vld.idx.msk [tilespmem:v4+s19+$0x0], $0xffff  }
0x65c: {  	v4 =	vor.u32 v24, v34;
	_ =	sdelay $0x3  }
0x65d: {  	[tilespmem:v2+s26+$0x0] =	vst.idx.msk $0xffff, v0  }
0x65e: {  	v2 =	vadd.s32 v13, v32;
	v0 =	vld.idx.msk [tilespmem:v4+s19+$0x0], $0xffff  }
0x65f: {  	v4 =	vor.u32 v18, v34;
	_ =	sdelay $0x3  }
0x660: {  	[tilespmem:v2+s26+$0x0] =	vst.idx.msk $0xffff, v0  }
0x661: {  	v2 =	vadd.s32 v19, v32;
	v0 =	vld.idx.msk [tilespmem:v4+s19+$0x0], $0xffff  }
0x662: {  	v4 =	vor.u32 v20, v34;
	_ =	sdelay $0x3  }
0x663: {  	[tilespmem:v2+s26+$0x0] =	vst.idx.msk $0xffff, v0  }
0x664: {  	v2 =	vadd.s32 v21, v32;
	v0 =	vld.idx.msk [tilespmem:v4+s19+$0x0], $0xffff  }
0x665: {  	v4 =	vor.u32 v14, v34;
	_ =	sdelay $0x3  }
0x666: {  	[tilespmem:v2+s26+$0x0] =	vst.idx.msk $0xffff, v0  }
0x667: {  	v2 =	vadd.s32 v5, v32;
	v0 =	vld.idx.msk [tilespmem:v4+s19+$0x0], $0xffff  }
0x668: {  	v4 =	vor.u32 v16, v34;
	_ =	sdelay $0x3  }
0x669: {  	[tilespmem:v2+s26+$0x0] =	vst.idx.msk $0xffff, v0  }
0x66a: {  	v2 =	vadd.s32 v6, v32;
	v0 =	vld.idx.msk [tilespmem:v4+s19+$0x0], $0xffff  }
0x66b: {  	v4 =	vor.u32 v7, v34;
	_ =	sdelay $0x3  }
0x66c: {  	[tilespmem:v2+s26+$0x0] =	vst.idx.msk $0xffff, v0  }
0x66d: {  	v0 =	vld.idx.msk [tilespmem:v4+s19+$0x0], $0xffff  }
0x66e: {  	v4 =	vld [tilespmem:$0x1FB60];
	_ =	sdelay $0x3  }
0x66f: {  	v2 =	vadd.s32 v8, v32  }
0x670: {  	v4 =	vor.u32 v4, v34;
	_ =	sdelay $0x3  }
0x671: {  	[tilespmem:v2+s26+$0x0] =	vst.idx.msk $0xffff, v0  }
0x672: {  	v2 =	vadd.s32 v9, v32;
	v0 =	vld.idx.msk [tilespmem:v4+s19+$0x0], $0xffff  }
0x673: {  	v4 =	vor.u32 v51, v34;
	_ =	sdelay $0x3  }
0x674: {  	[tilespmem:v2+s26+$0x0] =	vst.idx.msk $0xffff, v0  }
0x675: {  	v2 =	vadd.s32 v10, v32;
	v0 =	vld.idx.msk [tilespmem:v4+s19+$0x0], $0xffff  }
0x676: {  	v4 =	vor.u32 v53, v34;
	_ =	sdelay $0x3  }
0x677: {  	[tilespmem:v2+s26+$0x0] =	vst.idx.msk $0xffff, v0  }
0x678: {  	v2 =	vadd.s32 v61, v32;
	v0 =	vld.idx.msk [tilespmem:v4+s19+$0x0], $0xffff  }
0x679: {  	v4 =	vor.u32 v55, v34;
	_ =	sdelay $0x3  }
0x67a: {  	[tilespmem:v2+s26+$0x0] =	vst.idx.msk $0xffff, v0  }
0x67b: {  	v2 =	vadd.s32 v62, v32;
	v0 =	vld.idx.msk [tilespmem:v4+s19+$0x0], $0xffff  }
0x67c: {  	v4 =	vor.u32 v57, v34;
	_ =	sdelay $0x3  }
0x67d: {  	[tilespmem:v2+s26+$0x0] =	vst.idx.msk $0xffff, v0  }
0x67e: {  	v2 =	vadd.s32 v63, v32;
	v0 =	vld.idx.msk [tilespmem:v4+s19+$0x0], $0xffff  }
0x67f: {  	v4 =	vor.u32 v59, v34;
	_ =	sdelay $0x3  }
0x680: {  	[tilespmem:v2+s26+$0x0] =	vst.idx.msk $0xffff, v0  }
0x681: {  	v2 =	vadd.s32 v28, v32;
	v0 =	vld.idx.msk [tilespmem:v4+s19+$0x0], $0xffff  }
0x682: {  	v4 =	vor.u32 v60, v34;
	_ =	sdelay $0x3  }
0x683: {  	[tilespmem:v2+s26+$0x0] =	vst.idx.msk $0xffff, v0  }
0x684: {  	v0 =	vld.idx.msk [tilespmem:v4+s19+$0x0], $0xffff;
	v4 =	vadd.s32 v29, v32  }
0x685: {  	v2 =	vor.u32 v1, v34;
	_ =	sdelay $0x3  }
0x686: {  	[tilespmem:v4+s26+$0x0] =	vst.idx.msk $0xffff, v0  }
0x687: {  	v42 =	vmov v1;
	v1 =	vadd.s32 v27, v32;
	v0 =	vld.idx.msk [tilespmem:v2+s19+$0x0], $0xffff  }
0x688: {  	v40 =	vld [tilespmem:$0x1FE90];
	v2 =	vor.u32 v45, v34  }
0x689: {  	v43 =	vld [tilespmem:$0x1FEA0]  }
0x68a: {  	v26 =	vld [tilespmem:$0x1FE60]  }
0x68b: {  	v46 =	vld [tilespmem:$0x1FEB0]  }
0x68c: {  	v38 =	vld [tilespmem:$0x1FE80];
	[tilespmem:v1+s26+$0x0] =	vst.idx.msk $0xffff, v0  }
0x68d: {  	v1 =	vadd.s32 v30, v32;
	v0 =	vld.idx.msk [tilespmem:v2+s19+$0x0], $0xffff  }
0x68e: {  	v41 =	vld [tilespmem:$0x1FE70];
	v2 =	vor.u32 v47, v34  }
0x68f: {  	v23 =	vld [tilespmem:$0x1FE30]  }
0x690: {  	v25 =	vld [tilespmem:$0x1FE50]  }
0x691: {  	v12 =	vld [tilespmem:$0x1FD80]  }
0x692: {  	v15 =	vld [tilespmem:$0x1FDB0];
	[tilespmem:v1+s26+$0x0] =	vst.idx.msk $0xffff, v0  }
0x693: {  	v1 =	vadd.s32 v31, v32;
	v0 =	vld.idx.msk [tilespmem:v2+s19+$0x0], $0xffff  }
0x694: {  	v17 =	vld [tilespmem:$0x1FDD0];
	v2 =	vor.u32 v49, v34  }
0x695: {  	v22 =	vld [tilespmem:$0x1FE20]  }
0x696: {  	v24 =	vld [tilespmem:$0x1FE40]  }
0x697: {  	v13 =	vld [tilespmem:$0x1FD90]  }
0x698: {  	v18 =	vld [tilespmem:$0x1FDE0];
	[tilespmem:v1+s26+$0x0] =	vst.idx.msk $0xffff, v0  }
0x699: {  	s30 =	sadd.s32 $0x1, s30;
	v1 =	vadd.s32 v36, v33;
	v0 =	vld.idx.msk [tilespmem:v2+s19+$0x0], $0xffff  }
0x69a: {  	p0 =	sne.s32 s30, $0x19;
	v19 =	vld [tilespmem:$0x1FDF0]  }
.Ltmp68:
0x69b: {  	s0 =	sshll.u32 s0, $0x13;
	v20 =	vld [tilespmem:$0x1FE00];
	(pc) =	sbr.rel @p0 .LBB2_2-.Ltmp68, $4  }
0x69c: {  	s0 =	sor.u32 s3, s0;
	v21 =	vld [tilespmem:$0x1FE10]  }
0x69d: {  	s0 =	sshrl.u32 s0, $0x3;
	v14 =	vld [tilespmem:$0x1FDA0]  }
0x69e: {  	s0 =	sadd.s32 s5, s0;
	v16 =	vld [tilespmem:$0x1FDC0];
	[tilespmem:v1+s26+$0x0] =	vst.idx.msk $0xffff, v0  }
0x69f: {  	v39 =	vlaneseq.u32;
	v32 =	vld [tilespmem:$0x1FEC0];
	[hbm4b:s0+s8] =	stream.strided.scatter [tilespmem:s26], [sflag:$0x4], $0x4000, s9, s8, $0x38  }
0x6a0: {  	s29 =	sadd.s32 $0x1, s29  }
0x6a1: {  	p0 =	sne.s32 s29, s7  }
.Ltmp69:
0x6a2: {  	_ = 	snop;
	(pc) =	sbr.rel @p0 .LBB2_1-.Ltmp69, $4  }
0x6a3: {  	_ = 	snop  }
0x6a4: {  	_ =	swait.ge [sflag:s28], $0x4000  }
0x6a5: {  	[sflag:s28] =	ssyncset.done $0x0  }
0x6a6: {  	[sflag:s28] =	ssyncadd.s32 $0xFFFFC000  }
0x6a7: {  	_ =	sfence.sel $0x180000  }
0x6a8: {  	[bflag:$0x0] =	sbarrier.arrive $0xFFFF  }
0x6a9: {  	_ =	strace $0x90000047  }
0x6aa: {  	s0 =	stileid.u32;
	[bflag:$0x2] =	sbarrier.arrive $0xFFFF  }
0x6ab: {  	p0 =	sne.s32 s0, $0x0;
	s0 =	rddreg [dreg:$0x2]  }
0x6ac: {  	s0 =	sadd.s32 @!p0 $0x100000, s0  }
0x6ad: {  	[sflag:s0] =	ssyncadd.tile.s32 @!p0 $0x1;
	_ =	shalt  }
.Lfunc_end2:
_tile_overlayer_lowered:
.L_overlay_start_2:
0x6ae: {  	(tag) =	ssettag $0x2  }
0x6af: {  	s0 =	rddreg [dreg:$0x0];
	s2 =	stileid.u32  }
0x6b0: {  	s1 =	rddreg [dreg:$0x1];
	p0 =	sne.s32 s2, $0x0  }
0x6b1: {  	s3 =	rddreg [dreg:$0x2];
	[bflag:$0x3] =	sbarrier.arrive $0xFFFF;
	s2 =	simm.s32 @!p0 $0x1C05  }
0x6b2: {  	[timem:s3], [sflag:s2] =	dma.local @!p0 [hbm:s0], s1  }
0x6b3: {  	s0 =	simm.s32 @!p0 $0x5  }
0x6b4: {  	_ =	swait.ge @!p0 [sflag:s0], s1  }
0x6b5: {  	s1 =	ssub.s32 @!p0 $0x0, s1;
	[sflag:s0] =	ssyncset.done @!p0 $0x0  }
0x6b6: {  	[sflag:s0] =	ssyncadd.s32 @!p0 s1  }
0x6b7: {  	[bflag:$0x3] =	sbarrier.arrive $0xFFFF  }
0x6b8: {  	_ =	shalt  }

</sc_bundles>
